<compile_context>
chip_gen: v7x
topology: tpu7x:2x2x1
jax: 0.10.2.dev20260603
libtpu: 0.0.44.dev20260713+nightly
codegen_flags: <defaults>
</compile_context>

<pallas_src>
import functools

import jax
import jax.numpy as jnp
from jax import lax
from jax.experimental import pallas as pl
from jax.experimental.pallas import tpu as pltpu
from jax.experimental.pallas import tpu_sc as plsc

N = 10000
NR = N // 16
E = 160000
NLAYERS = 3
VOCAB = 2048
B, T = 8, 8
NSH = 2
ER = E // 16
C = 4000
NCH = E // C
CPS = NCH // NSH
RPC = C // 16
HROWS = 125
HPC = RPC // HROWS
NTIL = B * NSH
RSL = ER // NTIL
ZROWS = 125
DBITS = 14
DMASK = (1 << DBITS) - 1


def _zv():
    return jnp.zeros((16,), jnp.float32)


def _sc_model(srcdst, gy, gx, gs8, rows, x0):
    mesh = plsc.VectorSubcoreMesh(core_axis_name="c", subcore_axis_name="s")

    @functools.partial(
        pl.kernel,
        out_type=(
            jax.ShapeDtypeStruct((B * T, N), jnp.float32),
            jax.ShapeDtypeStruct((ER, 16), jnp.float32),
        ),
        mesh=mesh,
        scratch_types=[
            pltpu.VMEM((N,), jnp.float32),
            pltpu.VMEM((N,), jnp.float32),
            pltpu.VMEM((N,), jnp.float32),
            pltpu.VMEM((RPC, 16), jnp.int32),
            pltpu.VMEM((RPC, 16), jnp.int32),
            pltpu.VMEM((RPC, 16), jnp.float32),
            pltpu.VMEM((RPC, 16), jnp.float32),
            pltpu.VMEM((RPC, 16), jnp.float32),
            pltpu.VMEM((RPC, 16), jnp.float32),
            pltpu.VMEM((ER // HROWS, HROWS), jnp.int32),
            pltpu.VMEM((N,), jnp.float32),
            pltpu.VMEM((RSL, 16), jnp.float32),
            pltpu.VMEM((RSL, 16), jnp.float32),
            pltpu.VMEM((RSL, 16), jnp.float32),
            pltpu.VMEM((ZROWS, 16), jnp.float32),
            pltpu.SemaphoreType.DMA,
            pltpu.SemaphoreType.DMA,
            pltpu.SemaphoreType.DMA,
            pltpu.VMEM_SHARED((NSH, B, N), jnp.float32),
            pltpu.VMEM_SHARED((ER, 16), jnp.float32),
        ],
        compiler_params=pltpu.CompilerParams(
            needs_layout_passes=False, use_tc_tiling_on_sc=False),
    )
    def k(srcdst_h, gy_h, gx_h, gs8_h, rows_h, x0_h, xout_h, sigma_h,
          x_v, y_v, a_v, sd_A, sd_B, val_A, val_B, p_A, p_B, rows_v,
          tmp_v, hbuf, sigbuf, gsbuf, zbuf, semA, semB, semH, red_s,
          hebb_s):
        cid = lax.axis_index("c")
        sid = lax.axis_index("s")
        active = cid == 0
        b = sid & (B - 1)
        h = lax.shift_right_logical(sid, 3)

        def start_load(c, sd_b, val_b, sem, val_h):
            r0 = c * RPC
            pltpu.async_copy(srcdst_h.at[pl.ds(r0, RPC)], sd_b, sem)
            pltpu.async_copy(val_h.at[pl.ds(r0, RPC)], val_b, sem)

        def wait_load(c, sd_b, val_b, sem, val_h):
            r0 = c * RPC
            pltpu.make_async_copy(
                srcdst_h.at[pl.ds(r0, RPC)], sd_b, sem).wait()
            pltpu.make_async_copy(
                val_h.at[pl.ds(r0, RPC)], val_b, sem).wait()

        def edge_chunk(sd_b, val_b, fn):
            @plsc.parallel_loop(0, RPC, unroll=25)
            def _(g):
                w = sd_b[g, :]
                src = lax.shift_right_logical(w, DBITS)
                dst = w & DMASK
                fn(g, src, dst, val_b[g, :])

        def hebb_add(c, p_b):
            for j in range(HPC):
                pltpu.async_copy(
                    p_b.at[pl.ds(j * HROWS, HROWS)],
                    hebb_s.at[rows_v.at[HPC * c + j]], sem=semH,
                    add=True)

        def hebb_drain(n):
            for _ in range(n):
                pltpu.make_async_copy(
                    p_A.at[pl.ds(0, HROWS)],
                    hebb_s.at[rows_v.at[0]], semH).wait()

        def run_pass(val_h, fn_for, with_hebb):
            c0 = h * CPS
            start_load(c0, sd_A, val_A, semA, val_h)
            def c2body(c2, _):
                c = c0 + 2 * c2
                start_load(c + 1, sd_B, val_B, semB, val_h)
                wait_load(c, sd_A, val_A, semA, val_h)
                if with_hebb:
                    @pl.when(c2 > 0)
                    def _():
                        hebb_drain(HPC)
                edge_chunk(sd_A, val_A, fn_for(p_A))
                if with_hebb:
                    hebb_add(c, p_A)
                @pl.when(c2 < CPS // 2 - 1)
                def _():
                    start_load(c + 2, sd_A, val_A, semA, val_h)
                wait_load(c + 1, sd_B, val_B, semB, val_h)
                if with_hebb:
                    @pl.when(c2 > 0)
                    def _():
                        hebb_drain(HPC)
                edge_chunk(sd_B, val_B, fn_for(p_B))
                if with_hebb:
                    hebb_add(c + 1, p_B)
                return 0
            lax.fori_loop(0, CPS // 2, c2body, 0)
            if with_hebb:
                hebb_drain(2 * HPC)

        def exchange(part, state_v):
            @pl.when(active)
            def _():
                pltpu.sync_copy(state_v, red_s.at[h, b])
            plsc.subcore_barrier()
            @pl.when(active)
            def _():
                pltpu.sync_copy(red_s.at[1 - h, b], tmp_v)
                @plsc.parallel_loop(0, NR, unroll=5)
                def _(i):
                    state_v[pl.ds(i * 16, 16)] = (
                        state_v[pl.ds(i * 16, 16)]
                        + tmp_v[pl.ds(i * 16, 16)])
            plsc.subcore_barrier()

        def zero_state(ref):
            @plsc.parallel_loop(0, NR, unroll=5)
            def _(i):
                ref[pl.ds(i * 16, 16)] = _zv()

        @pl.when(active)
        def _init():
            pltpu.sync_copy(rows_h, rows_v)
            pltpu.sync_copy(gs8_h.at[pl.ds(sid * RSL, RSL)], gsbuf)
            @plsc.parallel_loop(0, ZROWS, unroll=5)
            def _(i):
                zbuf[i, :] = _zv()
            @plsc.parallel_loop(0, RSL, unroll=5)
            def _(i):
                sigbuf[i, :] = _zv()
            for cc in range(RSL // ZROWS):
                row0 = sid * RSL + cc * ZROWS
                pltpu.sync_copy(zbuf, sigma_h.at[pl.ds(row0, ZROWS)])
                pltpu.sync_copy(zbuf, hebb_s.at[pl.ds(row0, ZROWS)])
        plsc.subcore_barrier()

        def timestep(t, _):
            @pl.when(active)
            def _():
                r = b * T + t
                pltpu.sync_copy(x0_h.at[r], x_v)
                zero_state(y_v)

            def layer(l, _):
                @pl.when(active)
                def _p1():
                    zero_state(a_v)
                    def fn_for(p_b):
                        def fn(g, src, dst, sig):
                            xs = plsc.load_gather(x_v, [src])
                            plsc.addupdate_scatter(a_v, [dst], xs * sig)
                            ys = plsc.load_gather(y_v, [src])
                            xd = plsc.load_gather(x_v, [dst])
                            p_b[g, :] = ys * xd
                        return fn
                    run_pass(sigma_h, fn_for, True)
                exchange(0, a_v)

                @pl.when(active)
                def _sig():
                    row0 = sid * RSL
                    pltpu.sync_copy(hebb_s.at[pl.ds(row0, RSL)], hbuf)
                    @plsc.parallel_loop(0, RSL, unroll=5)
                    def _(i):
                        sigbuf[i, :] = (sigbuf[i, :] * 0.99
                                        + hbuf[i, :] * gsbuf[i, :])
                    pltpu.sync_copy(sigbuf, sigma_h.at[pl.ds(row0, RSL)])
                    for cc in range(RSL // ZROWS):
                        pltpu.sync_copy(
                            zbuf,
                            hebb_s.at[pl.ds(row0 + cc * ZROWS, ZROWS)])

                @pl.when(active)
                def _p2():
                    zero_state(y_v)
                    def fn2(p_b):
                        def fn(g, src, dst, gyv):
                            av = plsc.load_gather(a_v, [src])
                            av = jnp.maximum(av, 0.0)
                            plsc.addupdate_scatter(y_v, [dst], av * gyv)
                        return fn
                    run_pass(gy_h, fn2, False)
                exchange(1, y_v)

                @pl.when(active)
                def _p3():
                    zero_state(x_v)
                    def fn3(p_b):
                        def fn(g, src, dst, gxv):
                            yv = plsc.load_gather(y_v, [src])
                            plsc.addupdate_scatter(x_v, [dst], yv * gxv)
                        return fn
                    run_pass(gx_h, fn3, False)
                exchange(2, x_v)
                @pl.when(active)
                def _relu():
                    @plsc.parallel_loop(0, NR, unroll=5)
                    def _(i):
                        x_v[pl.ds(i * 16, 16)] = jnp.maximum(
                            x_v[pl.ds(i * 16, 16)], 0.0)
                return 0

            lax.fori_loop(0, NLAYERS, layer, 0)

            @pl.when(jnp.logical_and(active, h == 0))
            def _out():
                r = b * T + t
                pltpu.sync_copy(x_v, xout_h.at[r])
            return 0

        lax.fori_loop(0, T, timestep, 0)

    return k(srcdst, gy, gx, gs8, rows, x0)


def _readout_body(x_ref, w_ref, b_ref, o_ref):
    o_ref[...] = lax.dot_general(
        x_ref[...], w_ref[...],
        dimension_numbers=(((1,), (1,)), ((), ())),
        preferred_element_type=jnp.float32,
    ) + b_ref[...]


def _readout(xout, w_ro, b_ro):
    nb = 128
    grid = (VOCAB // nb,)
    return pl.pallas_call(
        _readout_body,
        grid=grid,
        in_specs=[
            pl.BlockSpec((B * T, N), lambda i: (0, 0)),
            pl.BlockSpec((nb, N), lambda i: (i, 0)),
            pl.BlockSpec((1, nb), lambda i: (0, i)),
        ],
        out_specs=pl.BlockSpec((B * T, nb), lambda i: (0, i)),
        out_shape=jax.ShapeDtypeStruct((B * T, VOCAB), jnp.float32),
        compiler_params=pltpu.CompilerParams(
            vmem_limit_bytes=100 * 2**20),
    )(xout, w_ro, b_ro.reshape(1, VOCAB))


def kernel(idx, edge_index, Gx, Gy, Gs, emb, W_ro, b_ro):
    src = edge_index[0].astype(jnp.int32)
    dst = edge_index[1].astype(jnp.int32)
    srcdst = ((src << DBITS) | dst).reshape(ER, 16)
    gs8 = (Gs * (0.99 / B)).astype(jnp.float32).reshape(ER, 16)
    rows = jnp.arange(ER, dtype=jnp.int32).reshape(ER // HROWS, HROWS)
    x0 = jnp.take(emb, idx.reshape(-1).astype(jnp.int32), axis=0)

    xout, sigma = _sc_model(srcdst,
                            Gy.astype(jnp.float32).reshape(ER, 16),
                            Gx.astype(jnp.float32).reshape(ER, 16),
                            gs8, rows, x0)
    logits = _readout(xout, W_ro, b_ro).reshape(B, T, VOCAB)
    return (logits, sigma.reshape(E))

# --- scband reference (transcript-rebuilt; emitter-appended) ---
"""Pipeline reference for scband-bdhgraph-model-36636071035464 (READ-ONLY COPY).

The authoritative reference and input builder live on the scoring server;
editing this copy changes nothing except your own understanding.
"""

import jax, jax.numpy as jnp
import numpy as np

N_NEURONS = 10000
N_EDGES = 160000
N_LAYERS = 3
VOCAB = 2048
B, T = 8, 8

def setup_inputs(seed: int = 0):
    key = jax.random.key(seed)
    ks = jax.random.split(key, 8)
    idx = jax.random.randint(ks[0], (B, T), 0, VOCAB)
    edge_index = jax.random.randint(ks[1], (2, N_EDGES), 0, N_NEURONS)
    Gx = jax.random.normal(ks[2], (N_EDGES,), dtype=jnp.float32) * 0.02
    Gy = jax.random.normal(ks[3], (N_EDGES,), dtype=jnp.float32) * 0.02
    Gs = jnp.ones((N_EDGES,), dtype=jnp.float32)
    emb = jax.random.normal(ks[4], (VOCAB, N_NEURONS), dtype=jnp.float32)
    W_ro = jax.random.normal(ks[5], (VOCAB, N_NEURONS), dtype=jnp.float32) * 0.01
    b_ro = jnp.zeros((VOCAB,), dtype=jnp.float32)
    return {"idx": idx, "edge_index": edge_index, "Gx": Gx, "Gy": Gy, "Gs": Gs, "emb": emb, "W_ro": W_ro, "b_ro": b_ro}

def reference(idx, edge_index, Gx, Gy, Gs, emb, W_ro, b_ro):
    X = jnp.take(emb, idx, axis=0)  # [B, T, n]
    src = edge_index[0]
    dst = edge_index[1]
    sigma = jnp.zeros((N_EDGES,), dtype=jnp.float32)
    logits_list = []
    for t in range(T):
        x_t = X[:, t, :]
        y_prev = jnp.zeros_like(x_t)
        for _ in range(N_LAYERS):
            A = jnp.zeros_like(x_t).at[:, dst].add(x_t[:, src] * sigma)
            hebbian = (y_prev[:, src] * x_t[:, dst]).mean(axis=0)
            sigma = (sigma + hebbian * Gs) * 0.99
            y_new = jnp.zeros_like(x_t).at[:, dst].add(jax.nn.relu(A[:, src]) * Gy)
            y_prev = y_new
            x_next = jnp.zeros_like(x_t).at[:, dst].add(y_new[:, src] * Gx)
            x_t = jax.nn.relu(x_next)
        logits_list.append(x_t @ W_ro.T + b_ro)
    logits = jnp.stack(logits_list, axis=1)
    return (logits, jax.lax.stop_gradient(sigma))

if __name__ == "__main__":
    import jax
    _d = setup_inputs()
    print(jax.jit(kernel)(*tuple(_d.values())))

</pallas_src>

<mosaic_0001>
#map = affine_map<(d0, d1) -> (0, 0)>
module attributes {stable_mosaic.version = 14 : i64} {
  func.func @k(%arg0: i32, %arg1: i32, %arg2: memref<10000x16xi32, #tpu.memory_space<hbm>>, %arg3: memref<10000x16xf32, #tpu.memory_space<hbm>>, %arg4: memref<10000x16xf32, #tpu.memory_space<hbm>>, %arg5: memref<10000x16xf32, #tpu.memory_space<hbm>>, %arg6: memref<80x125xi32, #tpu.memory_space<hbm>>, %arg7: memref<64x10000xf32, #tpu.memory_space<hbm>>, %arg8: memref<64x10000xf32, #tpu.memory_space<hbm>>, %arg9: memref<10000x16xf32, #tpu.memory_space<hbm>>, %arg10: memref<10000xf32, #tpu.memory_space<vmem>>, %arg11: memref<10000xf32, #tpu.memory_space<vmem>>, %arg12: memref<10000xf32, #tpu.memory_space<vmem>>, %arg13: memref<250x16xi32, #tpu.memory_space<vmem>>, %arg14: memref<250x16xi32, #tpu.memory_space<vmem>>, %arg15: memref<250x16xf32, #tpu.memory_space<vmem>>, %arg16: memref<250x16xf32, #tpu.memory_space<vmem>>, %arg17: memref<250x16xf32, #tpu.memory_space<vmem>>, %arg18: memref<250x16xf32, #tpu.memory_space<vmem>>, %arg19: memref<80x125xi32, #tpu.memory_space<vmem>>, %arg20: memref<10000xf32, #tpu.memory_space<vmem>>, %arg21: memref<625x16xf32, #tpu.memory_space<vmem>>, %arg22: memref<625x16xf32, #tpu.memory_space<vmem>>, %arg23: memref<625x16xf32, #tpu.memory_space<vmem>>, %arg24: memref<125x16xf32, #tpu.memory_space<vmem>>, %arg25: memref<!tpu.dma_semaphore, #tpu.memory_space<semaphore_mem>>, %arg26: memref<!tpu.dma_semaphore, #tpu.memory_space<semaphore_mem>>, %arg27: memref<!tpu.dma_semaphore, #tpu.memory_space<semaphore_mem>>, %arg28: memref<2x8x10000xf32, #tpu.memory_space<vmem_shared>>, %arg29: memref<10000x16xf32, #tpu.memory_space<vmem_shared>>) attributes {dimension_semantics = [#tpu.dimension_semantics<core_parallel>, #tpu.dimension_semantics<subcore_parallel>], iteration_bounds = array<i64: 2, 16>, scalar_prefetch = 0 : i64, scratch_operands = 20 : i64, tpu.core_type = #tpu.core_type<sc_vector_subcore>, window_params = [{transform_indices = #map}, {transform_indices = #map}, {transform_indices = #map}, {transform_indices = #map}, {transform_indices = #map}, {transform_indices = #map}, {transform_indices = #map}, {transform_indices = #map}]} {
    %eq3A = arith.constant 0 : i32
    %eq3A_0 = arith.cmpi eq, %arg0, %eq3A : i32
    %and3A = arith.constant 7 : i32
    %and3A_1 = arith.andi %arg1, %and3A : i32
    %shift_right_logical3A = arith.constant 3 : i32
    %shift_right_logical3A_2 = arith.shrui %arg1, %shift_right_logical3A : i32
    %convert_element_type3A = arith.extui %eq3A_0 : i1 to i32
    %cond3A = arith.constant 0 : i32
    %cond3A_3 = arith.cmpi ne, %convert_element_type3A, %cond3A : i32
    scf.if %cond3A_3 {
      "tpu.region"() ({
        %run_scoped3A = tpu.sem_alloc : memref<!tpu.dma_semaphore, #tpu.memory_space<semaphore_mem>>
        tpu.enqueue_dma source(%arg6 : memref<80x125xi32, #tpu.memory_space<hbm>>) target(%arg19 : memref<80x125xi32, #tpu.memory_space<vmem>>) target_semaphore(%run_scoped3A : memref<!tpu.dma_semaphore, #tpu.memory_space<semaphore_mem>>)
        tpu.wait_dma2 semaphore(%run_scoped3A : memref<!tpu.dma_semaphore, #tpu.memory_space<semaphore_mem>>) src(%arg6 : memref<80x125xi32, #tpu.memory_space<hbm>>) dst(%arg19 : memref<80x125xi32, #tpu.memory_space<vmem>>)
        tpu.yield
      }) : () -> ()
      %mul3A = arith.constant 625 : i32
      %mul3A_10 = arith.muli %arg1, %mul3A : i32
      "tpu.region"() ({
        %run_scoped3A = tpu.sem_alloc : memref<!tpu.dma_semaphore, #tpu.memory_space<semaphore_mem>>
        %dma_start3A = arith.constant 0 : i32
        %dma_start3A_35 = tpu.memref_slice %arg5[%mul3A_10, %dma_start3A] : memref<10000x16xf32, #tpu.memory_space<hbm>> -> memref<625x16xf32, #tpu.memory_space<hbm>>
        %dma_start3A_36 = arith.constant 0 : i32
        %dma_start3A_37 = tpu.memref_slice %arg5[%mul3A_10, %dma_start3A_36] : memref<10000x16xf32, #tpu.memory_space<hbm>> -> memref<625x16xf32, #tpu.memory_space<hbm>>
        tpu.enqueue_dma source(%dma_start3A_37 : memref<625x16xf32, #tpu.memory_space<hbm>>) target(%arg23 : memref<625x16xf32, #tpu.memory_space<vmem>>) target_semaphore(%run_scoped3A : memref<!tpu.dma_semaphore, #tpu.memory_space<semaphore_mem>>)
        %dma_wait3A = arith.constant 0 : i32
        %dma_wait3A_38 = tpu.memref_slice %arg5[%mul3A_10, %dma_wait3A] : memref<10000x16xf32, #tpu.memory_space<hbm>> -> memref<625x16xf32, #tpu.memory_space<hbm>>
        %dma_wait3A_39 = arith.constant 0 : i32
        %dma_wait3A_40 = tpu.memref_slice %arg5[%mul3A_10, %dma_wait3A_39] : memref<10000x16xf32, #tpu.memory_space<hbm>> -> memref<625x16xf32, #tpu.memory_space<hbm>>
        tpu.wait_dma2 semaphore(%run_scoped3A : memref<!tpu.dma_semaphore, #tpu.memory_space<semaphore_mem>>) src(%dma_wait3A_40 : memref<625x16xf32, #tpu.memory_space<hbm>>) dst(%arg23 : memref<625x16xf32, #tpu.memory_space<vmem>>)
        tpu.yield
      }) : () -> ()
      %parallel_loop3A = arith.constant 0 : i32
      %parallel_loop3A_11 = arith.constant 125 : i32
      %parallel_loop3A_12 = arith.constant 1 : i32
      scf.for %parallel_loop3A_35 = %parallel_loop3A to %parallel_loop3A_11 step %parallel_loop3A_12  : i32 {
        %parallel_loop3A_36 = arith.constant 0.000000e+00 : f32
        %parallel_loop3A_37 = vector.broadcast %parallel_loop3A_36 : f32 to vector<16xf32>
        %parallel_loop3A_38 = arith.index_cast %parallel_loop3A_35 : i32 to index
        %parallel_loop3A_39 = arith.constant 0 : index
        %parallel_loop3A_40 = tpu.vector_load %arg24[%parallel_loop3A_38, %parallel_loop3A_39] {strides = array<i32>} : memref<125x16xf32, #tpu.memory_space<vmem>>, vector<16xf32>,
        tpu.vector_store %arg24[%parallel_loop3A_38, %parallel_loop3A_39], %parallel_loop3A_37 {strides = array<i32>} : memref<125x16xf32, #tpu.memory_space<vmem>>, vector<16xf32>,
      } {sc.loop_unroll_factor = 5 : i64, sc.parallel_access}
      %parallel_loop3A_13 = arith.constant 0 : i32
      %parallel_loop3A_14 = arith.constant 625 : i32
      %parallel_loop3A_15 = arith.constant 1 : i32
      scf.for %parallel_loop3A_35 = %parallel_loop3A_13 to %parallel_loop3A_14 step %parallel_loop3A_15  : i32 {
        %parallel_loop3A_36 = arith.constant 0.000000e+00 : f32
        %parallel_loop3A_37 = vector.broadcast %parallel_loop3A_36 : f32 to vector<16xf32>
        %parallel_loop3A_38 = arith.index_cast %parallel_loop3A_35 : i32 to index
        %parallel_loop3A_39 = arith.constant 0 : index
        %parallel_loop3A_40 = tpu.vector_load %arg22[%parallel_loop3A_38, %parallel_loop3A_39] {strides = array<i32>} : memref<625x16xf32, #tpu.memory_space<vmem>>, vector<16xf32>,
        tpu.vector_store %arg22[%parallel_loop3A_38, %parallel_loop3A_39], %parallel_loop3A_37 {strides = array<i32>} : memref<625x16xf32, #tpu.memory_space<vmem>>, vector<16xf32>,
      } {sc.loop_unroll_factor = 5 : i64, sc.parallel_access}
      %mul3A_16 = arith.constant 625 : i32
      %mul3A_17 = arith.muli %arg1, %mul3A_16 : i32
      %add3A = arith.constant 0 : i32
      %add3A_18 = arith.addi %mul3A_17, %add3A : i32
      "tpu.region"() ({
        %run_scoped3A = tpu.sem_alloc : memref<!tpu.dma_semaphore, #tpu.memory_space<semaphore_mem>>
        %dma_start3A = arith.constant 0 : i32
        %dma_start3A_35 = tpu.memref_slice %arg9[%add3A_18, %dma_start3A] : memref<10000x16xf32, #tpu.memory_space<hbm>> -> memref<125x16xf32, #tpu.memory_space<hbm>>
        %dma_start3A_36 = arith.constant 0 : i32
        %dma_start3A_37 = tpu.memref_slice %arg9[%add3A_18, %dma_start3A_36] : memref<10000x16xf32, #tpu.memory_space<hbm>> -> memref<125x16xf32, #tpu.memory_space<hbm>>
        tpu.enqueue_dma source(%arg24 : memref<125x16xf32, #tpu.memory_space<vmem>>) target(%dma_start3A_37 : memref<125x16xf32, #tpu.memory_space<hbm>>) target_semaphore(%run_scoped3A : memref<!tpu.dma_semaphore, #tpu.memory_space<semaphore_mem>>)
        %dma_wait3A = arith.constant 0 : i32
        %dma_wait3A_38 = tpu.memref_slice %arg9[%add3A_18, %dma_wait3A] : memref<10000x16xf32, #tpu.memory_space<hbm>> -> memref<125x16xf32, #tpu.memory_space<hbm>>
        %dma_wait3A_39 = arith.constant 0 : i32
        %dma_wait3A_40 = tpu.memref_slice %arg9[%add3A_18, %dma_wait3A_39] : memref<10000x16xf32, #tpu.memory_space<hbm>> -> memref<125x16xf32, #tpu.memory_space<hbm>>
        tpu.wait_dma2 semaphore(%run_scoped3A : memref<!tpu.dma_semaphore, #tpu.memory_space<semaphore_mem>>) src(%arg24 : memref<125x16xf32, #tpu.memory_space<vmem>>) dst(%dma_wait3A_40 : memref<125x16xf32, #tpu.memory_space<hbm>>)
        tpu.yield
      }) : () -> ()
      "tpu.region"() ({
        %run_scoped3A = tpu.sem_alloc : memref<!tpu.dma_semaphore, #tpu.memory_space<semaphore_mem>>
        %dma_start3A = arith.constant 0 : i32
        %dma_start3A_35 = tpu.memref_slice %arg29[%add3A_18, %dma_start3A] : memref<10000x16xf32, #tpu.memory_space<vmem_shared>> -> memref<125x16xf32, #tpu.memory_space<vmem_shared>>
        %dma_start3A_36 = arith.constant 0 : i32
        %dma_start3A_37 = tpu.memref_slice %arg29[%add3A_18, %dma_start3A_36] : memref<10000x16xf32, #tpu.memory_space<vmem_shared>> -> memref<125x16xf32, #tpu.memory_space<vmem_shared>>
        tpu.enqueue_dma source(%arg24 : memref<125x16xf32, #tpu.memory_space<vmem>>) target(%dma_start3A_37 : memref<125x16xf32, #tpu.memory_space<vmem_shared>>) target_semaphore(%run_scoped3A : memref<!tpu.dma_semaphore, #tpu.memory_space<semaphore_mem>>)
        %dma_wait3A = arith.constant 0 : i32
        %dma_wait3A_38 = tpu.memref_slice %arg29[%add3A_18, %dma_wait3A] : memref<10000x16xf32, #tpu.memory_space<vmem_shared>> -> memref<125x16xf32, #tpu.memory_space<vmem_shared>>
        %dma_wait3A_39 = arith.constant 0 : i32
        %dma_wait3A_40 = tpu.memref_slice %arg29[%add3A_18, %dma_wait3A_39] : memref<10000x16xf32, #tpu.memory_space<vmem_shared>> -> memref<125x16xf32, #tpu.memory_space<vmem_shared>>
        tpu.wait_dma2 semaphore(%run_scoped3A : memref<!tpu.dma_semaphore, #tpu.memory_space<semaphore_mem>>) src(%arg24 : memref<125x16xf32, #tpu.memory_space<vmem>>) dst(%dma_wait3A_40 : memref<125x16xf32, #tpu.memory_space<vmem_shared>>)
        tpu.yield
      }) : () -> ()
      %mul3A_19 = arith.constant 625 : i32
      %mul3A_20 = arith.muli %arg1, %mul3A_19 : i32
      %add3A_21 = arith.constant 125 : i32
      %add3A_22 = arith.addi %mul3A_20, %add3A_21 : i32
      "tpu.region"() ({
        %run_scoped3A = tpu.sem_alloc : memref<!tpu.dma_semaphore, #tpu.memory_space<semaphore_mem>>
        %dma_start3A = arith.constant 0 : i32
        %dma_start3A_35 = tpu.memref_slice %arg9[%add3A_22, %dma_start3A] : memref<10000x16xf32, #tpu.memory_space<hbm>> -> memref<125x16xf32, #tpu.memory_space<hbm>>
        %dma_start3A_36 = arith.constant 0 : i32
        %dma_start3A_37 = tpu.memref_slice %arg9[%add3A_22, %dma_start3A_36] : memref<10000x16xf32, #tpu.memory_space<hbm>> -> memref<125x16xf32, #tpu.memory_space<hbm>>
        tpu.enqueue_dma source(%arg24 : memref<125x16xf32, #tpu.memory_space<vmem>>) target(%dma_start3A_37 : memref<125x16xf32, #tpu.memory_space<hbm>>) target_semaphore(%run_scoped3A : memref<!tpu.dma_semaphore, #tpu.memory_space<semaphore_mem>>)
        %dma_wait3A = arith.constant 0 : i32
        %dma_wait3A_38 = tpu.memref_slice %arg9[%add3A_22, %dma_wait3A] : memref<10000x16xf32, #tpu.memory_space<hbm>> -> memref<125x16xf32, #tpu.memory_space<hbm>>
        %dma_wait3A_39 = arith.constant 0 : i32
        %dma_wait3A_40 = tpu.memref_slice %arg9[%add3A_22, %dma_wait3A_39] : memref<10000x16xf32, #tpu.memory_space<hbm>> -> memref<125x16xf32, #tpu.memory_space<hbm>>
        tpu.wait_dma2 semaphore(%run_scoped3A : memref<!tpu.dma_semaphore, #tpu.memory_space<semaphore_mem>>) src(%arg24 : memref<125x16xf32, #tpu.memory_space<vmem>>) dst(%dma_wait3A_40 : memref<125x16xf32, #tpu.memory_space<hbm>>)
        tpu.yield
      }) : () -> ()
      "tpu.region"() ({
        %run_scoped3A = tpu.sem_alloc : memref<!tpu.dma_semaphore, #tpu.memory_space<semaphore_mem>>
        %dma_start3A = arith.constant 0 : i32
        %dma_start3A_35 = tpu.memref_slice %arg29[%add3A_22, %dma_start3A] : memref<10000x16xf32, #tpu.memory_space<vmem_shared>> -> memref<125x16xf32, #tpu.memory_space<vmem_shared>>
        %dma_start3A_36 = arith.constant 0 : i32
        %dma_start3A_37 = tpu.memref_slice %arg29[%add3A_22, %dma_start3A_36] : memref<10000x16xf32, #tpu.memory_space<vmem_shared>> -> memref<125x16xf32, #tpu.memory_space<vmem_shared>>
        tpu.enqueue_dma source(%arg24 : memref<125x16xf32, #tpu.memory_space<vmem>>) target(%dma_start3A_37 : memref<125x16xf32, #tpu.memory_space<vmem_shared>>) target_semaphore(%run_scoped3A : memref<!tpu.dma_semaphore, #tpu.memory_space<semaphore_mem>>)
        %dma_wait3A = arith.constant 0 : i32
        %dma_wait3A_38 = tpu.memref_slice %arg29[%add3A_22, %dma_wait3A] : memref<10000x16xf32, #tpu.memory_space<vmem_shared>> -> memref<125x16xf32, #tpu.memory_space<vmem_shared>>
        %dma_wait3A_39 = arith.constant 0 : i32
        %dma_wait3A_40 = tpu.memref_slice %arg29[%add3A_22, %dma_wait3A_39] : memref<10000x16xf32, #tpu.memory_space<vmem_shared>> -> memref<125x16xf32, #tpu.memory_space<vmem_shared>>
        tpu.wait_dma2 semaphore(%run_scoped3A : memref<!tpu.dma_semaphore, #tpu.memory_space<semaphore_mem>>) src(%arg24 : memref<125x16xf32, #tpu.memory_space<vmem>>) dst(%dma_wait3A_40 : memref<125x16xf32, #tpu.memory_space<vmem_shared>>)
        tpu.yield
      }) : () -> ()
      %mul3A_23 = arith.constant 625 : i32
      %mul3A_24 = arith.muli %arg1, %mul3A_23 : i32
      %add3A_25 = arith.constant 250 : i32
      %add3A_26 = arith.addi %mul3A_24, %add3A_25 : i32
      "tpu.region"() ({
        %run_scoped3A = tpu.sem_alloc : memref<!tpu.dma_semaphore, #tpu.memory_space<semaphore_mem>>
        %dma_start3A = arith.constant 0 : i32
        %dma_start3A_35 = tpu.memref_slice %arg9[%add3A_26, %dma_start3A] : memref<10000x16xf32, #tpu.memory_space<hbm>> -> memref<125x16xf32, #tpu.memory_space<hbm>>
        %dma_start3A_36 = arith.constant 0 : i32
        %dma_start3A_37 = tpu.memref_slice %arg9[%add3A_26, %dma_start3A_36] : memref<10000x16xf32, #tpu.memory_space<hbm>> -> memref<125x16xf32, #tpu.memory_space<hbm>>
        tpu.enqueue_dma source(%arg24 : memref<125x16xf32, #tpu.memory_space<vmem>>) target(%dma_start3A_37 : memref<125x16xf32, #tpu.memory_space<hbm>>) target_semaphore(%run_scoped3A : memref<!tpu.dma_semaphore, #tpu.memory_space<semaphore_mem>>)
        %dma_wait3A = arith.constant 0 : i32
        %dma_wait3A_38 = tpu.memref_slice %arg9[%add3A_26, %dma_wait3A] : memref<10000x16xf32, #tpu.memory_space<hbm>> -> memref<125x16xf32, #tpu.memory_space<hbm>>
        %dma_wait3A_39 = arith.constant 0 : i32
        %dma_wait3A_40 = tpu.memref_slice %arg9[%add3A_26, %dma_wait3A_39] : memref<10000x16xf32, #tpu.memory_space<hbm>> -> memref<125x16xf32, #tpu.memory_space<hbm>>
        tpu.wait_dma2 semaphore(%run_scoped3A : memref<!tpu.dma_semaphore, #tpu.memory_space<semaphore_mem>>) src(%arg24 : memref<125x16xf32, #tpu.memory_space<vmem>>) dst(%dma_wait3A_40 : memref<125x16xf32, #tpu.memory_space<hbm>>)
        tpu.yield
      }) : () -> ()
      "tpu.region"() ({
        %run_scoped3A = tpu.sem_alloc : memref<!tpu.dma_semaphore, #tpu.memory_space<semaphore_mem>>
        %dma_start3A = arith.constant 0 : i32
        %dma_start3A_35 = tpu.memref_slice %arg29[%add3A_26, %dma_start3A] : memref<10000x16xf32, #tpu.memory_space<vmem_shared>> -> memref<125x16xf32, #tpu.memory_space<vmem_shared>>
        %dma_start3A_36 = arith.constant 0 : i32
        %dma_start3A_37 = tpu.memref_slice %arg29[%add3A_26, %dma_start3A_36] : memref<10000x16xf32, #tpu.memory_space<vmem_shared>> -> memref<125x16xf32, #tpu.memory_space<vmem_shared>>
        tpu.enqueue_dma source(%arg24 : memref<125x16xf32, #tpu.memory_space<vmem>>) target(%dma_start3A_37 : memref<125x16xf32, #tpu.memory_space<vmem_shared>>) target_semaphore(%run_scoped3A : memref<!tpu.dma_semaphore, #tpu.memory_space<semaphore_mem>>)
        %dma_wait3A = arith.constant 0 : i32
        %dma_wait3A_38 = tpu.memref_slice %arg29[%add3A_26, %dma_wait3A] : memref<10000x16xf32, #tpu.memory_space<vmem_shared>> -> memref<125x16xf32, #tpu.memory_space<vmem_shared>>
        %dma_wait3A_39 = arith.constant 0 : i32
        %dma_wait3A_40 = tpu.memref_slice %arg29[%add3A_26, %dma_wait3A_39] : memref<10000x16xf32, #tpu.memory_space<vmem_shared>> -> memref<125x16xf32, #tpu.memory_space<vmem_shared>>
        tpu.wait_dma2 semaphore(%run_scoped3A : memref<!tpu.dma_semaphore, #tpu.memory_space<semaphore_mem>>) src(%arg24 : memref<125x16xf32, #tpu.memory_space<vmem>>) dst(%dma_wait3A_40 : memref<125x16xf32, #tpu.memory_space<vmem_shared>>)
        tpu.yield
      }) : () -> ()
      %mul3A_27 = arith.constant 625 : i32
      %mul3A_28 = arith.muli %arg1, %mul3A_27 : i32
      %add3A_29 = arith.constant 375 : i32
      %add3A_30 = arith.addi %mul3A_28, %add3A_29 : i32
      "tpu.region"() ({
        %run_scoped3A = tpu.sem_alloc : memref<!tpu.dma_semaphore, #tpu.memory_space<semaphore_mem>>
        %dma_start3A = arith.constant 0 : i32
        %dma_start3A_35 = tpu.memref_slice %arg9[%add3A_30, %dma_start3A] : memref<10000x16xf32, #tpu.memory_space<hbm>> -> memref<125x16xf32, #tpu.memory_space<hbm>>
        %dma_start3A_36 = arith.constant 0 : i32
        %dma_start3A_37 = tpu.memref_slice %arg9[%add3A_30, %dma_start3A_36] : memref<10000x16xf32, #tpu.memory_space<hbm>> -> memref<125x16xf32, #tpu.memory_space<hbm>>
        tpu.enqueue_dma source(%arg24 : memref<125x16xf32, #tpu.memory_space<vmem>>) target(%dma_start3A_37 : memref<125x16xf32, #tpu.memory_space<hbm>>) target_semaphore(%run_scoped3A : memref<!tpu.dma_semaphore, #tpu.memory_space<semaphore_mem>>)
        %dma_wait3A = arith.constant 0 : i32
        %dma_wait3A_38 = tpu.memref_slice %arg9[%add3A_30, %dma_wait3A] : memref<10000x16xf32, #tpu.memory_space<hbm>> -> memref<125x16xf32, #tpu.memory_space<hbm>>
        %dma_wait3A_39 = arith.constant 0 : i32
        %dma_wait3A_40 = tpu.memref_slice %arg9[%add3A_30, %dma_wait3A_39] : memref<10000x16xf32, #tpu.memory_space<hbm>> -> memref<125x16xf32, #tpu.memory_space<hbm>>
        tpu.wait_dma2 semaphore(%run_scoped3A : memref<!tpu.dma_semaphore, #tpu.memory_space<semaphore_mem>>) src(%arg24 : memref<125x16xf32, #tpu.memory_space<vmem>>) dst(%dma_wait3A_40 : memref<125x16xf32, #tpu.memory_space<hbm>>)
        tpu.yield
      }) : () -> ()
      "tpu.region"() ({
        %run_scoped3A = tpu.sem_alloc : memref<!tpu.dma_semaphore, #tpu.memory_space<semaphore_mem>>
        %dma_start3A = arith.constant 0 : i32
        %dma_start3A_35 = tpu.memref_slice %arg29[%add3A_30, %dma_start3A] : memref<10000x16xf32, #tpu.memory_space<vmem_shared>> -> memref<125x16xf32, #tpu.memory_space<vmem_shared>>
        %dma_start3A_36 = arith.constant 0 : i32
        %dma_start3A_37 = tpu.memref_slice %arg29[%add3A_30, %dma_start3A_36] : memref<10000x16xf32, #tpu.memory_space<vmem_shared>> -> memref<125x16xf32, #tpu.memory_space<vmem_shared>>
        tpu.enqueue_dma source(%arg24 : memref<125x16xf32, #tpu.memory_space<vmem>>) target(%dma_start3A_37 : memref<125x16xf32, #tpu.memory_space<vmem_shared>>) target_semaphore(%run_scoped3A : memref<!tpu.dma_semaphore, #tpu.memory_space<semaphore_mem>>)
        %dma_wait3A = arith.constant 0 : i32
        %dma_wait3A_38 = tpu.memref_slice %arg29[%add3A_30, %dma_wait3A] : memref<10000x16xf32, #tpu.memory_space<vmem_shared>> -> memref<125x16xf32, #tpu.memory_space<vmem_shared>>
        %dma_wait3A_39 = arith.constant 0 : i32
        %dma_wait3A_40 = tpu.memref_slice %arg29[%add3A_30, %dma_wait3A_39] : memref<10000x16xf32, #tpu.memory_space<vmem_shared>> -> memref<125x16xf32, #tpu.memory_space<vmem_shared>>
        tpu.wait_dma2 semaphore(%run_scoped3A : memref<!tpu.dma_semaphore, #tpu.memory_space<semaphore_mem>>) src(%arg24 : memref<125x16xf32, #tpu.memory_space<vmem>>) dst(%dma_wait3A_40 : memref<125x16xf32, #tpu.memory_space<vmem_shared>>)
        tpu.yield
      }) : () -> ()
      %mul3A_31 = arith.constant 625 : i32
      %mul3A_32 = arith.muli %arg1, %mul3A_31 : i32
      %add3A_33 = arith.constant 500 : i32
      %add3A_34 = arith.addi %mul3A_32, %add3A_33 : i32
      "tpu.region"() ({
        %run_scoped3A = tpu.sem_alloc : memref<!tpu.dma_semaphore, #tpu.memory_space<semaphore_mem>>
        %dma_start3A = arith.constant 0 : i32
        %dma_start3A_35 = tpu.memref_slice %arg9[%add3A_34, %dma_start3A] : memref<10000x16xf32, #tpu.memory_space<hbm>> -> memref<125x16xf32, #tpu.memory_space<hbm>>
        %dma_start3A_36 = arith.constant 0 : i32
        %dma_start3A_37 = tpu.memref_slice %arg9[%add3A_34, %dma_start3A_36] : memref<10000x16xf32, #tpu.memory_space<hbm>> -> memref<125x16xf32, #tpu.memory_space<hbm>>
        tpu.enqueue_dma source(%arg24 : memref<125x16xf32, #tpu.memory_space<vmem>>) target(%dma_start3A_37 : memref<125x16xf32, #tpu.memory_space<hbm>>) target_semaphore(%run_scoped3A : memref<!tpu.dma_semaphore, #tpu.memory_space<semaphore_mem>>)
        %dma_wait3A = arith.constant 0 : i32
        %dma_wait3A_38 = tpu.memref_slice %arg9[%add3A_34, %dma_wait3A] : memref<10000x16xf32, #tpu.memory_space<hbm>> -> memref<125x16xf32, #tpu.memory_space<hbm>>
        %dma_wait3A_39 = arith.constant 0 : i32
        %dma_wait3A_40 = tpu.memref_slice %arg9[%add3A_34, %dma_wait3A_39] : memref<10000x16xf32, #tpu.memory_space<hbm>> -> memref<125x16xf32, #tpu.memory_space<hbm>>
        tpu.wait_dma2 semaphore(%run_scoped3A : memref<!tpu.dma_semaphore, #tpu.memory_space<semaphore_mem>>) src(%arg24 : memref<125x16xf32, #tpu.memory_space<vmem>>) dst(%dma_wait3A_40 : memref<125x16xf32, #tpu.memory_space<hbm>>)
        tpu.yield
      }) : () -> ()
      "tpu.region"() ({
        %run_scoped3A = tpu.sem_alloc : memref<!tpu.dma_semaphore, #tpu.memory_space<semaphore_mem>>
        %dma_start3A = arith.constant 0 : i32
        %dma_start3A_35 = tpu.memref_slice %arg29[%add3A_34, %dma_start3A] : memref<10000x16xf32, #tpu.memory_space<vmem_shared>> -> memref<125x16xf32, #tpu.memory_space<vmem_shared>>
        %dma_start3A_36 = arith.constant 0 : i32
        %dma_start3A_37 = tpu.memref_slice %arg29[%add3A_34, %dma_start3A_36] : memref<10000x16xf32, #tpu.memory_space<vmem_shared>> -> memref<125x16xf32, #tpu.memory_space<vmem_shared>>
        tpu.enqueue_dma source(%arg24 : memref<125x16xf32, #tpu.memory_space<vmem>>) target(%dma_start3A_37 : memref<125x16xf32, #tpu.memory_space<vmem_shared>>) target_semaphore(%run_scoped3A : memref<!tpu.dma_semaphore, #tpu.memory_space<semaphore_mem>>)
        %dma_wait3A = arith.constant 0 : i32
        %dma_wait3A_38 = tpu.memref_slice %arg29[%add3A_34, %dma_wait3A] : memref<10000x16xf32, #tpu.memory_space<vmem_shared>> -> memref<125x16xf32, #tpu.memory_space<vmem_shared>>
        %dma_wait3A_39 = arith.constant 0 : i32
        %dma_wait3A_40 = tpu.memref_slice %arg29[%add3A_34, %dma_wait3A_39] : memref<10000x16xf32, #tpu.memory_space<vmem_shared>> -> memref<125x16xf32, #tpu.memory_space<vmem_shared>>
        tpu.wait_dma2 semaphore(%run_scoped3A : memref<!tpu.dma_semaphore, #tpu.memory_space<semaphore_mem>>) src(%arg24 : memref<125x16xf32, #tpu.memory_space<vmem>>) dst(%dma_wait3A_40 : memref<125x16xf32, #tpu.memory_space<vmem_shared>>)
        tpu.yield
      }) : () -> ()
    } else {
    }
    %barrier3A = arith.constant 0 : index
    tpu.barrier barrier_id(%barrier3A)
    %scan3A = arith.constant 0 : i32
    %scan3A_4 = arith.constant 0 : i32
    %scan3A_5 = arith.constant 8 : i32
    %scan3A_6 = arith.addi %scan3A_4, %scan3A_5 : i32
    %scan3A_7 = arith.constant 1 : i32
    %scan3A_8 = scf.for %scan3A_10 = %scan3A_4 to %scan3A_6 step %scan3A_7 iter_args(%scan3A_11 = %scan3A) -> (i32)  : i32 {
      %convert_element_type3A_12 = arith.extui %eq3A_0 : i1 to i32
      %cond3A_13 = arith.constant 0 : i32
      %cond3A_14 = arith.cmpi ne, %convert_element_type3A_12, %cond3A_13 : i32
      scf.if %cond3A_14 {
        %mul3A = arith.constant 8 : i32
        %mul3A_29 = arith.muli %and3A_1, %mul3A : i32
        %add3A = arith.addi %mul3A_29, %scan3A_10 : i32
        "tpu.region"() ({
          %run_scoped3A = tpu.sem_alloc : memref<!tpu.dma_semaphore, #tpu.memory_space<semaphore_mem>>
          %dma_start3A = arith.constant 0 : i32
          %dma_start3A_32 = tpu.memref_slice %arg7[%add3A, %dma_start3A] : memref<64x10000xf32, #tpu.memory_space<hbm>> -> memref<1x10000xf32, #tpu.memory_space<hbm>>
          %dma_start3A_33 = tpu.memref_squeeze %dma_start3A_32 : memref<1x10000xf32, #tpu.memory_space<hbm>> -> memref<10000xf32, #tpu.memory_space<hbm>>
          %dma_start3A_34 = arith.constant 0 : i32
          %dma_start3A_35 = tpu.memref_slice %arg7[%add3A, %dma_start3A_34] : memref<64x10000xf32, #tpu.memory_space<hbm>> -> memref<1x10000xf32, #tpu.memory_space<hbm>>
          %dma_start3A_36 = tpu.memref_squeeze %dma_start3A_35 : memref<1x10000xf32, #tpu.memory_space<hbm>> -> memref<10000xf32, #tpu.memory_space<hbm>>
          tpu.enqueue_dma source(%dma_start3A_36 : memref<10000xf32, #tpu.memory_space<hbm>>) target(%arg10 : memref<10000xf32, #tpu.memory_space<vmem>>) target_semaphore(%run_scoped3A : memref<!tpu.dma_semaphore, #tpu.memory_space<semaphore_mem>>)
          %dma_wait3A = arith.constant 0 : i32
          %dma_wait3A_37 = tpu.memref_slice %arg7[%add3A, %dma_wait3A] : memref<64x10000xf32, #tpu.memory_space<hbm>> -> memref<1x10000xf32, #tpu.memory_space<hbm>>
          %dma_wait3A_38 = tpu.memref_squeeze %dma_wait3A_37 : memref<1x10000xf32, #tpu.memory_space<hbm>> -> memref<10000xf32, #tpu.memory_space<hbm>>
          %dma_wait3A_39 = arith.constant 0 : i32
          %dma_wait3A_40 = tpu.memref_slice %arg7[%add3A, %dma_wait3A_39] : memref<64x10000xf32, #tpu.memory_space<hbm>> -> memref<1x10000xf32, #tpu.memory_space<hbm>>
          %dma_wait3A_41 = tpu.memref_squeeze %dma_wait3A_40 : memref<1x10000xf32, #tpu.memory_space<hbm>> -> memref<10000xf32, #tpu.memory_space<hbm>>
          tpu.wait_dma2 semaphore(%run_scoped3A : memref<!tpu.dma_semaphore, #tpu.memory_space<semaphore_mem>>) src(%dma_wait3A_41 : memref<10000xf32, #tpu.memory_space<hbm>>) dst(%arg10 : memref<10000xf32, #tpu.memory_space<vmem>>)
          tpu.yield
        }) : () -> ()
        %parallel_loop3A = arith.constant 0 : i32
        %parallel_loop3A_30 = arith.constant 625 : i32
        %parallel_loop3A_31 = arith.constant 1 : i32
        scf.for %parallel_loop3A_32 = %parallel_loop3A to %parallel_loop3A_30 step %parallel_loop3A_31  : i32 {
          %parallel_loop3A_33 = arith.constant 0.000000e+00 : f32
          %parallel_loop3A_34 = vector.broadcast %parallel_loop3A_33 : f32 to vector<16xf32>
          %parallel_loop3A_35 = arith.constant 16 : i32
          %parallel_loop3A_36 = arith.muli %parallel_loop3A_32, %parallel_loop3A_35 : i32
          %parallel_loop3A_37 = arith.index_cast %parallel_loop3A_36 : i32 to index
          %parallel_loop3A_38 = tpu.vector_load %arg11[%parallel_loop3A_37] {strides = array<i32>} : memref<10000xf32, #tpu.memory_space<vmem>>, vector<16xf32>,
          tpu.vector_store %arg11[%parallel_loop3A_37], %parallel_loop3A_34 {strides = array<i32>} : memref<10000xf32, #tpu.memory_space<vmem>>, vector<16xf32>,
        } {sc.loop_unroll_factor = 5 : i64, sc.parallel_access}
      } else {
      }
      %scan3A_15 = arith.constant 0 : i32
      %scan3A_16 = arith.constant 0 : i32
      %scan3A_17 = arith.constant 3 : i32
      %scan3A_18 = arith.addi %scan3A_16, %scan3A_17 : i32
      %scan3A_19 = arith.constant 1 : i32
      %scan3A_20 = scf.for %scan3A_29 = %scan3A_16 to %scan3A_18 step %scan3A_19 iter_args(%scan3A_30 = %scan3A_15) -> (i32)  : i32 {
        %convert_element_type3A_31 = arith.extui %eq3A_0 : i1 to i32
        %cond3A_32 = arith.constant 0 : i32
        %cond3A_33 = arith.cmpi ne, %convert_element_type3A_31, %cond3A_32 : i32
        scf.if %cond3A_33 {
          %parallel_loop3A = arith.constant 0 : i32
          %parallel_loop3A_71 = arith.constant 625 : i32
          %parallel_loop3A_72 = arith.constant 1 : i32
          scf.for %parallel_loop3A_129 = %parallel_loop3A to %parallel_loop3A_71 step %parallel_loop3A_72  : i32 {
            %parallel_loop3A_130 = arith.constant 0.000000e+00 : f32
            %parallel_loop3A_131 = vector.broadcast %parallel_loop3A_130 : f32 to vector<16xf32>
            %parallel_loop3A_132 = arith.constant 16 : i32
            %parallel_loop3A_133 = arith.muli %parallel_loop3A_129, %parallel_loop3A_132 : i32
            %parallel_loop3A_134 = arith.index_cast %parallel_loop3A_133 : i32 to index
            %parallel_loop3A_135 = tpu.vector_load %arg12[%parallel_loop3A_134] {strides = array<i32>} : memref<10000xf32, #tpu.memory_space<vmem>>, vector<16xf32>,
            tpu.vector_store %arg12[%parallel_loop3A_134], %parallel_loop3A_131 {strides = array<i32>} : memref<10000xf32, #tpu.memory_space<vmem>>, vector<16xf32>,
          } {sc.loop_unroll_factor = 5 : i64, sc.parallel_access}
          %mul3A = arith.constant 20 : i32
          %mul3A_73 = arith.muli %shift_right_logical3A_2, %mul3A : i32
          %mul3A_74 = arith.constant 250 : i32
          %mul3A_75 = arith.muli %mul3A_73, %mul3A_74 : i32
          %dma_start3A = arith.constant 0 : i32
          %dma_start3A_76 = tpu.memref_slice %arg2[%mul3A_75, %dma_start3A] : memref<10000x16xi32, #tpu.memory_space<hbm>> -> memref<250x16xi32, #tpu.memory_space<hbm>>
          %dma_start3A_77 = arith.constant 0 : i32
          %dma_start3A_78 = tpu.memref_slice %arg2[%mul3A_75, %dma_start3A_77] : memref<10000x16xi32, #tpu.memory_space<hbm>> -> memref<250x16xi32, #tpu.memory_space<hbm>>
          tpu.enqueue_dma source(%dma_start3A_78 : memref<250x16xi32, #tpu.memory_space<hbm>>) target(%arg13 : memref<250x16xi32, #tpu.memory_space<vmem>>) target_semaphore(%arg25 : memref<!tpu.dma_semaphore, #tpu.memory_space<semaphore_mem>>)
          %dma_start3A_79 = arith.constant 0 : i32
          %dma_start3A_80 = tpu.memref_slice %arg9[%mul3A_75, %dma_start3A_79] : memref<10000x16xf32, #tpu.memory_space<hbm>> -> memref<250x16xf32, #tpu.memory_space<hbm>>
          %dma_start3A_81 = arith.constant 0 : i32
          %dma_start3A_82 = tpu.memref_slice %arg9[%mul3A_75, %dma_start3A_81] : memref<10000x16xf32, #tpu.memory_space<hbm>> -> memref<250x16xf32, #tpu.memory_space<hbm>>
          tpu.enqueue_dma source(%dma_start3A_82 : memref<250x16xf32, #tpu.memory_space<hbm>>) target(%arg15 : memref<250x16xf32, #tpu.memory_space<vmem>>) target_semaphore(%arg25 : memref<!tpu.dma_semaphore, #tpu.memory_space<semaphore_mem>>)
          %scan3A_83 = arith.constant 0 : i32
          %scan3A_84 = arith.constant 0 : i32
          %scan3A_85 = arith.constant 10 : i32
          %scan3A_86 = arith.addi %scan3A_84, %scan3A_85 : i32
          %scan3A_87 = arith.constant 1 : i32
          %scan3A_88 = scf.for %scan3A_129 = %scan3A_84 to %scan3A_86 step %scan3A_87 iter_args(%scan3A_130 = %scan3A_83) -> (i32)  : i32 {
            %mul3A_131 = arith.constant 2 : i32
            %mul3A_132 = arith.muli %mul3A_131, %scan3A_129 : i32
            %add3A = arith.addi %mul3A_73, %mul3A_132 : i32
            %add3A_133 = arith.constant 1 : i32
            %add3A_134 = arith.addi %add3A, %add3A_133 : i32
            %mul3A_135 = arith.constant 250 : i32
            %mul3A_136 = arith.muli %add3A_134, %mul3A_135 : i32
            %dma_start3A_137 = arith.constant 0 : i32
            %dma_start3A_138 = tpu.memref_slice %arg2[%mul3A_136, %dma_start3A_137] : memref<10000x16xi32, #tpu.memory_space<hbm>> -> memref<250x16xi32, #tpu.memory_space<hbm>>
            %dma_start3A_139 = arith.constant 0 : i32
            %dma_start3A_140 = tpu.memref_slice %arg2[%mul3A_136, %dma_start3A_139] : memref<10000x16xi32, #tpu.memory_space<hbm>> -> memref<250x16xi32, #tpu.memory_space<hbm>>
            tpu.enqueue_dma source(%dma_start3A_140 : memref<250x16xi32, #tpu.memory_space<hbm>>) target(%arg14 : memref<250x16xi32, #tpu.memory_space<vmem>>) target_semaphore(%arg26 : memref<!tpu.dma_semaphore, #tpu.memory_space<semaphore_mem>>)
            %dma_start3A_141 = arith.constant 0 : i32
            %dma_start3A_142 = tpu.memref_slice %arg9[%mul3A_136, %dma_start3A_141] : memref<10000x16xf32, #tpu.memory_space<hbm>> -> memref<250x16xf32, #tpu.memory_space<hbm>>
            %dma_start3A_143 = arith.constant 0 : i32
            %dma_start3A_144 = tpu.memref_slice %arg9[%mul3A_136, %dma_start3A_143] : memref<10000x16xf32, #tpu.memory_space<hbm>> -> memref<250x16xf32, #tpu.memory_space<hbm>>
            tpu.enqueue_dma source(%dma_start3A_144 : memref<250x16xf32, #tpu.memory_space<hbm>>) target(%arg16 : memref<250x16xf32, #tpu.memory_space<vmem>>) target_semaphore(%arg26 : memref<!tpu.dma_semaphore, #tpu.memory_space<semaphore_mem>>)
            %mul3A_145 = arith.constant 250 : i32
            %mul3A_146 = arith.muli %add3A, %mul3A_145 : i32
            %dma_wait3A_147 = arith.constant 0 : i32
            %dma_wait3A_148 = tpu.memref_slice %arg2[%mul3A_146, %dma_wait3A_147] : memref<10000x16xi32, #tpu.memory_space<hbm>> -> memref<250x16xi32, #tpu.memory_space<hbm>>
            %dma_wait3A_149 = arith.constant 0 : i32
            %dma_wait3A_150 = tpu.memref_slice %arg2[%mul3A_146, %dma_wait3A_149] : memref<10000x16xi32, #tpu.memory_space<hbm>> -> memref<250x16xi32, #tpu.memory_space<hbm>>
            tpu.wait_dma2 semaphore(%arg25 : memref<!tpu.dma_semaphore, #tpu.memory_space<semaphore_mem>>) src(%dma_wait3A_150 : memref<250x16xi32, #tpu.memory_space<hbm>>) dst(%arg13 : memref<250x16xi32, #tpu.memory_space<vmem>>)
            %dma_wait3A_151 = arith.constant 0 : i32
            %dma_wait3A_152 = tpu.memref_slice %arg9[%mul3A_146, %dma_wait3A_151] : memref<10000x16xf32, #tpu.memory_space<hbm>> -> memref<250x16xf32, #tpu.memory_space<hbm>>
            %dma_wait3A_153 = arith.constant 0 : i32
            %dma_wait3A_154 = tpu.memref_slice %arg9[%mul3A_146, %dma_wait3A_153] : memref<10000x16xf32, #tpu.memory_space<hbm>> -> memref<250x16xf32, #tpu.memory_space<hbm>>
            tpu.wait_dma2 semaphore(%arg25 : memref<!tpu.dma_semaphore, #tpu.memory_space<semaphore_mem>>) src(%dma_wait3A_154 : memref<250x16xf32, #tpu.memory_space<hbm>>) dst(%arg15 : memref<250x16xf32, #tpu.memory_space<vmem>>)
            %gt3A = arith.constant 0 : i32
            %gt3A_155 = arith.cmpi sgt, %scan3A_129, %gt3A : i32
            %convert_element_type3A_156 = arith.extui %gt3A_155 : i1 to i32
            %cond3A_157 = arith.constant 0 : i32
            %cond3A_158 = arith.cmpi ne, %convert_element_type3A_156, %cond3A_157 : i32
            scf.if %cond3A_158 {
              %dma_wait3A_241 = arith.constant 0 : i32
              %dma_wait3A_242 = arith.constant 0 : i32
              %dma_wait3A_243 = arith.constant 0 : i32
              %dma_wait3A_244 = tpu.memref_slice %arg17[%dma_wait3A_242, %dma_wait3A_243] : memref<250x16xf32, #tpu.memory_space<vmem>> -> memref<125x16xf32, #tpu.memory_space<vmem>>
              %dma_wait3A_245 = arith.constant 0 : i32
              %dma_wait3A_246 = tpu.memref_slice %arg19[%dma_wait3A_241, %dma_wait3A_245] : memref<80x125xi32, #tpu.memory_space<vmem>> -> memref<1x125xi32, #tpu.memory_space<vmem>>
              %dma_wait3A_247 = tpu.memref_squeeze %dma_wait3A_246 : memref<1x125xi32, #tpu.memory_space<vmem>> -> memref<125xi32, #tpu.memory_space<vmem>>
              %dma_wait3A_248 = arith.constant 0 : i32
              %dma_wait3A_249 = arith.constant 0 : i32
              %dma_wait3A_250 = tpu.memref_slice %arg29[%dma_wait3A_248, %dma_wait3A_249] : memref<10000x16xf32, #tpu.memory_space<vmem_shared>> -> memref<10000x16xf32, #tpu.memory_space<vmem_shared>>
              tpu.wait_indirect_dma semaphore(%arg27 : memref<!tpu.dma_semaphore, #tpu.memory_space<semaphore_mem>>) src(%dma_wait3A_244 : memref<125x16xf32, #tpu.memory_space<vmem>>) dst(%dma_wait3A_250 : memref<10000x16xf32, #tpu.memory_space<vmem_shared>>)
              %dma_wait3A_251 = arith.constant 0 : i32
              %dma_wait3A_252 = arith.constant 0 : i32
              %dma_wait3A_253 = arith.constant 0 : i32
              %dma_wait3A_254 = tpu.memref_slice %arg17[%dma_wait3A_252, %dma_wait3A_253] : memref<250x16xf32, #tpu.memory_space<vmem>> -> memref<125x16xf32, #tpu.memory_space<vmem>>
              %dma_wait3A_255 = arith.constant 0 : i32
              %dma_wait3A_256 = tpu.memref_slice %arg19[%dma_wait3A_251, %dma_wait3A_255] : memref<80x125xi32, #tpu.memory_space<vmem>> -> memref<1x125xi32, #tpu.memory_space<vmem>>
              %dma_wait3A_257 = tpu.memref_squeeze %dma_wait3A_256 : memref<1x125xi32, #tpu.memory_space<vmem>> -> memref<125xi32, #tpu.memory_space<vmem>>
              %dma_wait3A_258 = arith.constant 0 : i32
              %dma_wait3A_259 = arith.constant 0 : i32
              %dma_wait3A_260 = tpu.memref_slice %arg29[%dma_wait3A_258, %dma_wait3A_259] : memref<10000x16xf32, #tpu.memory_space<vmem_shared>> -> memref<10000x16xf32, #tpu.memory_space<vmem_shared>>
              tpu.wait_indirect_dma semaphore(%arg27 : memref<!tpu.dma_semaphore, #tpu.memory_space<semaphore_mem>>) src(%dma_wait3A_254 : memref<125x16xf32, #tpu.memory_space<vmem>>) dst(%dma_wait3A_260 : memref<10000x16xf32, #tpu.memory_space<vmem_shared>>)
            } else {
            }
            %parallel_loop3A_159 = arith.constant 0 : i32
            %parallel_loop3A_160 = arith.constant 250 : i32
            %parallel_loop3A_161 = arith.constant 1 : i32
            scf.for %parallel_loop3A_241 = %parallel_loop3A_159 to %parallel_loop3A_160 step %parallel_loop3A_161  : i32 {
              %parallel_loop3A_242 = arith.index_cast %parallel_loop3A_241 : i32 to index
              %parallel_loop3A_243 = arith.constant 0 : index
              %parallel_loop3A_244 = tpu.vector_load %arg13[%parallel_loop3A_242, %parallel_loop3A_243] {strides = array<i32>} : memref<250x16xi32, #tpu.memory_space<vmem>>, vector<16xi32>,
              %parallel_loop3A_245 = arith.constant 14 : i32
              %parallel_loop3A_246 = vector.broadcast %parallel_loop3A_245 : i32 to vector<16xi32>
              %parallel_loop3A_247 = arith.shrui %parallel_loop3A_244, %parallel_loop3A_246 : vector<16xi32>
              %parallel_loop3A_248 = arith.constant 16383 : i32
              %parallel_loop3A_249 = vector.broadcast %parallel_loop3A_248 : i32 to vector<16xi32>
              %parallel_loop3A_250 = arith.andi %parallel_loop3A_244, %parallel_loop3A_249 : vector<16xi32>
              %parallel_loop3A_251 = arith.index_cast %parallel_loop3A_241 : i32 to index
              %parallel_loop3A_252 = arith.constant 0 : index
              %parallel_loop3A_253 = tpu.vector_load %arg15[%parallel_loop3A_251, %parallel_loop3A_252] {strides = array<i32>} : memref<250x16xf32, #tpu.memory_space<vmem>>, vector<16xf32>,
              %parallel_loop3A_254 = tpu.vector_load_idx %arg10[%parallel_loop3A_247] : memref<10000xf32, #tpu.memory_space<vmem>>[vector<16xi32>], vector<16xf32>,
              %parallel_loop3A_255 = arith.mulf %parallel_loop3A_254, %parallel_loop3A_253 : vector<16xf32>
              tpu.vector_store_idx %arg12[%parallel_loop3A_250], %parallel_loop3A_255 {add = true} : memref<10000xf32, #tpu.memory_space<vmem>>[vector<16xi32>], vector<16xf32>,
              %parallel_loop3A_256 = tpu.vector_load_idx %arg11[%parallel_loop3A_247] : memref<10000xf32, #tpu.memory_space<vmem>>[vector<16xi32>], vector<16xf32>,
              %parallel_loop3A_257 = tpu.vector_load_idx %arg10[%parallel_loop3A_250] : memref<10000xf32, #tpu.memory_space<vmem>>[vector<16xi32>], vector<16xf32>,
              %parallel_loop3A_258 = arith.mulf %parallel_loop3A_256, %parallel_loop3A_257 : vector<16xf32>
              %parallel_loop3A_259 = arith.index_cast %parallel_loop3A_241 : i32 to index
              %parallel_loop3A_260 = arith.constant 0 : index
              %parallel_loop3A_261 = tpu.vector_load %arg17[%parallel_loop3A_259, %parallel_loop3A_260] {strides = array<i32>} : memref<250x16xf32, #tpu.memory_space<vmem>>, vector<16xf32>,
              tpu.vector_store %arg17[%parallel_loop3A_259, %parallel_loop3A_260], %parallel_loop3A_258 {strides = array<i32>} : memref<250x16xf32, #tpu.memory_space<vmem>>, vector<16xf32>,
            } {sc.loop_unroll_factor = 25 : i64, sc.parallel_access}
            %mul3A_162 = arith.constant 2 : i32
            %mul3A_163 = arith.muli %mul3A_162, %add3A : i32
            %add3A_164 = arith.constant 0 : i32
            %add3A_165 = arith.addi %mul3A_163, %add3A_164 : i32
            %dma_start3A_166 = arith.constant 0 : i32
            %dma_start3A_167 = arith.constant 0 : i32
            %dma_start3A_168 = tpu.memref_slice %arg17[%dma_start3A_166, %dma_start3A_167] : memref<250x16xf32, #tpu.memory_space<vmem>> -> memref<125x16xf32, #tpu.memory_space<vmem>>
            %dma_start3A_169 = arith.constant 0 : i32
            %dma_start3A_170 = tpu.memref_slice %arg19[%add3A_165, %dma_start3A_169] : memref<80x125xi32, #tpu.memory_space<vmem>> -> memref<1x125xi32, #tpu.memory_space<vmem>>
            %dma_start3A_171 = tpu.memref_squeeze %dma_start3A_170 : memref<1x125xi32, #tpu.memory_space<vmem>> -> memref<125xi32, #tpu.memory_space<vmem>>
            %dma_start3A_172 = arith.constant 0 : i32
            %dma_start3A_173 = arith.constant 0 : i32
            %dma_start3A_174 = tpu.memref_slice %arg29[%dma_start3A_172, %dma_start3A_173] : memref<10000x16xf32, #tpu.memory_space<vmem_shared>> -> memref<10000x16xf32, #tpu.memory_space<vmem_shared>>
            tpu.enqueue_indirect_dma source(%dma_start3A_168 : memref<125x16xf32, #tpu.memory_space<vmem>>) target(%dma_start3A_174 : memref<10000x16xf32, #tpu.memory_space<vmem_shared>>) offsets(%dma_start3A_171 : memref<125xi32, #tpu.memory_space<vmem>>) semaphore(%arg27 : memref<!tpu.dma_semaphore, #tpu.memory_space<semaphore_mem>>) {add = true}
            %mul3A_175 = arith.constant 2 : i32
            %mul3A_176 = arith.muli %mul3A_175, %add3A : i32
            %add3A_177 = arith.constant 1 : i32
            %add3A_178 = arith.addi %mul3A_176, %add3A_177 : i32
            %dma_start3A_179 = arith.constant 125 : i32
            %dma_start3A_180 = arith.constant 0 : i32
            %dma_start3A_181 = tpu.memref_slice %arg17[%dma_start3A_179, %dma_start3A_180] : memref<250x16xf32, #tpu.memory_space<vmem>> -> memref<125x16xf32, #tpu.memory_space<vmem>>
            %dma_start3A_182 = arith.constant 0 : i32
            %dma_start3A_183 = tpu.memref_slice %arg19[%add3A_178, %dma_start3A_182] : memref<80x125xi32, #tpu.memory_space<vmem>> -> memref<1x125xi32, #tpu.memory_space<vmem>>
            %dma_start3A_184 = tpu.memref_squeeze %dma_start3A_183 : memref<1x125xi32, #tpu.memory_space<vmem>> -> memref<125xi32, #tpu.memory_space<vmem>>
            %dma_start3A_185 = arith.constant 0 : i32
            %dma_start3A_186 = arith.constant 0 : i32
            %dma_start3A_187 = tpu.memref_slice %arg29[%dma_start3A_185, %dma_start3A_186] : memref<10000x16xf32, #tpu.memory_space<vmem_shared>> -> memref<10000x16xf32, #tpu.memory_space<vmem_shared>>
            tpu.enqueue_indirect_dma source(%dma_start3A_181 : memref<125x16xf32, #tpu.memory_space<vmem>>) target(%dma_start3A_187 : memref<10000x16xf32, #tpu.memory_space<vmem_shared>>) offsets(%dma_start3A_184 : memref<125xi32, #tpu.memory_space<vmem>>) semaphore(%arg27 : memref<!tpu.dma_semaphore, #tpu.memory_space<semaphore_mem>>) {add = true}
            %lt3A = arith.constant 9 : i32
            %lt3A_188 = arith.cmpi slt, %scan3A_129, %lt3A : i32
            %convert_element_type3A_189 = arith.extui %lt3A_188 : i1 to i32
            %cond3A_190 = arith.constant 0 : i32
            %cond3A_191 = arith.cmpi ne, %convert_element_type3A_189, %cond3A_190 : i32
            scf.if %cond3A_191 {
              %add3A_241 = arith.constant 2 : i32
              %add3A_242 = arith.addi %add3A, %add3A_241 : i32
              %mul3A_243 = arith.constant 250 : i32
              %mul3A_244 = arith.muli %add3A_242, %mul3A_243 : i32
              %dma_start3A_245 = arith.constant 0 : i32
              %dma_start3A_246 = tpu.memref_slice %arg2[%mul3A_244, %dma_start3A_245] : memref<10000x16xi32, #tpu.memory_space<hbm>> -> memref<250x16xi32, #tpu.memory_space<hbm>>
              %dma_start3A_247 = arith.constant 0 : i32
              %dma_start3A_248 = tpu.memref_slice %arg2[%mul3A_244, %dma_start3A_247] : memref<10000x16xi32, #tpu.memory_space<hbm>> -> memref<250x16xi32, #tpu.memory_space<hbm>>
              tpu.enqueue_dma source(%dma_start3A_248 : memref<250x16xi32, #tpu.memory_space<hbm>>) target(%arg13 : memref<250x16xi32, #tpu.memory_space<vmem>>) target_semaphore(%arg25 : memref<!tpu.dma_semaphore, #tpu.memory_space<semaphore_mem>>)
              %dma_start3A_249 = arith.constant 0 : i32
              %dma_start3A_250 = tpu.memref_slice %arg9[%mul3A_244, %dma_start3A_249] : memref<10000x16xf32, #tpu.memory_space<hbm>> -> memref<250x16xf32, #tpu.memory_space<hbm>>
              %dma_start3A_251 = arith.constant 0 : i32
              %dma_start3A_252 = tpu.memref_slice %arg9[%mul3A_244, %dma_start3A_251] : memref<10000x16xf32, #tpu.memory_space<hbm>> -> memref<250x16xf32, #tpu.memory_space<hbm>>
              tpu.enqueue_dma source(%dma_start3A_252 : memref<250x16xf32, #tpu.memory_space<hbm>>) target(%arg15 : memref<250x16xf32, #tpu.memory_space<vmem>>) target_semaphore(%arg25 : memref<!tpu.dma_semaphore, #tpu.memory_space<semaphore_mem>>)
            } else {
            }
            %add3A_192 = arith.constant 1 : i32
            %add3A_193 = arith.addi %add3A, %add3A_192 : i32
            %mul3A_194 = arith.constant 250 : i32
            %mul3A_195 = arith.muli %add3A_193, %mul3A_194 : i32
            %dma_wait3A_196 = arith.constant 0 : i32
            %dma_wait3A_197 = tpu.memref_slice %arg2[%mul3A_195, %dma_wait3A_196] : memref<10000x16xi32, #tpu.memory_space<hbm>> -> memref<250x16xi32, #tpu.memory_space<hbm>>
            %dma_wait3A_198 = arith.constant 0 : i32
            %dma_wait3A_199 = tpu.memref_slice %arg2[%mul3A_195, %dma_wait3A_198] : memref<10000x16xi32, #tpu.memory_space<hbm>> -> memref<250x16xi32, #tpu.memory_space<hbm>>
            tpu.wait_dma2 semaphore(%arg26 : memref<!tpu.dma_semaphore, #tpu.memory_space<semaphore_mem>>) src(%dma_wait3A_199 : memref<250x16xi32, #tpu.memory_space<hbm>>) dst(%arg14 : memref<250x16xi32, #tpu.memory_space<vmem>>)
            %dma_wait3A_200 = arith.constant 0 : i32
            %dma_wait3A_201 = tpu.memref_slice %arg9[%mul3A_195, %dma_wait3A_200] : memref<10000x16xf32, #tpu.memory_space<hbm>> -> memref<250x16xf32, #tpu.memory_space<hbm>>
            %dma_wait3A_202 = arith.constant 0 : i32
            %dma_wait3A_203 = tpu.memref_slice %arg9[%mul3A_195, %dma_wait3A_202] : memref<10000x16xf32, #tpu.memory_space<hbm>> -> memref<250x16xf32, #tpu.memory_space<hbm>>
            tpu.wait_dma2 semaphore(%arg26 : memref<!tpu.dma_semaphore, #tpu.memory_space<semaphore_mem>>) src(%dma_wait3A_203 : memref<250x16xf32, #tpu.memory_space<hbm>>) dst(%arg16 : memref<250x16xf32, #tpu.memory_space<vmem>>)
            %gt3A_204 = arith.constant 0 : i32
            %gt3A_205 = arith.cmpi sgt, %scan3A_129, %gt3A_204 : i32
            %convert_element_type3A_206 = arith.extui %gt3A_205 : i1 to i32
            %cond3A_207 = arith.constant 0 : i32
            %cond3A_208 = arith.cmpi ne, %convert_element_type3A_206, %cond3A_207 : i32
            scf.if %cond3A_208 {
              %dma_wait3A_241 = arith.constant 0 : i32
              %dma_wait3A_242 = arith.constant 0 : i32
              %dma_wait3A_243 = arith.constant 0 : i32
              %dma_wait3A_244 = tpu.memref_slice %arg17[%dma_wait3A_242, %dma_wait3A_243] : memref<250x16xf32, #tpu.memory_space<vmem>> -> memref<125x16xf32, #tpu.memory_space<vmem>>
              %dma_wait3A_245 = arith.constant 0 : i32
              %dma_wait3A_246 = tpu.memref_slice %arg19[%dma_wait3A_241, %dma_wait3A_245] : memref<80x125xi32, #tpu.memory_space<vmem>> -> memref<1x125xi32, #tpu.memory_space<vmem>>
              %dma_wait3A_247 = tpu.memref_squeeze %dma_wait3A_246 : memref<1x125xi32, #tpu.memory_space<vmem>> -> memref<125xi32, #tpu.memory_space<vmem>>
              %dma_wait3A_248 = arith.constant 0 : i32
              %dma_wait3A_249 = arith.constant 0 : i32
              %dma_wait3A_250 = tpu.memref_slice %arg29[%dma_wait3A_248, %dma_wait3A_249] : memref<10000x16xf32, #tpu.memory_space<vmem_shared>> -> memref<10000x16xf32, #tpu.memory_space<vmem_shared>>
              tpu.wait_indirect_dma semaphore(%arg27 : memref<!tpu.dma_semaphore, #tpu.memory_space<semaphore_mem>>) src(%dma_wait3A_244 : memref<125x16xf32, #tpu.memory_space<vmem>>) dst(%dma_wait3A_250 : memref<10000x16xf32, #tpu.memory_space<vmem_shared>>)
              %dma_wait3A_251 = arith.constant 0 : i32
              %dma_wait3A_252 = arith.constant 0 : i32
              %dma_wait3A_253 = arith.constant 0 : i32
              %dma_wait3A_254 = tpu.memref_slice %arg17[%dma_wait3A_252, %dma_wait3A_253] : memref<250x16xf32, #tpu.memory_space<vmem>> -> memref<125x16xf32, #tpu.memory_space<vmem>>
              %dma_wait3A_255 = arith.constant 0 : i32
              %dma_wait3A_256 = tpu.memref_slice %arg19[%dma_wait3A_251, %dma_wait3A_255] : memref<80x125xi32, #tpu.memory_space<vmem>> -> memref<1x125xi32, #tpu.memory_space<vmem>>
              %dma_wait3A_257 = tpu.memref_squeeze %dma_wait3A_256 : memref<1x125xi32, #tpu.memory_space<vmem>> -> memref<125xi32, #tpu.memory_space<vmem>>
              %dma_wait3A_258 = arith.constant 0 : i32
              %dma_wait3A_259 = arith.constant 0 : i32
              %dma_wait3A_260 = tpu.memref_slice %arg29[%dma_wait3A_258, %dma_wait3A_259] : memref<10000x16xf32, #tpu.memory_space<vmem_shared>> -> memref<10000x16xf32, #tpu.memory_space<vmem_shared>>
              tpu.wait_indirect_dma semaphore(%arg27 : memref<!tpu.dma_semaphore, #tpu.memory_space<semaphore_mem>>) src(%dma_wait3A_254 : memref<125x16xf32, #tpu.memory_space<vmem>>) dst(%dma_wait3A_260 : memref<10000x16xf32, #tpu.memory_space<vmem_shared>>)
            } else {
            }
            %parallel_loop3A_209 = arith.constant 0 : i32
            %parallel_loop3A_210 = arith.constant 250 : i32
            %parallel_loop3A_211 = arith.constant 1 : i32
            scf.for %parallel_loop3A_241 = %parallel_loop3A_209 to %parallel_loop3A_210 step %parallel_loop3A_211  : i32 {
              %parallel_loop3A_242 = arith.index_cast %parallel_loop3A_241 : i32 to index
              %parallel_loop3A_243 = arith.constant 0 : index
              %parallel_loop3A_244 = tpu.vector_load %arg14[%parallel_loop3A_242, %parallel_loop3A_243] {strides = array<i32>} : memref<250x16xi32, #tpu.memory_space<vmem>>, vector<16xi32>,
              %parallel_loop3A_245 = arith.constant 14 : i32
              %parallel_loop3A_246 = vector.broadcast %parallel_loop3A_245 : i32 to vector<16xi32>
              %parallel_loop3A_247 = arith.shrui %parallel_loop3A_244, %parallel_loop3A_246 : vector<16xi32>
              %parallel_loop3A_248 = arith.constant 16383 : i32
              %parallel_loop3A_249 = vector.broadcast %parallel_loop3A_248 : i32 to vector<16xi32>
              %parallel_loop3A_250 = arith.andi %parallel_loop3A_244, %parallel_loop3A_249 : vector<16xi32>
              %parallel_loop3A_251 = arith.index_cast %parallel_loop3A_241 : i32 to index
              %parallel_loop3A_252 = arith.constant 0 : index
              %parallel_loop3A_253 = tpu.vector_load %arg16[%parallel_loop3A_251, %parallel_loop3A_252] {strides = array<i32>} : memref<250x16xf32, #tpu.memory_space<vmem>>, vector<16xf32>,
              %parallel_loop3A_254 = tpu.vector_load_idx %arg10[%parallel_loop3A_247] : memref<10000xf32, #tpu.memory_space<vmem>>[vector<16xi32>], vector<16xf32>,
              %parallel_loop3A_255 = arith.mulf %parallel_loop3A_254, %parallel_loop3A_253 : vector<16xf32>
              tpu.vector_store_idx %arg12[%parallel_loop3A_250], %parallel_loop3A_255 {add = true} : memref<10000xf32, #tpu.memory_space<vmem>>[vector<16xi32>], vector<16xf32>,
              %parallel_loop3A_256 = tpu.vector_load_idx %arg11[%parallel_loop3A_247] : memref<10000xf32, #tpu.memory_space<vmem>>[vector<16xi32>], vector<16xf32>,
              %parallel_loop3A_257 = tpu.vector_load_idx %arg10[%parallel_loop3A_250] : memref<10000xf32, #tpu.memory_space<vmem>>[vector<16xi32>], vector<16xf32>,
              %parallel_loop3A_258 = arith.mulf %parallel_loop3A_256, %parallel_loop3A_257 : vector<16xf32>
              %parallel_loop3A_259 = arith.index_cast %parallel_loop3A_241 : i32 to index
              %parallel_loop3A_260 = arith.constant 0 : index
              %parallel_loop3A_261 = tpu.vector_load %arg18[%parallel_loop3A_259, %parallel_loop3A_260] {strides = array<i32>} : memref<250x16xf32, #tpu.memory_space<vmem>>, vector<16xf32>,
              tpu.vector_store %arg18[%parallel_loop3A_259, %parallel_loop3A_260], %parallel_loop3A_258 {strides = array<i32>} : memref<250x16xf32, #tpu.memory_space<vmem>>, vector<16xf32>,
            } {sc.loop_unroll_factor = 25 : i64, sc.parallel_access}
            %add3A_212 = arith.constant 1 : i32
            %add3A_213 = arith.addi %add3A, %add3A_212 : i32
            %mul3A_214 = arith.constant 2 : i32
            %mul3A_215 = arith.muli %mul3A_214, %add3A_213 : i32
            %add3A_216 = arith.constant 0 : i32
            %add3A_217 = arith.addi %mul3A_215, %add3A_216 : i32
            %dma_start3A_218 = arith.constant 0 : i32
            %dma_start3A_219 = arith.constant 0 : i32
            %dma_start3A_220 = tpu.memref_slice %arg18[%dma_start3A_218, %dma_start3A_219] : memref<250x16xf32, #tpu.memory_space<vmem>> -> memref<125x16xf32, #tpu.memory_space<vmem>>
            %dma_start3A_221 = arith.constant 0 : i32
            %dma_start3A_222 = tpu.memref_slice %arg19[%add3A_217, %dma_start3A_221] : memref<80x125xi32, #tpu.memory_space<vmem>> -> memref<1x125xi32, #tpu.memory_space<vmem>>
            %dma_start3A_223 = tpu.memref_squeeze %dma_start3A_222 : memref<1x125xi32, #tpu.memory_space<vmem>> -> memref<125xi32, #tpu.memory_space<vmem>>
            %dma_start3A_224 = arith.constant 0 : i32
            %dma_start3A_225 = arith.constant 0 : i32
            %dma_start3A_226 = tpu.memref_slice %arg29[%dma_start3A_224, %dma_start3A_225] : memref<10000x16xf32, #tpu.memory_space<vmem_shared>> -> memref<10000x16xf32, #tpu.memory_space<vmem_shared>>
            tpu.enqueue_indirect_dma source(%dma_start3A_220 : memref<125x16xf32, #tpu.memory_space<vmem>>) target(%dma_start3A_226 : memref<10000x16xf32, #tpu.memory_space<vmem_shared>>) offsets(%dma_start3A_223 : memref<125xi32, #tpu.memory_space<vmem>>) semaphore(%arg27 : memref<!tpu.dma_semaphore, #tpu.memory_space<semaphore_mem>>) {add = true}
            %mul3A_227 = arith.constant 2 : i32
            %mul3A_228 = arith.muli %mul3A_227, %add3A_213 : i32
            %add3A_229 = arith.constant 1 : i32
            %add3A_230 = arith.addi %mul3A_228, %add3A_229 : i32
            %dma_start3A_231 = arith.constant 125 : i32
            %dma_start3A_232 = arith.constant 0 : i32
            %dma_start3A_233 = tpu.memref_slice %arg18[%dma_start3A_231, %dma_start3A_232] : memref<250x16xf32, #tpu.memory_space<vmem>> -> memref<125x16xf32, #tpu.memory_space<vmem>>
            %dma_start3A_234 = arith.constant 0 : i32
            %dma_start3A_235 = tpu.memref_slice %arg19[%add3A_230, %dma_start3A_234] : memref<80x125xi32, #tpu.memory_space<vmem>> -> memref<1x125xi32, #tpu.memory_space<vmem>>
            %dma_start3A_236 = tpu.memref_squeeze %dma_start3A_235 : memref<1x125xi32, #tpu.memory_space<vmem>> -> memref<125xi32, #tpu.memory_space<vmem>>
            %dma_start3A_237 = arith.constant 0 : i32
            %dma_start3A_238 = arith.constant 0 : i32
            %dma_start3A_239 = tpu.memref_slice %arg29[%dma_start3A_237, %dma_start3A_238] : memref<10000x16xf32, #tpu.memory_space<vmem_shared>> -> memref<10000x16xf32, #tpu.memory_space<vmem_shared>>
            tpu.enqueue_indirect_dma source(%dma_start3A_233 : memref<125x16xf32, #tpu.memory_space<vmem>>) target(%dma_start3A_239 : memref<10000x16xf32, #tpu.memory_space<vmem_shared>>) offsets(%dma_start3A_236 : memref<125xi32, #tpu.memory_space<vmem>>) semaphore(%arg27 : memref<!tpu.dma_semaphore, #tpu.memory_space<semaphore_mem>>) {add = true}
            %scan3A_240 = arith.constant 0 : i32
            scf.yield %scan3A_240 : i32
          }
          %scan3A_89 = arith.constant 10 : i32
          %dma_wait3A = arith.constant 0 : i32
          %dma_wait3A_90 = arith.constant 0 : i32
          %dma_wait3A_91 = arith.constant 0 : i32
          %dma_wait3A_92 = tpu.memref_slice %arg17[%dma_wait3A_90, %dma_wait3A_91] : memref<250x16xf32, #tpu.memory_space<vmem>> -> memref<125x16xf32, #tpu.memory_space<vmem>>
          %dma_wait3A_93 = arith.constant 0 : i32
          %dma_wait3A_94 = tpu.memref_slice %arg19[%dma_wait3A, %dma_wait3A_93] : memref<80x125xi32, #tpu.memory_space<vmem>> -> memref<1x125xi32, #tpu.memory_space<vmem>>
          %dma_wait3A_95 = tpu.memref_squeeze %dma_wait3A_94 : memref<1x125xi32, #tpu.memory_space<vmem>> -> memref<125xi32, #tpu.memory_space<vmem>>
          %dma_wait3A_96 = arith.constant 0 : i32
          %dma_wait3A_97 = arith.constant 0 : i32
          %dma_wait3A_98 = tpu.memref_slice %arg29[%dma_wait3A_96, %dma_wait3A_97] : memref<10000x16xf32, #tpu.memory_space<vmem_shared>> -> memref<10000x16xf32, #tpu.memory_space<vmem_shared>>
          tpu.wait_indirect_dma semaphore(%arg27 : memref<!tpu.dma_semaphore, #tpu.memory_space<semaphore_mem>>) src(%dma_wait3A_92 : memref<125x16xf32, #tpu.memory_space<vmem>>) dst(%dma_wait3A_98 : memref<10000x16xf32, #tpu.memory_space<vmem_shared>>)
          %dma_wait3A_99 = arith.constant 0 : i32
          %dma_wait3A_100 = arith.constant 0 : i32
          %dma_wait3A_101 = arith.constant 0 : i32
          %dma_wait3A_102 = tpu.memref_slice %arg17[%dma_wait3A_100, %dma_wait3A_101] : memref<250x16xf32, #tpu.memory_space<vmem>> -> memref<125x16xf32, #tpu.memory_space<vmem>>
          %dma_wait3A_103 = arith.constant 0 : i32
          %dma_wait3A_104 = tpu.memref_slice %arg19[%dma_wait3A_99, %dma_wait3A_103] : memref<80x125xi32, #tpu.memory_space<vmem>> -> memref<1x125xi32, #tpu.memory_space<vmem>>
          %dma_wait3A_105 = tpu.memref_squeeze %dma_wait3A_104 : memref<1x125xi32, #tpu.memory_space<vmem>> -> memref<125xi32, #tpu.memory_space<vmem>>
          %dma_wait3A_106 = arith.constant 0 : i32
          %dma_wait3A_107 = arith.constant 0 : i32
          %dma_wait3A_108 = tpu.memref_slice %arg29[%dma_wait3A_106, %dma_wait3A_107] : memref<10000x16xf32, #tpu.memory_space<vmem_shared>> -> memref<10000x16xf32, #tpu.memory_space<vmem_shared>>
          tpu.wait_indirect_dma semaphore(%arg27 : memref<!tpu.dma_semaphore, #tpu.memory_space<semaphore_mem>>) src(%dma_wait3A_102 : memref<125x16xf32, #tpu.memory_space<vmem>>) dst(%dma_wait3A_108 : memref<10000x16xf32, #tpu.memory_space<vmem_shared>>)
          %dma_wait3A_109 = arith.constant 0 : i32
          %dma_wait3A_110 = arith.constant 0 : i32
          %dma_wait3A_111 = arith.constant 0 : i32
          %dma_wait3A_112 = tpu.memref_slice %arg17[%dma_wait3A_110, %dma_wait3A_111] : memref<250x16xf32, #tpu.memory_space<vmem>> -> memref<125x16xf32, #tpu.memory_space<vmem>>
          %dma_wait3A_113 = arith.constant 0 : i32
          %dma_wait3A_114 = tpu.memref_slice %arg19[%dma_wait3A_109, %dma_wait3A_113] : memref<80x125xi32, #tpu.memory_space<vmem>> -> memref<1x125xi32, #tpu.memory_space<vmem>>
          %dma_wait3A_115 = tpu.memref_squeeze %dma_wait3A_114 : memref<1x125xi32, #tpu.memory_space<vmem>> -> memref<125xi32, #tpu.memory_space<vmem>>
          %dma_wait3A_116 = arith.constant 0 : i32
          %dma_wait3A_117 = arith.constant 0 : i32
          %dma_wait3A_118 = tpu.memref_slice %arg29[%dma_wait3A_116, %dma_wait3A_117] : memref<10000x16xf32, #tpu.memory_space<vmem_shared>> -> memref<10000x16xf32, #tpu.memory_space<vmem_shared>>
          tpu.wait_indirect_dma semaphore(%arg27 : memref<!tpu.dma_semaphore, #tpu.memory_space<semaphore_mem>>) src(%dma_wait3A_112 : memref<125x16xf32, #tpu.memory_space<vmem>>) dst(%dma_wait3A_118 : memref<10000x16xf32, #tpu.memory_space<vmem_shared>>)
          %dma_wait3A_119 = arith.constant 0 : i32
          %dma_wait3A_120 = arith.constant 0 : i32
          %dma_wait3A_121 = arith.constant 0 : i32
          %dma_wait3A_122 = tpu.memref_slice %arg17[%dma_wait3A_120, %dma_wait3A_121] : memref<250x16xf32, #tpu.memory_space<vmem>> -> memref<125x16xf32, #tpu.memory_space<vmem>>
          %dma_wait3A_123 = arith.constant 0 : i32
          %dma_wait3A_124 = tpu.memref_slice %arg19[%dma_wait3A_119, %dma_wait3A_123] : memref<80x125xi32, #tpu.memory_space<vmem>> -> memref<1x125xi32, #tpu.memory_space<vmem>>
          %dma_wait3A_125 = tpu.memref_squeeze %dma_wait3A_124 : memref<1x125xi32, #tpu.memory_space<vmem>> -> memref<125xi32, #tpu.memory_space<vmem>>
          %dma_wait3A_126 = arith.constant 0 : i32
          %dma_wait3A_127 = arith.constant 0 : i32
          %dma_wait3A_128 = tpu.memref_slice %arg29[%dma_wait3A_126, %dma_wait3A_127] : memref<10000x16xf32, #tpu.memory_space<vmem_shared>> -> memref<10000x16xf32, #tpu.memory_space<vmem_shared>>
          tpu.wait_indirect_dma semaphore(%arg27 : memref<!tpu.dma_semaphore, #tpu.memory_space<semaphore_mem>>) src(%dma_wait3A_122 : memref<125x16xf32, #tpu.memory_space<vmem>>) dst(%dma_wait3A_128 : memref<10000x16xf32, #tpu.memory_space<vmem_shared>>)
        } else {
        }
        %convert_element_type3A_34 = arith.extui %eq3A_0 : i1 to i32
        %cond3A_35 = arith.constant 0 : i32
        %cond3A_36 = arith.cmpi ne, %convert_element_type3A_34, %cond3A_35 : i32
        scf.if %cond3A_36 {
          "tpu.region"() ({
            %run_scoped3A = tpu.sem_alloc : memref<!tpu.dma_semaphore, #tpu.memory_space<semaphore_mem>>
            %dma_start3A = arith.constant 0 : i32
            %dma_start3A_71 = tpu.memref_slice %arg28[%shift_right_logical3A_2, %and3A_1, %dma_start3A] : memref<2x8x10000xf32, #tpu.memory_space<vmem_shared>> -> memref<1x1x10000xf32, #tpu.memory_space<vmem_shared>>
            %dma_start3A_72 = tpu.memref_squeeze %dma_start3A_71 : memref<1x1x10000xf32, #tpu.memory_space<vmem_shared>> -> memref<10000xf32, #tpu.memory_space<vmem_shared>>
            %dma_start3A_73 = arith.constant 0 : i32
            %dma_start3A_74 = tpu.memref_slice %arg28[%shift_right_logical3A_2, %and3A_1, %dma_start3A_73] : memref<2x8x10000xf32, #tpu.memory_space<vmem_shared>> -> memref<1x1x10000xf32, #tpu.memory_space<vmem_shared>>
            %dma_start3A_75 = tpu.memref_squeeze %dma_start3A_74 : memref<1x1x10000xf32, #tpu.memory_space<vmem_shared>> -> memref<10000xf32, #tpu.memory_space<vmem_shared>>
            tpu.enqueue_dma source(%arg12 : memref<10000xf32, #tpu.memory_space<vmem>>) target(%dma_start3A_75 : memref<10000xf32, #tpu.memory_space<vmem_shared>>) target_semaphore(%run_scoped3A : memref<!tpu.dma_semaphore, #tpu.memory_space<semaphore_mem>>)
            %dma_wait3A = arith.constant 0 : i32
            %dma_wait3A_76 = tpu.memref_slice %arg28[%shift_right_logical3A_2, %and3A_1, %dma_wait3A] : memref<2x8x10000xf32, #tpu.memory_space<vmem_shared>> -> memref<1x1x10000xf32, #tpu.memory_space<vmem_shared>>
            %dma_wait3A_77 = tpu.memref_squeeze %dma_wait3A_76 : memref<1x1x10000xf32, #tpu.memory_space<vmem_shared>> -> memref<10000xf32, #tpu.memory_space<vmem_shared>>
            %dma_wait3A_78 = arith.constant 0 : i32
            %dma_wait3A_79 = tpu.memref_slice %arg28[%shift_right_logical3A_2, %and3A_1, %dma_wait3A_78] : memref<2x8x10000xf32, #tpu.memory_space<vmem_shared>> -> memref<1x1x10000xf32, #tpu.memory_space<vmem_shared>>
            %dma_wait3A_80 = tpu.memref_squeeze %dma_wait3A_79 : memref<1x1x10000xf32, #tpu.memory_space<vmem_shared>> -> memref<10000xf32, #tpu.memory_space<vmem_shared>>
            tpu.wait_dma2 semaphore(%run_scoped3A : memref<!tpu.dma_semaphore, #tpu.memory_space<semaphore_mem>>) src(%arg12 : memref<10000xf32, #tpu.memory_space<vmem>>) dst(%dma_wait3A_80 : memref<10000xf32, #tpu.memory_space<vmem_shared>>)
            tpu.yield
          }) : () -> ()
        } else {
        }
        %barrier3A_37 = arith.constant 0 : index
        tpu.barrier barrier_id(%barrier3A_37)
        %convert_element_type3A_38 = arith.extui %eq3A_0 : i1 to i32
        %cond3A_39 = arith.constant 0 : i32
        %cond3A_40 = arith.cmpi ne, %convert_element_type3A_38, %cond3A_39 : i32
        scf.if %cond3A_40 {
          %sub3A = arith.constant 1 : i32
          %sub3A_71 = arith.subi %sub3A, %shift_right_logical3A_2 : i32
          "tpu.region"() ({
            %run_scoped3A = tpu.sem_alloc : memref<!tpu.dma_semaphore, #tpu.memory_space<semaphore_mem>>
            %dma_start3A = arith.constant 0 : i32
            %dma_start3A_74 = tpu.memref_slice %arg28[%sub3A_71, %and3A_1, %dma_start3A] : memref<2x8x10000xf32, #tpu.memory_space<vmem_shared>> -> memref<1x1x10000xf32, #tpu.memory_space<vmem_shared>>
            %dma_start3A_75 = tpu.memref_squeeze %dma_start3A_74 : memref<1x1x10000xf32, #tpu.memory_space<vmem_shared>> -> memref<10000xf32, #tpu.memory_space<vmem_shared>>
            %dma_start3A_76 = arith.constant 0 : i32
            %dma_start3A_77 = tpu.memref_slice %arg28[%sub3A_71, %and3A_1, %dma_start3A_76] : memref<2x8x10000xf32, #tpu.memory_space<vmem_shared>> -> memref<1x1x10000xf32, #tpu.memory_space<vmem_shared>>
            %dma_start3A_78 = tpu.memref_squeeze %dma_start3A_77 : memref<1x1x10000xf32, #tpu.memory_space<vmem_shared>> -> memref<10000xf32, #tpu.memory_space<vmem_shared>>
            tpu.enqueue_dma source(%dma_start3A_78 : memref<10000xf32, #tpu.memory_space<vmem_shared>>) target(%arg20 : memref<10000xf32, #tpu.memory_space<vmem>>) target_semaphore(%run_scoped3A : memref<!tpu.dma_semaphore, #tpu.memory_space<semaphore_mem>>)
            %dma_wait3A = arith.constant 0 : i32
            %dma_wait3A_79 = tpu.memref_slice %arg28[%sub3A_71, %and3A_1, %dma_wait3A] : memref<2x8x10000xf32, #tpu.memory_space<vmem_shared>> -> memref<1x1x10000xf32, #tpu.memory_space<vmem_shared>>
            %dma_wait3A_80 = tpu.memref_squeeze %dma_wait3A_79 : memref<1x1x10000xf32, #tpu.memory_space<vmem_shared>> -> memref<10000xf32, #tpu.memory_space<vmem_shared>>
            %dma_wait3A_81 = arith.constant 0 : i32
            %dma_wait3A_82 = tpu.memref_slice %arg28[%sub3A_71, %and3A_1, %dma_wait3A_81] : memref<2x8x10000xf32, #tpu.memory_space<vmem_shared>> -> memref<1x1x10000xf32, #tpu.memory_space<vmem_shared>>
            %dma_wait3A_83 = tpu.memref_squeeze %dma_wait3A_82 : memref<1x1x10000xf32, #tpu.memory_space<vmem_shared>> -> memref<10000xf32, #tpu.memory_space<vmem_shared>>
            tpu.wait_dma2 semaphore(%run_scoped3A : memref<!tpu.dma_semaphore, #tpu.memory_space<semaphore_mem>>) src(%dma_wait3A_83 : memref<10000xf32, #tpu.memory_space<vmem_shared>>) dst(%arg20 : memref<10000xf32, #tpu.memory_space<vmem>>)
            tpu.yield
          }) : () -> ()
          %parallel_loop3A = arith.constant 0 : i32
          %parallel_loop3A_72 = arith.constant 625 : i32
          %parallel_loop3A_73 = arith.constant 1 : i32
          scf.for %parallel_loop3A_74 = %parallel_loop3A to %parallel_loop3A_72 step %parallel_loop3A_73  : i32 {
            %parallel_loop3A_75 = arith.constant 16 : i32
            %parallel_loop3A_76 = arith.muli %parallel_loop3A_74, %parallel_loop3A_75 : i32
            %parallel_loop3A_77 = arith.index_cast %parallel_loop3A_76 : i32 to index
            %parallel_loop3A_78 = tpu.vector_load %arg12[%parallel_loop3A_77] {strides = array<i32>} : memref<10000xf32, #tpu.memory_space<vmem>>, vector<16xf32>,
            %parallel_loop3A_79 = arith.constant 16 : i32
            %parallel_loop3A_80 = arith.muli %parallel_loop3A_74, %parallel_loop3A_79 : i32
            %parallel_loop3A_81 = arith.index_cast %parallel_loop3A_80 : i32 to index
            %parallel_loop3A_82 = tpu.vector_load %arg20[%parallel_loop3A_81] {strides = array<i32>} : memref<10000xf32, #tpu.memory_space<vmem>>, vector<16xf32>,
            %parallel_loop3A_83 = arith.addf %parallel_loop3A_78, %parallel_loop3A_82 : vector<16xf32>
            %parallel_loop3A_84 = arith.constant 16 : i32
            %parallel_loop3A_85 = arith.muli %parallel_loop3A_74, %parallel_loop3A_84 : i32
            %parallel_loop3A_86 = arith.index_cast %parallel_loop3A_85 : i32 to index
            %parallel_loop3A_87 = tpu.vector_load %arg12[%parallel_loop3A_86] {strides = array<i32>} : memref<10000xf32, #tpu.memory_space<vmem>>, vector<16xf32>,
            tpu.vector_store %arg12[%parallel_loop3A_86], %parallel_loop3A_83 {strides = array<i32>} : memref<10000xf32, #tpu.memory_space<vmem>>, vector<16xf32>,
          } {sc.loop_unroll_factor = 5 : i64, sc.parallel_access}
        } else {
        }
        %barrier3A_41 = arith.constant 0 : index
        tpu.barrier barrier_id(%barrier3A_41)
        %convert_element_type3A_42 = arith.extui %eq3A_0 : i1 to i32
        %cond3A_43 = arith.constant 0 : i32
        %cond3A_44 = arith.cmpi ne, %convert_element_type3A_42, %cond3A_43 : i32
        scf.if %cond3A_44 {
          %mul3A = arith.constant 625 : i32
          %mul3A_71 = arith.muli %arg1, %mul3A : i32
          "tpu.region"() ({
            %run_scoped3A = tpu.sem_alloc : memref<!tpu.dma_semaphore, #tpu.memory_space<semaphore_mem>>
            %dma_start3A = arith.constant 0 : i32
            %dma_start3A_83 = tpu.memref_slice %arg29[%mul3A_71, %dma_start3A] : memref<10000x16xf32, #tpu.memory_space<vmem_shared>> -> memref<625x16xf32, #tpu.memory_space<vmem_shared>>
            %dma_start3A_84 = arith.constant 0 : i32
            %dma_start3A_85 = tpu.memref_slice %arg29[%mul3A_71, %dma_start3A_84] : memref<10000x16xf32, #tpu.memory_space<vmem_shared>> -> memref<625x16xf32, #tpu.memory_space<vmem_shared>>
            tpu.enqueue_dma source(%dma_start3A_85 : memref<625x16xf32, #tpu.memory_space<vmem_shared>>) target(%arg21 : memref<625x16xf32, #tpu.memory_space<vmem>>) target_semaphore(%run_scoped3A : memref<!tpu.dma_semaphore, #tpu.memory_space<semaphore_mem>>)
            %dma_wait3A = arith.constant 0 : i32
            %dma_wait3A_86 = tpu.memref_slice %arg29[%mul3A_71, %dma_wait3A] : memref<10000x16xf32, #tpu.memory_space<vmem_shared>> -> memref<625x16xf32, #tpu.memory_space<vmem_shared>>
            %dma_wait3A_87 = arith.constant 0 : i32
            %dma_wait3A_88 = tpu.memref_slice %arg29[%mul3A_71, %dma_wait3A_87] : memref<10000x16xf32, #tpu.memory_space<vmem_shared>> -> memref<625x16xf32, #tpu.memory_space<vmem_shared>>
            tpu.wait_dma2 semaphore(%run_scoped3A : memref<!tpu.dma_semaphore, #tpu.memory_space<semaphore_mem>>) src(%dma_wait3A_88 : memref<625x16xf32, #tpu.memory_space<vmem_shared>>) dst(%arg21 : memref<625x16xf32, #tpu.memory_space<vmem>>)
            tpu.yield
          }) : () -> ()
          %parallel_loop3A = arith.constant 0 : i32
          %parallel_loop3A_72 = arith.constant 625 : i32
          %parallel_loop3A_73 = arith.constant 1 : i32
          scf.for %parallel_loop3A_83 = %parallel_loop3A to %parallel_loop3A_72 step %parallel_loop3A_73  : i32 {
            %parallel_loop3A_84 = arith.index_cast %parallel_loop3A_83 : i32 to index
            %parallel_loop3A_85 = arith.constant 0 : index
            %parallel_loop3A_86 = tpu.vector_load %arg22[%parallel_loop3A_84, %parallel_loop3A_85] {strides = array<i32>} : memref<625x16xf32, #tpu.memory_space<vmem>>, vector<16xf32>,
            %parallel_loop3A_87 = arith.constant 9.900000e-01 : f32
            %parallel_loop3A_88 = vector.broadcast %parallel_loop3A_87 : f32 to vector<16xf32>
            %parallel_loop3A_89 = arith.mulf %parallel_loop3A_86, %parallel_loop3A_88 : vector<16xf32>
            %parallel_loop3A_90 = arith.index_cast %parallel_loop3A_83 : i32 to index
            %parallel_loop3A_91 = arith.constant 0 : index
            %parallel_loop3A_92 = tpu.vector_load %arg21[%parallel_loop3A_90, %parallel_loop3A_91] {strides = array<i32>} : memref<625x16xf32, #tpu.memory_space<vmem>>, vector<16xf32>,
            %parallel_loop3A_93 = arith.index_cast %parallel_loop3A_83 : i32 to index
            %parallel_loop3A_94 = arith.constant 0 : index
            %parallel_loop3A_95 = tpu.vector_load %arg23[%parallel_loop3A_93, %parallel_loop3A_94] {strides = array<i32>} : memref<625x16xf32, #tpu.memory_space<vmem>>, vector<16xf32>,
            %parallel_loop3A_96 = arith.mulf %parallel_loop3A_92, %parallel_loop3A_95 : vector<16xf32>
            %parallel_loop3A_97 = arith.addf %parallel_loop3A_89, %parallel_loop3A_96 : vector<16xf32>
            %parallel_loop3A_98 = arith.index_cast %parallel_loop3A_83 : i32 to index
            %parallel_loop3A_99 = arith.constant 0 : index
            %parallel_loop3A_100 = tpu.vector_load %arg22[%parallel_loop3A_98, %parallel_loop3A_99] {strides = array<i32>} : memref<625x16xf32, #tpu.memory_space<vmem>>, vector<16xf32>,
            tpu.vector_store %arg22[%parallel_loop3A_98, %parallel_loop3A_99], %parallel_loop3A_97 {strides = array<i32>} : memref<625x16xf32, #tpu.memory_space<vmem>>, vector<16xf32>,
          } {sc.loop_unroll_factor = 5 : i64, sc.parallel_access}
          "tpu.region"() ({
            %run_scoped3A = tpu.sem_alloc : memref<!tpu.dma_semaphore, #tpu.memory_space<semaphore_mem>>
            %dma_start3A = arith.constant 0 : i32
            %dma_start3A_83 = tpu.memref_slice %arg9[%mul3A_71, %dma_start3A] : memref<10000x16xf32, #tpu.memory_space<hbm>> -> memref<625x16xf32, #tpu.memory_space<hbm>>
            %dma_start3A_84 = arith.constant 0 : i32
            %dma_start3A_85 = tpu.memref_slice %arg9[%mul3A_71, %dma_start3A_84] : memref<10000x16xf32, #tpu.memory_space<hbm>> -> memref<625x16xf32, #tpu.memory_space<hbm>>
            tpu.enqueue_dma source(%arg22 : memref<625x16xf32, #tpu.memory_space<vmem>>) target(%dma_start3A_85 : memref<625x16xf32, #tpu.memory_space<hbm>>) target_semaphore(%run_scoped3A : memref<!tpu.dma_semaphore, #tpu.memory_space<semaphore_mem>>)
            %dma_wait3A = arith.constant 0 : i32
            %dma_wait3A_86 = tpu.memref_slice %arg9[%mul3A_71, %dma_wait3A] : memref<10000x16xf32, #tpu.memory_space<hbm>> -> memref<625x16xf32, #tpu.memory_space<hbm>>
            %dma_wait3A_87 = arith.constant 0 : i32
            %dma_wait3A_88 = tpu.memref_slice %arg9[%mul3A_71, %dma_wait3A_87] : memref<10000x16xf32, #tpu.memory_space<hbm>> -> memref<625x16xf32, #tpu.memory_space<hbm>>
            tpu.wait_dma2 semaphore(%run_scoped3A : memref<!tpu.dma_semaphore, #tpu.memory_space<semaphore_mem>>) src(%arg22 : memref<625x16xf32, #tpu.memory_space<vmem>>) dst(%dma_wait3A_88 : memref<625x16xf32, #tpu.memory_space<hbm>>)
            tpu.yield
          }) : () -> ()
          %add3A = arith.constant 0 : i32
          %add3A_74 = arith.addi %mul3A_71, %add3A : i32
          "tpu.region"() ({
            %run_scoped3A = tpu.sem_alloc : memref<!tpu.dma_semaphore, #tpu.memory_space<semaphore_mem>>
            %dma_start3A = arith.constant 0 : i32
            %dma_start3A_83 = tpu.memref_slice %arg29[%add3A_74, %dma_start3A] : memref<10000x16xf32, #tpu.memory_space<vmem_shared>> -> memref<125x16xf32, #tpu.memory_space<vmem_shared>>
            %dma_start3A_84 = arith.constant 0 : i32
            %dma_start3A_85 = tpu.memref_slice %arg29[%add3A_74, %dma_start3A_84] : memref<10000x16xf32, #tpu.memory_space<vmem_shared>> -> memref<125x16xf32, #tpu.memory_space<vmem_shared>>
            tpu.enqueue_dma source(%arg24 : memref<125x16xf32, #tpu.memory_space<vmem>>) target(%dma_start3A_85 : memref<125x16xf32, #tpu.memory_space<vmem_shared>>) target_semaphore(%run_scoped3A : memref<!tpu.dma_semaphore, #tpu.memory_space<semaphore_mem>>)
            %dma_wait3A = arith.constant 0 : i32
            %dma_wait3A_86 = tpu.memref_slice %arg29[%add3A_74, %dma_wait3A] : memref<10000x16xf32, #tpu.memory_space<vmem_shared>> -> memref<125x16xf32, #tpu.memory_space<vmem_shared>>
            %dma_wait3A_87 = arith.constant 0 : i32
            %dma_wait3A_88 = tpu.memref_slice %arg29[%add3A_74, %dma_wait3A_87] : memref<10000x16xf32, #tpu.memory_space<vmem_shared>> -> memref<125x16xf32, #tpu.memory_space<vmem_shared>>
            tpu.wait_dma2 semaphore(%run_scoped3A : memref<!tpu.dma_semaphore, #tpu.memory_space<semaphore_mem>>) src(%arg24 : memref<125x16xf32, #tpu.memory_space<vmem>>) dst(%dma_wait3A_88 : memref<125x16xf32, #tpu.memory_space<vmem_shared>>)
            tpu.yield
          }) : () -> ()
          %add3A_75 = arith.constant 125 : i32
          %add3A_76 = arith.addi %mul3A_71, %add3A_75 : i32
          "tpu.region"() ({
            %run_scoped3A = tpu.sem_alloc : memref<!tpu.dma_semaphore, #tpu.memory_space<semaphore_mem>>
            %dma_start3A = arith.constant 0 : i32
            %dma_start3A_83 = tpu.memref_slice %arg29[%add3A_76, %dma_start3A] : memref<10000x16xf32, #tpu.memory_space<vmem_shared>> -> memref<125x16xf32, #tpu.memory_space<vmem_shared>>
            %dma_start3A_84 = arith.constant 0 : i32
            %dma_start3A_85 = tpu.memref_slice %arg29[%add3A_76, %dma_start3A_84] : memref<10000x16xf32, #tpu.memory_space<vmem_shared>> -> memref<125x16xf32, #tpu.memory_space<vmem_shared>>
            tpu.enqueue_dma source(%arg24 : memref<125x16xf32, #tpu.memory_space<vmem>>) target(%dma_start3A_85 : memref<125x16xf32, #tpu.memory_space<vmem_shared>>) target_semaphore(%run_scoped3A : memref<!tpu.dma_semaphore, #tpu.memory_space<semaphore_mem>>)
            %dma_wait3A = arith.constant 0 : i32
            %dma_wait3A_86 = tpu.memref_slice %arg29[%add3A_76, %dma_wait3A] : memref<10000x16xf32, #tpu.memory_space<vmem_shared>> -> memref<125x16xf32, #tpu.memory_space<vmem_shared>>
            %dma_wait3A_87 = arith.constant 0 : i32
            %dma_wait3A_88 = tpu.memref_slice %arg29[%add3A_76, %dma_wait3A_87] : memref<10000x16xf32, #tpu.memory_space<vmem_shared>> -> memref<125x16xf32, #tpu.memory_space<vmem_shared>>
            tpu.wait_dma2 semaphore(%run_scoped3A : memref<!tpu.dma_semaphore, #tpu.memory_space<semaphore_mem>>) src(%arg24 : memref<125x16xf32, #tpu.memory_space<vmem>>) dst(%dma_wait3A_88 : memref<125x16xf32, #tpu.memory_space<vmem_shared>>)
            tpu.yield
          }) : () -> ()
          %add3A_77 = arith.constant 250 : i32
          %add3A_78 = arith.addi %mul3A_71, %add3A_77 : i32
          "tpu.region"() ({
            %run_scoped3A = tpu.sem_alloc : memref<!tpu.dma_semaphore, #tpu.memory_space<semaphore_mem>>
            %dma_start3A = arith.constant 0 : i32
            %dma_start3A_83 = tpu.memref_slice %arg29[%add3A_78, %dma_start3A] : memref<10000x16xf32, #tpu.memory_space<vmem_shared>> -> memref<125x16xf32, #tpu.memory_space<vmem_shared>>
            %dma_start3A_84 = arith.constant 0 : i32
            %dma_start3A_85 = tpu.memref_slice %arg29[%add3A_78, %dma_start3A_84] : memref<10000x16xf32, #tpu.memory_space<vmem_shared>> -> memref<125x16xf32, #tpu.memory_space<vmem_shared>>
            tpu.enqueue_dma source(%arg24 : memref<125x16xf32, #tpu.memory_space<vmem>>) target(%dma_start3A_85 : memref<125x16xf32, #tpu.memory_space<vmem_shared>>) target_semaphore(%run_scoped3A : memref<!tpu.dma_semaphore, #tpu.memory_space<semaphore_mem>>)
            %dma_wait3A = arith.constant 0 : i32
            %dma_wait3A_86 = tpu.memref_slice %arg29[%add3A_78, %dma_wait3A] : memref<10000x16xf32, #tpu.memory_space<vmem_shared>> -> memref<125x16xf32, #tpu.memory_space<vmem_shared>>
            %dma_wait3A_87 = arith.constant 0 : i32
            %dma_wait3A_88 = tpu.memref_slice %arg29[%add3A_78, %dma_wait3A_87] : memref<10000x16xf32, #tpu.memory_space<vmem_shared>> -> memref<125x16xf32, #tpu.memory_space<vmem_shared>>
            tpu.wait_dma2 semaphore(%run_scoped3A : memref<!tpu.dma_semaphore, #tpu.memory_space<semaphore_mem>>) src(%arg24 : memref<125x16xf32, #tpu.memory_space<vmem>>) dst(%dma_wait3A_88 : memref<125x16xf32, #tpu.memory_space<vmem_shared>>)
            tpu.yield
          }) : () -> ()
          %add3A_79 = arith.constant 375 : i32
          %add3A_80 = arith.addi %mul3A_71, %add3A_79 : i32
          "tpu.region"() ({
            %run_scoped3A = tpu.sem_alloc : memref<!tpu.dma_semaphore, #tpu.memory_space<semaphore_mem>>
            %dma_start3A = arith.constant 0 : i32
            %dma_start3A_83 = tpu.memref_slice %arg29[%add3A_80, %dma_start3A] : memref<10000x16xf32, #tpu.memory_space<vmem_shared>> -> memref<125x16xf32, #tpu.memory_space<vmem_shared>>
            %dma_start3A_84 = arith.constant 0 : i32
            %dma_start3A_85 = tpu.memref_slice %arg29[%add3A_80, %dma_start3A_84] : memref<10000x16xf32, #tpu.memory_space<vmem_shared>> -> memref<125x16xf32, #tpu.memory_space<vmem_shared>>
            tpu.enqueue_dma source(%arg24 : memref<125x16xf32, #tpu.memory_space<vmem>>) target(%dma_start3A_85 : memref<125x16xf32, #tpu.memory_space<vmem_shared>>) target_semaphore(%run_scoped3A : memref<!tpu.dma_semaphore, #tpu.memory_space<semaphore_mem>>)
            %dma_wait3A = arith.constant 0 : i32
            %dma_wait3A_86 = tpu.memref_slice %arg29[%add3A_80, %dma_wait3A] : memref<10000x16xf32, #tpu.memory_space<vmem_shared>> -> memref<125x16xf32, #tpu.memory_space<vmem_shared>>
            %dma_wait3A_87 = arith.constant 0 : i32
            %dma_wait3A_88 = tpu.memref_slice %arg29[%add3A_80, %dma_wait3A_87] : memref<10000x16xf32, #tpu.memory_space<vmem_shared>> -> memref<125x16xf32, #tpu.memory_space<vmem_shared>>
            tpu.wait_dma2 semaphore(%run_scoped3A : memref<!tpu.dma_semaphore, #tpu.memory_space<semaphore_mem>>) src(%arg24 : memref<125x16xf32, #tpu.memory_space<vmem>>) dst(%dma_wait3A_88 : memref<125x16xf32, #tpu.memory_space<vmem_shared>>)
            tpu.yield
          }) : () -> ()
          %add3A_81 = arith.constant 500 : i32
          %add3A_82 = arith.addi %mul3A_71, %add3A_81 : i32
          "tpu.region"() ({
            %run_scoped3A = tpu.sem_alloc : memref<!tpu.dma_semaphore, #tpu.memory_space<semaphore_mem>>
            %dma_start3A = arith.constant 0 : i32
            %dma_start3A_83 = tpu.memref_slice %arg29[%add3A_82, %dma_start3A] : memref<10000x16xf32, #tpu.memory_space<vmem_shared>> -> memref<125x16xf32, #tpu.memory_space<vmem_shared>>
            %dma_start3A_84 = arith.constant 0 : i32
            %dma_start3A_85 = tpu.memref_slice %arg29[%add3A_82, %dma_start3A_84] : memref<10000x16xf32, #tpu.memory_space<vmem_shared>> -> memref<125x16xf32, #tpu.memory_space<vmem_shared>>
            tpu.enqueue_dma source(%arg24 : memref<125x16xf32, #tpu.memory_space<vmem>>) target(%dma_start3A_85 : memref<125x16xf32, #tpu.memory_space<vmem_shared>>) target_semaphore(%run_scoped3A : memref<!tpu.dma_semaphore, #tpu.memory_space<semaphore_mem>>)
            %dma_wait3A = arith.constant 0 : i32
            %dma_wait3A_86 = tpu.memref_slice %arg29[%add3A_82, %dma_wait3A] : memref<10000x16xf32, #tpu.memory_space<vmem_shared>> -> memref<125x16xf32, #tpu.memory_space<vmem_shared>>
            %dma_wait3A_87 = arith.constant 0 : i32
            %dma_wait3A_88 = tpu.memref_slice %arg29[%add3A_82, %dma_wait3A_87] : memref<10000x16xf32, #tpu.memory_space<vmem_shared>> -> memref<125x16xf32, #tpu.memory_space<vmem_shared>>
            tpu.wait_dma2 semaphore(%run_scoped3A : memref<!tpu.dma_semaphore, #tpu.memory_space<semaphore_mem>>) src(%arg24 : memref<125x16xf32, #tpu.memory_space<vmem>>) dst(%dma_wait3A_88 : memref<125x16xf32, #tpu.memory_space<vmem_shared>>)
            tpu.yield
          }) : () -> ()
        } else {
        }
        %convert_element_type3A_45 = arith.extui %eq3A_0 : i1 to i32
        %cond3A_46 = arith.constant 0 : i32
        %cond3A_47 = arith.cmpi ne, %convert_element_type3A_45, %cond3A_46 : i32
        scf.if %cond3A_47 {
          %parallel_loop3A = arith.constant 0 : i32
          %parallel_loop3A_71 = arith.constant 625 : i32
          %parallel_loop3A_72 = arith.constant 1 : i32
          scf.for %parallel_loop3A_90 = %parallel_loop3A to %parallel_loop3A_71 step %parallel_loop3A_72  : i32 {
            %parallel_loop3A_91 = arith.constant 0.000000e+00 : f32
            %parallel_loop3A_92 = vector.broadcast %parallel_loop3A_91 : f32 to vector<16xf32>
            %parallel_loop3A_93 = arith.constant 16 : i32
            %parallel_loop3A_94 = arith.muli %parallel_loop3A_90, %parallel_loop3A_93 : i32
            %parallel_loop3A_95 = arith.index_cast %parallel_loop3A_94 : i32 to index
            %parallel_loop3A_96 = tpu.vector_load %arg11[%parallel_loop3A_95] {strides = array<i32>} : memref<10000xf32, #tpu.memory_space<vmem>>, vector<16xf32>,
            tpu.vector_store %arg11[%parallel_loop3A_95], %parallel_loop3A_92 {strides = array<i32>} : memref<10000xf32, #tpu.memory_space<vmem>>, vector<16xf32>,
          } {sc.loop_unroll_factor = 5 : i64, sc.parallel_access}
          %mul3A = arith.constant 20 : i32
          %mul3A_73 = arith.muli %shift_right_logical3A_2, %mul3A : i32
          %mul3A_74 = arith.constant 250 : i32
          %mul3A_75 = arith.muli %mul3A_73, %mul3A_74 : i32
          %dma_start3A = arith.constant 0 : i32
          %dma_start3A_76 = tpu.memref_slice %arg2[%mul3A_75, %dma_start3A] : memref<10000x16xi32, #tpu.memory_space<hbm>> -> memref<250x16xi32, #tpu.memory_space<hbm>>
          %dma_start3A_77 = arith.constant 0 : i32
          %dma_start3A_78 = tpu.memref_slice %arg2[%mul3A_75, %dma_start3A_77] : memref<10000x16xi32, #tpu.memory_space<hbm>> -> memref<250x16xi32, #tpu.memory_space<hbm>>
          tpu.enqueue_dma source(%dma_start3A_78 : memref<250x16xi32, #tpu.memory_space<hbm>>) target(%arg13 : memref<250x16xi32, #tpu.memory_space<vmem>>) target_semaphore(%arg25 : memref<!tpu.dma_semaphore, #tpu.memory_space<semaphore_mem>>)
          %dma_start3A_79 = arith.constant 0 : i32
          %dma_start3A_80 = tpu.memref_slice %arg3[%mul3A_75, %dma_start3A_79] : memref<10000x16xf32, #tpu.memory_space<hbm>> -> memref<250x16xf32, #tpu.memory_space<hbm>>
          %dma_start3A_81 = arith.constant 0 : i32
          %dma_start3A_82 = tpu.memref_slice %arg3[%mul3A_75, %dma_start3A_81] : memref<10000x16xf32, #tpu.memory_space<hbm>> -> memref<250x16xf32, #tpu.memory_space<hbm>>
          tpu.enqueue_dma source(%dma_start3A_82 : memref<250x16xf32, #tpu.memory_space<hbm>>) target(%arg15 : memref<250x16xf32, #tpu.memory_space<vmem>>) target_semaphore(%arg25 : memref<!tpu.dma_semaphore, #tpu.memory_space<semaphore_mem>>)
          %scan3A_83 = arith.constant 0 : i32
          %scan3A_84 = arith.constant 0 : i32
          %scan3A_85 = arith.constant 10 : i32
          %scan3A_86 = arith.addi %scan3A_84, %scan3A_85 : i32
          %scan3A_87 = arith.constant 1 : i32
          %scan3A_88 = scf.for %scan3A_90 = %scan3A_84 to %scan3A_86 step %scan3A_87 iter_args(%scan3A_91 = %scan3A_83) -> (i32)  : i32 {
            %mul3A_92 = arith.constant 2 : i32
            %mul3A_93 = arith.muli %mul3A_92, %scan3A_90 : i32
            %add3A = arith.addi %mul3A_73, %mul3A_93 : i32
            %add3A_94 = arith.constant 1 : i32
            %add3A_95 = arith.addi %add3A, %add3A_94 : i32
            %mul3A_96 = arith.constant 250 : i32
            %mul3A_97 = arith.muli %add3A_95, %mul3A_96 : i32
            %dma_start3A_98 = arith.constant 0 : i32
            %dma_start3A_99 = tpu.memref_slice %arg2[%mul3A_97, %dma_start3A_98] : memref<10000x16xi32, #tpu.memory_space<hbm>> -> memref<250x16xi32, #tpu.memory_space<hbm>>
            %dma_start3A_100 = arith.constant 0 : i32
            %dma_start3A_101 = tpu.memref_slice %arg2[%mul3A_97, %dma_start3A_100] : memref<10000x16xi32, #tpu.memory_space<hbm>> -> memref<250x16xi32, #tpu.memory_space<hbm>>
            tpu.enqueue_dma source(%dma_start3A_101 : memref<250x16xi32, #tpu.memory_space<hbm>>) target(%arg14 : memref<250x16xi32, #tpu.memory_space<vmem>>) target_semaphore(%arg26 : memref<!tpu.dma_semaphore, #tpu.memory_space<semaphore_mem>>)
            %dma_start3A_102 = arith.constant 0 : i32
            %dma_start3A_103 = tpu.memref_slice %arg3[%mul3A_97, %dma_start3A_102] : memref<10000x16xf32, #tpu.memory_space<hbm>> -> memref<250x16xf32, #tpu.memory_space<hbm>>
            %dma_start3A_104 = arith.constant 0 : i32
            %dma_start3A_105 = tpu.memref_slice %arg3[%mul3A_97, %dma_start3A_104] : memref<10000x16xf32, #tpu.memory_space<hbm>> -> memref<250x16xf32, #tpu.memory_space<hbm>>
            tpu.enqueue_dma source(%dma_start3A_105 : memref<250x16xf32, #tpu.memory_space<hbm>>) target(%arg16 : memref<250x16xf32, #tpu.memory_space<vmem>>) target_semaphore(%arg26 : memref<!tpu.dma_semaphore, #tpu.memory_space<semaphore_mem>>)
            %mul3A_106 = arith.constant 250 : i32
            %mul3A_107 = arith.muli %add3A, %mul3A_106 : i32
            %dma_wait3A = arith.constant 0 : i32
            %dma_wait3A_108 = tpu.memref_slice %arg2[%mul3A_107, %dma_wait3A] : memref<10000x16xi32, #tpu.memory_space<hbm>> -> memref<250x16xi32, #tpu.memory_space<hbm>>
            %dma_wait3A_109 = arith.constant 0 : i32
            %dma_wait3A_110 = tpu.memref_slice %arg2[%mul3A_107, %dma_wait3A_109] : memref<10000x16xi32, #tpu.memory_space<hbm>> -> memref<250x16xi32, #tpu.memory_space<hbm>>
            tpu.wait_dma2 semaphore(%arg25 : memref<!tpu.dma_semaphore, #tpu.memory_space<semaphore_mem>>) src(%dma_wait3A_110 : memref<250x16xi32, #tpu.memory_space<hbm>>) dst(%arg13 : memref<250x16xi32, #tpu.memory_space<vmem>>)
            %dma_wait3A_111 = arith.constant 0 : i32
            %dma_wait3A_112 = tpu.memref_slice %arg3[%mul3A_107, %dma_wait3A_111] : memref<10000x16xf32, #tpu.memory_space<hbm>> -> memref<250x16xf32, #tpu.memory_space<hbm>>
            %dma_wait3A_113 = arith.constant 0 : i32
            %dma_wait3A_114 = tpu.memref_slice %arg3[%mul3A_107, %dma_wait3A_113] : memref<10000x16xf32, #tpu.memory_space<hbm>> -> memref<250x16xf32, #tpu.memory_space<hbm>>
            tpu.wait_dma2 semaphore(%arg25 : memref<!tpu.dma_semaphore, #tpu.memory_space<semaphore_mem>>) src(%dma_wait3A_114 : memref<250x16xf32, #tpu.memory_space<hbm>>) dst(%arg15 : memref<250x16xf32, #tpu.memory_space<vmem>>)
            %parallel_loop3A_115 = arith.constant 0 : i32
            %parallel_loop3A_116 = arith.constant 250 : i32
            %parallel_loop3A_117 = arith.constant 1 : i32
            scf.for %parallel_loop3A_138 = %parallel_loop3A_115 to %parallel_loop3A_116 step %parallel_loop3A_117  : i32 {
              %parallel_loop3A_139 = arith.index_cast %parallel_loop3A_138 : i32 to index
              %parallel_loop3A_140 = arith.constant 0 : index
              %parallel_loop3A_141 = tpu.vector_load %arg13[%parallel_loop3A_139, %parallel_loop3A_140] {strides = array<i32>} : memref<250x16xi32, #tpu.memory_space<vmem>>, vector<16xi32>,
              %parallel_loop3A_142 = arith.constant 14 : i32
              %parallel_loop3A_143 = vector.broadcast %parallel_loop3A_142 : i32 to vector<16xi32>
              %parallel_loop3A_144 = arith.shrui %parallel_loop3A_141, %parallel_loop3A_143 : vector<16xi32>
              %parallel_loop3A_145 = arith.constant 16383 : i32
              %parallel_loop3A_146 = vector.broadcast %parallel_loop3A_145 : i32 to vector<16xi32>
              %parallel_loop3A_147 = arith.andi %parallel_loop3A_141, %parallel_loop3A_146 : vector<16xi32>
              %parallel_loop3A_148 = arith.index_cast %parallel_loop3A_138 : i32 to index
              %parallel_loop3A_149 = arith.constant 0 : index
              %parallel_loop3A_150 = tpu.vector_load %arg15[%parallel_loop3A_148, %parallel_loop3A_149] {strides = array<i32>} : memref<250x16xf32, #tpu.memory_space<vmem>>, vector<16xf32>,
              %parallel_loop3A_151 = tpu.vector_load_idx %arg12[%parallel_loop3A_144] : memref<10000xf32, #tpu.memory_space<vmem>>[vector<16xi32>], vector<16xf32>,
              %parallel_loop3A_152 = arith.constant 0.000000e+00 : f32
              %parallel_loop3A_153 = vector.broadcast %parallel_loop3A_152 : f32 to vector<16xf32>
              %parallel_loop3A_154 = arith.maximumf %parallel_loop3A_151, %parallel_loop3A_153 : vector<16xf32>
              %parallel_loop3A_155 = arith.mulf %parallel_loop3A_154, %parallel_loop3A_150 : vector<16xf32>
              tpu.vector_store_idx %arg11[%parallel_loop3A_147], %parallel_loop3A_155 {add = true} : memref<10000xf32, #tpu.memory_space<vmem>>[vector<16xi32>], vector<16xf32>,
            } {sc.loop_unroll_factor = 25 : i64, sc.parallel_access}
            %lt3A = arith.constant 9 : i32
            %lt3A_118 = arith.cmpi slt, %scan3A_90, %lt3A : i32
            %convert_element_type3A_119 = arith.extui %lt3A_118 : i1 to i32
            %cond3A_120 = arith.constant 0 : i32
            %cond3A_121 = arith.cmpi ne, %convert_element_type3A_119, %cond3A_120 : i32
            scf.if %cond3A_121 {
              %add3A_138 = arith.constant 2 : i32
              %add3A_139 = arith.addi %add3A, %add3A_138 : i32
              %mul3A_140 = arith.constant 250 : i32
              %mul3A_141 = arith.muli %add3A_139, %mul3A_140 : i32
              %dma_start3A_142 = arith.constant 0 : i32
              %dma_start3A_143 = tpu.memref_slice %arg2[%mul3A_141, %dma_start3A_142] : memref<10000x16xi32, #tpu.memory_space<hbm>> -> memref<250x16xi32, #tpu.memory_space<hbm>>
              %dma_start3A_144 = arith.constant 0 : i32
              %dma_start3A_145 = tpu.memref_slice %arg2[%mul3A_141, %dma_start3A_144] : memref<10000x16xi32, #tpu.memory_space<hbm>> -> memref<250x16xi32, #tpu.memory_space<hbm>>
              tpu.enqueue_dma source(%dma_start3A_145 : memref<250x16xi32, #tpu.memory_space<hbm>>) target(%arg13 : memref<250x16xi32, #tpu.memory_space<vmem>>) target_semaphore(%arg25 : memref<!tpu.dma_semaphore, #tpu.memory_space<semaphore_mem>>)
              %dma_start3A_146 = arith.constant 0 : i32
              %dma_start3A_147 = tpu.memref_slice %arg3[%mul3A_141, %dma_start3A_146] : memref<10000x16xf32, #tpu.memory_space<hbm>> -> memref<250x16xf32, #tpu.memory_space<hbm>>
              %dma_start3A_148 = arith.constant 0 : i32
              %dma_start3A_149 = tpu.memref_slice %arg3[%mul3A_141, %dma_start3A_148] : memref<10000x16xf32, #tpu.memory_space<hbm>> -> memref<250x16xf32, #tpu.memory_space<hbm>>
              tpu.enqueue_dma source(%dma_start3A_149 : memref<250x16xf32, #tpu.memory_space<hbm>>) target(%arg15 : memref<250x16xf32, #tpu.memory_space<vmem>>) target_semaphore(%arg25 : memref<!tpu.dma_semaphore, #tpu.memory_space<semaphore_mem>>)
            } else {
            }
            %add3A_122 = arith.constant 1 : i32
            %add3A_123 = arith.addi %add3A, %add3A_122 : i32
            %mul3A_124 = arith.constant 250 : i32
            %mul3A_125 = arith.muli %add3A_123, %mul3A_124 : i32
            %dma_wait3A_126 = arith.constant 0 : i32
            %dma_wait3A_127 = tpu.memref_slice %arg2[%mul3A_125, %dma_wait3A_126] : memref<10000x16xi32, #tpu.memory_space<hbm>> -> memref<250x16xi32, #tpu.memory_space<hbm>>
            %dma_wait3A_128 = arith.constant 0 : i32
            %dma_wait3A_129 = tpu.memref_slice %arg2[%mul3A_125, %dma_wait3A_128] : memref<10000x16xi32, #tpu.memory_space<hbm>> -> memref<250x16xi32, #tpu.memory_space<hbm>>
            tpu.wait_dma2 semaphore(%arg26 : memref<!tpu.dma_semaphore, #tpu.memory_space<semaphore_mem>>) src(%dma_wait3A_129 : memref<250x16xi32, #tpu.memory_space<hbm>>) dst(%arg14 : memref<250x16xi32, #tpu.memory_space<vmem>>)
            %dma_wait3A_130 = arith.constant 0 : i32
            %dma_wait3A_131 = tpu.memref_slice %arg3[%mul3A_125, %dma_wait3A_130] : memref<10000x16xf32, #tpu.memory_space<hbm>> -> memref<250x16xf32, #tpu.memory_space<hbm>>
            %dma_wait3A_132 = arith.constant 0 : i32
            %dma_wait3A_133 = tpu.memref_slice %arg3[%mul3A_125, %dma_wait3A_132] : memref<10000x16xf32, #tpu.memory_space<hbm>> -> memref<250x16xf32, #tpu.memory_space<hbm>>
            tpu.wait_dma2 semaphore(%arg26 : memref<!tpu.dma_semaphore, #tpu.memory_space<semaphore_mem>>) src(%dma_wait3A_133 : memref<250x16xf32, #tpu.memory_space<hbm>>) dst(%arg16 : memref<250x16xf32, #tpu.memory_space<vmem>>)
            %parallel_loop3A_134 = arith.constant 0 : i32
            %parallel_loop3A_135 = arith.constant 250 : i32
            %parallel_loop3A_136 = arith.constant 1 : i32
            scf.for %parallel_loop3A_138 = %parallel_loop3A_134 to %parallel_loop3A_135 step %parallel_loop3A_136  : i32 {
              %parallel_loop3A_139 = arith.index_cast %parallel_loop3A_138 : i32 to index
              %parallel_loop3A_140 = arith.constant 0 : index
              %parallel_loop3A_141 = tpu.vector_load %arg14[%parallel_loop3A_139, %parallel_loop3A_140] {strides = array<i32>} : memref<250x16xi32, #tpu.memory_space<vmem>>, vector<16xi32>,
              %parallel_loop3A_142 = arith.constant 14 : i32
              %parallel_loop3A_143 = vector.broadcast %parallel_loop3A_142 : i32 to vector<16xi32>
              %parallel_loop3A_144 = arith.shrui %parallel_loop3A_141, %parallel_loop3A_143 : vector<16xi32>
              %parallel_loop3A_145 = arith.constant 16383 : i32
              %parallel_loop3A_146 = vector.broadcast %parallel_loop3A_145 : i32 to vector<16xi32>
              %parallel_loop3A_147 = arith.andi %parallel_loop3A_141, %parallel_loop3A_146 : vector<16xi32>
              %parallel_loop3A_148 = arith.index_cast %parallel_loop3A_138 : i32 to index
              %parallel_loop3A_149 = arith.constant 0 : index
              %parallel_loop3A_150 = tpu.vector_load %arg16[%parallel_loop3A_148, %parallel_loop3A_149] {strides = array<i32>} : memref<250x16xf32, #tpu.memory_space<vmem>>, vector<16xf32>,
              %parallel_loop3A_151 = tpu.vector_load_idx %arg12[%parallel_loop3A_144] : memref<10000xf32, #tpu.memory_space<vmem>>[vector<16xi32>], vector<16xf32>,
              %parallel_loop3A_152 = arith.constant 0.000000e+00 : f32
              %parallel_loop3A_153 = vector.broadcast %parallel_loop3A_152 : f32 to vector<16xf32>
              %parallel_loop3A_154 = arith.maximumf %parallel_loop3A_151, %parallel_loop3A_153 : vector<16xf32>
              %parallel_loop3A_155 = arith.mulf %parallel_loop3A_154, %parallel_loop3A_150 : vector<16xf32>
              tpu.vector_store_idx %arg11[%parallel_loop3A_147], %parallel_loop3A_155 {add = true} : memref<10000xf32, #tpu.memory_space<vmem>>[vector<16xi32>], vector<16xf32>,
            } {sc.loop_unroll_factor = 25 : i64, sc.parallel_access}
            %scan3A_137 = arith.constant 0 : i32
            scf.yield %scan3A_137 : i32
          }
          %scan3A_89 = arith.constant 10 : i32
        } else {
        }
        %convert_element_type3A_48 = arith.extui %eq3A_0 : i1 to i32
        %cond3A_49 = arith.constant 0 : i32
        %cond3A_50 = arith.cmpi ne, %convert_element_type3A_48, %cond3A_49 : i32
        scf.if %cond3A_50 {
          "tpu.region"() ({
            %run_scoped3A = tpu.sem_alloc : memref<!tpu.dma_semaphore, #tpu.memory_space<semaphore_mem>>
            %dma_start3A = arith.constant 0 : i32
            %dma_start3A_71 = tpu.memref_slice %arg28[%shift_right_logical3A_2, %and3A_1, %dma_start3A] : memref<2x8x10000xf32, #tpu.memory_space<vmem_shared>> -> memref<1x1x10000xf32, #tpu.memory_space<vmem_shared>>
            %dma_start3A_72 = tpu.memref_squeeze %dma_start3A_71 : memref<1x1x10000xf32, #tpu.memory_space<vmem_shared>> -> memref<10000xf32, #tpu.memory_space<vmem_shared>>
            %dma_start3A_73 = arith.constant 0 : i32
            %dma_start3A_74 = tpu.memref_slice %arg28[%shift_right_logical3A_2, %and3A_1, %dma_start3A_73] : memref<2x8x10000xf32, #tpu.memory_space<vmem_shared>> -> memref<1x1x10000xf32, #tpu.memory_space<vmem_shared>>
            %dma_start3A_75 = tpu.memref_squeeze %dma_start3A_74 : memref<1x1x10000xf32, #tpu.memory_space<vmem_shared>> -> memref<10000xf32, #tpu.memory_space<vmem_shared>>
            tpu.enqueue_dma source(%arg11 : memref<10000xf32, #tpu.memory_space<vmem>>) target(%dma_start3A_75 : memref<10000xf32, #tpu.memory_space<vmem_shared>>) target_semaphore(%run_scoped3A : memref<!tpu.dma_semaphore, #tpu.memory_space<semaphore_mem>>)
            %dma_wait3A = arith.constant 0 : i32
            %dma_wait3A_76 = tpu.memref_slice %arg28[%shift_right_logical3A_2, %and3A_1, %dma_wait3A] : memref<2x8x10000xf32, #tpu.memory_space<vmem_shared>> -> memref<1x1x10000xf32, #tpu.memory_space<vmem_shared>>
            %dma_wait3A_77 = tpu.memref_squeeze %dma_wait3A_76 : memref<1x1x10000xf32, #tpu.memory_space<vmem_shared>> -> memref<10000xf32, #tpu.memory_space<vmem_shared>>
            %dma_wait3A_78 = arith.constant 0 : i32
            %dma_wait3A_79 = tpu.memref_slice %arg28[%shift_right_logical3A_2, %and3A_1, %dma_wait3A_78] : memref<2x8x10000xf32, #tpu.memory_space<vmem_shared>> -> memref<1x1x10000xf32, #tpu.memory_space<vmem_shared>>
            %dma_wait3A_80 = tpu.memref_squeeze %dma_wait3A_79 : memref<1x1x10000xf32, #tpu.memory_space<vmem_shared>> -> memref<10000xf32, #tpu.memory_space<vmem_shared>>
            tpu.wait_dma2 semaphore(%run_scoped3A : memref<!tpu.dma_semaphore, #tpu.memory_space<semaphore_mem>>) src(%arg11 : memref<10000xf32, #tpu.memory_space<vmem>>) dst(%dma_wait3A_80 : memref<10000xf32, #tpu.memory_space<vmem_shared>>)
            tpu.yield
          }) : () -> ()
        } else {
        }
        %barrier3A_51 = arith.constant 0 : index
        tpu.barrier barrier_id(%barrier3A_51)
        %convert_element_type3A_52 = arith.extui %eq3A_0 : i1 to i32
        %cond3A_53 = arith.constant 0 : i32
        %cond3A_54 = arith.cmpi ne, %convert_element_type3A_52, %cond3A_53 : i32
        scf.if %cond3A_54 {
          %sub3A = arith.constant 1 : i32
          %sub3A_71 = arith.subi %sub3A, %shift_right_logical3A_2 : i32
          "tpu.region"() ({
            %run_scoped3A = tpu.sem_alloc : memref<!tpu.dma_semaphore, #tpu.memory_space<semaphore_mem>>
            %dma_start3A = arith.constant 0 : i32
            %dma_start3A_74 = tpu.memref_slice %arg28[%sub3A_71, %and3A_1, %dma_start3A] : memref<2x8x10000xf32, #tpu.memory_space<vmem_shared>> -> memref<1x1x10000xf32, #tpu.memory_space<vmem_shared>>
            %dma_start3A_75 = tpu.memref_squeeze %dma_start3A_74 : memref<1x1x10000xf32, #tpu.memory_space<vmem_shared>> -> memref<10000xf32, #tpu.memory_space<vmem_shared>>
            %dma_start3A_76 = arith.constant 0 : i32
            %dma_start3A_77 = tpu.memref_slice %arg28[%sub3A_71, %and3A_1, %dma_start3A_76] : memref<2x8x10000xf32, #tpu.memory_space<vmem_shared>> -> memref<1x1x10000xf32, #tpu.memory_space<vmem_shared>>
            %dma_start3A_78 = tpu.memref_squeeze %dma_start3A_77 : memref<1x1x10000xf32, #tpu.memory_space<vmem_shared>> -> memref<10000xf32, #tpu.memory_space<vmem_shared>>
            tpu.enqueue_dma source(%dma_start3A_78 : memref<10000xf32, #tpu.memory_space<vmem_shared>>) target(%arg20 : memref<10000xf32, #tpu.memory_space<vmem>>) target_semaphore(%run_scoped3A : memref<!tpu.dma_semaphore, #tpu.memory_space<semaphore_mem>>)
            %dma_wait3A = arith.constant 0 : i32
            %dma_wait3A_79 = tpu.memref_slice %arg28[%sub3A_71, %and3A_1, %dma_wait3A] : memref<2x8x10000xf32, #tpu.memory_space<vmem_shared>> -> memref<1x1x10000xf32, #tpu.memory_space<vmem_shared>>
            %dma_wait3A_80 = tpu.memref_squeeze %dma_wait3A_79 : memref<1x1x10000xf32, #tpu.memory_space<vmem_shared>> -> memref<10000xf32, #tpu.memory_space<vmem_shared>>
            %dma_wait3A_81 = arith.constant 0 : i32
            %dma_wait3A_82 = tpu.memref_slice %arg28[%sub3A_71, %and3A_1, %dma_wait3A_81] : memref<2x8x10000xf32, #tpu.memory_space<vmem_shared>> -> memref<1x1x10000xf32, #tpu.memory_space<vmem_shared>>
            %dma_wait3A_83 = tpu.memref_squeeze %dma_wait3A_82 : memref<1x1x10000xf32, #tpu.memory_space<vmem_shared>> -> memref<10000xf32, #tpu.memory_space<vmem_shared>>
            tpu.wait_dma2 semaphore(%run_scoped3A : memref<!tpu.dma_semaphore, #tpu.memory_space<semaphore_mem>>) src(%dma_wait3A_83 : memref<10000xf32, #tpu.memory_space<vmem_shared>>) dst(%arg20 : memref<10000xf32, #tpu.memory_space<vmem>>)
            tpu.yield
          }) : () -> ()
          %parallel_loop3A = arith.constant 0 : i32
          %parallel_loop3A_72 = arith.constant 625 : i32
          %parallel_loop3A_73 = arith.constant 1 : i32
          scf.for %parallel_loop3A_74 = %parallel_loop3A to %parallel_loop3A_72 step %parallel_loop3A_73  : i32 {
            %parallel_loop3A_75 = arith.constant 16 : i32
            %parallel_loop3A_76 = arith.muli %parallel_loop3A_74, %parallel_loop3A_75 : i32
            %parallel_loop3A_77 = arith.index_cast %parallel_loop3A_76 : i32 to index
            %parallel_loop3A_78 = tpu.vector_load %arg11[%parallel_loop3A_77] {strides = array<i32>} : memref<10000xf32, #tpu.memory_space<vmem>>, vector<16xf32>,
            %parallel_loop3A_79 = arith.constant 16 : i32
            %parallel_loop3A_80 = arith.muli %parallel_loop3A_74, %parallel_loop3A_79 : i32
            %parallel_loop3A_81 = arith.index_cast %parallel_loop3A_80 : i32 to index
            %parallel_loop3A_82 = tpu.vector_load %arg20[%parallel_loop3A_81] {strides = array<i32>} : memref<10000xf32, #tpu.memory_space<vmem>>, vector<16xf32>,
            %parallel_loop3A_83 = arith.addf %parallel_loop3A_78, %parallel_loop3A_82 : vector<16xf32>
            %parallel_loop3A_84 = arith.constant 16 : i32
            %parallel_loop3A_85 = arith.muli %parallel_loop3A_74, %parallel_loop3A_84 : i32
            %parallel_loop3A_86 = arith.index_cast %parallel_loop3A_85 : i32 to index
            %parallel_loop3A_87 = tpu.vector_load %arg11[%parallel_loop3A_86] {strides = array<i32>} : memref<10000xf32, #tpu.memory_space<vmem>>, vector<16xf32>,
            tpu.vector_store %arg11[%parallel_loop3A_86], %parallel_loop3A_83 {strides = array<i32>} : memref<10000xf32, #tpu.memory_space<vmem>>, vector<16xf32>,
          } {sc.loop_unroll_factor = 5 : i64, sc.parallel_access}
        } else {
        }
        %barrier3A_55 = arith.constant 0 : index
        tpu.barrier barrier_id(%barrier3A_55)
        %convert_element_type3A_56 = arith.extui %eq3A_0 : i1 to i32
        %cond3A_57 = arith.constant 0 : i32
        %cond3A_58 = arith.cmpi ne, %convert_element_type3A_56, %cond3A_57 : i32
        scf.if %cond3A_58 {
          %parallel_loop3A = arith.constant 0 : i32
          %parallel_loop3A_71 = arith.constant 625 : i32
          %parallel_loop3A_72 = arith.constant 1 : i32
          scf.for %parallel_loop3A_90 = %parallel_loop3A to %parallel_loop3A_71 step %parallel_loop3A_72  : i32 {
            %parallel_loop3A_91 = arith.constant 0.000000e+00 : f32
            %parallel_loop3A_92 = vector.broadcast %parallel_loop3A_91 : f32 to vector<16xf32>
            %parallel_loop3A_93 = arith.constant 16 : i32
            %parallel_loop3A_94 = arith.muli %parallel_loop3A_90, %parallel_loop3A_93 : i32
            %parallel_loop3A_95 = arith.index_cast %parallel_loop3A_94 : i32 to index
            %parallel_loop3A_96 = tpu.vector_load %arg10[%parallel_loop3A_95] {strides = array<i32>} : memref<10000xf32, #tpu.memory_space<vmem>>, vector<16xf32>,
            tpu.vector_store %arg10[%parallel_loop3A_95], %parallel_loop3A_92 {strides = array<i32>} : memref<10000xf32, #tpu.memory_space<vmem>>, vector<16xf32>,
          } {sc.loop_unroll_factor = 5 : i64, sc.parallel_access}
          %mul3A = arith.constant 20 : i32
          %mul3A_73 = arith.muli %shift_right_logical3A_2, %mul3A : i32
          %mul3A_74 = arith.constant 250 : i32
          %mul3A_75 = arith.muli %mul3A_73, %mul3A_74 : i32
          %dma_start3A = arith.constant 0 : i32
          %dma_start3A_76 = tpu.memref_slice %arg2[%mul3A_75, %dma_start3A] : memref<10000x16xi32, #tpu.memory_space<hbm>> -> memref<250x16xi32, #tpu.memory_space<hbm>>
          %dma_start3A_77 = arith.constant 0 : i32
          %dma_start3A_78 = tpu.memref_slice %arg2[%mul3A_75, %dma_start3A_77] : memref<10000x16xi32, #tpu.memory_space<hbm>> -> memref<250x16xi32, #tpu.memory_space<hbm>>
          tpu.enqueue_dma source(%dma_start3A_78 : memref<250x16xi32, #tpu.memory_space<hbm>>) target(%arg13 : memref<250x16xi32, #tpu.memory_space<vmem>>) target_semaphore(%arg25 : memref<!tpu.dma_semaphore, #tpu.memory_space<semaphore_mem>>)
          %dma_start3A_79 = arith.constant 0 : i32
          %dma_start3A_80 = tpu.memref_slice %arg4[%mul3A_75, %dma_start3A_79] : memref<10000x16xf32, #tpu.memory_space<hbm>> -> memref<250x16xf32, #tpu.memory_space<hbm>>
          %dma_start3A_81 = arith.constant 0 : i32
          %dma_start3A_82 = tpu.memref_slice %arg4[%mul3A_75, %dma_start3A_81] : memref<10000x16xf32, #tpu.memory_space<hbm>> -> memref<250x16xf32, #tpu.memory_space<hbm>>
          tpu.enqueue_dma source(%dma_start3A_82 : memref<250x16xf32, #tpu.memory_space<hbm>>) target(%arg15 : memref<250x16xf32, #tpu.memory_space<vmem>>) target_semaphore(%arg25 : memref<!tpu.dma_semaphore, #tpu.memory_space<semaphore_mem>>)
          %scan3A_83 = arith.constant 0 : i32
          %scan3A_84 = arith.constant 0 : i32
          %scan3A_85 = arith.constant 10 : i32
          %scan3A_86 = arith.addi %scan3A_84, %scan3A_85 : i32
          %scan3A_87 = arith.constant 1 : i32
          %scan3A_88 = scf.for %scan3A_90 = %scan3A_84 to %scan3A_86 step %scan3A_87 iter_args(%scan3A_91 = %scan3A_83) -> (i32)  : i32 {
            %mul3A_92 = arith.constant 2 : i32
            %mul3A_93 = arith.muli %mul3A_92, %scan3A_90 : i32
            %add3A = arith.addi %mul3A_73, %mul3A_93 : i32
            %add3A_94 = arith.constant 1 : i32
            %add3A_95 = arith.addi %add3A, %add3A_94 : i32
            %mul3A_96 = arith.constant 250 : i32
            %mul3A_97 = arith.muli %add3A_95, %mul3A_96 : i32
            %dma_start3A_98 = arith.constant 0 : i32
            %dma_start3A_99 = tpu.memref_slice %arg2[%mul3A_97, %dma_start3A_98] : memref<10000x16xi32, #tpu.memory_space<hbm>> -> memref<250x16xi32, #tpu.memory_space<hbm>>
            %dma_start3A_100 = arith.constant 0 : i32
            %dma_start3A_101 = tpu.memref_slice %arg2[%mul3A_97, %dma_start3A_100] : memref<10000x16xi32, #tpu.memory_space<hbm>> -> memref<250x16xi32, #tpu.memory_space<hbm>>
            tpu.enqueue_dma source(%dma_start3A_101 : memref<250x16xi32, #tpu.memory_space<hbm>>) target(%arg14 : memref<250x16xi32, #tpu.memory_space<vmem>>) target_semaphore(%arg26 : memref<!tpu.dma_semaphore, #tpu.memory_space<semaphore_mem>>)
            %dma_start3A_102 = arith.constant 0 : i32
            %dma_start3A_103 = tpu.memref_slice %arg4[%mul3A_97, %dma_start3A_102] : memref<10000x16xf32, #tpu.memory_space<hbm>> -> memref<250x16xf32, #tpu.memory_space<hbm>>
            %dma_start3A_104 = arith.constant 0 : i32
            %dma_start3A_105 = tpu.memref_slice %arg4[%mul3A_97, %dma_start3A_104] : memref<10000x16xf32, #tpu.memory_space<hbm>> -> memref<250x16xf32, #tpu.memory_space<hbm>>
            tpu.enqueue_dma source(%dma_start3A_105 : memref<250x16xf32, #tpu.memory_space<hbm>>) target(%arg16 : memref<250x16xf32, #tpu.memory_space<vmem>>) target_semaphore(%arg26 : memref<!tpu.dma_semaphore, #tpu.memory_space<semaphore_mem>>)
            %mul3A_106 = arith.constant 250 : i32
            %mul3A_107 = arith.muli %add3A, %mul3A_106 : i32
            %dma_wait3A = arith.constant 0 : i32
            %dma_wait3A_108 = tpu.memref_slice %arg2[%mul3A_107, %dma_wait3A] : memref<10000x16xi32, #tpu.memory_space<hbm>> -> memref<250x16xi32, #tpu.memory_space<hbm>>
            %dma_wait3A_109 = arith.constant 0 : i32
            %dma_wait3A_110 = tpu.memref_slice %arg2[%mul3A_107, %dma_wait3A_109] : memref<10000x16xi32, #tpu.memory_space<hbm>> -> memref<250x16xi32, #tpu.memory_space<hbm>>
            tpu.wait_dma2 semaphore(%arg25 : memref<!tpu.dma_semaphore, #tpu.memory_space<semaphore_mem>>) src(%dma_wait3A_110 : memref<250x16xi32, #tpu.memory_space<hbm>>) dst(%arg13 : memref<250x16xi32, #tpu.memory_space<vmem>>)
            %dma_wait3A_111 = arith.constant 0 : i32
            %dma_wait3A_112 = tpu.memref_slice %arg4[%mul3A_107, %dma_wait3A_111] : memref<10000x16xf32, #tpu.memory_space<hbm>> -> memref<250x16xf32, #tpu.memory_space<hbm>>
            %dma_wait3A_113 = arith.constant 0 : i32
            %dma_wait3A_114 = tpu.memref_slice %arg4[%mul3A_107, %dma_wait3A_113] : memref<10000x16xf32, #tpu.memory_space<hbm>> -> memref<250x16xf32, #tpu.memory_space<hbm>>
            tpu.wait_dma2 semaphore(%arg25 : memref<!tpu.dma_semaphore, #tpu.memory_space<semaphore_mem>>) src(%dma_wait3A_114 : memref<250x16xf32, #tpu.memory_space<hbm>>) dst(%arg15 : memref<250x16xf32, #tpu.memory_space<vmem>>)
            %parallel_loop3A_115 = arith.constant 0 : i32
            %parallel_loop3A_116 = arith.constant 250 : i32
            %parallel_loop3A_117 = arith.constant 1 : i32
            scf.for %parallel_loop3A_138 = %parallel_loop3A_115 to %parallel_loop3A_116 step %parallel_loop3A_117  : i32 {
              %parallel_loop3A_139 = arith.index_cast %parallel_loop3A_138 : i32 to index
              %parallel_loop3A_140 = arith.constant 0 : index
              %parallel_loop3A_141 = tpu.vector_load %arg13[%parallel_loop3A_139, %parallel_loop3A_140] {strides = array<i32>} : memref<250x16xi32, #tpu.memory_space<vmem>>, vector<16xi32>,
              %parallel_loop3A_142 = arith.constant 14 : i32
              %parallel_loop3A_143 = vector.broadcast %parallel_loop3A_142 : i32 to vector<16xi32>
              %parallel_loop3A_144 = arith.shrui %parallel_loop3A_141, %parallel_loop3A_143 : vector<16xi32>
              %parallel_loop3A_145 = arith.constant 16383 : i32
              %parallel_loop3A_146 = vector.broadcast %parallel_loop3A_145 : i32 to vector<16xi32>
              %parallel_loop3A_147 = arith.andi %parallel_loop3A_141, %parallel_loop3A_146 : vector<16xi32>
              %parallel_loop3A_148 = arith.index_cast %parallel_loop3A_138 : i32 to index
              %parallel_loop3A_149 = arith.constant 0 : index
              %parallel_loop3A_150 = tpu.vector_load %arg15[%parallel_loop3A_148, %parallel_loop3A_149] {strides = array<i32>} : memref<250x16xf32, #tpu.memory_space<vmem>>, vector<16xf32>,
              %parallel_loop3A_151 = tpu.vector_load_idx %arg11[%parallel_loop3A_144] : memref<10000xf32, #tpu.memory_space<vmem>>[vector<16xi32>], vector<16xf32>,
              %parallel_loop3A_152 = arith.mulf %parallel_loop3A_151, %parallel_loop3A_150 : vector<16xf32>
              tpu.vector_store_idx %arg10[%parallel_loop3A_147], %parallel_loop3A_152 {add = true} : memref<10000xf32, #tpu.memory_space<vmem>>[vector<16xi32>], vector<16xf32>,
            } {sc.loop_unroll_factor = 25 : i64, sc.parallel_access}
            %lt3A = arith.constant 9 : i32
            %lt3A_118 = arith.cmpi slt, %scan3A_90, %lt3A : i32
            %convert_element_type3A_119 = arith.extui %lt3A_118 : i1 to i32
            %cond3A_120 = arith.constant 0 : i32
            %cond3A_121 = arith.cmpi ne, %convert_element_type3A_119, %cond3A_120 : i32
            scf.if %cond3A_121 {
              %add3A_138 = arith.constant 2 : i32
              %add3A_139 = arith.addi %add3A, %add3A_138 : i32
              %mul3A_140 = arith.constant 250 : i32
              %mul3A_141 = arith.muli %add3A_139, %mul3A_140 : i32
              %dma_start3A_142 = arith.constant 0 : i32
              %dma_start3A_143 = tpu.memref_slice %arg2[%mul3A_141, %dma_start3A_142] : memref<10000x16xi32, #tpu.memory_space<hbm>> -> memref<250x16xi32, #tpu.memory_space<hbm>>
              %dma_start3A_144 = arith.constant 0 : i32
              %dma_start3A_145 = tpu.memref_slice %arg2[%mul3A_141, %dma_start3A_144] : memref<10000x16xi32, #tpu.memory_space<hbm>> -> memref<250x16xi32, #tpu.memory_space<hbm>>
              tpu.enqueue_dma source(%dma_start3A_145 : memref<250x16xi32, #tpu.memory_space<hbm>>) target(%arg13 : memref<250x16xi32, #tpu.memory_space<vmem>>) target_semaphore(%arg25 : memref<!tpu.dma_semaphore, #tpu.memory_space<semaphore_mem>>)
              %dma_start3A_146 = arith.constant 0 : i32
              %dma_start3A_147 = tpu.memref_slice %arg4[%mul3A_141, %dma_start3A_146] : memref<10000x16xf32, #tpu.memory_space<hbm>> -> memref<250x16xf32, #tpu.memory_space<hbm>>
              %dma_start3A_148 = arith.constant 0 : i32
              %dma_start3A_149 = tpu.memref_slice %arg4[%mul3A_141, %dma_start3A_148] : memref<10000x16xf32, #tpu.memory_space<hbm>> -> memref<250x16xf32, #tpu.memory_space<hbm>>
              tpu.enqueue_dma source(%dma_start3A_149 : memref<250x16xf32, #tpu.memory_space<hbm>>) target(%arg15 : memref<250x16xf32, #tpu.memory_space<vmem>>) target_semaphore(%arg25 : memref<!tpu.dma_semaphore, #tpu.memory_space<semaphore_mem>>)
            } else {
            }
            %add3A_122 = arith.constant 1 : i32
            %add3A_123 = arith.addi %add3A, %add3A_122 : i32
            %mul3A_124 = arith.constant 250 : i32
            %mul3A_125 = arith.muli %add3A_123, %mul3A_124 : i32
            %dma_wait3A_126 = arith.constant 0 : i32
            %dma_wait3A_127 = tpu.memref_slice %arg2[%mul3A_125, %dma_wait3A_126] : memref<10000x16xi32, #tpu.memory_space<hbm>> -> memref<250x16xi32, #tpu.memory_space<hbm>>
            %dma_wait3A_128 = arith.constant 0 : i32
            %dma_wait3A_129 = tpu.memref_slice %arg2[%mul3A_125, %dma_wait3A_128] : memref<10000x16xi32, #tpu.memory_space<hbm>> -> memref<250x16xi32, #tpu.memory_space<hbm>>
            tpu.wait_dma2 semaphore(%arg26 : memref<!tpu.dma_semaphore, #tpu.memory_space<semaphore_mem>>) src(%dma_wait3A_129 : memref<250x16xi32, #tpu.memory_space<hbm>>) dst(%arg14 : memref<250x16xi32, #tpu.memory_space<vmem>>)
            %dma_wait3A_130 = arith.constant 0 : i32
            %dma_wait3A_131 = tpu.memref_slice %arg4[%mul3A_125, %dma_wait3A_130] : memref<10000x16xf32, #tpu.memory_space<hbm>> -> memref<250x16xf32, #tpu.memory_space<hbm>>
            %dma_wait3A_132 = arith.constant 0 : i32
            %dma_wait3A_133 = tpu.memref_slice %arg4[%mul3A_125, %dma_wait3A_132] : memref<10000x16xf32, #tpu.memory_space<hbm>> -> memref<250x16xf32, #tpu.memory_space<hbm>>
            tpu.wait_dma2 semaphore(%arg26 : memref<!tpu.dma_semaphore, #tpu.memory_space<semaphore_mem>>) src(%dma_wait3A_133 : memref<250x16xf32, #tpu.memory_space<hbm>>) dst(%arg16 : memref<250x16xf32, #tpu.memory_space<vmem>>)
            %parallel_loop3A_134 = arith.constant 0 : i32
            %parallel_loop3A_135 = arith.constant 250 : i32
            %parallel_loop3A_136 = arith.constant 1 : i32
            scf.for %parallel_loop3A_138 = %parallel_loop3A_134 to %parallel_loop3A_135 step %parallel_loop3A_136  : i32 {
              %parallel_loop3A_139 = arith.index_cast %parallel_loop3A_138 : i32 to index
              %parallel_loop3A_140 = arith.constant 0 : index
              %parallel_loop3A_141 = tpu.vector_load %arg14[%parallel_loop3A_139, %parallel_loop3A_140] {strides = array<i32>} : memref<250x16xi32, #tpu.memory_space<vmem>>, vector<16xi32>,
              %parallel_loop3A_142 = arith.constant 14 : i32
              %parallel_loop3A_143 = vector.broadcast %parallel_loop3A_142 : i32 to vector<16xi32>
              %parallel_loop3A_144 = arith.shrui %parallel_loop3A_141, %parallel_loop3A_143 : vector<16xi32>
              %parallel_loop3A_145 = arith.constant 16383 : i32
              %parallel_loop3A_146 = vector.broadcast %parallel_loop3A_145 : i32 to vector<16xi32>
              %parallel_loop3A_147 = arith.andi %parallel_loop3A_141, %parallel_loop3A_146 : vector<16xi32>
              %parallel_loop3A_148 = arith.index_cast %parallel_loop3A_138 : i32 to index
              %parallel_loop3A_149 = arith.constant 0 : index
              %parallel_loop3A_150 = tpu.vector_load %arg16[%parallel_loop3A_148, %parallel_loop3A_149] {strides = array<i32>} : memref<250x16xf32, #tpu.memory_space<vmem>>, vector<16xf32>,
              %parallel_loop3A_151 = tpu.vector_load_idx %arg11[%parallel_loop3A_144] : memref<10000xf32, #tpu.memory_space<vmem>>[vector<16xi32>], vector<16xf32>,
              %parallel_loop3A_152 = arith.mulf %parallel_loop3A_151, %parallel_loop3A_150 : vector<16xf32>
              tpu.vector_store_idx %arg10[%parallel_loop3A_147], %parallel_loop3A_152 {add = true} : memref<10000xf32, #tpu.memory_space<vmem>>[vector<16xi32>], vector<16xf32>,
            } {sc.loop_unroll_factor = 25 : i64, sc.parallel_access}
            %scan3A_137 = arith.constant 0 : i32
            scf.yield %scan3A_137 : i32
          }
          %scan3A_89 = arith.constant 10 : i32
        } else {
        }
        %convert_element_type3A_59 = arith.extui %eq3A_0 : i1 to i32
        %cond3A_60 = arith.constant 0 : i32
        %cond3A_61 = arith.cmpi ne, %convert_element_type3A_59, %cond3A_60 : i32
        scf.if %cond3A_61 {
          "tpu.region"() ({
            %run_scoped3A = tpu.sem_alloc : memref<!tpu.dma_semaphore, #tpu.memory_space<semaphore_mem>>
            %dma_start3A = arith.constant 0 : i32
            %dma_start3A_71 = tpu.memref_slice %arg28[%shift_right_logical3A_2, %and3A_1, %dma_start3A] : memref<2x8x10000xf32, #tpu.memory_space<vmem_shared>> -> memref<1x1x10000xf32, #tpu.memory_space<vmem_shared>>
            %dma_start3A_72 = tpu.memref_squeeze %dma_start3A_71 : memref<1x1x10000xf32, #tpu.memory_space<vmem_shared>> -> memref<10000xf32, #tpu.memory_space<vmem_shared>>
            %dma_start3A_73 = arith.constant 0 : i32
            %dma_start3A_74 = tpu.memref_slice %arg28[%shift_right_logical3A_2, %and3A_1, %dma_start3A_73] : memref<2x8x10000xf32, #tpu.memory_space<vmem_shared>> -> memref<1x1x10000xf32, #tpu.memory_space<vmem_shared>>
            %dma_start3A_75 = tpu.memref_squeeze %dma_start3A_74 : memref<1x1x10000xf32, #tpu.memory_space<vmem_shared>> -> memref<10000xf32, #tpu.memory_space<vmem_shared>>
            tpu.enqueue_dma source(%arg10 : memref<10000xf32, #tpu.memory_space<vmem>>) target(%dma_start3A_75 : memref<10000xf32, #tpu.memory_space<vmem_shared>>) target_semaphore(%run_scoped3A : memref<!tpu.dma_semaphore, #tpu.memory_space<semaphore_mem>>)
            %dma_wait3A = arith.constant 0 : i32
            %dma_wait3A_76 = tpu.memref_slice %arg28[%shift_right_logical3A_2, %and3A_1, %dma_wait3A] : memref<2x8x10000xf32, #tpu.memory_space<vmem_shared>> -> memref<1x1x10000xf32, #tpu.memory_space<vmem_shared>>
            %dma_wait3A_77 = tpu.memref_squeeze %dma_wait3A_76 : memref<1x1x10000xf32, #tpu.memory_space<vmem_shared>> -> memref<10000xf32, #tpu.memory_space<vmem_shared>>
            %dma_wait3A_78 = arith.constant 0 : i32
            %dma_wait3A_79 = tpu.memref_slice %arg28[%shift_right_logical3A_2, %and3A_1, %dma_wait3A_78] : memref<2x8x10000xf32, #tpu.memory_space<vmem_shared>> -> memref<1x1x10000xf32, #tpu.memory_space<vmem_shared>>
            %dma_wait3A_80 = tpu.memref_squeeze %dma_wait3A_79 : memref<1x1x10000xf32, #tpu.memory_space<vmem_shared>> -> memref<10000xf32, #tpu.memory_space<vmem_shared>>
            tpu.wait_dma2 semaphore(%run_scoped3A : memref<!tpu.dma_semaphore, #tpu.memory_space<semaphore_mem>>) src(%arg10 : memref<10000xf32, #tpu.memory_space<vmem>>) dst(%dma_wait3A_80 : memref<10000xf32, #tpu.memory_space<vmem_shared>>)
            tpu.yield
          }) : () -> ()
        } else {
        }
        %barrier3A_62 = arith.constant 0 : index
        tpu.barrier barrier_id(%barrier3A_62)
        %convert_element_type3A_63 = arith.extui %eq3A_0 : i1 to i32
        %cond3A_64 = arith.constant 0 : i32
        %cond3A_65 = arith.cmpi ne, %convert_element_type3A_63, %cond3A_64 : i32
        scf.if %cond3A_65 {
          %sub3A = arith.constant 1 : i32
          %sub3A_71 = arith.subi %sub3A, %shift_right_logical3A_2 : i32
          "tpu.region"() ({
            %run_scoped3A = tpu.sem_alloc : memref<!tpu.dma_semaphore, #tpu.memory_space<semaphore_mem>>
            %dma_start3A = arith.constant 0 : i32
            %dma_start3A_74 = tpu.memref_slice %arg28[%sub3A_71, %and3A_1, %dma_start3A] : memref<2x8x10000xf32, #tpu.memory_space<vmem_shared>> -> memref<1x1x10000xf32, #tpu.memory_space<vmem_shared>>
            %dma_start3A_75 = tpu.memref_squeeze %dma_start3A_74 : memref<1x1x10000xf32, #tpu.memory_space<vmem_shared>> -> memref<10000xf32, #tpu.memory_space<vmem_shared>>
            %dma_start3A_76 = arith.constant 0 : i32
            %dma_start3A_77 = tpu.memref_slice %arg28[%sub3A_71, %and3A_1, %dma_start3A_76] : memref<2x8x10000xf32, #tpu.memory_space<vmem_shared>> -> memref<1x1x10000xf32, #tpu.memory_space<vmem_shared>>
            %dma_start3A_78 = tpu.memref_squeeze %dma_start3A_77 : memref<1x1x10000xf32, #tpu.memory_space<vmem_shared>> -> memref<10000xf32, #tpu.memory_space<vmem_shared>>
            tpu.enqueue_dma source(%dma_start3A_78 : memref<10000xf32, #tpu.memory_space<vmem_shared>>) target(%arg20 : memref<10000xf32, #tpu.memory_space<vmem>>) target_semaphore(%run_scoped3A : memref<!tpu.dma_semaphore, #tpu.memory_space<semaphore_mem>>)
            %dma_wait3A = arith.constant 0 : i32
            %dma_wait3A_79 = tpu.memref_slice %arg28[%sub3A_71, %and3A_1, %dma_wait3A] : memref<2x8x10000xf32, #tpu.memory_space<vmem_shared>> -> memref<1x1x10000xf32, #tpu.memory_space<vmem_shared>>
            %dma_wait3A_80 = tpu.memref_squeeze %dma_wait3A_79 : memref<1x1x10000xf32, #tpu.memory_space<vmem_shared>> -> memref<10000xf32, #tpu.memory_space<vmem_shared>>
            %dma_wait3A_81 = arith.constant 0 : i32
            %dma_wait3A_82 = tpu.memref_slice %arg28[%sub3A_71, %and3A_1, %dma_wait3A_81] : memref<2x8x10000xf32, #tpu.memory_space<vmem_shared>> -> memref<1x1x10000xf32, #tpu.memory_space<vmem_shared>>
            %dma_wait3A_83 = tpu.memref_squeeze %dma_wait3A_82 : memref<1x1x10000xf32, #tpu.memory_space<vmem_shared>> -> memref<10000xf32, #tpu.memory_space<vmem_shared>>
            tpu.wait_dma2 semaphore(%run_scoped3A : memref<!tpu.dma_semaphore, #tpu.memory_space<semaphore_mem>>) src(%dma_wait3A_83 : memref<10000xf32, #tpu.memory_space<vmem_shared>>) dst(%arg20 : memref<10000xf32, #tpu.memory_space<vmem>>)
            tpu.yield
          }) : () -> ()
          %parallel_loop3A = arith.constant 0 : i32
          %parallel_loop3A_72 = arith.constant 625 : i32
          %parallel_loop3A_73 = arith.constant 1 : i32
          scf.for %parallel_loop3A_74 = %parallel_loop3A to %parallel_loop3A_72 step %parallel_loop3A_73  : i32 {
            %parallel_loop3A_75 = arith.constant 16 : i32
            %parallel_loop3A_76 = arith.muli %parallel_loop3A_74, %parallel_loop3A_75 : i32
            %parallel_loop3A_77 = arith.index_cast %parallel_loop3A_76 : i32 to index
            %parallel_loop3A_78 = tpu.vector_load %arg10[%parallel_loop3A_77] {strides = array<i32>} : memref<10000xf32, #tpu.memory_space<vmem>>, vector<16xf32>,
            %parallel_loop3A_79 = arith.constant 16 : i32
            %parallel_loop3A_80 = arith.muli %parallel_loop3A_74, %parallel_loop3A_79 : i32
            %parallel_loop3A_81 = arith.index_cast %parallel_loop3A_80 : i32 to index
            %parallel_loop3A_82 = tpu.vector_load %arg20[%parallel_loop3A_81] {strides = array<i32>} : memref<10000xf32, #tpu.memory_space<vmem>>, vector<16xf32>,
            %parallel_loop3A_83 = arith.addf %parallel_loop3A_78, %parallel_loop3A_82 : vector<16xf32>
            %parallel_loop3A_84 = arith.constant 16 : i32
            %parallel_loop3A_85 = arith.muli %parallel_loop3A_74, %parallel_loop3A_84 : i32
            %parallel_loop3A_86 = arith.index_cast %parallel_loop3A_85 : i32 to index
            %parallel_loop3A_87 = tpu.vector_load %arg10[%parallel_loop3A_86] {strides = array<i32>} : memref<10000xf32, #tpu.memory_space<vmem>>, vector<16xf32>,
            tpu.vector_store %arg10[%parallel_loop3A_86], %parallel_loop3A_83 {strides = array<i32>} : memref<10000xf32, #tpu.memory_space<vmem>>, vector<16xf32>,
          } {sc.loop_unroll_factor = 5 : i64, sc.parallel_access}
        } else {
        }
        %barrier3A_66 = arith.constant 0 : index
        tpu.barrier barrier_id(%barrier3A_66)
        %convert_element_type3A_67 = arith.extui %eq3A_0 : i1 to i32
        %cond3A_68 = arith.constant 0 : i32
        %cond3A_69 = arith.cmpi ne, %convert_element_type3A_67, %cond3A_68 : i32
        scf.if %cond3A_69 {
          %parallel_loop3A = arith.constant 0 : i32
          %parallel_loop3A_71 = arith.constant 625 : i32
          %parallel_loop3A_72 = arith.constant 1 : i32
          scf.for %parallel_loop3A_73 = %parallel_loop3A to %parallel_loop3A_71 step %parallel_loop3A_72  : i32 {
            %parallel_loop3A_74 = arith.constant 16 : i32
            %parallel_loop3A_75 = arith.muli %parallel_loop3A_73, %parallel_loop3A_74 : i32
            %parallel_loop3A_76 = arith.index_cast %parallel_loop3A_75 : i32 to index
            %parallel_loop3A_77 = tpu.vector_load %arg10[%parallel_loop3A_76] {strides = array<i32>} : memref<10000xf32, #tpu.memory_space<vmem>>, vector<16xf32>,
            %parallel_loop3A_78 = arith.constant 0.000000e+00 : f32
            %parallel_loop3A_79 = vector.broadcast %parallel_loop3A_78 : f32 to vector<16xf32>
            %parallel_loop3A_80 = arith.maximumf %parallel_loop3A_77, %parallel_loop3A_79 : vector<16xf32>
            %parallel_loop3A_81 = arith.constant 16 : i32
            %parallel_loop3A_82 = arith.muli %parallel_loop3A_73, %parallel_loop3A_81 : i32
            %parallel_loop3A_83 = arith.index_cast %parallel_loop3A_82 : i32 to index
            %parallel_loop3A_84 = tpu.vector_load %arg10[%parallel_loop3A_83] {strides = array<i32>} : memref<10000xf32, #tpu.memory_space<vmem>>, vector<16xf32>,
            tpu.vector_store %arg10[%parallel_loop3A_83], %parallel_loop3A_80 {strides = array<i32>} : memref<10000xf32, #tpu.memory_space<vmem>>, vector<16xf32>,
          } {sc.loop_unroll_factor = 5 : i64, sc.parallel_access}
        } else {
        }
        %scan3A_70 = arith.constant 0 : i32
        scf.yield %scan3A_70 : i32
      }
      %scan3A_21 = arith.constant 3 : i32
      %eq3A_22 = arith.constant 0 : i32
      %eq3A_23 = arith.cmpi eq, %shift_right_logical3A_2, %eq3A_22 : i32
      %and3A_24 = arith.andi %eq3A_0, %eq3A_23 : i1
      %convert_element_type3A_25 = arith.extui %and3A_24 : i1 to i32
      %cond3A_26 = arith.constant 0 : i32
      %cond3A_27 = arith.cmpi ne, %convert_element_type3A_25, %cond3A_26 : i32
      scf.if %cond3A_27 {
        %mul3A = arith.constant 8 : i32
        %mul3A_29 = arith.muli %and3A_1, %mul3A : i32
        %add3A = arith.addi %mul3A_29, %scan3A_10 : i32
        "tpu.region"() ({
          %run_scoped3A = tpu.sem_alloc : memref<!tpu.dma_semaphore, #tpu.memory_space<semaphore_mem>>
          %dma_start3A = arith.constant 0 : i32
          %dma_start3A_30 = tpu.memref_slice %arg8[%add3A, %dma_start3A] : memref<64x10000xf32, #tpu.memory_space<hbm>> -> memref<1x10000xf32, #tpu.memory_space<hbm>>
          %dma_start3A_31 = tpu.memref_squeeze %dma_start3A_30 : memref<1x10000xf32, #tpu.memory_space<hbm>> -> memref<10000xf32, #tpu.memory_space<hbm>>
          %dma_start3A_32 = arith.constant 0 : i32
          %dma_start3A_33 = tpu.memref_slice %arg8[%add3A, %dma_start3A_32] : memref<64x10000xf32, #tpu.memory_space<hbm>> -> memref<1x10000xf32, #tpu.memory_space<hbm>>
          %dma_start3A_34 = tpu.memref_squeeze %dma_start3A_33 : memref<1x10000xf32, #tpu.memory_space<hbm>> -> memref<10000xf32, #tpu.memory_space<hbm>>
          tpu.enqueue_dma source(%arg10 : memref<10000xf32, #tpu.memory_space<vmem>>) target(%dma_start3A_34 : memref<10000xf32, #tpu.memory_space<hbm>>) target_semaphore(%run_scoped3A : memref<!tpu.dma_semaphore, #tpu.memory_space<semaphore_mem>>)
          %dma_wait3A = arith.constant 0 : i32
          %dma_wait3A_35 = tpu.memref_slice %arg8[%add3A, %dma_wait3A] : memref<64x10000xf32, #tpu.memory_space<hbm>> -> memref<1x10000xf32, #tpu.memory_space<hbm>>
          %dma_wait3A_36 = tpu.memref_squeeze %dma_wait3A_35 : memref<1x10000xf32, #tpu.memory_space<hbm>> -> memref<10000xf32, #tpu.memory_space<hbm>>
          %dma_wait3A_37 = arith.constant 0 : i32
          %dma_wait3A_38 = tpu.memref_slice %arg8[%add3A, %dma_wait3A_37] : memref<64x10000xf32, #tpu.memory_space<hbm>> -> memref<1x10000xf32, #tpu.memory_space<hbm>>
          %dma_wait3A_39 = tpu.memref_squeeze %dma_wait3A_38 : memref<1x10000xf32, #tpu.memory_space<hbm>> -> memref<10000xf32, #tpu.memory_space<hbm>>
          tpu.wait_dma2 semaphore(%run_scoped3A : memref<!tpu.dma_semaphore, #tpu.memory_space<semaphore_mem>>) src(%arg10 : memref<10000xf32, #tpu.memory_space<vmem>>) dst(%dma_wait3A_39 : memref<10000xf32, #tpu.memory_space<hbm>>)
          tpu.yield
        }) : () -> ()
      } else {
      }
      %scan3A_28 = arith.constant 0 : i32
      scf.yield %scan3A_28 : i32
    }
    %scan3A_9 = arith.constant 8 : i32
    return
  }
}

module attributes {stable_mosaic.version = 14 : i64} {
  func.func @_readout_body(%arg0: i32, %arg1: memref<64x10000xf32, #tpu.memory_space<vmem>>, %arg2: memref<128x10000xf32, #tpu.memory_space<vmem>>, %arg3: memref<1x128xf32, #tpu.memory_space<vmem>>, %arg4: memref<64x128xf32, #tpu.memory_space<vmem>>) attributes {dimension_semantics = [#tpu.dimension_semantics<arbitrary>], iteration_bounds = array<i64: 16>, scalar_prefetch = 0 : i64, scratch_operands = 0 : i64, tpu.core_type = #tpu.core_type<tc>, window_params = [{pipeline_mode = #tpu.pipeline_mode<synchronous>, transform_indices = @transform_0, window_bounds = array<i64: 64, 10000>}, {transform_indices = @transform_1, window_bounds = array<i64: 128, 10000>}, {transform_indices = @transform_2, window_bounds = array<i64: 1, 128>}, {transform_indices = @transform_3, window_bounds = array<i64: 64, 128>}]} {
    %get3A = arith.constant 0 : index
    %get3A_0 = arith.constant 0 : index
    %get3A_1 = vector.load %arg1[%get3A, %get3A_0] : memref<64x10000xf32, #tpu.memory_space<vmem>>, vector<64x10000xf32>
    %get3A_2 = arith.constant 0 : index
    %get3A_3 = arith.constant 0 : index
    %get3A_4 = vector.load %arg2[%get3A_2, %get3A_3] : memref<128x10000xf32, #tpu.memory_space<vmem>>, vector<128x10000xf32>
    %dot_general3A = arith.constant dense<0.000000e+00> : vector<64x128xf32>
    %dot_general3A_5 = tpu.matmul %get3A_1, %get3A_4, %dot_general3A {dimension_numbers = #tpu.dot_dimension_numbers<[1], [1], [0], [0], [0, 0, 1, 0], [], []>, transpose_lhs_hint = false} : vector<64x10000xf32>, vector<128x10000xf32>, vector<64x128xf32> -> vector<64x128xf32>
    %get3A_6 = arith.constant 0 : index
    %get3A_7 = arith.constant 0 : index
    %get3A_8 = vector.load %arg3[%get3A_6, %get3A_7] : memref<1x128xf32, #tpu.memory_space<vmem>>, vector<1x128xf32>
    %add3A = vector.broadcast %get3A_8 : vector<1x128xf32> to vector<64x128xf32>
    %add3A_9 = arith.addf %dot_general3A_5, %add3A : vector<64x128xf32>
    %swap3A = arith.constant 0 : index
    %swap3A_10 = arith.constant 0 : index
    %swap3A_11 = vector.load %arg4[%swap3A, %swap3A_10] : memref<64x128xf32, #tpu.memory_space<vmem>>, vector<64x128xf32>
    tpu.vector_store %arg4[%swap3A, %swap3A_10], %add3A_9 {strides = array<i32>} : memref<64x128xf32, #tpu.memory_space<vmem>>, vector<64x128xf32>,
    return
  }
  func.func @transform_0(%arg0: i32) -> (i32, i32) {
    %c0_i32 = arith.constant 0 : i32
    %c0_i32_0 = arith.constant 0 : i32
    %c0_i32_1 = arith.constant 0 : i32
    return %c0_i32, %c0_i32_0 : i32, i32
  }
  func.func @transform_1(%arg0: i32) -> (i32, i32) {
    %c0_i32 = arith.constant 0 : i32
    %c0_i32_0 = arith.constant 0 : i32
    return %arg0, %c0_i32 : i32, i32
  }
  func.func @transform_2(%arg0: i32) -> (i32, i32) {
    %c0_i32 = arith.constant 0 : i32
    %c0_i32_0 = arith.constant 0 : i32
    return %c0_i32, %arg0 : i32, i32
  }
  func.func @transform_3(%arg0: i32) -> (i32, i32) {
    %c0_i32 = arith.constant 0 : i32
    %c0_i32_0 = arith.constant 0 : i32
    return %c0_i32, %arg0 : i32, i32
  }
}

</mosaic_0001>

<sc_bundles>
// kernel: kernel.4.cloned.1.call-start
scs
__scs_entry_jumppad:
0x0: {  	(pc) =	sbr.rel $0x88, $3  }
0x1: {  	(tag) =	ssettag $0x0;
	lr =	simm.s32 $0x1  }
0x2: {  	[smem:$0x3F99] =	sst lr;
	_ =	strace $0xD0000000  }
0x3: {  	_ = 	snop  }
0x4: {  	_ = 	snop  }
0x5: {  	_ = 	snop  }
0x6: {  	_ = 	snop  }
0x7: {  	_ = 	snop  }
__scs_overlays_trampoline_lowered:
0x8: {  	[smem:$0x3FA8] =	sst s0  }
0x9: {  	[smem:$0x3FA9] =	sst s1  }
0xa: {  	[smem:$0x3FAA] =	sst s2  }
0xb: {  	[smem:$0x3FAB] =	sst s3  }
0xc: {  	[smem:$0x3FAC] =	sst s4  }
0xd: {  	[smem:$0x3FAD] =	sst s5  }
0xe: {  	[smem:$0x3FAE] =	sst s6  }
0xf: {  	[smem:$0x3FAF] =	sst s7  }
0x10: {  	[smem:$0x3FB0] =	sst s8  }
0x11: {  	[smem:$0x3FB1] =	sst s9;
	s0 =	simm.s32 @!p0 $0x0  }
0x12: {  	s1 =	sld [smem:$0x3F97];
	s0 =	simm.s32 @p0 $0x1  }
0x13: {  	[smem:$0x3FB2] =	sst s0;
	s0 =	simm.s32 @!p1 $0x0  }
0x14: {  	s2 =	sld [smem:$0x3F96];
	s0 =	simm.s32 @p1 $0x1  }
0x15: {  	[smem:$0x3FB3] =	sst s0;
	s0 =	simm.s32 @!p2 $0x0  }
0x16: {  	s3 =	sld [smem:$0x3FDB];
	s0 =	simm.s32 @p2 $0x1  }
0x17: {  	s4 =	simm.s32 $0x1BF5;
	[smem:$0x3FB5] =	sst s0  }
0x18: {  	s0 =	sld [smem:$0x3F98];
	_ =	swait.ge [sflag:s4], $0x0  }
0x19: {  	s7 =	sld [smem:$0x3F99]  }
0x1a: {  	s8 =	sadd.s32 $0xFFFFE003, lr  }
0x1b: {  	s9 =	sadd.s32 $0xFFFFFEF7, lr;
	s5 =	simm.s32 $0xFFFFFFFF;
	p2 =	slt.u32 s8, $0xFFFFF086  }
0x1c: {  	p1 =	slt.u32 s9, $0xF7A;
	s5 =	simm.s32 @!p2 $0x0  }
0x1d: {  	s5 =	simm.s32 @p1 $0x1;
	p0 =	seq.s32 s7, s2  }
0x1e: {  	s7 =	smul.u32 @!p0 $0xF7A, s2;
	p2 =	seq.s32 @!p0 s5, $0x0  }
0x1f: {  	s9 =	smul.u32 $0xF7A, s1;
	s8 =	simm.s32 @!p0 $0x1BF5;
	p2 =	por !p2, p0  }
0x20: {  	[sflag:s8] =	ssyncset.s32 @!p0 $0xFFFFF086;
	s6 =	sadd.s32 @!p0 s3, s7;
	s7 =	simm.s32 @!p0 $0x108  }
0x21: {  	s3 =	sadd.s32 s3, s9;
	s6 =	sadd.s32 @!p0 $0x88, s6;
	s7 =	simm.s32 @p2 $0x1082  }
0x22: {  	[simem:s7], [sflag:s8] =	dma.local @!p0 [hbm:s6], $0xF7A  }
0x23: {  	s9 =	sor.u32 $0xD0000000, s2;
	s6 =	simm.s32 $0x108;
	_ =	swait.ge @!p0 [sflag:s8], $0x0  }
0x24: {  	s3 =	sadd.s32 $0x88, s3;
	s6 =	simm.s32 @!p1 $0x1082;
	[sflag:s4] =	ssyncset.s32 $0xFFFFF086  }
0x25: {  	[simem:s6], [sflag:s4] =	dma.local [hbm:s3], $0xF7A  }
0x26: {  	[smem:$0x3F99] =	sst s1;
	(tag) =	ssettag s2;
	_ =	strace s9  }
0x27: {  	s1 =	sld [smem:$0x3FA9]  }
0x28: {  	s2 =	sld [smem:$0x3FAA]  }
0x29: {  	s4 =	sld [smem:$0x3FAC]  }
0x2a: {  	p0 =	seq.s32 s5, $0x0;
	s5 =	sld [smem:$0x3FAD]  }
0x2b: {  	s6 =	sld [smem:$0x3FAE]  }
0x2c: {  	s7 =	sld [smem:$0x3FAF]  }
0x2d: {  	s3 =	simm.s32 $0x108;
	s8 =	sld [smem:$0x3FB0]  }
0x2e: {  	s3 =	simm.s32 @!p0 $0x1082;
	s9 =	sld [smem:$0x3FB1]  }
0x2f: {  	lr =	sadd.s32 s0, s3;
	s0 =	sld [smem:$0x3FA8]  }
0x30: {  	s3 =	sld [smem:$0x3FAB]  }
0x31: {  	[smem:$0x3FB4] =	sst s10  }
0x32: {  	s10 =	sld [smem:$0x3FB2];
	_ =	sdelay $0x3  }
0x33: {  	p0 =	seq.s32 s10, $0x1;
	s10 =	sld [smem:$0x3FB4];
	_ =	sdelay $0x3  }
0x34: {  	[smem:$0x3FB4] =	sst s10  }
0x35: {  	s10 =	sld [smem:$0x3FB3];
	_ =	sdelay $0x3  }
0x36: {  	p1 =	seq.s32 s10, $0x1;
	s10 =	sld [smem:$0x3FB4];
	_ =	sdelay $0x3  }
0x37: {  	[smem:$0x3FB4] =	sst s10  }
0x38: {  	s10 =	sld [smem:$0x3FB5]  }
0x39: {  	_ = 	snop;
	(pc) =	sbr.ind lr, $3  }
0x3a: {  	_ = 	snop  }
0x3b: {  	_ = 	snop  }
0x3c: {  	p2 =	seq.s32 s10, $0x1;
	s10 =	sld [smem:$0x3FB4]  }
0x3d: {  	_ =	shalt  }
0x3e: {  	_ =	shalt  }
0x3f: {  	_ =	shalt  }
0x40: {  	_ =	shalt  }
0x41: {  	_ =	shalt  }
0x42: {  	_ =	shalt  }
0x43: {  	_ =	shalt  }
0x44: {  	_ =	shalt  }
0x45: {  	_ =	shalt  }
0x46: {  	_ =	shalt  }
0x47: {  	_ =	shalt  }
0x48: {  	_ =	shalt  }
0x49: {  	_ =	shalt  }
0x4a: {  	_ =	shalt  }
0x4b: {  	_ =	shalt  }
0x4c: {  	_ =	shalt  }
0x4d: {  	_ =	shalt  }
0x4e: {  	_ =	shalt  }
0x4f: {  	_ =	shalt  }
0x50: {  	_ =	shalt  }
0x51: {  	_ =	shalt  }
0x52: {  	_ =	shalt  }
0x53: {  	_ =	shalt  }
0x54: {  	_ =	shalt  }
0x55: {  	_ =	shalt  }
0x56: {  	_ =	shalt  }
0x57: {  	_ =	shalt  }
0x58: {  	_ =	shalt  }
0x59: {  	_ =	shalt  }
0x5a: {  	_ =	shalt  }
0x5b: {  	_ =	shalt  }
0x5c: {  	_ =	shalt  }
0x5d: {  	_ =	shalt  }
0x5e: {  	_ =	shalt  }
0x5f: {  	_ =	shalt  }
0x60: {  	_ =	shalt  }
0x61: {  	_ =	shalt  }
0x62: {  	_ =	shalt  }
0x63: {  	_ =	shalt  }
0x64: {  	_ =	shalt  }
0x65: {  	_ =	shalt  }
0x66: {  	_ =	shalt  }
0x67: {  	_ =	shalt  }
0x68: {  	_ =	shalt  }
0x69: {  	_ =	shalt  }
0x6a: {  	_ =	shalt  }
0x6b: {  	_ =	shalt  }
0x6c: {  	_ =	shalt  }
0x6d: {  	_ =	shalt  }
0x6e: {  	_ =	shalt  }
0x6f: {  	_ =	shalt  }
0x70: {  	_ =	shalt  }
0x71: {  	_ =	shalt  }
0x72: {  	_ =	shalt  }
0x73: {  	_ =	shalt  }
0x74: {  	_ =	shalt  }
0x75: {  	_ =	shalt  }
0x76: {  	_ =	shalt  }
0x77: {  	_ =	shalt  }
0x78: {  	_ =	shalt  }
0x79: {  	_ =	shalt  }
0x7a: {  	_ =	shalt  }
0x7b: {  	_ =	shalt  }
0x7c: {  	_ =	shalt  }
0x7d: {  	_ =	shalt  }
0x7e: {  	_ =	shalt  }
0x7f: {  	_ =	shalt  }
0x80: {  	_ =	shalt  }
0x81: {  	_ =	shalt  }
0x82: {  	_ =	shalt  }
0x83: {  	_ =	shalt  }
0x84: {  	_ =	shalt  }
0x85: {  	_ =	shalt  }
0x86: {  	_ =	shalt  }
0x87: {  	_ =	shalt  }
.Lfunc_end0:
.L_simem_size_0:
called_computation_lowered:
.L_overlay_start_0:
0x88: {  	s2 =	sld [smem:$0x3FD9]  }
0x89: {  	s3 =	sld [smem:$0x3FFE];
	_ =	sdelay $0x1  }
0x8a: {  	s1 =	srdreg.scid  }
0x8b: {  	s0 =	sand.u32 $0x1, s1  }
0x8c: {  	s14 =	sshll.u32 s0, $0xA;
	s2 =	sadd.s32 s3, s2  }
0x8d: {  	s2 =	sadd.s32 s2, s14  }
0x8e: {  	[smem:$0x3FC0] =	sst s2  }
0x8f: {  	_ = 	snop  }
0x90: {  	s2 =	sld [smem:$0x3FD0];
	_ =	sdelay $0x1  }
0x91: {  	s15 =	sld [smem:$0x3FC7]  }
0x92: {  	s5 =	simm.s32 $0xA;
	s6 =	simm.s32 $0x10;
	s4 =	sld [smem:$0x3FC6]  }
0x93: {  	[smem:s6], [sflag:s5] =	dma.local [hbm:s2], $0x1  }
0x94: {  	_ =	swait.eq [sflag:s5], $0x1  }
0x95: {  	[sflag:s5] =	ssyncset.done $0x0  }
0x96: {  	s16 =	sld [smem:$0x10];
	[sflag:s5] =	ssyncadd.s32 $0xFFFFFFFF  }
0x97: {  	s17 =	sld [smem:$0x11];
	(tm) =	ssettm $0x1  }
0x98: {  	s18 =	sld [smem:$0x3FFB];
	_ =	sdelay $0x3  }
0x99: {  	_ =	strace s18  }
0x9a: {  	s6 =	sld [smem:$0x3FFC];
	_ =	sdelay $0x3  }
0x9b: {  	_ =	strace s6  }
0x9c: {  	s6 =	sld [smem:$0x3FFD];
	_ =	sdelay $0x3  }
0x9d: {  	_ =	strace s6  }
0x9e: {  	_ =	strace $0x8FFFFFFF  }
0x9f: {  	s19 =	sld [smem:$0x3FDB];
	_ =	sdelay $0x1  }
0xa0: {  	s7 =	simm.s32 $_scs_section_size  }
0xa1: {  	s8 =	simm.s32 $_size__tile_overlayer_lowered;
	s9 =	simm.s32 $_tile_overlayer_lowered  }
0xa2: {  	s22 =	simm.s32 $0x1BFF;
	s21 =	sshll.u32 s9, $0x1;
	s6 =	sadd.s32 s7, s19  }
0xa3: {  	s10 =	simm.s32 $0x0;
	s20 =	sshll.u32 s8, $0x1;
	s8 =	sadd.s32 s21, s6  }
0xa4: {  	[timem:s10], [sflag:s22] =	dma.local [hbm:s8], s20  }
0xa5: {  	_ =	swait.ge [sflag:s22], s20  }
0xa6: {  	s7 =	ssub.s32 $0x0, s20;
	[sflag:s22] =	ssyncset.done $0x0  }
0xa7: {  	[sflag:s22] =	ssyncadd.s32 s7;
	_ =	sdelay $0x1  }
0xa8: {  	s23 =	simm.s32 $0x1B8B  }
0xa9: {  	_ =	swait.ge [sflag:s23], $0x1  }
0xaa: {  	[sflag:s23] =	ssyncset.done $0x0  }
0xab: {  	s25 =	simm.s32 $0x1B8E;
	s24 =	sld [smem:$0x3FFE];
	[sflag:s23] =	ssyncadd.s32 $0xFFFFFFFF  }
0xac: {  	s26 =	simm.s32 $execute0_lowered;
	[smem:$0x3FD2] =	sst s25  }
0xad: {  	s8 =	sshll.u32 s26, $0x1;
	_ =	strace $0x80000046;
	[dreg:$0x1] =	wrdreg $0xFFFFFFFF  }
0xae: {  	s28 =	simm.s32 $_size_execute0_lowered;
	s6 =	sadd.s32 s6, s8;
	[dreg:$0x0] =	wrdreg $0x0  }
0xaf: {  	s8 =	sshll.u32 s28, $0x1;
	[dreg:$0x2] =	wrdreg s6  }
0xb0: {  	[dreg:$0x3] =	wrdreg s8  }
0xb1: {  	[dreg:$0x4] =	wrdreg $0xC0  }
0xb2: {  	_ =	task [dreg:s10], $0x5FFFF  }
0xb3: {  	[dreg:$0x1] =	wrdreg $0xFFFFFFFF  }
0xb4: {  	[dreg:$0x0] =	wrdreg $0x60  }
0xb5: {  	[dreg:$0x2] =	wrdreg s24  }
0xb6: {  	[dreg:$0x3] =	wrdreg s4  }
0xb7: {  	[dreg:$0x4] =	wrdreg s15  }
0xb8: {  	[dreg:$0x5] =	wrdreg s16  }
0xb9: {  	[dreg:$0x6] =	wrdreg s17  }
0xba: {  	[dreg:$0x7] =	wrdreg $0x1C6100  }
0xbb: {  	[dreg:$0x8] =	wrdreg $0x19F000  }
0xbc: {  	[dreg:$0x9] =	wrdreg $0x9  }
0xbd: {  	_ =	task.clear_ibuf [dreg:s10], $0xAFFFF;
	_ =	strace $0x90000046  }
0xbe: {  	s29 =	simm.s32 $0x9;
	_ =	strace $0x80000048  }
0xbf: {  	_ =	swait.ge [sflag:s29], $0x1  }
0xc0: {  	[sflag:s29] =	ssyncadd.s32 $0xFFFFFFFF  }
0xc1: {  	_ =	strace $0x90000048  }
0xc2: {  	_ =	sfence  }
0xc3: {  	s30 =	sld [smem:$0x0];
	_ =	sdelay $0x2  }
0xc4: {  	s31 =	sshll.u32 s1, $0xD;
	s1 =	sshrl.u32 s1, $0x2  }
0xc5: {  	s3 =	sand.u32 $0x4000, s31;
	s1 =	sadd.s32 s1, s30  }
0xc6: {  	s0 =	sor.u32 s3, s0;
	s1 =	sshll.u32 s1, $0x11  }
0xc7: {  	s0 =	sor.u32 s1, s0  }
0xc8: {  	s0 =	sadd.s32 $0x8F2B, s0  }
0xc9: {  	[sflag:s0] =	ssyncadd.remote.s32 $0x1  }
0xca: {  	_ =	sfence.sel $0xFFFF  }
0xcb: {  	[dreg:$0x0] =	wrdreg $0xFFFFFFFF;
	(pc) =	sbr.abs _section_cstart, $3  }
0xcc: {  	[dreg:$0x1] =	wrdreg $0xFFFFFFFF  }
0xcd: {  	_ =	task.clear_ibuf [dreg:s10], $0x2FFFF;
	_ =	strace $0x9FFFFFFF  }
0xce: {  	(tm) =	ssettm $0x7FFFFFFF  }
0xcf: {  	_ =	shalt  }
tec
execute0_lowered:
.L_overlay_start_1:
0x0: {  	(tag) =	ssettag $0x1  }
0x1: {  	s0 =	rddreg [dreg:$0x0]  }
0x2: {  	s1 =	rddreg [dreg:$0x1]  }
0x3: {  	s2 =	rddreg [dreg:$0x2]  }
0x4: {  	s4 =	rddreg [dreg:$0x4]  }
0x5: {  	s5 =	rddreg [dreg:$0x5]  }
0x6: {  	s3 =	rddreg [dreg:$0x6];
	s7 =	simm.s32 $0x0;
	s19 =	stileid.u32  }
0x7: {  	s8 =	srdreg.scid;
	s29 =	simm.s32 $0xC350;
	s30 =	simm.s32 $0xCB20  }
0x8: {  	s31 =	simm.s32 $0x3;
	[smem:$0x7FF] =	sst s7;
	s6 =	smul.u32 $0x2710, s19  }
0x9: {  	s9 =	sand.u32 $0x1, s8;
	s8 =	sadd.s32 $0x19200, s0;
	s13 =	sadd.s32 $0x800, s0  }
0xa: {  	_ =	strace $0x80000047;
	s11 =	ssub.s32 $0x2, s9;
	[dreg:$0x8] =	wrdreg s13  }
0xb: {  	s13 =	sshrl.u32 s19, $0x3;
	p0 =	sne.s32 s9, $0x0;
	s10 =	sshrl.u32 s6, $0x3  }
0xc: {  	s23 =	sshrl.u32 s11, $0x1;
	s25 =	smul.u32 $0x4E200, s13;
	s14 =	sxor.u32 $0x1, s13  }
0xd: {  	s15 =	sadd.s32 $0x7D0, s6;
	s9 =	sor.u32 s9, s13;
	s28 =	smul.u32 $0x14, s13  }
0xe: {  	s12 =	sadd.s32 s10, s0;
	s0 =	sadd.s32 $0x1E200, s0;
	s10 =	sadd.s32 s4, s10  }
0xf: {  	s14 =	smul.u32 $0x4E200, s14;
	s16 =	sshrl.u32 s15, $0x3;
	s20 =	sadd.s32 s15, s5  }
0x10: {  	p1 =	sne.s32 s9, $0x0;
	[dreg:$0x9] =	wrdreg s0;
	s0 =	ssub.s32 s11, s23  }
0x11: {  	s11 =	sand.u32 $0x7, s19;
	s12 =	sadd.s32 $0x14200, s12;
	[dreg:$0xb] =	wrdreg s10  }
0x12: {  	s23 =	sadd.s32 s6, s5;
	s10 =	sshrl.u32 s25, $0x2;
	[dreg:$0xf] =	wrdreg s20  }
0x13: {  	s16 =	sadd.s32 s4, s16;
	[dreg:$0xa] =	wrdreg s12;
	s24 =	smul.u32 $0x2710, s11  }
0x14: {  	s17 =	smul.u32 $0x9C40, s11;
	[dreg:$0xc] =	wrdreg s16;
	s15 =	sshll.u32 s11, $0x3  }
0x15: {  	s14 =	sshrl.u32 s14, $0x2;
	s0 =	smax.u32 s0, $0x1;
	[dreg:$0x16] =	wrdreg s15  }
0x16: {  	s10 =	sadd.s32 s10, s3;
	s3 =	sadd.s32 s14, s3;
	[dreg:$0x1f] =	wrdreg s0  }
0x17: {  	s15 =	simm.s32 $0xBB80;
	s26 =	sadd.s32 s24, s10;
	s16 =	sshrl.u32 s17, $0x2  }
0x18: {  	s12 =	sadd.s32 s24, s3;
	s17 =	sadd.s32 $0xFA0, s6;
	[dreg:$0xd] =	wrdreg s26  }
0x19: {  	s24 =	sadd.s32 $0x1770, s6;
	s6 =	sadd.s32 $0x1F40, s6;
	[dreg:$0xe] =	wrdreg s12  }
0x1a: {  	s18 =	sadd.s32 s16, s10;
	s21 =	sadd.s32 s16, s3;
	s3 =	sadd.s32 s17, s5  }
0x1b: {  	s22 =	sshrl.u32 s17, $0x3;
	s12 =	sadd.s32 s6, s5;
	[dreg:$0x11] =	wrdreg s3  }
0x1c: {  	s25 =	sshrl.u32 s24, $0x3;
	s26 =	smul.u32 $0x9C40, s19;
	[dreg:$0x15] =	wrdreg s12  }
0x1d: {  	s16 =	smul.u32 $0x2710, s13;
	s9 =	sadd.s32 s4, s22;
	[dreg:$0x1b] =	wrdreg s21  }
0x1e: {  	s10 =	simm.s32 $0x2710;
	s3 =	sadd.s32 s24, s5;
	[dreg:$0x10] =	wrdreg s9  }
0x1f: {  	s12 =	simm.s32 $0xB3B0;
	s9 =	sadd.s32 s4, s25;
	[dreg:$0x13] =	wrdreg s3  }
0x20: {  	s14 =	sshrl.u32 s26, $0x2;
	s22 =	sadd.s32 s4, s16;
	[dreg:$0x12] =	wrdreg s9  }
0x21: {  	s25 =	sadd.s32 s1, s16;
	s9 =	sshrl.u32 s6, $0x3;
	[dreg:$0x1c] =	wrdreg s22  }
0x22: {  	s24 =	sadd.s32 s8, s16;
	[dreg:$0x1d] =	wrdreg s25;
	s3 =	sadd.s32 s4, s9  }
0x23: {  	s26 =	sadd.s32 s2, s16;
	[dreg:$0x14] =	wrdreg s3;
	s3 =	sadd.s32 s14, s5  }
0x24: {  	s16 =	simm.s32 $0x2;
	[dreg:$0x1e] =	wrdreg s26;
	s17 =	sadd.s32 $0x7D0, s3  }
.Ltmp0:
0x25: {  	s19 =	sadd.s32 $0xFA0, s3;
	[dreg:$0x17] =	wrdreg s17;
	(pc) =	sbr.rel .LBB2_1-.Ltmp0, $4  }
0x26: {  	s22 =	simm.s32 $0x5;
	s20 =	sadd.s32 $0x1770, s3;
	[dreg:$0x18] =	wrdreg s19  }
0x27: {  	s25 =	simm.s32 $0x84D0;
	s3 =	sadd.s32 $0x1F40, s3;
	[dreg:$0x19] =	wrdreg s20  }
0x28: {  	s26 =	simm.s32 $0x7D;
	s9 =	simm.s32 $0x4E20;
	[dreg:$0x1a] =	wrdreg s3  }
0x29: {  	v53 =	vimm.f32 $0.0e+00;
	s19 =	simm.s32 $0xA410;
	s20 =	simm.s32 $0x1;
	s3 =	simm.s32 $0x0  }
.LBB2_51:
0x2a: {  	s3 =	sld [smem:$0x7FD];
	_ =	sdelay $0x2  }
0x2b: {  	s0 =	rddreg [dreg:$0x1f];
	s3 =	sadd.s32 $0x1, s3  }
0x2c: {  	p2 =	sne.s32 s3, s0  }
.Ltmp1:
0x2d: {  	_ = 	snop;
	(pc) =	sbr.rel @!p2 .LBB2_52-.Ltmp1, $1  }
0x2e: {  	_ =	sdelay $0x3  }
.LBB2_1:
.Ltmp2:
0x2f: {  	(pc) =	sbr.rel @p0 .LBB2_7-.Ltmp2, $2  }
0x30: {  	_ =	sdelay $0x2  }
0x31: {  	[smem:$0x7FD] =	sst s3  }
0x32: {  	s0 =	rddreg [dreg:$0x3];
	s3 =	simm.s32 $0xD2F0;
	s17 =	simm.s32 $0x4  }
0x33: {  	[tilespmem:s3], [sflag:$0x4] =	stream.linear.gather [hbm4b:s0+s7], $0x2800, $0x38;
	[tilespmem:$0x1ED20] =	vst v63  }
0x34: {  	_ =	swait.ge [sflag:s17], $0x2800  }
0x35: {  	[sflag:s17] =	ssyncset.done $0x0  }
0x36: {  	s6 =	simm.s32 $0x17020;
	s21 =	rddreg [dreg:$0xa];
	[sflag:s17] =	ssyncadd.s32 $0xFFFFD800  }
0x37: {  	[tilespmem:s6], [sflag:$0x4] =	stream.linear.gather [hbm4b:s21+s7], $0x2710, $0x38;
	[tilespmem:$0x1ED20] =	vst v63  }
0x38: {  	_ =	swait.ge [sflag:s17], $0x2710  }
0x39: {  	[sflag:s17] =	ssyncset.done $0x0  }
0x3a: {  	s3 =	simm.s32 $0x19750;
	[sflag:s17] =	ssyncadd.s32 $0xFFFFD8F0  }
0x3b: {  	[tilespmem:s3+$0xFFFFFFE0] =	vst v53  }
0x3c: {  	[tilespmem:s3+$0x20] =	vst v53  }
0x3d: {  	[tilespmem:s3+$0x10] =	vst v53  }
0x3e: {  	s11 =	simm.s32 $0x0;
	[tilespmem:s3+$0x0] =	vst v53  }
.LBB2_3:
0x3f: {  	s11 =	sadd.s32 $0x5, s11  }
0x40: {  	[tilespmem:s3+$0xFFFFFFF0] =	vst v53;
	s3 =	sadd.s32 $0x50, s3;
	s0 =	simm.s32 $0x14930;
	p2 =	slt.u32 s11, $0x78  }
.Ltmp3:
0x41: {  	[tilespmem:s3+$0xFFFFFFE0] =	vst v53;
	(pc) =	sbr.rel @p2 .LBB2_3-.Ltmp3, $4  }
0x42: {  	_ = 	snop  }
0x43: {  	[tilespmem:s3+$0x20] =	vst v53  }
0x44: {  	[tilespmem:s3+$0x10] =	vst v53  }
0x45: {  	[tilespmem:s3+$0x0] =	vst v53  }
0x46: {  	[tilespmem:s3+$0xFFFFFFF0] =	vst v53  }
0x47: {  	[tilespmem:s0+$0xFFFFFFE0] =	vst v53  }
0x48: {  	[tilespmem:s0+$0x20] =	vst v53  }
0x49: {  	[tilespmem:s0+$0x10] =	vst v53  }
0x4a: {  	s3 =	simm.s32 $0x0;
	[tilespmem:s0+$0x0] =	vst v53  }
.LBB2_5:
0x4b: {  	s3 =	sadd.s32 $0x5, s3  }
0x4c: {  	[tilespmem:s0+$0xFFFFFFF0] =	vst v53;
	s0 =	sadd.s32 $0x50, s0;
	p2 =	slt.u32 s3, $0x26C  }
.Ltmp4:
0x4d: {  	[tilespmem:s0+$0xFFFFFFE0] =	vst v53;
	(pc) =	sbr.rel @p2 .LBB2_5-.Ltmp4, $4  }
0x4e: {  	_ = 	snop  }
0x4f: {  	[tilespmem:s0+$0x20] =	vst v53  }
0x50: {  	[tilespmem:s0+$0x10] =	vst v53  }
0x51: {  	[tilespmem:s0+$0x0] =	vst v53  }
0x52: {  	[tilespmem:s0+$0xFFFFFFF0] =	vst v53  }
0x53: {  	s6 =	simm.s32 $0x19730;
	s3 =	simm.s32 $0x4;
	s0 =	rddreg [dreg:$0xb]  }
0x54: {  	[hbm4b:s0+s7] =	stream.linear.scatter [tilespmem:s6], [sflag:$0x4], $0x7D0, $0x38;
	[tilespmem:$0x1ED20] =	vst v63  }
0x55: {  	_ =	swait.ge [sflag:s3], $0x7D0  }
0x56: {  	[sflag:s3] =	ssyncset.done $0x0  }
0x57: {  	[sflag:s3] =	ssyncadd.s32 $0xFFFFF830  }
0x58: {  	[spmem:s23] =	stream.linear.scatter [tilespmem:s6], [sflag:$0x4], $0x7D0, $0x38;
	[tilespmem:$0x1ED20] =	vst v63  }
0x59: {  	_ =	swait.ge [sflag:s3], $0x7D0  }
0x5a: {  	[sflag:s3] =	ssyncset.done $0x0  }
0x5b: {  	s14 =	rddreg [dreg:$0xc];
	[sflag:s3] =	ssyncadd.s32 $0xFFFFF830  }
0x5c: {  	[hbm4b:s14+s7] =	stream.linear.scatter [tilespmem:s6], [sflag:$0x4], $0x7D0, $0x38;
	[tilespmem:$0x1ED20] =	vst v63  }
0x5d: {  	_ =	swait.ge [sflag:s3], $0x7D0  }
0x5e: {  	[sflag:s3] =	ssyncset.done $0x0  }
0x5f: {  	s17 =	rddreg [dreg:$0xf];
	[sflag:s3] =	ssyncadd.s32 $0xFFFFF830  }
0x60: {  	[spmem:s17] =	stream.linear.scatter [tilespmem:s6], [sflag:$0x4], $0x7D0, $0x38;
	[tilespmem:$0x1ED20] =	vst v63  }
0x61: {  	_ =	swait.ge [sflag:s3], $0x7D0  }
0x62: {  	[sflag:s3] =	ssyncset.done $0x0  }
0x63: {  	s21 =	rddreg [dreg:$0x10];
	[sflag:s3] =	ssyncadd.s32 $0xFFFFF830  }
0x64: {  	[hbm4b:s21+s7] =	stream.linear.scatter [tilespmem:s6], [sflag:$0x4], $0x7D0, $0x38;
	[tilespmem:$0x1ED20] =	vst v63  }
0x65: {  	_ =	swait.ge [sflag:s3], $0x7D0  }
0x66: {  	[sflag:s3] =	ssyncset.done $0x0  }
0x67: {  	s11 =	rddreg [dreg:$0x11];
	[sflag:s3] =	ssyncadd.s32 $0xFFFFF830  }
0x68: {  	[spmem:s11] =	stream.linear.scatter [tilespmem:s6], [sflag:$0x4], $0x7D0, $0x38;
	[tilespmem:$0x1ED20] =	vst v63  }
0x69: {  	_ =	swait.ge [sflag:s3], $0x7D0  }
0x6a: {  	[sflag:s3] =	ssyncset.done $0x0  }
0x6b: {  	s13 =	rddreg [dreg:$0x12];
	[sflag:s3] =	ssyncadd.s32 $0xFFFFF830  }
0x6c: {  	[hbm4b:s13+s7] =	stream.linear.scatter [tilespmem:s6], [sflag:$0x4], $0x7D0, $0x38;
	[tilespmem:$0x1ED20] =	vst v63  }
0x6d: {  	_ =	swait.ge [sflag:s3], $0x7D0  }
0x6e: {  	[sflag:s3] =	ssyncset.done $0x0  }
0x6f: {  	s14 =	rddreg [dreg:$0x13];
	[sflag:s3] =	ssyncadd.s32 $0xFFFFF830  }
0x70: {  	[spmem:s14] =	stream.linear.scatter [tilespmem:s6], [sflag:$0x4], $0x7D0, $0x38;
	[tilespmem:$0x1ED20] =	vst v63  }
0x71: {  	_ =	swait.ge [sflag:s3], $0x7D0  }
0x72: {  	[sflag:s3] =	ssyncset.done $0x0  }
0x73: {  	s17 =	rddreg [dreg:$0x14];
	[sflag:s3] =	ssyncadd.s32 $0xFFFFF830  }
0x74: {  	[hbm4b:s17+s7] =	stream.linear.scatter [tilespmem:s6], [sflag:$0x4], $0x7D0, $0x38;
	[tilespmem:$0x1ED20] =	vst v63  }
0x75: {  	_ =	swait.ge [sflag:s3], $0x7D0  }
0x76: {  	[sflag:s3] =	ssyncset.done $0x0  }
0x77: {  	s21 =	rddreg [dreg:$0x15];
	[sflag:s3] =	ssyncadd.s32 $0xFFFFF830  }
0x78: {  	[spmem:s21] =	stream.linear.scatter [tilespmem:s6], [sflag:$0x4], $0x7D0, $0x38;
	[tilespmem:$0x1ED20] =	vst v63  }
0x79: {  	_ =	swait.ge [sflag:s3], $0x7D0  }
0x7a: {  	[sflag:s3] =	ssyncset.done $0x0  }
0x7b: {  	[sflag:s3] =	ssyncadd.s32 $0xFFFFF830  }
.LBB2_7:
.Ltmp5:
0x7c: {  	(pc) =	sbr.rel .LBB2_8-.Ltmp5, $3  }
0x7d: {  	_ =	sdelay $0x1  }
0x7e: {  	[bflag:$0x0] =	sbarrier.arrive $0xFFFF;
	s0 =	simm.s32 $0x0  }
0x7f: {  	[smem:$0x7FC] =	sst s0  }
.LBB2_50:
0x80: {  	s6 =	sld [smem:$0x7FC];
	_ =	sdelay $0x1  }
0x81: {  	s0 =	rddreg [dreg:$0x16]  }
0x82: {  	s0 =	sadd.s32 @!p1 s0, s6  }
0x83: {  	s0 =	smul.u32 @!p1 $0x4E2, s0  }
0x84: {  	s3 =	rddreg [dreg:$0x9];
	s6 =	sadd.s32 $0x1, s6  }
0x85: {  	p2 =	sne.s32 s6, $0x8;
	s0 =	sadd.s32 @!p1 s3, s0;
	s3 =	simm.s32 @!p1 $0x0  }
0x86: {  	[hbm4b:s0+s3] =	stream.linear.scatter @!p1 [tilespmem:s3], [sflag:$0x4], $0x2710, $0x38;
	[tilespmem:$0x1ED20] =	vst v63  }
.Ltmp6:
0x87: {  	_ = 	snop;
	(pc) =	sbr.rel @!p2 .LBB2_51-.Ltmp6, $4  }
0x88: {  	s0 =	simm.s32 @!p1 $0x4  }
0x89: {  	_ =	swait.ge @!p1 [sflag:s0], $0x2710  }
0x8a: {  	[sflag:s0] =	ssyncset.done @!p1 $0x0  }
0x8b: {  	[smem:$0x7FC] =	sst s6;
	[sflag:s0] =	ssyncadd.s32 @!p1 $0xFFFFD8F0  }
.LBB2_8:
.Ltmp7:
0x8c: {  	(pc) =	sbr.rel @p0 .LBB2_12-.Ltmp7, $1  }
0x8d: {  	_ =	sdelay $0x3  }
0x8e: {  	s3 =	sld [smem:$0x7FC];
	_ =	sdelay $0x1  }
0x8f: {  	s0 =	rddreg [dreg:$0x16]  }
0x90: {  	s0 =	sadd.s32 s0, s3  }
0x91: {  	s0 =	smul.u32 $0x4E2, s0  }
0x92: {  	s21 =	rddreg [dreg:$0x8]  }
0x93: {  	s0 =	sadd.s32 s21, s0  }
0x94: {  	[tilespmem:s7], [sflag:$0x5] =	stream.linear.gather [hbm4b:s0+s7], $0x2710, $0x38;
	[tilespmem:$0x1ED20] =	vst v63  }
0x95: {  	_ =	swait.ge [sflag:s22], $0x2710  }
0x96: {  	[sflag:s22] =	ssyncset.done $0x0  }
0x97: {  	s0 =	simm.s32 $0x2730;
	[sflag:s22] =	ssyncadd.s32 $0xFFFFD8F0  }
0x98: {  	[tilespmem:s0+$0xFFFFFFE0] =	vst v53  }
0x99: {  	[tilespmem:s0+$0x20] =	vst v53  }
0x9a: {  	[tilespmem:s0+$0x10] =	vst v53  }
0x9b: {  	s3 =	simm.s32 $0x0;
	[tilespmem:s0+$0x0] =	vst v53  }
.LBB2_10:
0x9c: {  	s3 =	sadd.s32 $0x5, s3  }
0x9d: {  	[tilespmem:s0+$0xFFFFFFF0] =	vst v53;
	s0 =	sadd.s32 $0x50, s0;
	p2 =	slt.u32 s3, $0x26C  }
.Ltmp8:
0x9e: {  	[tilespmem:s0+$0xFFFFFFE0] =	vst v53;
	(pc) =	sbr.rel @p2 .LBB2_10-.Ltmp8, $4  }
0x9f: {  	_ = 	snop  }
0xa0: {  	[tilespmem:s0+$0x20] =	vst v53  }
0xa1: {  	[tilespmem:s0+$0x10] =	vst v53  }
0xa2: {  	[tilespmem:s0+$0x0] =	vst v53  }
0xa3: {  	[tilespmem:s0+$0xFFFFFFF0] =	vst v53  }
.LBB2_12:
.Ltmp9:
0xa4: {  	(pc) =	sbr.rel .LBB2_13-.Ltmp9, $2  }
0xa5: {  	_ =	sdelay $0x2  }
0xa6: {  	s3 =	simm.s32 $0x0  }
.LBB2_53:
0xa7: {  	[bflag:$0x0] =	sbarrier.arrive $0xFFFF  }
0xa8: {  	[bflag:$0x0] =	sbarrier.arrive $0xFFFF  }
0xa9: {  	[bflag:$0x0] =	sbarrier.arrive $0xFFFF  }
0xaa: {  	[bflag:$0x0] =	sbarrier.arrive $0xFFFF  }
0xab: {  	[bflag:$0x0] =	sbarrier.arrive $0xFFFF  }
0xac: {  	[bflag:$0x0] =	sbarrier.arrive $0xFFFF  }
.LBB2_49:
0xad: {  	s3 =	sadd.s32 $0x1, s3  }
0xae: {  	p2 =	sne.s32 s3, $0x3  }
.Ltmp10:
0xaf: {  	_ = 	snop;
	(pc) =	sbr.rel @!p2 .LBB2_50-.Ltmp10, $1  }
0xb0: {  	_ =	sdelay $0x3  }
.LBB2_13:
.Ltmp11:
0xb1: {  	(pc) =	sbr.rel @p0 .LBB2_53-.Ltmp11, $1  }
0xb2: {  	_ =	sdelay $0x3  }
0xb3: {  	s0 =	simm.s32 $0x4E40  }
0xb4: {  	[tilespmem:s0+$0xFFFFFFE0] =	vst v53  }
0xb5: {  	[tilespmem:s0+$0x20] =	vst v53  }
0xb6: {  	[tilespmem:s0+$0x10] =	vst v53  }
0xb7: {  	s21 =	smov.u32 s18;
	s18 =	smov.u32 s23;
	s11 =	simm.s32 $0x0;
	[tilespmem:s0+$0x0] =	vst v53  }
.LBB2_15:
0xb8: {  	s11 =	sadd.s32 $0x5, s11  }
0xb9: {  	[tilespmem:s0+$0xFFFFFFF0] =	vst v53;
	s0 =	sadd.s32 $0x50, s0;
	p2 =	slt.u32 s11, $0x26C  }
.Ltmp12:
0xba: {  	[tilespmem:s0+$0xFFFFFFE0] =	vst v53;
	(pc) =	sbr.rel @p2 .LBB2_15-.Ltmp12, $4  }
0xbb: {  	_ = 	snop  }
0xbc: {  	[tilespmem:s0+$0x20] =	vst v53  }
0xbd: {  	[tilespmem:s0+$0x10] =	vst v53  }
0xbe: {  	[tilespmem:s0+$0x0] =	vst v53  }
0xbf: {  	[tilespmem:s0+$0xFFFFFFF0] =	vst v53;
	s11 =	simm.s32 $0x0;
	s23 =	simm.s32 $0x7530  }
0xc0: {  	[tilespmem:s23], [sflag:$0x1] =	stream.linear.gather [hbm4b:s24+s11], $0xFA0, $0x38;
	[tilespmem:$0x1ED20] =	vst v63  }
0xc1: {  	s6 =	smov.u32 s24;
	s13 =	simm.s32 $0x9470;
	s24 =	rddreg [dreg:$0x1c]  }
0xc2: {  	[tilespmem:s13], [sflag:$0x1] =	stream.linear.gather [hbm4b:s24+s11], $0xFA0, $0x38;
	[tilespmem:$0x1ED20] =	vst v63  }
.LBB2_17:
0xc3: {  	s0 =	sshll.u32 s11, $0x1  }
0xc4: {  	s23 =	sadd.s32 s28, s0  }
0xc5: {  	s14 =	sor.u32 $0x1, s23  }
0xc6: {  	s24 =	smul.u32 $0x1F4, s14;
	_ =	sdelay $0x1  }
0xc7: {  	s13 =	sadd.s32 s8, s24  }
0xc8: {  	[tilespmem:s25], [sflag:$0x2] =	stream.linear.gather [hbm4b:s13+s7], $0xFA0, $0x38;
	[tilespmem:$0x1ED20] =	vst v63  }
0xc9: {  	s0 =	sadd.s32 s4, s24  }
0xca: {  	[tilespmem:s19], [sflag:$0x2] =	stream.linear.gather [hbm4b:s0+s7], $0xFA0, $0x38;
	[tilespmem:$0x1ED20] =	vst v63  }
0xcb: {  	_ =	swait.ge [sflag:s20], $0xFA0  }
0xcc: {  	[sflag:s20] =	ssyncset.done $0x0  }
0xcd: {  	[sflag:s20] =	ssyncadd.s32 $0xFFFFF060  }
0xce: {  	_ =	swait.ge [sflag:s20], $0xFA0  }
0xcf: {  	p2 =	seq.s32 s11, $0x0;
	[sflag:s20] =	ssyncset.done $0x0  }
0xd0: {  	s0 =	simm.s32 @!p2 $0x3;
	[sflag:s20] =	ssyncadd.s32 $0xFFFFF060  }
0xd1: {  	_ =	swait.ge @!p2 [sflag:s0], $0x7D0  }
0xd2: {  	[sflag:s0] =	ssyncset.done @!p2 $0x0  }
0xd3: {  	[sflag:s0] =	ssyncadd.s32 @!p2 $0xFFFFF830  }
0xd4: {  	_ =	swait.ge @!p2 [sflag:s0], $0x7D0  }
0xd5: {  	[sflag:s0] =	ssyncset.done @!p2 $0x0  }
0xd6: {  	s17 =	simm.s32 $0x75F0;
	[sflag:s0] =	ssyncadd.s32 @!p2 $0xFFFFF830  }
0xd7: {  	v2 =	vld [tilespmem:s17+$0xC0];
	_ =	sdelay $0x1  }
0xd8: {  	v4 =	vld [tilespmem:s17+$0xFFFFFF50]  }
0xd9: {  	v7 =	vld [tilespmem:s17+$0xFFFFFF60]  }
0xda: {  	v19 =	vld [tilespmem:s17+$0xFFFFFF70]  }
0xdb: {  	v20 =	vld [tilespmem:s17+$0xFFFFFF80];
	v0 =	vshrl.u32 v2, $0xE  }
0xdc: {  	v24 =	vld [tilespmem:s17+$0xFFFFFF90];
	[tilespmem:$0x1FFE0] =	vst v0  }
0xdd: {  	v25 =	vld [tilespmem:s17+$0xFFFFFFA0]  }
0xde: {  	v30 =	vld [tilespmem:s17+$0xFFFFFFB0]  }
0xdf: {  	v31 =	vld [tilespmem:s17+$0xFFFFFFC0]  }
0xe0: {  	s24 =	simm.s32 $0x9530;
	v32 =	vld [tilespmem:s17+$0xFFFFFFD0]  }
0xe1: {  	v6 =	vld [tilespmem:s24+$0xC0]  }
0xe2: {  	v33 =	vld [tilespmem:s17+$0xFFFFFFE0]  }
0xe3: {  	v34 =	vld [tilespmem:s17+$0xFFFFFFF0]  }
0xe4: {  	v35 =	vld [tilespmem:s17+$0x0]  }
0xe5: {  	v36 =	vld [tilespmem:s17+$0x10]  }
0xe6: {  	v37 =	vld [tilespmem:s17+$0x20]  }
0xe7: {  	v38 =	vld [tilespmem:s17+$0x30]  }
0xe8: {  	v39 =	vld [tilespmem:s17+$0x40]  }
0xe9: {  	v40 =	vld [tilespmem:s17+$0x50]  }
0xea: {  	v41 =	vld [tilespmem:s17+$0x60]  }
0xeb: {  	v42 =	vld [tilespmem:s17+$0x70]  }
0xec: {  	v43 =	vld [tilespmem:s17+$0x80]  }
0xed: {  	v9 =	vshrl.u32 v4, $0xE;
	v29 =	vld [tilespmem:s17+$0x90]  }
0xee: {  	v10 =	vshrl.u32 v7, $0xE;
	v28 =	vld [tilespmem:s17+$0xA0]  }
0xef: {  	v11 =	vshrl.u32 v19, $0xE;
	v26 =	vld [tilespmem:s17+$0xB0]  }
0xf0: {  	v12 =	vshrl.u32 v20, $0xE;
	v3 =	vld.idx.msk [tilespmem:v0+s7+$0x0], $0xffff  }
0xf1: {  	v13 =	vshrl.u32 v24, $0xE;
	v57 =	vld [tilespmem:s24+$0xFFFFFF40]  }
0xf2: {  	v5 =	vand.u32 $0x3FFF, v2;
	v44 =	vld.idx.msk [tilespmem:v9+s7+$0x0], $0xffff  }
0xf3: {  	v45 =	vld.idx.msk [tilespmem:v10+s7+$0x0], $0xffff  }
0xf4: {  	v46 =	vld.idx.msk [tilespmem:v11+s7+$0x0], $0xffff;
	v14 =	vshrl.u32 v25, $0xE  }
0xf5: {  	v47 =	vld.idx.msk [tilespmem:v12+s7+$0x0], $0xffff;
	v15 =	vshrl.u32 v30, $0xE;
	v2 =	vmul.f32 v3, v6  }
0xf6: {  	v48 =	vld.idx.msk [tilespmem:v13+s7+$0x0], $0xffff;
	v16 =	vshrl.u32 v31, $0xE  }
0xf7: {  	v17 =	vshrl.u32 v32, $0xE;
	[tilespmem:v5+s9+$0x0] =	vst.idx.add.f32.msk $0xffff, v2  }
0xf8: {  	v21 =	vshrl.u32 v33, $0xE;
	v2 =	vld [tilespmem:s17+$0xFFFFFF40]  }
0xf9: {  	v22 =	vshrl.u32 v34, $0xE;
	v49 =	vld.idx.msk [tilespmem:v14+s7+$0x0], $0xffff  }
0xfa: {  	v23 =	vshrl.u32 v35, $0xE;
	v50 =	vld.idx.msk [tilespmem:v15+s7+$0x0], $0xffff  }
0xfb: {  	v18 =	vshrl.u32 v36, $0xE;
	v51 =	vld.idx.msk [tilespmem:v16+s7+$0x0], $0xffff  }
0xfc: {  	v8 =	vshrl.u32 v37, $0xE;
	v52 =	vld.idx.msk [tilespmem:v17+s7+$0x0], $0xffff  }
0xfd: {  	v54 =	vld.idx.msk [tilespmem:v21+s7+$0x0], $0xffff;
	v27 =	vshrl.u32 v2, $0xE  }
0xfe: {  	v6 =	vshrl.u32 v38, $0xE;
	v55 =	vld.idx.msk [tilespmem:v22+s7+$0x0], $0xffff  }
0xff: {  	v56 =	vld.idx.msk [tilespmem:v23+s7+$0x0], $0xffff  }
0x100: {  	v58 =	vld.idx.msk [tilespmem:v18+s7+$0x0], $0xffff  }
0x101: {  	v0 =	vshrl.u32 v40, $0xE;
	v3 =	vshrl.u32 v39, $0xE;
	v60 =	vld.idx.msk [tilespmem:v8+s7+$0x0], $0xffff  }
0x102: {  	v53 =	vld.idx.msk [tilespmem:v27+s7+$0x0], $0xffff;
	[tilespmem:$0x1FFF0] =	vst v0  }
0x103: {  	v61 =	vld.idx.msk [tilespmem:v6+s7+$0x0], $0xffff  }
0x104: {  	v62 =	vld [tilespmem:s24+$0xFFFFFF50]  }
0x105: {  	v63 =	vld [tilespmem:s24+$0xFFFFFF60]  }
0x106: {  	v59 =	vand.u32 $0x3FFF, v2;
	v1 =	vld.idx.msk [tilespmem:v3+s7+$0x0], $0xffff  }
0x107: {  	v2 =	vld.idx.msk [tilespmem:v0+s7+$0x0], $0xffff  }
0x108: {  	v5 =	vld.idx.msk [tilespmem:v5+s7+$0x0], $0xffff;
	v53 =	vmul.f32 v53, v57;
	v57 =	vand.u32 $0x3FFF, v4  }
0x109: {  	v4 =	vand.u32 $0x3FFF, v7;
	v7 =	vmul.f32 v44, v62;
	v44 =	vld [tilespmem:s24+$0xFFFFFF70]  }
0x10a: {  	v62 =	vld [tilespmem:s24+$0xFFFFFF80]  }
0x10b: {  	[tilespmem:v59+s9+$0x0] =	vst.idx.add.f32.msk $0xffff, v53  }
0x10c: {  	v45 =	vmul.f32 v45, v63;
	v59 =	vld.idx.msk [tilespmem:v59+s7+$0x0], $0xffff  }
0x10d: {  	[tilespmem:v57+s9+$0x0] =	vst.idx.add.f32.msk $0xffff, v7  }
0x10e: {  	[tilespmem:v4+s9+$0x0] =	vst.idx.add.f32.msk $0xffff, v45  }
0x10f: {  	v53 =	vshrl.u32 v41, $0xE;
	v45 =	vand.u32 $0x3FFF, v20;
	v20 =	vmul.f32 v46, v44;
	v46 =	vld [tilespmem:s24+$0xFFFFFF90]  }
0x110: {  	v63 =	vand.u32 $0x3FFF, v19;
	v44 =	vld [tilespmem:s24+$0xFFFFFFA0]  }
0x111: {  	v9 =	vld.idx.msk [tilespmem:v9+s10+$0x0], $0xffff  }
0x112: {  	v7 =	vshrl.u32 v42, $0xE;
	v10 =	vld.idx.msk [tilespmem:v10+s10+$0x0], $0xffff  }
0x113: {  	v4 =	vld.idx.msk [tilespmem:v4+s7+$0x0], $0xffff  }
0x114: {  	v19 =	vld.idx.msk [tilespmem:v53+s7+$0x0], $0xffff  }
0x115: {  	[tilespmem:v63+s9+$0x0] =	vst.idx.add.f32.msk $0xffff, v20  }
0x116: {  	v47 =	vmul.f32 v47, v62;
	v11 =	vld.idx.msk [tilespmem:v11+s10+$0x0], $0xffff  }
0x117: {  	v62 =	vand.u32 $0x3FFF, v24;
	v24 =	vld.idx.msk [tilespmem:v7+s7+$0x0], $0xffff  }
0x118: {  	[tilespmem:v45+s9+$0x0] =	vst.idx.add.f32.msk $0xffff, v47  }
0x119: {  	v20 =	vand.u32 $0x3FFF, v25;
	v25 =	vmul.f32 v48, v46;
	v46 =	vld [tilespmem:s24+$0xFFFFFFB0]  }
0x11a: {  	v48 =	vld [tilespmem:s24+$0xFFFFFFC0]  }
0x11b: {  	v12 =	vld.idx.msk [tilespmem:v12+s10+$0x0], $0xffff  }
0x11c: {  	v44 =	vmul.f32 v49, v44;
	v45 =	vld.idx.msk [tilespmem:v45+s7+$0x0], $0xffff  }
0x11d: {  	[tilespmem:v62+s9+$0x0] =	vst.idx.add.f32.msk $0xffff, v25  }
0x11e: {  	[tilespmem:v20+s9+$0x0] =	vst.idx.add.f32.msk $0xffff, v44  }
0x11f: {  	v47 =	vshrl.u32 v43, $0xE;
	v25 =	vld [tilespmem:s24+$0xFFFFFFD0]  }
0x120: {  	v13 =	vld.idx.msk [tilespmem:v13+s10+$0x0], $0xffff  }
0x121: {  	v49 =	vand.u32 $0x3FFF, v30;
	v30 =	vshrl.u32 v29, $0xE;
	v62 =	vld.idx.msk [tilespmem:v62+s7+$0x0], $0xffff  }
0x122: {  	v14 =	vld.idx.msk [tilespmem:v14+s10+$0x0], $0xffff  }
0x123: {  	v44 =	vand.u32 $0x3FFF, v31;
	v20 =	vld.idx.msk [tilespmem:v20+s7+$0x0], $0xffff  }
0x124: {  	v31 =	vmul.f32 v50, v46;
	v46 =	vld.idx.msk [tilespmem:v47+s7+$0x0], $0xffff  }
0x125: {  	v50 =	vld [tilespmem:s24+$0xFFFFFFE0]  }
0x126: {  	v32 =	vand.u32 $0x3FFF, v32;
	v48 =	vmul.f32 v51, v48;
	v51 =	vld.idx.msk [tilespmem:v30+s7+$0x0], $0xffff  }
0x127: {  	[tilespmem:v49+s9+$0x0] =	vst.idx.add.f32.msk $0xffff, v31  }
0x128: {  	v33 =	vand.u32 $0x3FFF, v33;
	[tilespmem:v44+s9+$0x0] =	vst.idx.add.f32.msk $0xffff, v48  }
0x129: {  	v52 =	vmul.f32 v52, v25;
	v25 =	vshrl.u32 v28, $0xE;
	v48 =	vld [tilespmem:s24+$0xFFFFFFF0]  }
0x12a: {  	v31 =	vshrl.u32 v26, $0xE;
	v15 =	vld.idx.msk [tilespmem:v15+s10+$0x0], $0xffff  }
0x12b: {  	[tilespmem:v32+s9+$0x0] =	vst.idx.add.f32.msk $0xffff, v52;
	v50 =	vmul.f32 v54, v50  }
0x12c: {  	v34 =	vand.u32 $0x3FFF, v34;
	v52 =	vld [tilespmem:s24+$0x0]  }
0x12d: {  	[tilespmem:v33+s9+$0x0] =	vst.idx.add.f32.msk $0xffff, v50  }
0x12e: {  	v50 =	vld.idx.msk [tilespmem:v25+s7+$0x0], $0xffff  }
0x12f: {  	v35 =	vand.u32 $0x3FFF, v35;
	v48 =	vmul.f32 v55, v48;
	v54 =	vld.idx.msk [tilespmem:v31+s7+$0x0], $0xffff  }
0x130: {  	v55 =	vld [tilespmem:s24+$0x10]  }
0x131: {  	[tilespmem:v34+s9+$0x0] =	vst.idx.add.f32.msk $0xffff, v48  }
0x132: {  	v36 =	vand.u32 $0x3FFF, v36;
	v52 =	vmul.f32 v56, v52;
	v48 =	vld [tilespmem:s24+$0x20]  }
0x133: {  	v56 =	vld [tilespmem:s24+$0x40]  }
0x134: {  	v37 =	vand.u32 $0x3FFF, v37;
	[tilespmem:v35+s9+$0x0] =	vst.idx.add.f32.msk $0xffff, v52  }
0x135: {  	v52 =	vld [tilespmem:s24+$0x30];
	v55 =	vmul.f32 v58, v55  }
0x136: {  	v39 =	vand.u32 $0x3FFF, v39;
	v58 =	vld [tilespmem:s24+$0x50]  }
0x137: {  	v48 =	vmul.f32 v60, v48;
	[tilespmem:v36+s9+$0x0] =	vst.idx.add.f32.msk $0xffff, v55  }
0x138: {  	v38 =	vand.u32 $0x3FFF, v38;
	v55 =	vld [tilespmem:s24+$0x60]  }
0x139: {  	v1 =	vmul.f32 v1, v56;
	[tilespmem:v37+s9+$0x0] =	vst.idx.add.f32.msk $0xffff, v48  }
0x13a: {  	v48 =	vld [tilespmem:s24+$0x70]  }
0x13b: {  	v52 =	vmul.f32 v61, v52;
	[tilespmem:v39+s9+$0x0] =	vst.idx.add.f32.msk $0xffff, v1  }
0x13c: {  	v40 =	vand.u32 $0x3FFF, v40;
	v1 =	vand.u32 $0x3FFF, v42;
	v42 =	vld [tilespmem:s24+$0x90]  }
0x13d: {  	v41 =	vand.u32 $0x3FFF, v41;
	[tilespmem:v38+s9+$0x0] =	vst.idx.add.f32.msk $0xffff, v52  }
0x13e: {  	v52 =	vld [tilespmem:s24+$0x80]  }
0x13f: {  	v29 =	vand.u32 $0x3FFF, v29;
	v60 =	vld [tilespmem:s24+$0xA0];
	v2 =	vmul.f32 v2, v58  }
0x140: {  	v43 =	vand.u32 $0x3FFF, v43;
	v61 =	vld [tilespmem:s24+$0xB0];
	v19 =	vmul.f32 v19, v55  }
0x141: {  	[tilespmem:v40+s9+$0x0] =	vst.idx.add.f32.msk $0xffff, v2;
	v2 =	vand.u32 $0x3FFF, v28;
	v24 =	vmul.f32 v24, v48  }
0x142: {  	[tilespmem:v41+s9+$0x0] =	vst.idx.add.f32.msk $0xffff, v19;
	v19 =	vand.u32 $0x3FFF, v26;
	v51 =	vmul.f32 v51, v42  }
0x143: {  	v48 =	vmul.f32 v46, v52;
	[tilespmem:v1+s9+$0x0] =	vst.idx.add.f32.msk $0xffff, v24  }
0x144: {  	v52 =	vmul.f32 v50, v60;
	[tilespmem:v29+s9+$0x0] =	vst.idx.add.f32.msk $0xffff, v51  }
0x145: {  	v55 =	vmul.f32 v54, v61;
	[tilespmem:v43+s9+$0x0] =	vst.idx.add.f32.msk $0xffff, v48  }
0x146: {  	[tilespmem:v2+s9+$0x0] =	vst.idx.add.f32.msk $0xffff, v52  }
0x147: {  	[tilespmem:v19+s9+$0x0] =	vst.idx.add.f32.msk $0xffff, v55  }
0x148: {  	v0 =	vld [tilespmem:$0x1FFE0]  }
0x149: {  	v16 =	vld.idx.msk [tilespmem:v16+s10+$0x0], $0xffff  }
0x14a: {  	v44 =	vld.idx.msk [tilespmem:v44+s7+$0x0], $0xffff  }
0x14b: {  	v17 =	vld.idx.msk [tilespmem:v17+s10+$0x0], $0xffff  }
0x14c: {  	v32 =	vld.idx.msk [tilespmem:v32+s7+$0x0], $0xffff  }
0x14d: {  	v21 =	vld.idx.msk [tilespmem:v21+s10+$0x0], $0xffff  }
0x14e: {  	v33 =	vld.idx.msk [tilespmem:v33+s7+$0x0], $0xffff  }
0x14f: {  	v58 =	vld.idx.msk [tilespmem:v27+s10+$0x0], $0xffff  }
0x150: {  	v56 =	vld.idx.msk [tilespmem:v0+s10+$0x0], $0xffff  }
0x151: {  	v22 =	vld.idx.msk [tilespmem:v22+s10+$0x0], $0xffff  }
0x152: {  	v60 =	vld.idx.msk [tilespmem:v57+s7+$0x0], $0xffff  }
0x153: {  	v34 =	vld.idx.msk [tilespmem:v34+s7+$0x0], $0xffff  }
0x154: {  	v61 =	vld.idx.msk [tilespmem:v63+s7+$0x0], $0xffff;
	v26 =	vmul.f32 v59, v58  }
0x155: {  	s0 =	simm.s32 $0xB470;
	v23 =	vld.idx.msk [tilespmem:v23+s10+$0x0], $0xffff;
	v5 =	vmul.f32 v5, v56  }
0x156: {  	v4 =	vmul.f32 v4, v10;
	v18 =	vld.idx.msk [tilespmem:v18+s10+$0x0], $0xffff;
	[tilespmem:s0+$0xFFFFFF40] =	vst v26  }
0x157: {  	v8 =	vld.idx.msk [tilespmem:v8+s10+$0x0], $0xffff;
	[tilespmem:s0+$0xC0] =	vst v5;
	v5 =	vmul.f32 v60, v9  }
0x158: {  	v3 =	vld.idx.msk [tilespmem:v3+s10+$0x0], $0xffff;
	[tilespmem:s0+$0xFFFFFF60] =	vst v4;
	v4 =	vmul.f32 v45, v12  }
0x159: {  	v6 =	vld.idx.msk [tilespmem:v6+s10+$0x0], $0xffff;
	[tilespmem:s0+$0xFFFFFF50] =	vst v5;
	v5 =	vmul.f32 v61, v11  }
0x15a: {  	v63 =	vld.idx.msk [tilespmem:v49+s7+$0x0], $0xffff;
	[tilespmem:s0+$0xFFFFFF80] =	vst v4;
	v4 =	vmul.f32 v20, v14  }
0x15b: {  	v54 =	vld.idx.msk [tilespmem:v36+s7+$0x0], $0xffff;
	[tilespmem:s0+$0xFFFFFF70] =	vst v5;
	v5 =	vmul.f32 v62, v13  }
0x15c: {  	v59 =	vld.idx.msk [tilespmem:v40+s7+$0x0], $0xffff;
	[tilespmem:s0+$0xFFFFFFA0] =	vst v4  }
0x15d: {  	v57 =	vld.idx.msk [tilespmem:v39+s7+$0x0], $0xffff;
	[tilespmem:s0+$0xFFFFFF90] =	vst v5  }
0x15e: {  	v0 =	vld [tilespmem:$0x1FFF0]  }
0x15f: {  	v52 =	vld.idx.msk [tilespmem:v35+s7+$0x0], $0xffff  }
0x160: {  	v1 =	vld.idx.msk [tilespmem:v1+s7+$0x0], $0xffff;
	v4 =	vmul.f32 v44, v16  }
0x161: {  	v62 =	vld.idx.msk [tilespmem:v7+s10+$0x0], $0xffff;
	v5 =	vmul.f32 v63, v15  }
0x162: {  	v55 =	vld.idx.msk [tilespmem:v37+s7+$0x0], $0xffff;
	[tilespmem:s0+$0xFFFFFFC0] =	vst v4;
	v4 =	vmul.f32 v33, v21  }
0x163: {  	v56 =	vld.idx.msk [tilespmem:v38+s7+$0x0], $0xffff;
	[tilespmem:s0+$0xFFFFFFB0] =	vst v5;
	v5 =	vmul.f32 v32, v17  }
0x164: {  	v60 =	vld.idx.msk [tilespmem:v53+s10+$0x0], $0xffff;
	[tilespmem:s0+$0xFFFFFFE0] =	vst v4;
	v4 =	vmul.f32 v52, v23  }
0x165: {  	v61 =	vld.idx.msk [tilespmem:v41+s7+$0x0], $0xffff;
	[tilespmem:s0+$0xFFFFFFD0] =	vst v5;
	v5 =	vmul.f32 v34, v22  }
0x166: {  	v1 =	vmul.f32 v1, v62;
	[tilespmem:s0+$0x0] =	vst v4;
	v58 =	vld.idx.msk [tilespmem:v0+s10+$0x0], $0xffff  }
0x167: {  	v7 =	vld.idx.msk [tilespmem:v29+s7+$0x0], $0xffff;
	[tilespmem:s0+$0xFFFFFFF0] =	vst v5;
	v5 =	vmul.f32 v54, v18  }
0x168: {  	v63 =	vld.idx.msk [tilespmem:v43+s7+$0x0], $0xffff;
	v4 =	vmul.f32 v55, v8;
	[tilespmem:s0+$0x70] =	vst v1  }
0x169: {  	v8 =	vld.idx.msk [tilespmem:v47+s10+$0x0], $0xffff;
	[tilespmem:s0+$0x10] =	vst v5;
	v5 =	vmul.f32 v56, v6  }
0x16a: {  	v3 =	vmul.f32 v57, v3;
	v1 =	vld.idx.msk [tilespmem:v19+s7+$0x0], $0xffff;
	[tilespmem:s0+$0x20] =	vst v4  }
0x16b: {  	v4 =	vld.idx.msk [tilespmem:v25+s10+$0x0], $0xffff;
	[tilespmem:s0+$0x30] =	vst v5;
	v5 =	vmul.f32 v59, v58  }
0x16c: {  	[tilespmem:s0+$0x40] =	vst v3;
	v3 =	vmul.f32 v61, v60;
	v6 =	vld.idx.msk [tilespmem:v30+s10+$0x0], $0xffff  }
0x16d: {  	[tilespmem:s0+$0x50] =	vst v5;
	v5 =	vld.idx.msk [tilespmem:v2+s7+$0x0], $0xffff  }
0x16e: {  	s13 =	simm.s32 $0x0;
	s17 =	simm.s32 $0x7780;
	[tilespmem:s0+$0x60] =	vst v3;
	v3 =	vmul.f32 v63, v8;
	v2 =	vld.idx.msk [tilespmem:v31+s10+$0x0], $0xffff  }
.LBB2_18:
0x16f: {  	v8 =	vld [tilespmem:s17+$0xC0]  }
0x170: {  	v9 =	vld [tilespmem:s17+$0xFFFFFF50]  }
0x171: {  	v49 =	vld [tilespmem:s17+$0xFFFFFF40]  }
0x172: {  	[tilespmem:s0+$0x80] =	vst v3;
	v3 =	vmul.f32 v7, v6;
	v6 =	vld [tilespmem:s17+$0xFFFFFF60]  }
0x173: {  	v7 =	vld [tilespmem:s17+$0xFFFFFF70]  }
0x174: {  	v1 =	vmul.f32 v1, v2;
	v2 =	vld [tilespmem:s17+$0xFFFFFFA0]  }
0x175: {  	[tilespmem:s0+$0x90] =	vst v3;
	v3 =	vmul.f32 v5, v4;
	v4 =	vld [tilespmem:s17+$0xFFFFFF80]  }
0x176: {  	v5 =	vld [tilespmem:s17+$0xFFFFFF90]  }
0x177: {  	[tilespmem:s0+$0xB0] =	vst v1;
	v1 =	vld [tilespmem:s17+$0xFFFFFFC0]  }
0x178: {  	v43 =	vshrl.u32 v9, $0xE;
	v47 =	vld [tilespmem:s17+$0xB0]  }
0x179: {  	s24 =	sadd.s32 $0x190, s24;
	v48 =	vshrl.u32 v49, $0xE;
	[tilespmem:s0+$0xA0] =	vst v3;
	v3 =	vld [tilespmem:s17+$0xFFFFFFB0]  }
0x17a: {  	v38 =	vshrl.u32 v2, $0xE;
	v33 =	vand.u32 $0x3FFF, v2;
	v2 =	vld [tilespmem:s24+$0xC0]  }
0x17b: {  	v10 =	vshrl.u32 v8, $0xE;
	v46 =	vshrl.u32 v7, $0xE;
	v42 =	vand.u32 $0x3FFF, v7;
	v7 =	vld [tilespmem:s17+$0x10]  }
0x17c: {  	v44 =	vshrl.u32 v6, $0xE;
	v41 =	vand.u32 $0x3FFF, v6;
	v6 =	vand.u32 $0x3FFF, v8;
	v8 =	vld [tilespmem:s17+$0x20]  }
0x17d: {  	v50 =	vld.idx.msk [tilespmem:v43+s7+$0x0], $0xffff  }
0x17e: {  	v58 =	vld.idx.msk [tilespmem:v48+s7+$0x0], $0xffff  }
0x17f: {  	v45 =	vshrl.u32 v4, $0xE;
	v37 =	vand.u32 $0x3FFF, v4;
	v4 =	vld [tilespmem:s17+$0xFFFFFFD0]  }
0x180: {  	v39 =	vshrl.u32 v5, $0xE;
	v34 =	vand.u32 $0x3FFF, v5;
	v5 =	vld.idx.msk [tilespmem:v10+s7+$0x0], $0xffff  }
0x181: {  	v31 =	vshrl.u32 v1, $0xE;
	v25 =	vand.u32 $0x3FFF, v1;
	v1 =	vld [tilespmem:s17+$0xFFFFFFF0]  }
0x182: {  	v35 =	vshrl.u32 v3, $0xE;
	v28 =	vand.u32 $0x3FFF, v3;
	v3 =	vld [tilespmem:s17+$0xFFFFFFE0]  }
0x183: {  	v51 =	vld.idx.msk [tilespmem:v44+s7+$0x0], $0xffff  }
0x184: {  	v52 =	vld.idx.msk [tilespmem:v46+s7+$0x0], $0xffff  }
0x185: {  	v54 =	vld.idx.msk [tilespmem:v38+s7+$0x0], $0xffff  }
0x186: {  	v29 =	vshrl.u32 v4, $0xE;
	v22 =	vand.u32 $0x3FFF, v4;
	v4 =	vld [tilespmem:s17+$0x0]  }
0x187: {  	v2 =	vmul.f32 v5, v2;
	v5 =	vld [tilespmem:s17+$0x60]  }
0x188: {  	v53 =	vld.idx.msk [tilespmem:v45+s7+$0x0], $0xffff  }
0x189: {  	v56 =	vld.idx.msk [tilespmem:v31+s7+$0x0], $0xffff  }
0x18a: {  	v23 =	vshrl.u32 v7, $0xE;
	v36 =	vshrl.u32 v3, $0xE;
	v30 =	vand.u32 $0x3FFF, v3;
	v3 =	vld [tilespmem:s17+$0x30]  }
0x18b: {  	v40 =	vand.u32 $0x3FFF, v9;
	v9 =	vshrl.u32 v8, $0xE;
	[tilespmem:v6+s9+$0x0] =	vst.idx.add.f32.msk $0xffff, v2  }
0x18c: {  	v55 =	vld.idx.msk [tilespmem:v35+s7+$0x0], $0xffff  }
0x18d: {  	v32 =	vshrl.u32 v1, $0xE;
	v26 =	vand.u32 $0x3FFF, v1;
	v1 =	vld.idx.msk [tilespmem:v10+s10+$0x0], $0xffff  }
0x18e: {  	v2 =	vld.idx.msk [tilespmem:v6+s7+$0x0], $0xffff  }
0x18f: {  	v62 =	vld.idx.msk [tilespmem:v23+s7+$0x0], $0xffff  }
0x190: {  	v63 =	vld.idx.msk [tilespmem:v9+s7+$0x0], $0xffff  }
0x191: {  	v27 =	vshrl.u32 v4, $0xE;
	v0 =	vand.u32 $0x3FFF, v4;
	v4 =	vld [tilespmem:s17+$0x40]  }
0x192: {  	v57 =	vld.idx.msk [tilespmem:v29+s7+$0x0], $0xffff  }
0x193: {  	v60 =	vld.idx.msk [tilespmem:v32+s7+$0x0], $0xffff  }
0x194: {  	[tilespmem:$0x1FF10] =	vst v0;
	v0 =	vand.u32 $0x3FFF, v7;
	v7 =	vld [tilespmem:s17+$0x70]  }
0x195: {  	[tilespmem:$0x1FF20] =	vst v0;
	v0 =	vand.u32 $0x3FFF, v8;
	v8 =	vld [tilespmem:s17+$0x80]  }
0x196: {  	v59 =	vld.idx.msk [tilespmem:v36+s7+$0x0], $0xffff  }
0x197: {  	v6 =	vshrl.u32 v3, $0xE;
	[tilespmem:$0x1FF30] =	vst v0;
	v0 =	vand.u32 $0x3FFF, v3;
	v3 =	vld [tilespmem:s17+$0x50]  }
0x198: {  	v10 =	vshrl.u32 v5, $0xE;
	v1 =	vmul.f32 v2, v1;
	v2 =	vld [tilespmem:s17+$0xA0]  }
0x199: {  	v14 =	vand.u32 $0x3FFF, v47;
	[tilespmem:$0x1FF40] =	vst v0;
	v0 =	vshrl.u32 v47, $0xE;
	v47 =	vand.u32 $0x3FFF, v49;
	v49 =	vld.idx.msk [tilespmem:v39+s7+$0x0], $0xffff  }
0x19a: {  	v24 =	vshrl.u32 v4, $0xE;
	v21 =	vand.u32 $0x3FFF, v4;
	v4 =	vld [tilespmem:s17+$0x90]  }
0x19b: {  	v61 =	vld.idx.msk [tilespmem:v27+s7+$0x0], $0xffff  }
0x19c: {  	v18 =	vand.u32 $0x3FFF, v5;
	v12 =	vshrl.u32 v7, $0xE;
	v5 =	vld.idx.msk [tilespmem:v6+s7+$0x0], $0xffff  }
0x19d: {  	s0 =	sadd.s32 $0x190, s0;
	v11 =	vshrl.u32 v8, $0xE;
	v17 =	vand.u32 $0x3FFF, v8;
	v8 =	vld.idx.msk [tilespmem:v10+s7+$0x0], $0xffff  }
0x19e: {  	[tilespmem:s0+$0xC0] =	vst v1;
	v13 =	vshrl.u32 v3, $0xE;
	v1 =	vshrl.u32 v2, $0xE;
	v15 =	vand.u32 $0x3FFF, v2;
	v2 =	vld [tilespmem:s24+$0xFFFFFF60]  }
0x19f: {  	[tilespmem:$0x1FF60] =	vst v6;
	v6 =	vld.idx.msk [tilespmem:v24+s7+$0x0], $0xffff  }
0x1a0: {  	v20 =	vand.u32 $0x3FFF, v3;
	v3 =	vshrl.u32 v4, $0xE;
	v16 =	vand.u32 $0x3FFF, v4;
	v4 =	vld [tilespmem:s24+$0xFFFFFF80]  }
0x1a1: {  	[tilespmem:$0x1FF50] =	vst v9;
	v9 =	vld.idx.msk [tilespmem:v12+s7+$0x0], $0xffff  }
0x1a2: {  	[tilespmem:$0x1FF80] =	vst v10;
	v10 =	vld.idx.msk [tilespmem:v11+s7+$0x0], $0xffff  }
0x1a3: {  	v19 =	vand.u32 $0x3FFF, v7;
	v7 =	vld.idx.msk [tilespmem:v13+s7+$0x0], $0xffff  }
0x1a4: {  	[tilespmem:$0x1FF90] =	vst v12;
	v12 =	vld.idx.msk [tilespmem:v1+s7+$0x0], $0xffff  }
0x1a5: {  	[tilespmem:$0x1FF70] =	vst v13;
	v13 =	vld.idx.msk [tilespmem:v0+s7+$0x0], $0xffff  }
0x1a6: {  	[tilespmem:$0x1FFD0] =	vst v0;
	v0 =	vld [tilespmem:s24+$0xFFFFFF40]  }
0x1a7: {  	[tilespmem:$0x1FFC0] =	vst v1;
	v1 =	vld [tilespmem:s24+$0xFFFFFF50]  }
0x1a8: {  	v2 =	vmul.f32 v51, v2;
	v51 =	vld [tilespmem:s24+$0xFFFFFFB0]  }
0x1a9: {  	[tilespmem:$0x1FFA0] =	vst v11;
	v11 =	vld.idx.msk [tilespmem:v3+s7+$0x0], $0xffff  }
0x1aa: {  	[tilespmem:$0x1FFB0] =	vst v3;
	v3 =	vld [tilespmem:s24+$0xFFFFFF70]  }
0x1ab: {  	v4 =	vmul.f32 v53, v4;
	v53 =	vld [tilespmem:s24+$0xFFFFFFD0]  }
0x1ac: {  	[tilespmem:v41+s9+$0x0] =	vst.idx.add.f32.msk $0xffff, v2  }
0x1ad: {  	[tilespmem:v37+s9+$0x0] =	vst.idx.add.f32.msk $0xffff, v4  }
0x1ae: {  	v0 =	vmul.f32 v58, v0;
	v58 =	vld [tilespmem:s24+$0xFFFFFF90]  }
0x1af: {  	v1 =	vmul.f32 v50, v1;
	v50 =	vld [tilespmem:s24+$0xFFFFFFA0]  }
0x1b0: {  	v51 =	vmul.f32 v55, v51;
	v55 =	vld [tilespmem:s24+$0x0]  }
0x1b1: {  	v3 =	vmul.f32 v52, v3;
	v52 =	vld [tilespmem:s24+$0xFFFFFFC0]  }
0x1b2: {  	v53 =	vmul.f32 v57, v53;
	v57 =	vld [tilespmem:s24+$0x20]  }
0x1b3: {  	[tilespmem:v47+s9+$0x0] =	vst.idx.add.f32.msk $0xffff, v0  }
0x1b4: {  	[tilespmem:v40+s9+$0x0] =	vst.idx.add.f32.msk $0xffff, v1  }
0x1b5: {  	[tilespmem:v28+s9+$0x0] =	vst.idx.add.f32.msk $0xffff, v51  }
0x1b6: {  	[tilespmem:v42+s9+$0x0] =	vst.idx.add.f32.msk $0xffff, v3  }
0x1b7: {  	[tilespmem:v22+s9+$0x0] =	vst.idx.add.f32.msk $0xffff, v53  }
0x1b8: {  	v49 =	vmul.f32 v49, v58;
	v58 =	vld [tilespmem:s24+$0xFFFFFFE0]  }
0x1b9: {  	v50 =	vmul.f32 v54, v50;
	v54 =	vld [tilespmem:s24+$0xFFFFFFF0]  }
0x1ba: {  	v55 =	vmul.f32 v61, v55;
	v61 =	vld [tilespmem:s24+$0x50]  }
0x1bb: {  	v52 =	vmul.f32 v56, v52;
	v56 =	vld [tilespmem:s24+$0x10]  }
0x1bc: {  	v57 =	vmul.f32 v63, v57;
	v63 =	vld [tilespmem:s24+$0x70]  }
0x1bd: {  	[tilespmem:v34+s9+$0x0] =	vst.idx.add.f32.msk $0xffff, v49  }
0x1be: {  	[tilespmem:v33+s9+$0x0] =	vst.idx.add.f32.msk $0xffff, v50  }
0x1bf: {  	[tilespmem:v25+s9+$0x0] =	vst.idx.add.f32.msk $0xffff, v52  }
0x1c0: {  	v58 =	vmul.f32 v59, v58;
	v59 =	vld [tilespmem:s24+$0x30]  }
0x1c1: {  	v54 =	vmul.f32 v60, v54;
	v60 =	vld [tilespmem:s24+$0x40]  }
0x1c2: {  	v7 =	vmul.f32 v7, v61;
	v61 =	vld [tilespmem:s24+$0xA0]  }
0x1c3: {  	v56 =	vmul.f32 v62, v56;
	v62 =	vld [tilespmem:s24+$0x60]  }
0x1c4: {  	[tilespmem:v30+s9+$0x0] =	vst.idx.add.f32.msk $0xffff, v58  }
0x1c5: {  	[tilespmem:v26+s9+$0x0] =	vst.idx.add.f32.msk $0xffff, v54  }
0x1c6: {  	v0 =	vmul.f32 v9, v63;
	[tilespmem:v20+s9+$0x0] =	vst.idx.add.f32.msk $0xffff, v7  }
0x1c7: {  	v7 =	vld.idx.msk [tilespmem:v45+s10+$0x0], $0xffff  }
0x1c8: {  	[tilespmem:v19+s9+$0x0] =	vst.idx.add.f32.msk $0xffff, v0  }
0x1c9: {  	v0 =	vld.idx.msk [tilespmem:v48+s10+$0x0], $0xffff  }
0x1ca: {  	v5 =	vmul.f32 v5, v59;
	v59 =	vld [tilespmem:s24+$0x80]  }
0x1cb: {  	v6 =	vmul.f32 v6, v60;
	v60 =	vld [tilespmem:s24+$0x90]  }
0x1cc: {  	v3 =	vmul.f32 v12, v61;
	v61 =	vld [tilespmem:$0x1FF30]  }
0x1cd: {  	v8 =	vmul.f32 v8, v62;
	v62 =	vld [tilespmem:s24+$0xB0]  }
0x1ce: {  	[tilespmem:v21+s9+$0x0] =	vst.idx.add.f32.msk $0xffff, v6  }
0x1cf: {  	[tilespmem:v15+s9+$0x0] =	vst.idx.add.f32.msk $0xffff, v3  }
0x1d0: {  	v3 =	vld.idx.msk [tilespmem:v40+s7+$0x0], $0xffff  }
0x1d1: {  	v6 =	vld.idx.msk [tilespmem:v46+s10+$0x0], $0xffff  }
0x1d2: {  	v1 =	vmul.f32 v10, v59;
	v4 =	vmul.f32 v13, v62;
	v62 =	vld [tilespmem:$0x1FF40]  }
0x1d3: {  	v2 =	vmul.f32 v11, v60;
	v59 =	vld [tilespmem:$0x1FF10]  }
0x1d4: {  	[tilespmem:v17+s9+$0x0] =	vst.idx.add.f32.msk $0xffff, v1  }
0x1d5: {  	[tilespmem:v16+s9+$0x0] =	vst.idx.add.f32.msk $0xffff, v2  }
0x1d6: {  	v1 =	vld.idx.msk [tilespmem:v47+s7+$0x0], $0xffff  }
0x1d7: {  	v2 =	vld.idx.msk [tilespmem:v43+s10+$0x0], $0xffff  }
0x1d8: {  	[tilespmem:v14+s9+$0x0] =	vst.idx.add.f32.msk $0xffff, v4  }
0x1d9: {  	v4 =	vld.idx.msk [tilespmem:v44+s10+$0x0], $0xffff  }
0x1da: {  	[tilespmem:v62+s9+$0x0] =	vst.idx.add.f32.msk $0xffff, v5  }
0x1db: {  	v5 =	vld.idx.msk [tilespmem:v41+s7+$0x0], $0xffff  }
0x1dc: {  	[tilespmem:v61+s9+$0x0] =	vst.idx.add.f32.msk $0xffff, v57;
	v0 =	vmul.f32 v1, v0  }
0x1dd: {  	v1 =	vld.idx.msk [tilespmem:v42+s7+$0x0], $0xffff  }
0x1de: {  	v60 =	vld [tilespmem:$0x1FF20];
	[tilespmem:s0+$0xFFFFFF40] =	vst v0;
	v0 =	vmul.f32 v3, v2  }
0x1df: {  	v2 =	vld.idx.msk [tilespmem:v37+s7+$0x0], $0xffff  }
0x1e0: {  	v3 =	vld.idx.msk [tilespmem:v39+s10+$0x0], $0xffff;
	[tilespmem:s0+$0xFFFFFF50] =	vst v0;
	v0 =	vmul.f32 v5, v4  }
0x1e1: {  	v4 =	vld.idx.msk [tilespmem:v34+s7+$0x0], $0xffff  }
0x1e2: {  	v5 =	vld.idx.msk [tilespmem:v38+s10+$0x0], $0xffff;
	[tilespmem:s0+$0xFFFFFF60] =	vst v0;
	v0 =	vmul.f32 v1, v6  }
0x1e3: {  	v1 =	vld.idx.msk [tilespmem:v33+s7+$0x0], $0xffff  }
0x1e4: {  	v6 =	vld.idx.msk [tilespmem:v35+s10+$0x0], $0xffff;
	[tilespmem:s0+$0xFFFFFF70] =	vst v0;
	v0 =	vmul.f32 v2, v7  }
0x1e5: {  	v2 =	vld.idx.msk [tilespmem:v28+s7+$0x0], $0xffff  }
0x1e6: {  	v7 =	vld.idx.msk [tilespmem:v31+s10+$0x0], $0xffff;
	[tilespmem:s0+$0xFFFFFF80] =	vst v0;
	v0 =	vmul.f32 v4, v3  }
0x1e7: {  	v3 =	vld.idx.msk [tilespmem:v25+s7+$0x0], $0xffff  }
0x1e8: {  	v4 =	vld.idx.msk [tilespmem:v29+s10+$0x0], $0xffff;
	[tilespmem:s0+$0xFFFFFF90] =	vst v0;
	v0 =	vmul.f32 v1, v5  }
0x1e9: {  	v1 =	vld.idx.msk [tilespmem:v22+s7+$0x0], $0xffff  }
0x1ea: {  	v5 =	vld.idx.msk [tilespmem:v36+s10+$0x0], $0xffff;
	[tilespmem:s0+$0xFFFFFFA0] =	vst v0;
	v0 =	vmul.f32 v2, v6  }
0x1eb: {  	v2 =	vld.idx.msk [tilespmem:v30+s7+$0x0], $0xffff  }
0x1ec: {  	v6 =	vld.idx.msk [tilespmem:v32+s10+$0x0], $0xffff;
	[tilespmem:s0+$0xFFFFFFB0] =	vst v0;
	v0 =	vmul.f32 v3, v7  }
0x1ed: {  	v3 =	vld.idx.msk [tilespmem:v26+s7+$0x0], $0xffff  }
0x1ee: {  	[tilespmem:s0+$0xFFFFFFC0] =	vst v0;
	v0 =	vmul.f32 v1, v4  }
0x1ef: {  	[tilespmem:v59+s9+$0x0] =	vst.idx.add.f32.msk $0xffff, v55  }
0x1f0: {  	[tilespmem:s0+$0xFFFFFFD0] =	vst v0;
	v0 =	vmul.f32 v2, v5;
	v5 =	vld [tilespmem:$0x1FF50]  }
0x1f1: {  	[tilespmem:v60+s9+$0x0] =	vst.idx.add.f32.msk $0xffff, v56  }
0x1f2: {  	[tilespmem:s0+$0xFFFFFFE0] =	vst v0;
	v0 =	vmul.f32 v3, v6;
	v6 =	vld [tilespmem:$0x1FF60]  }
0x1f3: {  	v7 =	vld.idx.msk [tilespmem:v27+s10+$0x0], $0xffff  }
0x1f4: {  	v1 =	vld.idx.msk [tilespmem:v59+s7+$0x0], $0xffff  }
0x1f5: {  	v4 =	vld.idx.msk [tilespmem:v23+s10+$0x0], $0xffff  }
0x1f6: {  	v2 =	vld.idx.msk [tilespmem:v60+s7+$0x0], $0xffff  }
0x1f7: {  	v3 =	vld.idx.msk [tilespmem:v61+s7+$0x0], $0xffff  }
0x1f8: {  	v5 =	vld.idx.msk [tilespmem:v5+s10+$0x0], $0xffff  }
0x1f9: {  	[tilespmem:s0+$0xFFFFFFF0] =	vst v0;
	v0 =	vmul.f32 v1, v7;
	v1 =	vld.idx.msk [tilespmem:v62+s7+$0x0], $0xffff  }
0x1fa: {  	v6 =	vld.idx.msk [tilespmem:v6+s10+$0x0], $0xffff  }
0x1fb: {  	[tilespmem:s0+$0x0] =	vst v0;
	v0 =	vmul.f32 v2, v4;
	v4 =	vld [tilespmem:$0x1FF70];
	_ =	sdelay $0x1  }
0x1fc: {  	[tilespmem:s0+$0x10] =	vst v0;
	v0 =	vmul.f32 v3, v5;
	v5 =	vld [tilespmem:$0x1FF80]  }
0x1fd: {  	[tilespmem:v18+s9+$0x0] =	vst.idx.add.f32.msk $0xffff, v8  }
0x1fe: {  	[tilespmem:s0+$0x20] =	vst v0;
	v0 =	vmul.f32 v1, v6;
	v6 =	vld [tilespmem:$0x1FF90]  }
0x1ff: {  	v7 =	vld.idx.msk [tilespmem:v24+s10+$0x0], $0xffff  }
0x200: {  	v2 =	vld.idx.msk [tilespmem:v21+s7+$0x0], $0xffff  }
0x201: {  	v3 =	vld.idx.msk [tilespmem:v20+s7+$0x0], $0xffff  }
0x202: {  	v4 =	vld.idx.msk [tilespmem:v4+s10+$0x0], $0xffff  }
0x203: {  	v1 =	vld.idx.msk [tilespmem:v18+s7+$0x0], $0xffff  }
0x204: {  	v5 =	vld.idx.msk [tilespmem:v5+s10+$0x0], $0xffff  }
0x205: {  	[tilespmem:s0+$0x30] =	vst v0;
	v0 =	vmul.f32 v2, v7  }
0x206: {  	v8 =	vld.idx.msk [tilespmem:v6+s10+$0x0], $0xffff  }
0x207: {  	[tilespmem:s0+$0x40] =	vst v0;
	v0 =	vmul.f32 v3, v4;
	v6 =	vld [tilespmem:$0x1FFA0]  }
0x208: {  	v4 =	vld [tilespmem:$0x1FFB0]  }
0x209: {  	[tilespmem:s0+$0x50] =	vst v0;
	v0 =	vmul.f32 v1, v5;
	v1 =	vld [tilespmem:$0x1FFC0];
	_ =	sdelay $0x5  }
0x20a: {  	v63 =	vld.idx.msk [tilespmem:v6+s10+$0x0], $0xffff  }
0x20b: {  	v6 =	vld.idx.msk [tilespmem:v4+s10+$0x0], $0xffff  }
0x20c: {  	v4 =	vld.idx.msk [tilespmem:v1+s10+$0x0], $0xffff  }
0x20d: {  	v1 =	vld [tilespmem:$0x1FFD0];
	_ =	sdelay $0x1  }
0x20e: {  	v2 =	vld.idx.msk [tilespmem:v19+s7+$0x0], $0xffff  }
0x20f: {  	s13 =	sadd.s32 $0x19, s13  }
0x210: {  	p3 =	slt.u32 s13, $0xE1;
	v3 =	vld.idx.msk [tilespmem:v17+s7+$0x0], $0xffff  }
.Ltmp13:
0x211: {  	_ = 	snop;
	(pc) =	sbr.rel @p3 .LBB2_18-.Ltmp13, $4  }
0x212: {  	v7 =	vld.idx.msk [tilespmem:v16+s7+$0x0], $0xffff  }
0x213: {  	v5 =	vld.idx.msk [tilespmem:v15+s7+$0x0], $0xffff;
	[tilespmem:s0+$0x60] =	vst v0;
	v0 =	vmul.f32 v2, v8  }
0x214: {  	v2 =	vld.idx.msk [tilespmem:v1+s10+$0x0], $0xffff  }
0x215: {  	s17 =	sadd.s32 $0x190, s17;
	[tilespmem:s0+$0x70] =	vst v0;
	v3 =	vmul.f32 v3, v63;
	v1 =	vld.idx.msk [tilespmem:v14+s7+$0x0], $0xffff  }
0x216: {  	_ =	sdelay $0x1  }
0x217: {  	s13 =	sshll.u32 s23, $0x8;
	v0 =	vmul.f32 v7, v6  }
0x218: {  	p3 =	seq.s32 s11, $0x9;
	[tilespmem:s0+$0x80] =	vst v3;
	s13 =	sand.u32 $0x3FFFFF00, s13;
	v3 =	vmul.f32 v5, v4  }
0x219: {  	s24 =	sadd.s32 $0xD2F0, s13;
	s17 =	sadd.s32 $0xD370, s13;
	s13 =	smul.u32 @!p3 $0xFA0, s23;
	[tilespmem:s0+$0x90] =	vst v0;
	v0 =	vmul.f32 v1, v2  }
0x21a: {  	[tilespmem:s0+$0xA0] =	vst v3  }
0x21b: {  	[tilespmem:s0+$0xB0] =	vst v0;
	s0 =	sshrl.u32 @!p3 s13, $0x3  }
0x21c: {  	[spmem:s5] =	stream.indirect.scatter.add.f32 [tilespmem:s12], [sflag:$0x3], $0x10, s24, s26, $0xb8;
	[tilespmem:$0x1ED20] =	vst v63  }
0x21d: {  	s0 =	sadd.s32 @!p3 $0x3E8, s0  }
0x21e: {  	[spmem:s5] =	stream.indirect.scatter.add.f32 [tilespmem:s15], [sflag:$0x3], $0x10, s17, s26, $0xb8;
	[tilespmem:$0x1ED20] =	vst v63  }
0x21f: {  	s23 =	simm.s32 @!p3 $0x7530;
	s13 =	sadd.s32 @!p3 s8, s0;
	s17 =	simm.s32 @!p3 $0x0  }
0x220: {  	[tilespmem:s23], [sflag:$0x1] =	stream.linear.gather @!p3 [hbm4b:s13+s17], $0xFA0, $0x38;
	[tilespmem:$0x1ED20] =	vst v63  }
0x221: {  	s0 =	sadd.s32 @!p3 s4, s0;
	s13 =	simm.s32 @!p3 $0x9470  }
0x222: {  	[tilespmem:s13], [sflag:$0x1] =	stream.linear.gather @!p3 [hbm4b:s0+s17], $0xFA0, $0x38;
	[tilespmem:$0x1ED20] =	vst v63  }
0x223: {  	_ =	swait.ge [sflag:s16], $0xFA0  }
0x224: {  	[sflag:s16] =	ssyncset.done $0x0  }
0x225: {  	[sflag:s16] =	ssyncadd.s32 $0xFFFFF060  }
0x226: {  	_ =	swait.ge [sflag:s16], $0xFA0  }
0x227: {  	[sflag:s16] =	ssyncset.done $0x0  }
0x228: {  	s0 =	simm.s32 @!p2 $0x3;
	[sflag:s16] =	ssyncadd.s32 $0xFFFFF060  }
0x229: {  	_ =	swait.ge @!p2 [sflag:s0], $0x7D0  }
0x22a: {  	[sflag:s0] =	ssyncset.done @!p2 $0x0  }
0x22b: {  	[sflag:s0] =	ssyncadd.s32 @!p2 $0xFFFFF830  }
0x22c: {  	_ =	swait.ge @!p2 [sflag:s0], $0x7D0  }
0x22d: {  	[sflag:s0] =	ssyncset.done @!p2 $0x0  }
0x22e: {  	s24 =	simm.s32 $0x8590;
	[sflag:s0] =	ssyncadd.s32 @!p2 $0xFFFFF830  }
0x22f: {  	v0 =	vld [tilespmem:s24+$0xC0];
	_ =	sdelay $0x1  }
0x230: {  	v4 =	vld [tilespmem:s24+$0xFFFFFF50]  }
0x231: {  	v7 =	vld [tilespmem:s24+$0xFFFFFF60]  }
0x232: {  	v19 =	vld [tilespmem:s24+$0xFFFFFF70]  }
0x233: {  	v20 =	vld [tilespmem:s24+$0xFFFFFF80];
	v1 =	vshrl.u32 v0, $0xE  }
0x234: {  	v24 =	vld [tilespmem:s24+$0xFFFFFF90];
	[tilespmem:$0x1FEF0] =	vst v1  }
0x235: {  	v25 =	vld [tilespmem:s24+$0xFFFFFFA0]  }
0x236: {  	v30 =	vld [tilespmem:s24+$0xFFFFFFB0]  }
0x237: {  	v31 =	vld [tilespmem:s24+$0xFFFFFFC0]  }
0x238: {  	s23 =	simm.s32 $0xA4D0;
	v32 =	vld [tilespmem:s24+$0xFFFFFFD0]  }
0x239: {  	v3 =	vld [tilespmem:s23+$0xC0]  }
0x23a: {  	v33 =	vld [tilespmem:s24+$0xFFFFFFE0]  }
0x23b: {  	v34 =	vld [tilespmem:s24+$0xFFFFFFF0]  }
0x23c: {  	v5 =	vand.u32 $0x3FFF, v0;
	v0 =	vld [tilespmem:s24+$0x0]  }
0x23d: {  	v35 =	vld [tilespmem:s24+$0x10]  }
0x23e: {  	v36 =	vld [tilespmem:s24+$0x20]  }
0x23f: {  	v37 =	vld [tilespmem:s24+$0x30]  }
0x240: {  	v38 =	vld [tilespmem:s24+$0x40]  }
0x241: {  	v39 =	vld [tilespmem:s24+$0x50]  }
0x242: {  	v40 =	vld [tilespmem:s24+$0x60]  }
0x243: {  	v41 =	vld [tilespmem:s24+$0x70]  }
0x244: {  	v42 =	vld [tilespmem:s24+$0x80]  }
0x245: {  	v9 =	vshrl.u32 v4, $0xE;
	v29 =	vld [tilespmem:s24+$0x90]  }
0x246: {  	v10 =	vshrl.u32 v7, $0xE;
	v28 =	vld [tilespmem:s24+$0xA0]  }
0x247: {  	v11 =	vshrl.u32 v19, $0xE;
	v26 =	vld [tilespmem:s24+$0xB0]  }
0x248: {  	v12 =	vshrl.u32 v20, $0xE;
	v2 =	vld.idx.msk [tilespmem:v1+s7+$0x0], $0xffff  }
0x249: {  	v13 =	vshrl.u32 v24, $0xE;
	v56 =	vld [tilespmem:s23+$0xFFFFFF40]  }
0x24a: {  	v43 =	vld.idx.msk [tilespmem:v9+s7+$0x0], $0xffff  }
0x24b: {  	v44 =	vld.idx.msk [tilespmem:v10+s7+$0x0], $0xffff  }
0x24c: {  	v45 =	vld.idx.msk [tilespmem:v11+s7+$0x0], $0xffff;
	v14 =	vshrl.u32 v25, $0xE  }
0x24d: {  	v46 =	vld.idx.msk [tilespmem:v12+s7+$0x0], $0xffff;
	v15 =	vshrl.u32 v30, $0xE;
	v2 =	vmul.f32 v2, v3  }
0x24e: {  	v47 =	vld.idx.msk [tilespmem:v13+s7+$0x0], $0xffff;
	v16 =	vshrl.u32 v31, $0xE  }
0x24f: {  	v17 =	vshrl.u32 v32, $0xE;
	[tilespmem:v5+s9+$0x0] =	vst.idx.add.f32.msk $0xffff, v2  }
0x250: {  	v21 =	vshrl.u32 v33, $0xE;
	v2 =	vld [tilespmem:s24+$0xFFFFFF40]  }
0x251: {  	v22 =	vshrl.u32 v34, $0xE;
	v48 =	vld.idx.msk [tilespmem:v14+s7+$0x0], $0xffff  }
0x252: {  	v23 =	vshrl.u32 v0, $0xE;
	v49 =	vld.idx.msk [tilespmem:v15+s7+$0x0], $0xffff  }
0x253: {  	v18 =	vshrl.u32 v35, $0xE;
	v50 =	vld.idx.msk [tilespmem:v16+s7+$0x0], $0xffff  }
0x254: {  	v8 =	vshrl.u32 v36, $0xE;
	v51 =	vld.idx.msk [tilespmem:v17+s7+$0x0], $0xffff  }
0x255: {  	v53 =	vld.idx.msk [tilespmem:v21+s7+$0x0], $0xffff;
	v27 =	vshrl.u32 v2, $0xE  }
0x256: {  	v54 =	vld.idx.msk [tilespmem:v22+s7+$0x0], $0xffff  }
0x257: {  	v6 =	vshrl.u32 v37, $0xE;
	v55 =	vld.idx.msk [tilespmem:v23+s7+$0x0], $0xffff  }
0x258: {  	v57 =	vld.idx.msk [tilespmem:v18+s7+$0x0], $0xffff  }
0x259: {  	v3 =	vshrl.u32 v38, $0xE;
	v59 =	vld.idx.msk [tilespmem:v8+s7+$0x0], $0xffff;
	v58 =	vand.u32 $0x3FFF, v2;
	v2 =	vshrl.u32 v39, $0xE  }
0x25a: {  	v52 =	vld.idx.msk [tilespmem:v27+s7+$0x0], $0xffff;
	[tilespmem:$0x1FF00] =	vst v2  }
0x25b: {  	v61 =	vld [tilespmem:s23+$0xFFFFFF50]  }
0x25c: {  	v60 =	vld.idx.msk [tilespmem:v6+s7+$0x0], $0xffff  }
0x25d: {  	v62 =	vld [tilespmem:s23+$0xFFFFFF60]  }
0x25e: {  	v63 =	vld.idx.msk [tilespmem:v3+s7+$0x0], $0xffff  }
0x25f: {  	v1 =	vand.u32 $0x3FFF, v7;
	v5 =	vld.idx.msk [tilespmem:v5+s7+$0x0], $0xffff  }
0x260: {  	v52 =	vmul.f32 v52, v56;
	v7 =	vmul.f32 v43, v61;
	v43 =	vld [tilespmem:s23+$0xFFFFFF70]  }
0x261: {  	v61 =	vld [tilespmem:s23+$0xFFFFFF80]  }
0x262: {  	v44 =	vmul.f32 v44, v62;
	[tilespmem:v58+s9+$0x0] =	vst.idx.add.f32.msk $0xffff, v52  }
0x263: {  	v56 =	vand.u32 $0x3FFF, v4;
	v52 =	vld.idx.msk [tilespmem:v2+s7+$0x0], $0xffff  }
0x264: {  	v4 =	vshrl.u32 v40, $0xE;
	[tilespmem:v1+s9+$0x0] =	vst.idx.add.f32.msk $0xffff, v44  }
0x265: {  	v44 =	vand.u32 $0x3FFF, v20;
	v20 =	vld [tilespmem:s23+$0xFFFFFF90]  }
0x266: {  	v10 =	vld.idx.msk [tilespmem:v10+s10+$0x0], $0xffff  }
0x267: {  	v1 =	vld.idx.msk [tilespmem:v1+s7+$0x0], $0xffff  }
0x268: {  	v62 =	vand.u32 $0x3FFF, v19;
	[tilespmem:v56+s9+$0x0] =	vst.idx.add.f32.msk $0xffff, v7  }
0x269: {  	v2 =	vld.idx.msk [tilespmem:v4+s7+$0x0], $0xffff  }
0x26a: {  	v19 =	vmul.f32 v45, v43;
	v43 =	vld [tilespmem:s23+$0xFFFFFFA0]  }
0x26b: {  	v45 =	vmul.f32 v46, v61;
	v61 =	vand.u32 $0x3FFF, v25;
	v25 =	vld [tilespmem:s23+$0xFFFFFFD0]  }
0x26c: {  	v9 =	vld.idx.msk [tilespmem:v9+s10+$0x0], $0xffff  }
0x26d: {  	[tilespmem:v62+s9+$0x0] =	vst.idx.add.f32.msk $0xffff, v19  }
0x26e: {  	v7 =	vshrl.u32 v41, $0xE;
	[tilespmem:v44+s9+$0x0] =	vst.idx.add.f32.msk $0xffff, v45  }
0x26f: {  	v20 =	vmul.f32 v47, v20;
	v47 =	vld [tilespmem:s23+$0xFFFFFFB0]  }
0x270: {  	v46 =	vand.u32 $0x3FFF, v24;
	v11 =	vld.idx.msk [tilespmem:v11+s10+$0x0], $0xffff  }
0x271: {  	v12 =	vld.idx.msk [tilespmem:v12+s10+$0x0], $0xffff  }
0x272: {  	v44 =	vld.idx.msk [tilespmem:v44+s7+$0x0], $0xffff  }
0x273: {  	v19 =	vld.idx.msk [tilespmem:v7+s7+$0x0], $0xffff  }
0x274: {  	v45 =	vshrl.u32 v42, $0xE;
	v48 =	vmul.f32 v48, v43;
	v43 =	vld [tilespmem:s23+$0xFFFFFFC0]  }
0x275: {  	[tilespmem:v46+s9+$0x0] =	vst.idx.add.f32.msk $0xffff, v20  }
0x276: {  	v13 =	vld.idx.msk [tilespmem:v13+s10+$0x0], $0xffff  }
0x277: {  	v30 =	vand.u32 $0x3FFF, v30;
	v46 =	vld.idx.msk [tilespmem:v46+s7+$0x0], $0xffff  }
0x278: {  	v20 =	vshrl.u32 v29, $0xE;
	[tilespmem:v61+s9+$0x0] =	vst.idx.add.f32.msk $0xffff, v48  }
0x279: {  	v24 =	vmul.f32 v49, v47;
	v47 =	vld.idx.msk [tilespmem:v45+s7+$0x0], $0xffff  }
0x27a: {  	v48 =	vld [tilespmem:s23+$0xFFFFFFE0]  }
0x27b: {  	v31 =	vand.u32 $0x3FFF, v31;
	v14 =	vld.idx.msk [tilespmem:v14+s10+$0x0], $0xffff  }
0x27c: {  	[tilespmem:v30+s9+$0x0] =	vst.idx.add.f32.msk $0xffff, v24  }
0x27d: {  	v32 =	vand.u32 $0x3FFF, v32;
	v49 =	vld.idx.msk [tilespmem:v20+s7+$0x0], $0xffff  }
0x27e: {  	v43 =	vmul.f32 v50, v43;
	v15 =	vld.idx.msk [tilespmem:v15+s10+$0x0], $0xffff  }
0x27f: {  	v30 =	vld.idx.msk [tilespmem:v30+s7+$0x0], $0xffff  }
0x280: {  	v50 =	vmul.f32 v51, v25;
	[tilespmem:v31+s9+$0x0] =	vst.idx.add.f32.msk $0xffff, v43  }
0x281: {  	v43 =	vld [tilespmem:s23+$0xFFFFFFF0]  }
0x282: {  	v33 =	vand.u32 $0x3FFF, v33;
	[tilespmem:v32+s9+$0x0] =	vst.idx.add.f32.msk $0xffff, v50  }
0x283: {  	v24 =	vshrl.u32 v26, $0xE;
	v50 =	vld [tilespmem:s23+$0x0]  }
0x284: {  	v25 =	vshrl.u32 v28, $0xE;
	v48 =	vmul.f32 v53, v48;
	v53 =	vld [tilespmem:s23+$0x10]  }
0x285: {  	v16 =	vld.idx.msk [tilespmem:v16+s10+$0x0], $0xffff  }
0x286: {  	v31 =	vld.idx.msk [tilespmem:v31+s7+$0x0], $0xffff  }
0x287: {  	v34 =	vand.u32 $0x3FFF, v34;
	[tilespmem:v33+s9+$0x0] =	vst.idx.add.f32.msk $0xffff, v48  }
0x288: {  	v51 =	vld.idx.msk [tilespmem:v24+s7+$0x0], $0xffff  }
0x289: {  	v0 =	vand.u32 $0x3FFF, v0;
	v48 =	vld.idx.msk [tilespmem:v25+s7+$0x0], $0xffff  }
0x28a: {  	v43 =	vmul.f32 v54, v43;
	v53 =	vmul.f32 v57, v53;
	v57 =	vld [tilespmem:s23+$0x40]  }
0x28b: {  	v35 =	vand.u32 $0x3FFF, v35;
	v50 =	vmul.f32 v55, v50;
	v55 =	vld [tilespmem:s23+$0x50]  }
0x28c: {  	[tilespmem:v34+s9+$0x0] =	vst.idx.add.f32.msk $0xffff, v43  }
0x28d: {  	v43 =	vld [tilespmem:s23+$0x20]  }
0x28e: {  	[tilespmem:v0+s9+$0x0] =	vst.idx.add.f32.msk $0xffff, v50  }
0x28f: {  	v38 =	vand.u32 $0x3FFF, v38;
	v50 =	vld [tilespmem:s23+$0x30]  }
0x290: {  	[tilespmem:v35+s9+$0x0] =	vst.idx.add.f32.msk $0xffff, v53  }
0x291: {  	v53 =	vld [tilespmem:s23+$0x60]  }
0x292: {  	v39 =	vand.u32 $0x3FFF, v39;
	v54 =	vmul.f32 v63, v57;
	v57 =	vld [tilespmem:s23+$0x80]  }
0x293: {  	v36 =	vand.u32 $0x3FFF, v36;
	v63 =	vld [tilespmem:s23+$0xB0]  }
0x294: {  	[tilespmem:v38+s9+$0x0] =	vst.idx.add.f32.msk $0xffff, v54  }
0x295: {  	v37 =	vand.u32 $0x3FFF, v37;
	v52 =	vmul.f32 v52, v55;
	v43 =	vmul.f32 v59, v43;
	v59 =	vld [tilespmem:s23+$0x90]  }
0x296: {  	v40 =	vand.u32 $0x3FFF, v40;
	v50 =	vmul.f32 v60, v50;
	v60 =	vld [tilespmem:s23+$0xA0]  }
0x297: {  	v42 =	vand.u32 $0x3FFF, v42;
	[tilespmem:v39+s9+$0x0] =	vst.idx.add.f32.msk $0xffff, v52  }
0x298: {  	v29 =	vand.u32 $0x3FFF, v29;
	[tilespmem:v36+s9+$0x0] =	vst.idx.add.f32.msk $0xffff, v43  }
0x299: {  	v28 =	vand.u32 $0x3FFF, v28;
	v2 =	vmul.f32 v2, v53;
	v43 =	vld [tilespmem:s23+$0x70]  }
0x29a: {  	v26 =	vand.u32 $0x3FFF, v26;
	[tilespmem:v37+s9+$0x0] =	vst.idx.add.f32.msk $0xffff, v50;
	v57 =	vmul.f32 v47, v57  }
0x29b: {  	v41 =	vand.u32 $0x3FFF, v41;
	[tilespmem:v40+s9+$0x0] =	vst.idx.add.f32.msk $0xffff, v2;
	v2 =	vmul.f32 v49, v59  }
0x29c: {  	v59 =	vmul.f32 v48, v60;
	[tilespmem:v42+s9+$0x0] =	vst.idx.add.f32.msk $0xffff, v57  }
0x29d: {  	v60 =	vmul.f32 v51, v63;
	[tilespmem:v29+s9+$0x0] =	vst.idx.add.f32.msk $0xffff, v2  }
0x29e: {  	v19 =	vmul.f32 v19, v43;
	[tilespmem:v28+s9+$0x0] =	vst.idx.add.f32.msk $0xffff, v59  }
0x29f: {  	[tilespmem:v26+s9+$0x0] =	vst.idx.add.f32.msk $0xffff, v60  }
0x2a0: {  	[tilespmem:v41+s9+$0x0] =	vst.idx.add.f32.msk $0xffff, v19  }
0x2a1: {  	v2 =	vld [tilespmem:$0x1FEF0]  }
0x2a2: {  	v17 =	vld.idx.msk [tilespmem:v17+s10+$0x0], $0xffff  }
0x2a3: {  	v32 =	vld.idx.msk [tilespmem:v32+s7+$0x0], $0xffff  }
0x2a4: {  	v21 =	vld.idx.msk [tilespmem:v21+s10+$0x0], $0xffff  }
0x2a5: {  	v33 =	vld.idx.msk [tilespmem:v33+s7+$0x0], $0xffff  }
0x2a6: {  	v22 =	vld.idx.msk [tilespmem:v22+s10+$0x0], $0xffff  }
0x2a7: {  	v34 =	vld.idx.msk [tilespmem:v34+s7+$0x0], $0xffff  }
0x2a8: {  	v23 =	vld.idx.msk [tilespmem:v23+s10+$0x0], $0xffff  }
0x2a9: {  	v2 =	vld.idx.msk [tilespmem:v2+s10+$0x0], $0xffff  }
0x2aa: {  	v55 =	vld.idx.msk [tilespmem:v61+s7+$0x0], $0xffff  }
0x2ab: {  	v53 =	vld.idx.msk [tilespmem:v56+s7+$0x0], $0xffff  }
0x2ac: {  	v52 =	vld.idx.msk [tilespmem:v58+s7+$0x0], $0xffff  }
0x2ad: {  	v1 =	vmul.f32 v1, v10;
	v54 =	vld.idx.msk [tilespmem:v62+s7+$0x0], $0xffff  }
0x2ae: {  	s0 =	simm.s32 $0xC410;
	v63 =	vld.idx.msk [tilespmem:v27+s10+$0x0], $0xffff;
	v2 =	vmul.f32 v5, v2  }
0x2af: {  	v0 =	vld.idx.msk [tilespmem:v0+s7+$0x0], $0xffff;
	[tilespmem:s0+$0xFFFFFF60] =	vst v1;
	v1 =	vmul.f32 v44, v12  }
0x2b0: {  	v18 =	vld.idx.msk [tilespmem:v18+s10+$0x0], $0xffff;
	[tilespmem:s0+$0xC0] =	vst v2;
	v2 =	vmul.f32 v53, v9  }
0x2b1: {  	v56 =	vld.idx.msk [tilespmem:v35+s7+$0x0], $0xffff;
	[tilespmem:s0+$0xFFFFFF80] =	vst v1;
	v1 =	vmul.f32 v55, v14  }
0x2b2: {  	v3 =	vld.idx.msk [tilespmem:v3+s10+$0x0], $0xffff;
	[tilespmem:s0+$0xFFFFFF50] =	vst v2;
	v2 =	vmul.f32 v54, v11  }
0x2b3: {  	v58 =	vld.idx.msk [tilespmem:v38+s7+$0x0], $0xffff;
	[tilespmem:s0+$0xFFFFFFA0] =	vst v1;
	v5 =	vmul.f32 v52, v63  }
0x2b4: {  	v6 =	vld.idx.msk [tilespmem:v6+s10+$0x0], $0xffff;
	[tilespmem:s0+$0xFFFFFF70] =	vst v2;
	v2 =	vmul.f32 v46, v13  }
0x2b5: {  	v4 =	vld.idx.msk [tilespmem:v4+s10+$0x0], $0xffff;
	[tilespmem:s0+$0xFFFFFF40] =	vst v5  }
0x2b6: {  	v5 =	vld.idx.msk [tilespmem:v8+s10+$0x0], $0xffff;
	[tilespmem:s0+$0xFFFFFF90] =	vst v2  }
0x2b7: {  	v59 =	vld [tilespmem:$0x1FF00]  }
0x2b8: {  	v1 =	vmul.f32 v31, v16;
	v8 =	vld.idx.msk [tilespmem:v36+s7+$0x0], $0xffff  }
0x2b9: {  	v0 =	vmul.f32 v0, v23;
	v61 =	vld.idx.msk [tilespmem:v40+s7+$0x0], $0xffff  }
0x2ba: {  	v57 =	vld.idx.msk [tilespmem:v37+s7+$0x0], $0xffff;
	v2 =	vmul.f32 v30, v15;
	[tilespmem:s0+$0xFFFFFFC0] =	vst v1  }
0x2bb: {  	v60 =	vld.idx.msk [tilespmem:v39+s7+$0x0], $0xffff;
	v1 =	vmul.f32 v33, v21;
	[tilespmem:s0+$0x0] =	vst v0  }
0x2bc: {  	v62 =	vld.idx.msk [tilespmem:v41+s7+$0x0], $0xffff;
	[tilespmem:s0+$0xFFFFFFB0] =	vst v2;
	v2 =	vmul.f32 v32, v17  }
0x2bd: {  	v63 =	vld.idx.msk [tilespmem:v42+s7+$0x0], $0xffff;
	v0 =	vmul.f32 v8, v5;
	[tilespmem:s0+$0xFFFFFFE0] =	vst v1  }
0x2be: {  	v1 =	vld.idx.msk [tilespmem:v7+s10+$0x0], $0xffff;
	[tilespmem:s0+$0xFFFFFFD0] =	vst v2;
	v2 =	vmul.f32 v34, v22  }
0x2bf: {  	[tilespmem:s0+$0x20] =	vst v0;
	v0 =	vmul.f32 v58, v3;
	v12 =	vld.idx.msk [tilespmem:v59+s10+$0x0], $0xffff  }
0x2c0: {  	v8 =	vld.idx.msk [tilespmem:v45+s10+$0x0], $0xffff;
	[tilespmem:s0+$0xFFFFFFF0] =	vst v2;
	v2 =	vmul.f32 v56, v18  }
0x2c1: {  	v5 =	vld.idx.msk [tilespmem:v28+s7+$0x0], $0xffff;
	[tilespmem:s0+$0x40] =	vst v0;
	v0 =	vmul.f32 v61, v4  }
0x2c2: {  	v7 =	vld.idx.msk [tilespmem:v29+s7+$0x0], $0xffff;
	[tilespmem:s0+$0x10] =	vst v2;
	v2 =	vmul.f32 v57, v6  }
0x2c3: {  	v4 =	vld.idx.msk [tilespmem:v25+s10+$0x0], $0xffff;
	[tilespmem:s0+$0x60] =	vst v0;
	v1 =	vmul.f32 v62, v1  }
0x2c4: {  	v6 =	vld.idx.msk [tilespmem:v20+s10+$0x0], $0xffff;
	[tilespmem:s0+$0x30] =	vst v2;
	v2 =	vmul.f32 v60, v12  }
0x2c5: {  	[tilespmem:s0+$0x70] =	vst v1;
	v1 =	vld.idx.msk [tilespmem:v26+s7+$0x0], $0xffff  }
0x2c6: {  	s13 =	simm.s32 $0x0;
	s17 =	simm.s32 $0x8720;
	v3 =	vmul.f32 v63, v8;
	[tilespmem:s0+$0x50] =	vst v2;
	v2 =	vld.idx.msk [tilespmem:v24+s10+$0x0], $0xffff  }
.LBB2_20:
0x2c7: {  	v0 =	vld [tilespmem:s17+$0xC0]  }
0x2c8: {  	v8 =	vld [tilespmem:s17+$0xFFFFFF50]  }
0x2c9: {  	[tilespmem:s0+$0x80] =	vst v3;
	v3 =	vmul.f32 v7, v6;
	v6 =	vld [tilespmem:s17+$0xFFFFFF60]  }
0x2ca: {  	v7 =	vld [tilespmem:s17+$0xFFFFFF70]  }
0x2cb: {  	v1 =	vmul.f32 v1, v2;
	v2 =	vld [tilespmem:s17+$0xFFFFFFA0]  }
0x2cc: {  	[tilespmem:s0+$0x90] =	vst v3;
	v3 =	vmul.f32 v5, v4;
	v4 =	vld [tilespmem:s17+$0xFFFFFF80]  }
0x2cd: {  	v5 =	vld [tilespmem:s17+$0xFFFFFF90]  }
0x2ce: {  	[tilespmem:s0+$0xB0] =	vst v1;
	v1 =	vld [tilespmem:s17+$0xFFFFFFC0]  }
0x2cf: {  	v43 =	vshrl.u32 v8, $0xE;
	v47 =	vld [tilespmem:s17+$0xB0]  }
0x2d0: {  	s23 =	sadd.s32 $0x190, s23;
	[tilespmem:s0+$0xA0] =	vst v3;
	v3 =	vld [tilespmem:s17+$0xFFFFFFB0]  }
0x2d1: {  	v9 =	vshrl.u32 v0, $0xE;
	v38 =	vshrl.u32 v2, $0xE;
	v33 =	vand.u32 $0x3FFF, v2;
	v2 =	vld [tilespmem:s23+$0xC0]  }
0x2d2: {  	v44 =	vshrl.u32 v6, $0xE;
	v41 =	vand.u32 $0x3FFF, v6;
	v6 =	vld [tilespmem:s17+$0x10]  }
0x2d3: {  	v46 =	vshrl.u32 v7, $0xE;
	v42 =	vand.u32 $0x3FFF, v7;
	v7 =	vld [tilespmem:s17+$0x20]  }
0x2d4: {  	v49 =	vld.idx.msk [tilespmem:v43+s7+$0x0], $0xffff  }
0x2d5: {  	v45 =	vshrl.u32 v4, $0xE;
	v37 =	vand.u32 $0x3FFF, v4;
	v4 =	vld [tilespmem:s17+$0xFFFFFFD0]  }
0x2d6: {  	v39 =	vshrl.u32 v5, $0xE;
	v34 =	vand.u32 $0x3FFF, v5;
	v5 =	vld.idx.msk [tilespmem:v9+s7+$0x0], $0xffff  }
0x2d7: {  	v31 =	vshrl.u32 v1, $0xE;
	v25 =	vand.u32 $0x3FFF, v1;
	v1 =	vld [tilespmem:s17+$0xFFFFFFF0]  }
0x2d8: {  	v35 =	vshrl.u32 v3, $0xE;
	v28 =	vand.u32 $0x3FFF, v3;
	v3 =	vld [tilespmem:s17+$0xFFFFFFE0]  }
0x2d9: {  	v50 =	vld.idx.msk [tilespmem:v44+s7+$0x0], $0xffff  }
0x2da: {  	v51 =	vld.idx.msk [tilespmem:v46+s7+$0x0], $0xffff  }
0x2db: {  	v53 =	vld.idx.msk [tilespmem:v38+s7+$0x0], $0xffff  }
0x2dc: {  	v0 =	vand.u32 $0x3FFF, v0;
	v29 =	vshrl.u32 v4, $0xE;
	v22 =	vand.u32 $0x3FFF, v4;
	v4 =	vld [tilespmem:s17+$0x0]  }
0x2dd: {  	v2 =	vmul.f32 v5, v2;
	v5 =	vld [tilespmem:s17+$0x70]  }
0x2de: {  	v52 =	vld.idx.msk [tilespmem:v45+s7+$0x0], $0xffff  }
0x2df: {  	v55 =	vld.idx.msk [tilespmem:v31+s7+$0x0], $0xffff  }
0x2e0: {  	v23 =	vshrl.u32 v6, $0xE;
	v36 =	vshrl.u32 v3, $0xE;
	v30 =	vand.u32 $0x3FFF, v3;
	v3 =	vld [tilespmem:s17+$0x30]  }
0x2e1: {  	v40 =	vand.u32 $0x3FFF, v8;
	v8 =	vshrl.u32 v7, $0xE;
	[tilespmem:v0+s9+$0x0] =	vst.idx.add.f32.msk $0xffff, v2  }
0x2e2: {  	v54 =	vld.idx.msk [tilespmem:v35+s7+$0x0], $0xffff  }
0x2e3: {  	v2 =	vand.u32 $0x3FFF, v6;
	v0 =	vld.idx.msk [tilespmem:v0+s7+$0x0], $0xffff  }
0x2e4: {  	[tilespmem:$0x1FE30] =	vst v2;
	v2 =	vand.u32 $0x3FFF, v7;
	v7 =	vld [tilespmem:s17+$0x80]  }
0x2e5: {  	v61 =	vld.idx.msk [tilespmem:v23+s7+$0x0], $0xffff  }
0x2e6: {  	v32 =	vshrl.u32 v1, $0xE;
	v62 =	vld.idx.msk [tilespmem:v8+s7+$0x0], $0xffff  }
0x2e7: {  	[tilespmem:$0x1FE40] =	vst v2;
	v2 =	vld [tilespmem:s17+$0x40]  }
0x2e8: {  	v26 =	vand.u32 $0x3FFF, v1;
	v27 =	vshrl.u32 v4, $0xE;
	v1 =	vand.u32 $0x3FFF, v4;
	v4 =	vld [tilespmem:s17+$0x60]  }
0x2e9: {  	v10 =	vshrl.u32 v5, $0xE;
	v19 =	vand.u32 $0x3FFF, v5;
	v5 =	vld.idx.msk [tilespmem:v39+s7+$0x0], $0xffff  }
0x2ea: {  	v56 =	vld.idx.msk [tilespmem:v29+s7+$0x0], $0xffff  }
0x2eb: {  	v59 =	vld.idx.msk [tilespmem:v32+s7+$0x0], $0xffff  }
0x2ec: {  	[tilespmem:$0x1FE20] =	vst v1;
	v1 =	vld.idx.msk [tilespmem:v9+s10+$0x0], $0xffff  }
0x2ed: {  	v6 =	vshrl.u32 v3, $0xE;
	v3 =	vand.u32 $0x3FFF, v3;
	v58 =	vld.idx.msk [tilespmem:v36+s7+$0x0], $0xffff  }
0x2ee: {  	[tilespmem:$0x1FE50] =	vst v3;
	v3 =	vld [tilespmem:s17+$0x50]  }
0x2ef: {  	v24 =	vshrl.u32 v2, $0xE;
	v21 =	vand.u32 $0x3FFF, v2;
	v2 =	vld [tilespmem:s17+$0x90]  }
0x2f0: {  	v9 =	vshrl.u32 v4, $0xE;
	v60 =	vld.idx.msk [tilespmem:v27+s7+$0x0], $0xffff  }
0x2f1: {  	v0 =	vmul.f32 v0, v1;
	v1 =	vld [tilespmem:s17+$0xA0]  }
0x2f2: {  	s0 =	sadd.s32 $0x190, s0;
	v18 =	vand.u32 $0x3FFF, v4;
	v4 =	vshrl.u32 v7, $0xE;
	v63 =	vld.idx.msk [tilespmem:v6+s7+$0x0], $0xffff  }
0x2f3: {  	[tilespmem:s0+$0xC0] =	vst v0;
	v0 =	vld [tilespmem:s17+$0xFFFFFF40]  }
0x2f4: {  	[tilespmem:$0x1FE70] =	vst v6;
	v11 =	vshrl.u32 v3, $0xE;
	v6 =	vld.idx.msk [tilespmem:v24+s7+$0x0], $0xffff  }
0x2f5: {  	[tilespmem:$0x1FE60] =	vst v8;
	v8 =	vld.idx.msk [tilespmem:v9+s7+$0x0], $0xffff  }
0x2f6: {  	[tilespmem:$0x1FE90] =	vst v9;
	v20 =	vand.u32 $0x3FFF, v3;
	v3 =	vshrl.u32 v2, $0xE;
	v9 =	vld.idx.msk [tilespmem:v10+s7+$0x0], $0xffff  }
0x2f7: {  	[tilespmem:$0x1FEA0] =	vst v10;
	v10 =	vld.idx.msk [tilespmem:v4+s7+$0x0], $0xffff  }
0x2f8: {  	v14 =	vand.u32 $0x3FFF, v47;
	v17 =	vand.u32 $0x3FFF, v7;
	[tilespmem:$0x1FEB0] =	vst v4;
	v4 =	vld [tilespmem:s23+$0xFFFFFF80]  }
0x2f9: {  	v16 =	vand.u32 $0x3FFF, v2;
	v2 =	vshrl.u32 v1, $0xE;
	v15 =	vand.u32 $0x3FFF, v1;
	v7 =	vld.idx.msk [tilespmem:v11+s7+$0x0], $0xffff  }
0x2fa: {  	v1 =	vshrl.u32 v47, $0xE;
	v48 =	vshrl.u32 v0, $0xE;
	v47 =	vand.u32 $0x3FFF, v0;
	v0 =	vld [tilespmem:s23+$0xFFFFFF40]  }
0x2fb: {  	[tilespmem:$0x1FE80] =	vst v11;
	v11 =	vld.idx.msk [tilespmem:v3+s7+$0x0], $0xffff  }
0x2fc: {  	[tilespmem:$0x1FEC0] =	vst v3;
	v3 =	vld [tilespmem:s23+$0xFFFFFF70]  }
0x2fd: {  	v4 =	vmul.f32 v52, v4;
	v52 =	vld [tilespmem:s23+$0xFFFFFFD0]  }
0x2fe: {  	v12 =	vld.idx.msk [tilespmem:v2+s7+$0x0], $0xffff  }
0x2ff: {  	v13 =	vld.idx.msk [tilespmem:v1+s7+$0x0], $0xffff  }
0x300: {  	[tilespmem:$0x1FEE0] =	vst v1;
	v1 =	vld [tilespmem:s23+$0xFFFFFF50]  }
0x301: {  	[tilespmem:$0x1FED0] =	vst v2;
	v2 =	vld [tilespmem:s23+$0xFFFFFF60]  }
0x302: {  	[tilespmem:v37+s9+$0x0] =	vst.idx.add.f32.msk $0xffff, v4  }
0x303: {  	v57 =	vld.idx.msk [tilespmem:v48+s7+$0x0], $0xffff  }
0x304: {  	v3 =	vmul.f32 v51, v3;
	v51 =	vld [tilespmem:s23+$0xFFFFFFC0]  }
0x305: {  	v52 =	vmul.f32 v56, v52;
	v56 =	vld [tilespmem:s23+$0x20]  }
0x306: {  	v1 =	vmul.f32 v49, v1;
	v49 =	vld [tilespmem:s23+$0xFFFFFFA0]  }
0x307: {  	v2 =	vmul.f32 v50, v2;
	v50 =	vld [tilespmem:s23+$0xFFFFFFB0]  }
0x308: {  	[tilespmem:v42+s9+$0x0] =	vst.idx.add.f32.msk $0xffff, v3  }
0x309: {  	[tilespmem:v22+s9+$0x0] =	vst.idx.add.f32.msk $0xffff, v52  }
0x30a: {  	v0 =	vmul.f32 v57, v0;
	v57 =	vld [tilespmem:s23+$0xFFFFFF90]  }
0x30b: {  	[tilespmem:v40+s9+$0x0] =	vst.idx.add.f32.msk $0xffff, v1  }
0x30c: {  	[tilespmem:v41+s9+$0x0] =	vst.idx.add.f32.msk $0xffff, v2  }
0x30d: {  	v51 =	vmul.f32 v55, v51;
	v55 =	vld [tilespmem:s23+$0x10]  }
0x30e: {  	v56 =	vmul.f32 v62, v56;
	v62 =	vld [tilespmem:s23+$0x70]  }
0x30f: {  	[tilespmem:v47+s9+$0x0] =	vst.idx.add.f32.msk $0xffff, v0  }
0x310: {  	v49 =	vmul.f32 v53, v49;
	v53 =	vld [tilespmem:s23+$0xFFFFFFF0]  }
0x311: {  	v50 =	vmul.f32 v54, v50;
	v54 =	vld [tilespmem:s23+$0x0]  }
0x312: {  	[tilespmem:v25+s9+$0x0] =	vst.idx.add.f32.msk $0xffff, v51  }
0x313: {  	v5 =	vmul.f32 v5, v57;
	v57 =	vld [tilespmem:s23+$0xFFFFFFE0]  }
0x314: {  	[tilespmem:v33+s9+$0x0] =	vst.idx.add.f32.msk $0xffff, v49  }
0x315: {  	[tilespmem:v28+s9+$0x0] =	vst.idx.add.f32.msk $0xffff, v50  }
0x316: {  	v55 =	vmul.f32 v61, v55;
	v61 =	vld [tilespmem:s23+$0x60]  }
0x317: {  	[tilespmem:v34+s9+$0x0] =	vst.idx.add.f32.msk $0xffff, v5  }
0x318: {  	v0 =	vmul.f32 v9, v62;
	v62 =	vld [tilespmem:$0x1FE50]  }
0x319: {  	v5 =	vld.idx.msk [tilespmem:v41+s7+$0x0], $0xffff  }
0x31a: {  	v53 =	vmul.f32 v59, v53;
	v59 =	vld [tilespmem:s23+$0x40]  }
0x31b: {  	v54 =	vmul.f32 v60, v54;
	v60 =	vld [tilespmem:s23+$0x50]  }
0x31c: {  	[tilespmem:v19+s9+$0x0] =	vst.idx.add.f32.msk $0xffff, v0  }
0x31d: {  	v0 =	vld.idx.msk [tilespmem:v48+s10+$0x0], $0xffff  }
0x31e: {  	v57 =	vmul.f32 v58, v57;
	v58 =	vld [tilespmem:s23+$0x30]  }
0x31f: {  	[tilespmem:v26+s9+$0x0] =	vst.idx.add.f32.msk $0xffff, v53  }
0x320: {  	v8 =	vmul.f32 v8, v61;
	v61 =	vld [tilespmem:s23+$0xB0]  }
0x321: {  	[tilespmem:v30+s9+$0x0] =	vst.idx.add.f32.msk $0xffff, v57  }
0x322: {  	v6 =	vmul.f32 v6, v59;
	v59 =	vld [tilespmem:s23+$0x90]  }
0x323: {  	v7 =	vmul.f32 v7, v60;
	v60 =	vld [tilespmem:s23+$0xA0]  }
0x324: {  	v58 =	vmul.f32 v63, v58;
	v63 =	vld [tilespmem:s23+$0x80]  }
0x325: {  	[tilespmem:v21+s9+$0x0] =	vst.idx.add.f32.msk $0xffff, v6  }
0x326: {  	[tilespmem:v20+s9+$0x0] =	vst.idx.add.f32.msk $0xffff, v7  }
0x327: {  	v6 =	vld.idx.msk [tilespmem:v46+s10+$0x0], $0xffff  }
0x328: {  	v7 =	vld.idx.msk [tilespmem:v45+s10+$0x0], $0xffff  }
0x329: {  	v4 =	vmul.f32 v13, v61;
	v61 =	vld [tilespmem:$0x1FE40]  }
0x32a: {  	[tilespmem:v62+s9+$0x0] =	vst.idx.add.f32.msk $0xffff, v58;
	v2 =	vmul.f32 v11, v59  }
0x32b: {  	v3 =	vmul.f32 v12, v60;
	v59 =	vld [tilespmem:$0x1FE20]  }
0x32c: {  	v1 =	vmul.f32 v10, v63;
	[tilespmem:v16+s9+$0x0] =	vst.idx.add.f32.msk $0xffff, v2  }
0x32d: {  	[tilespmem:v15+s9+$0x0] =	vst.idx.add.f32.msk $0xffff, v3  }
0x32e: {  	[tilespmem:v17+s9+$0x0] =	vst.idx.add.f32.msk $0xffff, v1  }
0x32f: {  	v1 =	vld.idx.msk [tilespmem:v47+s7+$0x0], $0xffff  }
0x330: {  	v2 =	vld.idx.msk [tilespmem:v43+s10+$0x0], $0xffff  }
0x331: {  	v3 =	vld.idx.msk [tilespmem:v40+s7+$0x0], $0xffff  }
0x332: {  	[tilespmem:v14+s9+$0x0] =	vst.idx.add.f32.msk $0xffff, v4  }
0x333: {  	v4 =	vld.idx.msk [tilespmem:v44+s10+$0x0], $0xffff  }
0x334: {  	[tilespmem:v61+s9+$0x0] =	vst.idx.add.f32.msk $0xffff, v56;
	v0 =	vmul.f32 v1, v0  }
0x335: {  	v1 =	vld.idx.msk [tilespmem:v42+s7+$0x0], $0xffff  }
0x336: {  	v60 =	vld [tilespmem:$0x1FE30];
	[tilespmem:s0+$0xFFFFFF40] =	vst v0;
	v0 =	vmul.f32 v3, v2  }
0x337: {  	v2 =	vld.idx.msk [tilespmem:v37+s7+$0x0], $0xffff  }
0x338: {  	v3 =	vld.idx.msk [tilespmem:v39+s10+$0x0], $0xffff;
	[tilespmem:s0+$0xFFFFFF50] =	vst v0;
	v0 =	vmul.f32 v5, v4  }
0x339: {  	v4 =	vld.idx.msk [tilespmem:v34+s7+$0x0], $0xffff  }
0x33a: {  	v5 =	vld.idx.msk [tilespmem:v38+s10+$0x0], $0xffff;
	[tilespmem:s0+$0xFFFFFF60] =	vst v0;
	v0 =	vmul.f32 v1, v6  }
0x33b: {  	v1 =	vld.idx.msk [tilespmem:v33+s7+$0x0], $0xffff  }
0x33c: {  	v6 =	vld.idx.msk [tilespmem:v35+s10+$0x0], $0xffff;
	[tilespmem:s0+$0xFFFFFF70] =	vst v0;
	v0 =	vmul.f32 v2, v7  }
0x33d: {  	v2 =	vld.idx.msk [tilespmem:v28+s7+$0x0], $0xffff  }
0x33e: {  	v7 =	vld.idx.msk [tilespmem:v31+s10+$0x0], $0xffff;
	[tilespmem:s0+$0xFFFFFF80] =	vst v0;
	v0 =	vmul.f32 v4, v3  }
0x33f: {  	v3 =	vld.idx.msk [tilespmem:v25+s7+$0x0], $0xffff  }
0x340: {  	v4 =	vld.idx.msk [tilespmem:v29+s10+$0x0], $0xffff;
	[tilespmem:s0+$0xFFFFFF90] =	vst v0;
	v0 =	vmul.f32 v1, v5  }
0x341: {  	v1 =	vld.idx.msk [tilespmem:v22+s7+$0x0], $0xffff  }
0x342: {  	v5 =	vld.idx.msk [tilespmem:v36+s10+$0x0], $0xffff;
	[tilespmem:s0+$0xFFFFFFA0] =	vst v0;
	v0 =	vmul.f32 v2, v6  }
0x343: {  	v2 =	vld.idx.msk [tilespmem:v30+s7+$0x0], $0xffff  }
0x344: {  	v6 =	vld.idx.msk [tilespmem:v32+s10+$0x0], $0xffff;
	[tilespmem:s0+$0xFFFFFFB0] =	vst v0;
	v0 =	vmul.f32 v3, v7  }
0x345: {  	v3 =	vld.idx.msk [tilespmem:v26+s7+$0x0], $0xffff  }
0x346: {  	[tilespmem:s0+$0xFFFFFFC0] =	vst v0;
	v0 =	vmul.f32 v1, v4  }
0x347: {  	[tilespmem:v59+s9+$0x0] =	vst.idx.add.f32.msk $0xffff, v54  }
0x348: {  	[tilespmem:s0+$0xFFFFFFD0] =	vst v0;
	v0 =	vmul.f32 v2, v5;
	v5 =	vld [tilespmem:$0x1FE60]  }
0x349: {  	[tilespmem:v60+s9+$0x0] =	vst.idx.add.f32.msk $0xffff, v55  }
0x34a: {  	[tilespmem:s0+$0xFFFFFFE0] =	vst v0;
	v0 =	vmul.f32 v3, v6;
	v6 =	vld [tilespmem:$0x1FE70]  }
0x34b: {  	v7 =	vld.idx.msk [tilespmem:v27+s10+$0x0], $0xffff  }
0x34c: {  	v1 =	vld.idx.msk [tilespmem:v59+s7+$0x0], $0xffff  }
0x34d: {  	v4 =	vld.idx.msk [tilespmem:v23+s10+$0x0], $0xffff  }
0x34e: {  	v2 =	vld.idx.msk [tilespmem:v60+s7+$0x0], $0xffff  }
0x34f: {  	v3 =	vld.idx.msk [tilespmem:v61+s7+$0x0], $0xffff  }
0x350: {  	v5 =	vld.idx.msk [tilespmem:v5+s10+$0x0], $0xffff  }
0x351: {  	[tilespmem:s0+$0xFFFFFFF0] =	vst v0;
	v0 =	vmul.f32 v1, v7;
	v1 =	vld.idx.msk [tilespmem:v62+s7+$0x0], $0xffff  }
0x352: {  	v6 =	vld.idx.msk [tilespmem:v6+s10+$0x0], $0xffff  }
0x353: {  	[tilespmem:s0+$0x0] =	vst v0;
	v0 =	vmul.f32 v2, v4;
	v4 =	vld [tilespmem:$0x1FE80];
	_ =	sdelay $0x1  }
0x354: {  	[tilespmem:s0+$0x10] =	vst v0;
	v0 =	vmul.f32 v3, v5;
	v5 =	vld [tilespmem:$0x1FE90]  }
0x355: {  	[tilespmem:v18+s9+$0x0] =	vst.idx.add.f32.msk $0xffff, v8  }
0x356: {  	[tilespmem:s0+$0x20] =	vst v0;
	v0 =	vmul.f32 v1, v6;
	v6 =	vld [tilespmem:$0x1FEA0]  }
0x357: {  	v7 =	vld.idx.msk [tilespmem:v24+s10+$0x0], $0xffff  }
0x358: {  	v2 =	vld.idx.msk [tilespmem:v21+s7+$0x0], $0xffff  }
0x359: {  	v3 =	vld.idx.msk [tilespmem:v20+s7+$0x0], $0xffff  }
0x35a: {  	v4 =	vld.idx.msk [tilespmem:v4+s10+$0x0], $0xffff  }
0x35b: {  	v1 =	vld.idx.msk [tilespmem:v18+s7+$0x0], $0xffff  }
0x35c: {  	v5 =	vld.idx.msk [tilespmem:v5+s10+$0x0], $0xffff  }
0x35d: {  	[tilespmem:s0+$0x30] =	vst v0;
	v0 =	vmul.f32 v2, v7  }
0x35e: {  	v8 =	vld.idx.msk [tilespmem:v6+s10+$0x0], $0xffff  }
0x35f: {  	[tilespmem:s0+$0x40] =	vst v0;
	v0 =	vmul.f32 v3, v4;
	v6 =	vld [tilespmem:$0x1FEB0]  }
0x360: {  	v4 =	vld [tilespmem:$0x1FEC0]  }
0x361: {  	[tilespmem:s0+$0x50] =	vst v0;
	v0 =	vmul.f32 v1, v5;
	v1 =	vld [tilespmem:$0x1FED0];
	_ =	sdelay $0x5  }
0x362: {  	v63 =	vld.idx.msk [tilespmem:v6+s10+$0x0], $0xffff  }
0x363: {  	v6 =	vld.idx.msk [tilespmem:v4+s10+$0x0], $0xffff  }
0x364: {  	v4 =	vld.idx.msk [tilespmem:v1+s10+$0x0], $0xffff  }
0x365: {  	v1 =	vld [tilespmem:$0x1FEE0];
	_ =	sdelay $0x1  }
0x366: {  	v2 =	vld.idx.msk [tilespmem:v19+s7+$0x0], $0xffff  }
0x367: {  	s13 =	sadd.s32 $0x19, s13  }
0x368: {  	p2 =	slt.u32 s13, $0xE1;
	v3 =	vld.idx.msk [tilespmem:v17+s7+$0x0], $0xffff  }
.Ltmp14:
0x369: {  	_ = 	snop;
	(pc) =	sbr.rel @p2 .LBB2_20-.Ltmp14, $4  }
0x36a: {  	v7 =	vld.idx.msk [tilespmem:v16+s7+$0x0], $0xffff  }
0x36b: {  	v5 =	vld.idx.msk [tilespmem:v15+s7+$0x0], $0xffff;
	[tilespmem:s0+$0x60] =	vst v0;
	v0 =	vmul.f32 v2, v8  }
0x36c: {  	v2 =	vld.idx.msk [tilespmem:v1+s10+$0x0], $0xffff  }
0x36d: {  	s17 =	sadd.s32 $0x190, s17;
	[tilespmem:s0+$0x70] =	vst v0;
	v3 =	vmul.f32 v3, v63;
	v1 =	vld.idx.msk [tilespmem:v14+s7+$0x0], $0xffff  }
0x36e: {  	_ =	sdelay $0x1  }
0x36f: {  	v0 =	vmul.f32 v7, v6  }
0x370: {  	s11 =	sadd.s32 $0x1, s11;
	[tilespmem:s0+$0x80] =	vst v3;
	v62 =	vmul.f32 v5, v4  }
0x371: {  	s13 =	sshll.u32 s14, $0x8;
	p2 =	sne.s32 s11, $0xA;
	[tilespmem:s0+$0x90] =	vst v0;
	v63 =	vmul.f32 v1, v2  }
.Ltmp15:
0x372: {  	s13 =	sand.u32 $0x3FFFFF00, s13;
	[tilespmem:s0+$0xA0] =	vst v62;
	(pc) =	sbr.rel @p2 .LBB2_17-.Ltmp15, $4  }
0x373: {  	s23 =	sadd.s32 $0xD2F0, s13;
	[tilespmem:s0+$0xB0] =	vst v63  }
0x374: {  	[spmem:s5] =	stream.indirect.scatter.add.f32 [tilespmem:s29], [sflag:$0x3], $0x10, s23, s26, $0xb8;
	[tilespmem:$0x1ED20] =	vst v63  }
0x375: {  	s24 =	sadd.s32 $0xD370, s13  }
0x376: {  	[spmem:s5] =	stream.indirect.scatter.add.f32 [tilespmem:s30], [sflag:$0x3], $0x10, s24, s26, $0xb8;
	[tilespmem:$0x1ED20] =	vst v63  }
0x377: {  	_ =	swait.ge [sflag:s31], $0x7D0  }
0x378: {  	[sflag:s31] =	ssyncset.done $0x0  }
0x379: {  	[sflag:s31] =	ssyncadd.s32 $0xFFFFF830  }
0x37a: {  	_ =	swait.ge [sflag:s31], $0x7D0  }
0x37b: {  	[sflag:s31] =	ssyncset.done $0x0  }
0x37c: {  	[sflag:s31] =	ssyncadd.s32 $0xFFFFF830  }
0x37d: {  	_ =	swait.ge [sflag:s31], $0x7D0  }
0x37e: {  	[sflag:s31] =	ssyncset.done $0x0  }
0x37f: {  	[sflag:s31] =	ssyncadd.s32 $0xFFFFF830  }
0x380: {  	_ =	swait.ge [sflag:s31], $0x7D0  }
0x381: {  	[sflag:s31] =	ssyncset.done $0x0  }
0x382: {  	s0 =	rddreg [dreg:$0xd];
	[sflag:s31] =	ssyncadd.s32 $0xFFFFF830  }
0x383: {  	[spmem:s0] =	stream.linear.scatter [tilespmem:s9], [sflag:$0x5], $0x2710, $0x38;
	[tilespmem:$0x1ED20] =	vst v63  }
0x384: {  	_ =	swait.ge [sflag:s22], $0x2710  }
0x385: {  	[sflag:s22] =	ssyncset.done $0x0  }
0x386: {  	[sflag:s22] =	ssyncadd.s32 $0xFFFFD8F0  }
0x387: {  	[bflag:$0x0] =	sbarrier.arrive $0xFFFF  }
0x388: {  	s11 =	simm.s32 $0xFAF0;
	s24 =	rddreg [dreg:$0xe]  }
0x389: {  	[tilespmem:s11], [sflag:$0x5] =	stream.linear.gather [spmem:s24], $0x2710, $0x38;
	[tilespmem:$0x1ED20] =	vst v63  }
0x38a: {  	_ =	swait.ge [sflag:s22], $0x2710  }
0x38b: {  	[sflag:s22] =	ssyncset.done $0x0  }
0x38c: {  	s0 =	simm.s32 $0x4E40;
	[sflag:s22] =	ssyncadd.s32 $0xFFFFD8F0  }
0x38d: {  	s11 =	simm.s32 $0xFB10;
	v0 =	vld [tilespmem:s0+$0x20]  }
0x38e: {  	v3 =	vld [tilespmem:s11+$0x20]  }
0x38f: {  	v1 =	vld [tilespmem:s11+$0xFFFFFFE0]  }
0x390: {  	v7 =	vld [tilespmem:s0+$0xFFFFFFF0]  }
0x391: {  	v8 =	vld [tilespmem:s11+$0xFFFFFFF0]  }
0x392: {  	v2 =	vld [tilespmem:s0+$0x0]  }
0x393: {  	v4 =	vld [tilespmem:s11+$0x0]  }
0x394: {  	v5 =	vld [tilespmem:s11+$0x10];
	v0 =	vadd.f32 v3, v0  }
0x395: {  	v3 =	vld [tilespmem:s0+$0x10]  }
0x396: {  	s13 =	simm.s32 $0x0;
	s14 =	simm.s32 $0x4E90;
	v6 =	vld [tilespmem:s0+$0xFFFFFFE0];
	v7 =	vadd.f32 v8, v7;
	[tilespmem:s0+$0x20] =	vst v0  }
.LBB2_23:
0x397: {  	v0 =	vld [tilespmem:s14+$0x20];
	s11 =	sadd.s32 $0x50, s11  }
0x398: {  	s13 =	sadd.s32 $0x5, s13;
	v8 =	vld [tilespmem:s11+$0x20];
	[tilespmem:s0+$0xFFFFFFF0] =	vst v7;
	v2 =	vadd.f32 v4, v2  }
0x399: {  	p2 =	slt.u32 s13, $0x26C;
	v7 =	vld [tilespmem:s11+$0xFFFFFFE0]  }
0x39a: {  	v9 =	vld [tilespmem:s14+$0xFFFFFFF0];
	[tilespmem:s0+$0x0] =	vst v2;
	v3 =	vadd.f32 v5, v3  }
0x39b: {  	v10 =	vld [tilespmem:s11+$0xFFFFFFF0];
	v5 =	vadd.f32 v1, v6  }
.Ltmp16:
0x39c: {  	v2 =	vld [tilespmem:s14+$0x0];
	[tilespmem:s0+$0x10] =	vst v3;
	(pc) =	sbr.rel @p2 .LBB2_23-.Ltmp16, $4  }
0x39d: {  	v4 =	vld [tilespmem:s11+$0x0];
	v0 =	vadd.f32 v8, v0;
	[tilespmem:s0+$0xFFFFFFE0] =	vst v5;
	s0 =	smov.u32 s14  }
0x39e: {  	v3 =	vld [tilespmem:s14+$0x10];
	v1 =	vmov v7  }
0x39f: {  	v5 =	vld [tilespmem:s11+$0x10];
	[tilespmem:s14+$0x20] =	vst v0  }
0x3a0: {  	s14 =	sadd.s32 $0x50, s14;
	v6 =	vld [tilespmem:s0+$0xFFFFFFE0];
	v7 =	vadd.f32 v10, v9  }
0x3a1: {  	_ =	sdelay $0x1  }
0x3a2: {  	v0 =	vadd.f32 v4, v2  }
0x3a3: {  	[tilespmem:s0+$0xFFFFFFF0] =	vst v7;
	v2 =	vadd.f32 v5, v3  }
0x3a4: {  	[tilespmem:s0+$0x0] =	vst v0;
	v0 =	vadd.f32 v1, v6  }
0x3a5: {  	[tilespmem:s0+$0x10] =	vst v2  }
0x3a6: {  	[tilespmem:s0+$0xFFFFFFE0] =	vst v0  }
0x3a7: {  	s24 =	simm.s32 $0x12200;
	[bflag:$0x0] =	sbarrier.arrive $0xFFFF  }
0x3a8: {  	[tilespmem:s24], [sflag:$0x5] =	stream.linear.gather [spmem:s18], $0x2710, $0x38;
	[tilespmem:$0x1ED20] =	vst v63  }
0x3a9: {  	_ =	swait.ge [sflag:s22], $0x2710  }
0x3aa: {  	[sflag:s22] =	ssyncset.done $0x0  }
0x3ab: {  	s0 =	simm.s32 $0x14930;
	[sflag:s22] =	ssyncadd.s32 $0xFFFFD8F0  }
0x3ac: {  	s11 =	simm.s32 $0x12220;
	v0 =	vld [tilespmem:s0+$0x20]  }
0x3ad: {  	s13 =	simm.s32 $0x17040;
	v1 =	vld [tilespmem:s11+$0x20]  }
0x3ae: {  	v3 =	vld [tilespmem:s13+$0x20]  }
0x3af: {  	v7 =	vld [tilespmem:s11+$0xFFFFFFE0]  }
0x3b0: {  	v8 =	vld [tilespmem:s13+$0xFFFFFFE0]  }
0x3b1: {  	v5 =	vld [tilespmem:s0+$0xFFFFFFF0]  }
0x3b2: {  	v9 =	vld [tilespmem:s11+$0xFFFFFFF0]  }
0x3b3: {  	v10 =	vld [tilespmem:s13+$0xFFFFFFF0]  }
0x3b4: {  	v11 =	vld [tilespmem:s0+$0x0]  }
0x3b5: {  	v2 =	vld [tilespmem:s11+$0x0]  }
0x3b6: {  	v6 =	vld [tilespmem:s13+$0x0];
	v0 =	vmul.f32 $9.900000090e-01, v0;
	v1 =	vmul.f32 v3, v1  }
0x3b7: {  	v4 =	vld [tilespmem:s0+$0x10]  }
0x3b8: {  	v12 =	vmul.f32 $9.900000090e-01, v5;
	v9 =	vmul.f32 v10, v9;
	v3 =	vld [tilespmem:s11+$0x10];
	v0 =	vadd.f32 v1, v0  }
0x3b9: {  	v53 =	vimm.f32 $0.0e+00;
	s23 =	smov.u32 s18;
	s14 =	simm.s32 $0x0;
	v5 =	vld [tilespmem:s13+$0x10]  }
0x3ba: {  	s17 =	simm.s32 $0x14980;
	s18 =	smov.u32 s21;
	s24 =	smov.u32 s6;
	v1 =	vmul.f32 v8, v7;
	v8 =	vmul.f32 $9.900000090e-01, v11;
	v7 =	vld [tilespmem:s0+$0xFFFFFFE0];
	v9 =	vadd.f32 v9, v12;
	[tilespmem:s0+$0x20] =	vst v0  }
.LBB2_25:
0x3bb: {  	v0 =	vld [tilespmem:s17+$0x20];
	v2 =	vmul.f32 v6, v2;
	s11 =	sadd.s32 $0x50, s11  }
0x3bc: {  	s13 =	sadd.s32 $0x50, s13;
	v6 =	vld [tilespmem:s11+$0x20];
	[tilespmem:s0+$0xFFFFFFF0] =	vst v9;
	v4 =	vmul.f32 $9.900000090e-01, v4  }
0x3bd: {  	s14 =	sadd.s32 $0x5, s14;
	v9 =	vld [tilespmem:s13+$0x20];
	v2 =	vadd.f32 v2, v8  }
0x3be: {  	p2 =	slt.u32 s14, $0x26C;
	v8 =	vld [tilespmem:s11+$0xFFFFFFE0];
	v3 =	vmul.f32 v5, v3  }
0x3bf: {  	v5 =	vld [tilespmem:s13+$0xFFFFFFE0];
	v7 =	vmul.f32 $9.900000090e-01, v7;
	[tilespmem:s0+$0x0] =	vst v2  }
0x3c0: {  	v10 =	vld [tilespmem:s17+$0xFFFFFFF0];
	v2 =	vadd.f32 v3, v4  }
0x3c1: {  	v3 =	vld [tilespmem:s11+$0xFFFFFFF0];
	v1 =	vadd.f32 v1, v7  }
0x3c2: {  	v0 =	vmul.f32 $9.900000090e-01, v0;
	v7 =	vld [tilespmem:s13+$0xFFFFFFF0];
	v4 =	vmul.f32 v9, v6;
	[tilespmem:s0+$0x10] =	vst v2  }
0x3c3: {  	v9 =	vld [tilespmem:s17+$0x0];
	[tilespmem:s0+$0xFFFFFFE0] =	vst v1;
	s0 =	smov.u32 s17  }
0x3c4: {  	v1 =	vmul.f32 v5, v8;
	v2 =	vld [tilespmem:s11+$0x0];
	v0 =	vadd.f32 v4, v0  }
.Ltmp17:
0x3c5: {  	v10 =	vmul.f32 $9.900000090e-01, v10;
	v6 =	vld [tilespmem:s13+$0x0];
	(pc) =	sbr.rel @p2 .LBB2_25-.Ltmp17, $4  }
0x3c6: {  	v4 =	vld [tilespmem:s17+$0x10];
	[tilespmem:s17+$0x20] =	vst v0  }
0x3c7: {  	v0 =	vmul.f32 v7, v3;
	v3 =	vld [tilespmem:s11+$0x10]  }
0x3c8: {  	v8 =	vmul.f32 $9.900000090e-01, v9;
	v5 =	vld [tilespmem:s13+$0x10]  }
0x3c9: {  	s17 =	sadd.s32 $0x50, s17;
	v7 =	vld [tilespmem:s0+$0xFFFFFFE0];
	v9 =	vadd.f32 v0, v10  }
0x3ca: {  	_ =	sdelay $0x1  }
0x3cb: {  	v0 =	vmul.f32 v6, v2  }
0x3cc: {  	v61 =	vmul.f32 $9.900000090e-01, v4;
	v3 =	vmul.f32 v5, v3  }
0x3cd: {  	v0 =	vadd.f32 v0, v8;
	v62 =	vmul.f32 $9.900000090e-01, v7  }
0x3ce: {  	[tilespmem:s0+$0xFFFFFFF0] =	vst v9;
	v2 =	vadd.f32 v3, v61  }
0x3cf: {  	[tilespmem:s0+$0x0] =	vst v0;
	v63 =	vadd.f32 v1, v62  }
0x3d0: {  	[tilespmem:s0+$0x10] =	vst v2  }
0x3d1: {  	[tilespmem:s0+$0xFFFFFFE0] =	vst v63  }
0x3d2: {  	s6 =	simm.s32 $0x14910;
	s0 =	rddreg [dreg:$0xb]  }
0x3d3: {  	[hbm4b:s0+s7] =	stream.linear.scatter [tilespmem:s6], [sflag:$0x5], $0x2710, $0x38;
	[tilespmem:$0x1ED20] =	vst v63  }
0x3d4: {  	_ =	swait.ge [sflag:s22], $0x2710  }
0x3d5: {  	[sflag:s22] =	ssyncset.done $0x0  }
0x3d6: {  	s11 =	simm.s32 $0x19730;
	[sflag:s22] =	ssyncadd.s32 $0xFFFFD8F0  }
0x3d7: {  	[spmem:s23] =	stream.linear.scatter [tilespmem:s11], [sflag:$0x5], $0x7D0, $0x38;
	[tilespmem:$0x1ED20] =	vst v63  }
0x3d8: {  	_ =	swait.ge [sflag:s22], $0x7D0  }
0x3d9: {  	[sflag:s22] =	ssyncset.done $0x0  }
0x3da: {  	s13 =	rddreg [dreg:$0x17];
	[sflag:s22] =	ssyncadd.s32 $0xFFFFF830  }
0x3db: {  	[spmem:s13] =	stream.linear.scatter [tilespmem:s11], [sflag:$0x5], $0x7D0, $0x38;
	[tilespmem:$0x1ED20] =	vst v63  }
0x3dc: {  	_ =	swait.ge [sflag:s22], $0x7D0  }
0x3dd: {  	[sflag:s22] =	ssyncset.done $0x0  }
0x3de: {  	s14 =	rddreg [dreg:$0x18];
	[sflag:s22] =	ssyncadd.s32 $0xFFFFF830  }
0x3df: {  	[spmem:s14] =	stream.linear.scatter [tilespmem:s11], [sflag:$0x5], $0x7D0, $0x38;
	[tilespmem:$0x1ED20] =	vst v63  }
0x3e0: {  	_ =	swait.ge [sflag:s22], $0x7D0  }
0x3e1: {  	[sflag:s22] =	ssyncset.done $0x0  }
0x3e2: {  	s17 =	rddreg [dreg:$0x19];
	[sflag:s22] =	ssyncadd.s32 $0xFFFFF830  }
0x3e3: {  	[spmem:s17] =	stream.linear.scatter [tilespmem:s11], [sflag:$0x5], $0x7D0, $0x38;
	[tilespmem:$0x1ED20] =	vst v63  }
0x3e4: {  	_ =	swait.ge [sflag:s22], $0x7D0  }
0x3e5: {  	[sflag:s22] =	ssyncset.done $0x0  }
0x3e6: {  	s21 =	rddreg [dreg:$0x1a];
	[sflag:s22] =	ssyncadd.s32 $0xFFFFF830  }
0x3e7: {  	[spmem:s21] =	stream.linear.scatter [tilespmem:s11], [sflag:$0x5], $0x7D0, $0x38;
	[tilespmem:$0x1ED20] =	vst v63  }
0x3e8: {  	_ =	swait.ge [sflag:s22], $0x7D0  }
0x3e9: {  	[sflag:s22] =	ssyncset.done $0x0  }
0x3ea: {  	s0 =	simm.s32 $0x2730;
	[sflag:s22] =	ssyncadd.s32 $0xFFFFF830  }
0x3eb: {  	[tilespmem:s0+$0xFFFFFFE0] =	vst v53  }
0x3ec: {  	[tilespmem:s0+$0x20] =	vst v53  }
0x3ed: {  	[tilespmem:s0+$0x10] =	vst v53  }
0x3ee: {  	[tilespmem:s0+$0x0] =	vst v53  }
0x3ef: {  	s11 =	simm.s32 $0x0;
	s21 =	rddreg [dreg:$0x1b]  }
.LBB2_27:
0x3f0: {  	s11 =	sadd.s32 $0x5, s11  }
0x3f1: {  	[tilespmem:s0+$0xFFFFFFF0] =	vst v53;
	s0 =	sadd.s32 $0x50, s0;
	p2 =	slt.u32 s11, $0x26C  }
.Ltmp18:
0x3f2: {  	[tilespmem:s0+$0xFFFFFFE0] =	vst v53;
	(pc) =	sbr.rel @p2 .LBB2_27-.Ltmp18, $4  }
0x3f3: {  	_ = 	snop  }
0x3f4: {  	[tilespmem:s0+$0x20] =	vst v53  }
0x3f5: {  	[tilespmem:s0+$0x10] =	vst v53  }
0x3f6: {  	[tilespmem:s0+$0x0] =	vst v53  }
0x3f7: {  	[tilespmem:s0+$0xFFFFFFF0] =	vst v53;
	s11 =	simm.s32 $0x0;
	s14 =	simm.s32 $0x7530  }
0x3f8: {  	[tilespmem:s14], [sflag:$0x1] =	stream.linear.gather [hbm4b:s24+s11], $0xFA0, $0x38;
	[tilespmem:$0x1ED20] =	vst v63  }
0x3f9: {  	s6 =	simm.s32 $0x9470;
	s17 =	rddreg [dreg:$0x1d]  }
0x3fa: {  	[tilespmem:s6], [sflag:$0x1] =	stream.linear.gather [hbm4b:s17+s11], $0xFA0, $0x38;
	[tilespmem:$0x1ED20] =	vst v63  }
.LBB2_29:
0x3fb: {  	s0 =	sshll.u32 s11, $0x1  }
0x3fc: {  	s0 =	sadd.s32 s28, s0  }
0x3fd: {  	s14 =	smul.u32 $0xFA0, s0;
	_ =	sdelay $0x1  }
0x3fe: {  	s0 =	sshrl.u32 s14, $0x3  }
0x3ff: {  	s0 =	sadd.s32 $0x1F4, s0  }
0x400: {  	s13 =	sadd.s32 s8, s0  }
0x401: {  	[tilespmem:s25], [sflag:$0x2] =	stream.linear.gather [hbm4b:s13+s7], $0xFA0, $0x38;
	[tilespmem:$0x1ED20] =	vst v63  }
0x402: {  	s0 =	sadd.s32 s1, s0  }
0x403: {  	[tilespmem:s19], [sflag:$0x2] =	stream.linear.gather [hbm4b:s0+s7], $0xFA0, $0x38;
	[tilespmem:$0x1ED20] =	vst v63  }
0x404: {  	_ =	swait.ge [sflag:s20], $0xFA0  }
0x405: {  	[sflag:s20] =	ssyncset.done $0x0  }
0x406: {  	[sflag:s20] =	ssyncadd.s32 $0xFFFFF060  }
0x407: {  	_ =	swait.ge [sflag:s20], $0xFA0  }
0x408: {  	[sflag:s20] =	ssyncset.done $0x0  }
0x409: {  	s17 =	simm.s32 $0x75F0;
	[sflag:s20] =	ssyncadd.s32 $0xFFFFF060  }
0x40a: {  	v0 =	vld [tilespmem:s17+$0xC0]  }
0x40b: {  	v12 =	vld [tilespmem:s17+$0xFFFFFF50]  }
0x40c: {  	v13 =	vld [tilespmem:s17+$0xFFFFFF60]  }
0x40d: {  	v14 =	vld [tilespmem:s17+$0xFFFFFF70]  }
0x40e: {  	v15 =	vld [tilespmem:s17+$0xFFFFFF80]  }
0x40f: {  	v16 =	vld [tilespmem:s17+$0xFFFFFF90]  }
0x410: {  	v17 =	vld [tilespmem:s17+$0xFFFFFFA0]  }
0x411: {  	v18 =	vld [tilespmem:s17+$0xFFFFFFB0]  }
0x412: {  	v19 =	vld [tilespmem:s17+$0xFFFFFFC0]  }
0x413: {  	v20 =	vld [tilespmem:s17+$0xFFFFFFD0]  }
0x414: {  	s0 =	simm.s32 $0x9530;
	v21 =	vld [tilespmem:s17+$0xFFFFFFE0]  }
0x415: {  	v2 =	vld [tilespmem:s0+$0xC0]  }
0x416: {  	v22 =	vld [tilespmem:s17+$0xFFFFFFF0]  }
0x417: {  	v23 =	vld [tilespmem:s17+$0x0]  }
0x418: {  	v11 =	vld [tilespmem:s17+$0x10]  }
0x419: {  	v10 =	vld [tilespmem:s17+$0x20]  }
0x41a: {  	v9 =	vld [tilespmem:s17+$0x30]  }
0x41b: {  	v8 =	vld [tilespmem:s17+$0x40]  }
0x41c: {  	v7 =	vld [tilespmem:s17+$0x50]  }
0x41d: {  	v6 =	vld [tilespmem:s17+$0x60]  }
0x41e: {  	v5 =	vld [tilespmem:s17+$0x70]  }
0x41f: {  	v4 =	vld [tilespmem:s17+$0x80]  }
0x420: {  	v3 =	vld [tilespmem:s17+$0x90]  }
0x421: {  	v28 =	vld [tilespmem:s17+$0xFFFFFF40]  }
0x422: {  	v48 =	vld [tilespmem:s0+$0xFFFFFF40]  }
0x423: {  	v49 =	vld [tilespmem:s0+$0xFFFFFF50]  }
0x424: {  	v50 =	vld [tilespmem:s0+$0xFFFFFF60]  }
0x425: {  	v51 =	vld [tilespmem:s0+$0xFFFFFF70]  }
0x426: {  	v52 =	vld [tilespmem:s0+$0xFFFFFF80]  }
0x427: {  	v61 =	vld [tilespmem:s0+$0xFFFFFF90]  }
0x428: {  	v62 =	vld [tilespmem:s0+$0xFFFFFFA0];
	v1 =	vshrl.u32 v0, $0xE  }
0x429: {  	v63 =	vld [tilespmem:s0+$0xFFFFFFB0];
	v24 =	vshrl.u32 v13, $0xE  }
0x42a: {  	v56 =	vld [tilespmem:s0+$0x40];
	v25 =	vshrl.u32 v14, $0xE  }
0x42b: {  	v58 =	vld [tilespmem:s0+$0x60];
	v26 =	vshrl.u32 v15, $0xE  }
0x42c: {  	v27 =	vshrl.u32 v16, $0xE;
	v31 =	vshrl.u32 v19, $0xE;
	v59 =	vand.u32 $0x3FFF, v19;
	v19 =	vld [tilespmem:s0+$0x90]  }
0x42d: {  	v29 =	vshrl.u32 v17, $0xE;
	v1 =	vld.idx.msk [tilespmem:v1+s9+$0x0], $0xffff  }
0x42e: {  	v30 =	vshrl.u32 v18, $0xE;
	v24 =	vld.idx.msk [tilespmem:v24+s9+$0x0], $0xffff  }
0x42f: {  	v25 =	vld.idx.msk [tilespmem:v25+s9+$0x0], $0xffff  }
0x430: {  	v32 =	vshrl.u32 v20, $0xE;
	v26 =	vld.idx.msk [tilespmem:v26+s9+$0x0], $0xffff  }
0x431: {  	v33 =	vshrl.u32 v28, $0xE;
	v27 =	vld.idx.msk [tilespmem:v27+s9+$0x0], $0xffff  }
0x432: {  	v34 =	vshrl.u32 v21, $0xE;
	v29 =	vld.idx.msk [tilespmem:v29+s9+$0x0], $0xffff  }
0x433: {  	v35 =	vshrl.u32 v22, $0xE;
	v30 =	vld.idx.msk [tilespmem:v30+s9+$0x0], $0xffff  }
0x434: {  	v36 =	vshrl.u32 v23, $0xE;
	v31 =	vld.idx.msk [tilespmem:v31+s9+$0x0], $0xffff  }
0x435: {  	v37 =	vshrl.u32 v11, $0xE;
	v32 =	vld.idx.msk [tilespmem:v32+s9+$0x0], $0xffff  }
0x436: {  	v38 =	vshrl.u32 v10, $0xE;
	v33 =	vld.idx.msk [tilespmem:v33+s9+$0x0], $0xffff  }
0x437: {  	v39 =	vshrl.u32 v9, $0xE;
	v34 =	vld.idx.msk [tilespmem:v34+s9+$0x0], $0xffff  }
0x438: {  	v40 =	vshrl.u32 v8, $0xE;
	v35 =	vld.idx.msk [tilespmem:v35+s9+$0x0], $0xffff  }
0x439: {  	v41 =	vshrl.u32 v7, $0xE;
	v36 =	vld.idx.msk [tilespmem:v36+s9+$0x0], $0xffff  }
0x43a: {  	v42 =	vshrl.u32 v6, $0xE;
	v37 =	vld.idx.msk [tilespmem:v37+s9+$0x0], $0xffff  }
0x43b: {  	v43 =	vshrl.u32 v5, $0xE;
	v38 =	vld.idx.msk [tilespmem:v38+s9+$0x0], $0xffff  }
0x43c: {  	v44 =	vshrl.u32 v4, $0xE;
	v39 =	vld.idx.msk [tilespmem:v39+s9+$0x0], $0xffff  }
0x43d: {  	v45 =	vshrl.u32 v3, $0xE;
	v40 =	vld.idx.msk [tilespmem:v40+s9+$0x0], $0xffff  }
0x43e: {  	v41 =	vld.idx.msk [tilespmem:v41+s9+$0x0], $0xffff  }
0x43f: {  	v42 =	vld.idx.msk [tilespmem:v42+s9+$0x0], $0xffff  }
0x440: {  	v0 =	vand.u32 $0x3FFF, v0;
	v43 =	vld.idx.msk [tilespmem:v43+s9+$0x0], $0xffff  }
0x441: {  	v60 =	vshrl.u32 v12, $0xE;
	v44 =	vld.idx.msk [tilespmem:v44+s9+$0x0], $0xffff  }
0x442: {  	v45 =	vld.idx.msk [tilespmem:v45+s9+$0x0], $0xffff;
	v1 =	vmax.f32 v1, $0.0e+00  }
0x443: {  	v1 =	vmul.f32 v1, v2;
	v2 =	vld [tilespmem:s17+$0xA0]  }
0x444: {  	v54 =	vmax.f32 v25, $0.0e+00;
	v25 =	vld [tilespmem:s0+$0x10]  }
0x445: {  	v28 =	vand.u32 $0x3FFF, v28;
	[tilespmem:v0+s10+$0x0] =	vst.idx.add.f32.msk $0xffff, v1  }
0x446: {  	v0 =	vld.idx.msk [tilespmem:v60+s9+$0x0], $0xffff  }
0x447: {  	v33 =	vmax.f32 v33, $0.0e+00;
	v57 =	vmax.f32 v27, $0.0e+00;
	v27 =	vld [tilespmem:s0+$0x70]  }
0x448: {  	v33 =	vmul.f32 v33, v48;
	v1 =	vld [tilespmem:s17+$0xB0];
	v46 =	vshrl.u32 v2, $0xE  }
0x449: {  	v12 =	vand.u32 $0x3FFF, v12;
	v48 =	vld [tilespmem:s0+$0x80]  }
0x44a: {  	[tilespmem:v28+s10+$0x0] =	vst.idx.add.f32.msk $0xffff, v33  }
0x44b: {  	v28 =	vld [tilespmem:s0+$0xA0];
	v0 =	vmax.f32 v0, $0.0e+00  }
0x44c: {  	v0 =	vmul.f32 v0, v49;
	v49 =	vld [tilespmem:s0+$0xFFFFFFC0]  }
0x44d: {  	v47 =	vshrl.u32 v1, $0xE;
	v46 =	vld.idx.msk [tilespmem:v46+s9+$0x0], $0xffff  }
0x44e: {  	v13 =	vand.u32 $0x3FFF, v13;
	[tilespmem:v12+s10+$0x0] =	vst.idx.add.f32.msk $0xffff, v0  }
0x44f: {  	v24 =	vmax.f32 v24, $0.0e+00;
	v12 =	vld [tilespmem:s0+$0xFFFFFFD0]  }
0x450: {  	v0 =	vmul.f32 v24, v50;
	v24 =	vld [tilespmem:s0+$0xFFFFFFE0]  }
0x451: {  	v14 =	vand.u32 $0x3FFF, v14;
	v50 =	vld [tilespmem:s0+$0xFFFFFFF0]  }
0x452: {  	v47 =	vld.idx.msk [tilespmem:v47+s9+$0x0], $0xffff  }
0x453: {  	[tilespmem:v13+s10+$0x0] =	vst.idx.add.f32.msk $0xffff, v0  }
0x454: {  	v15 =	vand.u32 $0x3FFF, v15;
	v13 =	vld [tilespmem:s0+$0x0];
	v0 =	vmul.f32 v54, v51  }
0x455: {  	v51 =	vld [tilespmem:s0+$0x20]  }
0x456: {  	v20 =	vand.u32 $0x3FFF, v20;
	v55 =	vmax.f32 v26, $0.0e+00;
	[tilespmem:v14+s10+$0x0] =	vst.idx.add.f32.msk $0xffff, v0  }
0x457: {  	v16 =	vand.u32 $0x3FFF, v16;
	v17 =	vand.u32 $0x3FFF, v17;
	v14 =	vld [tilespmem:s0+$0x30];
	v0 =	vmul.f32 v55, v52  }
0x458: {  	v18 =	vand.u32 $0x3FFF, v18;
	v23 =	vand.u32 $0x3FFF, v23;
	v32 =	vmax.f32 v32, $0.0e+00;
	v52 =	vld [tilespmem:s0+$0x50]  }
0x459: {  	v12 =	vmul.f32 v32, v12;
	[tilespmem:v15+s10+$0x0] =	vst.idx.add.f32.msk $0xffff, v0;
	v0 =	vmul.f32 v57, v61;
	v61 =	vmax.f32 v30, $0.0e+00  }
0x45a: {  	v11 =	vand.u32 $0x3FFF, v11;
	v60 =	vmax.f32 v29, $0.0e+00;
	v29 =	vmul.f32 v61, v63;
	v63 =	vld [tilespmem:s0+$0xB0]  }
0x45b: {  	v36 =	vmax.f32 v36, $0.0e+00;
	v37 =	vmax.f32 v37, $0.0e+00;
	v33 =	vmax.f32 v34, $0.0e+00;
	[tilespmem:v20+s10+$0x0] =	vst.idx.add.f32.msk $0xffff, v12  }
0x45c: {  	v34 =	vmax.f32 v35, $0.0e+00;
	v35 =	vand.u32 $0x3FFF, v10;
	v10 =	vmul.f32 v36, v13;
	[tilespmem:v16+s10+$0x0] =	vst.idx.add.f32.msk $0xffff, v0  }
0x45d: {  	v22 =	vand.u32 $0x3FFF, v22;
	v12 =	vmul.f32 v37, v25;
	[tilespmem:v18+s10+$0x0] =	vst.idx.add.f32.msk $0xffff, v29  }
0x45e: {  	v7 =	vand.u32 $0x3FFF, v7;
	v16 =	vmul.f32 v60, v62;
	v62 =	vmax.f32 v31, $0.0e+00;
	[tilespmem:v23+s10+$0x0] =	vst.idx.add.f32.msk $0xffff, v10  }
0x45f: {  	v21 =	vand.u32 $0x3FFF, v21;
	v30 =	vmul.f32 v62, v49;
	[tilespmem:v11+s10+$0x0] =	vst.idx.add.f32.msk $0xffff, v12  }
0x460: {  	v54 =	vmax.f32 v41, $0.0e+00;
	v18 =	vmul.f32 v34, v50;
	[tilespmem:v17+s10+$0x0] =	vst.idx.add.f32.msk $0xffff, v16  }
0x461: {  	v9 =	vand.u32 $0x3FFF, v9;
	v8 =	vand.u32 $0x3FFF, v8;
	v11 =	vmul.f32 v54, v52;
	[tilespmem:v59+s10+$0x0] =	vst.idx.add.f32.msk $0xffff, v30  }
0x462: {  	v6 =	vand.u32 $0x3FFF, v6;
	v49 =	vmax.f32 v38, $0.0e+00;
	v17 =	vmul.f32 v33, v24;
	[tilespmem:v22+s10+$0x0] =	vst.idx.add.f32.msk $0xffff, v18  }
0x463: {  	v5 =	vand.u32 $0x3FFF, v5;
	v50 =	vmax.f32 v39, $0.0e+00;
	v13 =	vmul.f32 v49, v51;
	[tilespmem:v7+s10+$0x0] =	vst.idx.add.f32.msk $0xffff, v11  }
0x464: {  	v3 =	vand.u32 $0x3FFF, v3;
	v51 =	vmax.f32 v40, $0.0e+00;
	v14 =	vmul.f32 v50, v14;
	[tilespmem:v21+s10+$0x0] =	vst.idx.add.f32.msk $0xffff, v17  }
0x465: {  	v1 =	vand.u32 $0x3FFF, v1;
	v10 =	vmul.f32 v51, v56;
	v56 =	vmax.f32 v42, $0.0e+00;
	[tilespmem:v35+s10+$0x0] =	vst.idx.add.f32.msk $0xffff, v13  }
0x466: {  	v55 =	vand.u32 $0x3FFF, v4;
	v57 =	vmax.f32 v43, $0.0e+00;
	[tilespmem:v9+s10+$0x0] =	vst.idx.add.f32.msk $0xffff, v14;
	v4 =	vmul.f32 v56, v58  }
0x467: {  	v59 =	vmax.f32 v45, $0.0e+00;
	v9 =	vmul.f32 v57, v27;
	[tilespmem:v8+s10+$0x0] =	vst.idx.add.f32.msk $0xffff, v10  }
0x468: {  	v2 =	vand.u32 $0x3FFF, v2;
	v62 =	vmax.f32 v47, $0.0e+00;
	v61 =	vmul.f32 v59, v19;
	[tilespmem:v6+s10+$0x0] =	vst.idx.add.f32.msk $0xffff, v4  }
0x469: {  	v58 =	vmax.f32 v44, $0.0e+00;
	v63 =	vmul.f32 v62, v63;
	[tilespmem:v5+s10+$0x0] =	vst.idx.add.f32.msk $0xffff, v9  }
0x46a: {  	v60 =	vmax.f32 v46, $0.0e+00;
	v8 =	vmul.f32 v58, v48;
	[tilespmem:v3+s10+$0x0] =	vst.idx.add.f32.msk $0xffff, v61  }
0x46b: {  	v4 =	vmul.f32 v60, v28;
	[tilespmem:v1+s10+$0x0] =	vst.idx.add.f32.msk $0xffff, v63  }
0x46c: {  	[tilespmem:v55+s10+$0x0] =	vst.idx.add.f32.msk $0xffff, v8  }
0x46d: {  	s13 =	simm.s32 $0x0;
	s17 =	simm.s32 $0x7780;
	[tilespmem:v2+s10+$0x0] =	vst.idx.add.f32.msk $0xffff, v4  }
.LBB2_30:
0x46e: {  	v0 =	vld [tilespmem:s17+$0xC0];
	s13 =	sadd.s32 $0x19, s13  }
0x46f: {  	v1 =	vld [tilespmem:s17+$0xFFFFFF50];
	p2 =	slt.u32 s13, $0xE1  }
0x470: {  	v2 =	vld [tilespmem:s17+$0xFFFFFF60]  }
0x471: {  	v3 =	vld [tilespmem:s17+$0xFFFFFF70]  }
0x472: {  	v4 =	vld [tilespmem:s17+$0xFFFFFF80]  }
0x473: {  	v5 =	vld [tilespmem:s17+$0xFFFFFF90];
	v6 =	vshrl.u32 v0, $0xE  }
0x474: {  	v20 =	vshrl.u32 v1, $0xE;
	v1 =	vand.u32 $0x3FFF, v1;
	v7 =	vld [tilespmem:s17+$0xFFFFFFA0]  }
0x475: {  	v21 =	vshrl.u32 v2, $0xE;
	v2 =	vand.u32 $0x3FFF, v2;
	v8 =	vld [tilespmem:s17+$0xFFFFFFB0]  }
0x476: {  	v22 =	vshrl.u32 v3, $0xE;
	v3 =	vand.u32 $0x3FFF, v3;
	v9 =	vld [tilespmem:s17+$0xFFFFFFC0]  }
0x477: {  	v23 =	vshrl.u32 v4, $0xE;
	v4 =	vand.u32 $0x3FFF, v4;
	v10 =	vld [tilespmem:s17+$0xFFFFFFD0]  }
0x478: {  	v25 =	vshrl.u32 v5, $0xE;
	v5 =	vand.u32 $0x3FFF, v5;
	v11 =	vld.idx.msk [tilespmem:v6+s9+$0x0], $0xffff  }
0x479: {  	s0 =	sadd.s32 $0x190, s0;
	v26 =	vshrl.u32 v7, $0xE;
	v6 =	vand.u32 $0x3FFF, v7;
	v12 =	vld [tilespmem:s17+$0xFFFFFFE0]  }
0x47a: {  	v27 =	vshrl.u32 v8, $0xE;
	v7 =	vand.u32 $0x3FFF, v8;
	v13 =	vld [tilespmem:s0+$0xC0]  }
0x47b: {  	v28 =	vshrl.u32 v9, $0xE;
	v8 =	vand.u32 $0x3FFF, v9;
	v14 =	vld [tilespmem:s17+$0xFFFFFFF0]  }
0x47c: {  	v0 =	vand.u32 $0x3FFF, v0;
	v29 =	vshrl.u32 v10, $0xE;
	v9 =	vand.u32 $0x3FFF, v10;
	v15 =	vld [tilespmem:s17+$0x0]  }
0x47d: {  	v16 =	vld [tilespmem:s17+$0x10]  }
0x47e: {  	v11 =	vmax.f32 v11, $0.0e+00;
	v30 =	vshrl.u32 v12, $0xE;
	v10 =	vand.u32 $0x3FFF, v12;
	v17 =	vld [tilespmem:s17+$0x20]  }
0x47f: {  	v18 =	vld [tilespmem:s17+$0x30];
	v13 =	vmul.f32 v11, v13  }
0x480: {  	v31 =	vshrl.u32 v14, $0xE;
	v11 =	vand.u32 $0x3FFF, v14;
	v19 =	vld [tilespmem:s17+$0x40]  }
0x481: {  	v32 =	vshrl.u32 v15, $0xE;
	v12 =	vand.u32 $0x3FFF, v15;
	[tilespmem:v0+s10+$0x0] =	vst.idx.add.f32.msk $0xffff, v13  }
0x482: {  	v0 =	vshrl.u32 v16, $0xE;
	v13 =	vand.u32 $0x3FFF, v16;
	v24 =	vld [tilespmem:s17+$0x50]  }
0x483: {  	v33 =	vshrl.u32 v17, $0xE;
	v14 =	vand.u32 $0x3FFF, v17;
	v34 =	vld [tilespmem:s17+$0x60]  }
0x484: {  	v35 =	vshrl.u32 v18, $0xE;
	v15 =	vand.u32 $0x3FFF, v18;
	v36 =	vld [tilespmem:s17+$0x70]  }
0x485: {  	v37 =	vshrl.u32 v19, $0xE;
	v16 =	vand.u32 $0x3FFF, v19;
	v38 =	vld [tilespmem:s17+$0x80]  }
0x486: {  	v39 =	vld [tilespmem:s17+$0x90]  }
0x487: {  	v40 =	vshrl.u32 v24, $0xE;
	v17 =	vand.u32 $0x3FFF, v24;
	v24 =	vld [tilespmem:s17+$0xA0]  }
0x488: {  	v41 =	vshrl.u32 v34, $0xE;
	v18 =	vand.u32 $0x3FFF, v34;
	v34 =	vld [tilespmem:s17+$0xB0]  }
0x489: {  	v42 =	vld [tilespmem:s17+$0xFFFFFF40];
	v43 =	vshrl.u32 v36, $0xE;
	v19 =	vand.u32 $0x3FFF, v36  }
0x48a: {  	v36 =	vld.idx.msk [tilespmem:v20+s9+$0x0], $0xffff;
	v44 =	vshrl.u32 v38, $0xE;
	v20 =	vand.u32 $0x3FFF, v38  }
0x48b: {  	v38 =	vld.idx.msk [tilespmem:v21+s9+$0x0], $0xffff;
	v45 =	vshrl.u32 v39, $0xE;
	v21 =	vand.u32 $0x3FFF, v39  }
0x48c: {  	v39 =	vld.idx.msk [tilespmem:v22+s9+$0x0], $0xffff;
	v46 =	vshrl.u32 v24, $0xE;
	v22 =	vand.u32 $0x3FFF, v24  }
0x48d: {  	v47 =	vld.idx.msk [tilespmem:v23+s9+$0x0], $0xffff;
	v48 =	vshrl.u32 v34, $0xE;
	v23 =	vand.u32 $0x3FFF, v34  }
0x48e: {  	v34 =	vshrl.u32 v42, $0xE;
	v24 =	vand.u32 $0x3FFF, v42;
	v25 =	vld.idx.msk [tilespmem:v25+s9+$0x0], $0xffff  }
0x48f: {  	v26 =	vld.idx.msk [tilespmem:v26+s9+$0x0], $0xffff  }
0x490: {  	v36 =	vmax.f32 v36, $0.0e+00;
	v27 =	vld.idx.msk [tilespmem:v27+s9+$0x0], $0xffff  }
0x491: {  	v38 =	vmax.f32 v38, $0.0e+00;
	v28 =	vld.idx.msk [tilespmem:v28+s9+$0x0], $0xffff  }
0x492: {  	v39 =	vmax.f32 v39, $0.0e+00;
	v29 =	vld.idx.msk [tilespmem:v29+s9+$0x0], $0xffff  }
0x493: {  	v42 =	vmax.f32 v47, $0.0e+00;
	v34 =	vld.idx.msk [tilespmem:v34+s9+$0x0], $0xffff  }
0x494: {  	v25 =	vmax.f32 v25, $0.0e+00;
	v30 =	vld.idx.msk [tilespmem:v30+s9+$0x0], $0xffff  }
0x495: {  	v26 =	vmax.f32 v26, $0.0e+00;
	v31 =	vld.idx.msk [tilespmem:v31+s9+$0x0], $0xffff  }
0x496: {  	v27 =	vmax.f32 v27, $0.0e+00;
	v32 =	vld.idx.msk [tilespmem:v32+s9+$0x0], $0xffff  }
0x497: {  	v28 =	vmax.f32 v28, $0.0e+00;
	v0 =	vld.idx.msk [tilespmem:v0+s9+$0x0], $0xffff  }
0x498: {  	v29 =	vmax.f32 v29, $0.0e+00;
	v33 =	vld.idx.msk [tilespmem:v33+s9+$0x0], $0xffff  }
0x499: {  	v34 =	vmax.f32 v34, $0.0e+00;
	v35 =	vld.idx.msk [tilespmem:v35+s9+$0x0], $0xffff  }
0x49a: {  	v30 =	vmax.f32 v30, $0.0e+00;
	v37 =	vld.idx.msk [tilespmem:v37+s9+$0x0], $0xffff  }
0x49b: {  	v31 =	vmax.f32 v31, $0.0e+00;
	v40 =	vld.idx.msk [tilespmem:v40+s9+$0x0], $0xffff  }
0x49c: {  	v32 =	vmax.f32 v32, $0.0e+00;
	v41 =	vld.idx.msk [tilespmem:v41+s9+$0x0], $0xffff  }
0x49d: {  	v0 =	vmax.f32 v0, $0.0e+00;
	v43 =	vld.idx.msk [tilespmem:v43+s9+$0x0], $0xffff  }
0x49e: {  	v33 =	vmax.f32 v33, $0.0e+00;
	v44 =	vld.idx.msk [tilespmem:v44+s9+$0x0], $0xffff  }
0x49f: {  	v35 =	vmax.f32 v35, $0.0e+00;
	v45 =	vld.idx.msk [tilespmem:v45+s9+$0x0], $0xffff  }
0x4a0: {  	v37 =	vmax.f32 v37, $0.0e+00;
	v46 =	vld.idx.msk [tilespmem:v46+s9+$0x0], $0xffff  }
0x4a1: {  	v40 =	vmax.f32 v40, $0.0e+00;
	v47 =	vld.idx.msk [tilespmem:v48+s9+$0x0], $0xffff  }
0x4a2: {  	v41 =	vmax.f32 v41, $0.0e+00;
	v48 =	vld [tilespmem:s0+$0xFFFFFF40]  }
0x4a3: {  	v43 =	vmax.f32 v43, $0.0e+00;
	v49 =	vld [tilespmem:s0+$0xFFFFFF50]  }
0x4a4: {  	v44 =	vmax.f32 v44, $0.0e+00;
	v50 =	vld [tilespmem:s0+$0xFFFFFF60]  }
0x4a5: {  	v45 =	vmax.f32 v45, $0.0e+00;
	v51 =	vld [tilespmem:s0+$0xFFFFFF70]  }
0x4a6: {  	v46 =	vmax.f32 v46, $0.0e+00;
	v52 =	vld [tilespmem:s0+$0xFFFFFF80]  }
0x4a7: {  	v47 =	vmax.f32 v47, $0.0e+00;
	v34 =	vmul.f32 v34, v48;
	v48 =	vld [tilespmem:s0+$0xFFFFFF90]  }
0x4a8: {  	v36 =	vmul.f32 v36, v49;
	v49 =	vld [tilespmem:s0+$0xFFFFFFA0]  }
0x4a9: {  	v38 =	vmul.f32 v38, v50;
	v50 =	vld [tilespmem:s0+$0xFFFFFFB0]  }
0x4aa: {  	v39 =	vmul.f32 v39, v51;
	v51 =	vld [tilespmem:s0+$0xFFFFFFC0]  }
0x4ab: {  	v42 =	vmul.f32 v42, v52;
	v52 =	vld [tilespmem:s0+$0xFFFFFFD0]  }
0x4ac: {  	v25 =	vmul.f32 v25, v48;
	v48 =	vld [tilespmem:s0+$0xFFFFFFE0]  }
0x4ad: {  	v26 =	vmul.f32 v26, v49;
	v49 =	vld [tilespmem:s0+$0xFFFFFFF0]  }
0x4ae: {  	v27 =	vmul.f32 v27, v50;
	v50 =	vld [tilespmem:s0+$0x0]  }
0x4af: {  	v28 =	vmul.f32 v28, v51;
	v51 =	vld [tilespmem:s0+$0x10]  }
0x4b0: {  	v29 =	vmul.f32 v29, v52;
	v52 =	vld [tilespmem:s0+$0x20]  }
0x4b1: {  	v30 =	vmul.f32 v30, v48;
	v48 =	vld [tilespmem:s0+$0x30]  }
0x4b2: {  	v31 =	vmul.f32 v31, v49;
	v49 =	vld [tilespmem:s0+$0x40]  }
0x4b3: {  	v32 =	vmul.f32 v32, v50;
	v50 =	vld [tilespmem:s0+$0x50]  }
0x4b4: {  	v0 =	vmul.f32 v0, v51;
	v51 =	vld [tilespmem:s0+$0x60]  }
0x4b5: {  	v33 =	vmul.f32 v33, v52;
	v52 =	vld [tilespmem:s0+$0x70]  }
0x4b6: {  	v35 =	vmul.f32 v35, v48;
	v48 =	vld [tilespmem:s0+$0x80]  }
0x4b7: {  	v37 =	vmul.f32 v37, v49;
	v49 =	vld [tilespmem:s0+$0x90]  }
0x4b8: {  	v40 =	vmul.f32 v40, v50;
	v50 =	vld [tilespmem:s0+$0xA0]  }
0x4b9: {  	v41 =	vmul.f32 v41, v51;
	v51 =	vld [tilespmem:s0+$0xB0]  }
0x4ba: {  	[tilespmem:v24+s10+$0x0] =	vst.idx.add.f32.msk $0xffff, v34;
	v24 =	vmul.f32 v43, v52  }
0x4bb: {  	[tilespmem:v1+s10+$0x0] =	vst.idx.add.f32.msk $0xffff, v36;
	v1 =	vmul.f32 v44, v48  }
0x4bc: {  	[tilespmem:v2+s10+$0x0] =	vst.idx.add.f32.msk $0xffff, v38;
	v2 =	vmul.f32 v45, v49  }
0x4bd: {  	[tilespmem:v3+s10+$0x0] =	vst.idx.add.f32.msk $0xffff, v39;
	v3 =	vmul.f32 v46, v50  }
0x4be: {  	[tilespmem:v4+s10+$0x0] =	vst.idx.add.f32.msk $0xffff, v42;
	v4 =	vmul.f32 v47, v51  }
0x4bf: {  	[tilespmem:v5+s10+$0x0] =	vst.idx.add.f32.msk $0xffff, v25  }
0x4c0: {  	[tilespmem:v6+s10+$0x0] =	vst.idx.add.f32.msk $0xffff, v26  }
0x4c1: {  	[tilespmem:v7+s10+$0x0] =	vst.idx.add.f32.msk $0xffff, v27  }
0x4c2: {  	[tilespmem:v8+s10+$0x0] =	vst.idx.add.f32.msk $0xffff, v28  }
0x4c3: {  	[tilespmem:v9+s10+$0x0] =	vst.idx.add.f32.msk $0xffff, v29  }
0x4c4: {  	[tilespmem:v10+s10+$0x0] =	vst.idx.add.f32.msk $0xffff, v30  }
0x4c5: {  	[tilespmem:v11+s10+$0x0] =	vst.idx.add.f32.msk $0xffff, v31  }
0x4c6: {  	[tilespmem:v12+s10+$0x0] =	vst.idx.add.f32.msk $0xffff, v32  }
0x4c7: {  	[tilespmem:v13+s10+$0x0] =	vst.idx.add.f32.msk $0xffff, v0  }
0x4c8: {  	[tilespmem:v14+s10+$0x0] =	vst.idx.add.f32.msk $0xffff, v33  }
0x4c9: {  	[tilespmem:v15+s10+$0x0] =	vst.idx.add.f32.msk $0xffff, v35  }
0x4ca: {  	[tilespmem:v16+s10+$0x0] =	vst.idx.add.f32.msk $0xffff, v37  }
0x4cb: {  	[tilespmem:v17+s10+$0x0] =	vst.idx.add.f32.msk $0xffff, v40  }
0x4cc: {  	[tilespmem:v18+s10+$0x0] =	vst.idx.add.f32.msk $0xffff, v41  }
.Ltmp19:
0x4cd: {  	[tilespmem:v19+s10+$0x0] =	vst.idx.add.f32.msk $0xffff, v24;
	(pc) =	sbr.rel @p2 .LBB2_30-.Ltmp19, $4  }
0x4ce: {  	[tilespmem:v20+s10+$0x0] =	vst.idx.add.f32.msk $0xffff, v1  }
0x4cf: {  	[tilespmem:v21+s10+$0x0] =	vst.idx.add.f32.msk $0xffff, v2  }
0x4d0: {  	[tilespmem:v22+s10+$0x0] =	vst.idx.add.f32.msk $0xffff, v3  }
0x4d1: {  	s17 =	sadd.s32 $0x190, s17;
	[tilespmem:v23+s10+$0x0] =	vst.idx.add.f32.msk $0xffff, v4  }
0x4d2: {  	p2 =	seq.s32 s11, $0x9  }
0x4d3: {  	s0 =	sshrl.u32 @!p2 s14, $0x3  }
0x4d4: {  	s0 =	sadd.s32 @!p2 $0x3E8, s0  }
0x4d5: {  	s14 =	simm.s32 @!p2 $0x0;
	s17 =	simm.s32 @!p2 $0x7530;
	s13 =	sadd.s32 @!p2 s8, s0  }
0x4d6: {  	[tilespmem:s17], [sflag:$0x1] =	stream.linear.gather @!p2 [hbm4b:s13+s14], $0xFA0, $0x38;
	[tilespmem:$0x1ED20] =	vst v63  }
0x4d7: {  	s0 =	sadd.s32 @!p2 s1, s0;
	s13 =	simm.s32 @!p2 $0x9470  }
0x4d8: {  	[tilespmem:s13], [sflag:$0x1] =	stream.linear.gather @!p2 [hbm4b:s0+s14], $0xFA0, $0x38;
	[tilespmem:$0x1ED20] =	vst v63  }
0x4d9: {  	_ =	swait.ge [sflag:s16], $0xFA0  }
0x4da: {  	[sflag:s16] =	ssyncset.done $0x0  }
0x4db: {  	[sflag:s16] =	ssyncadd.s32 $0xFFFFF060  }
0x4dc: {  	_ =	swait.ge [sflag:s16], $0xFA0  }
0x4dd: {  	[sflag:s16] =	ssyncset.done $0x0  }
0x4de: {  	s17 =	simm.s32 $0x8590;
	[sflag:s16] =	ssyncadd.s32 $0xFFFFF060  }
0x4df: {  	v0 =	vld [tilespmem:s17+$0xC0]  }
0x4e0: {  	v12 =	vld [tilespmem:s17+$0xFFFFFF50]  }
0x4e1: {  	v13 =	vld [tilespmem:s17+$0xFFFFFF60]  }
0x4e2: {  	v14 =	vld [tilespmem:s17+$0xFFFFFF70]  }
0x4e3: {  	v15 =	vld [tilespmem:s17+$0xFFFFFF80]  }
0x4e4: {  	v16 =	vld [tilespmem:s17+$0xFFFFFF90]  }
0x4e5: {  	v17 =	vld [tilespmem:s17+$0xFFFFFFA0]  }
0x4e6: {  	v18 =	vld [tilespmem:s17+$0xFFFFFFB0]  }
0x4e7: {  	v19 =	vld [tilespmem:s17+$0xFFFFFFC0]  }
0x4e8: {  	v20 =	vld [tilespmem:s17+$0xFFFFFFD0]  }
0x4e9: {  	s0 =	simm.s32 $0xA4D0;
	v21 =	vld [tilespmem:s17+$0xFFFFFFE0]  }
0x4ea: {  	v2 =	vld [tilespmem:s0+$0xC0]  }
0x4eb: {  	v22 =	vld [tilespmem:s17+$0xFFFFFFF0]  }
0x4ec: {  	v23 =	vld [tilespmem:s17+$0x0]  }
0x4ed: {  	v11 =	vld [tilespmem:s17+$0x10]  }
0x4ee: {  	v10 =	vld [tilespmem:s17+$0x20]  }
0x4ef: {  	v9 =	vld [tilespmem:s17+$0x30]  }
0x4f0: {  	v8 =	vld [tilespmem:s17+$0x40]  }
0x4f1: {  	v7 =	vld [tilespmem:s17+$0x50]  }
0x4f2: {  	v6 =	vld [tilespmem:s17+$0x60]  }
0x4f3: {  	v5 =	vld [tilespmem:s17+$0x70]  }
0x4f4: {  	v4 =	vld [tilespmem:s17+$0x80]  }
0x4f5: {  	v3 =	vld [tilespmem:s17+$0x90]  }
0x4f6: {  	v28 =	vld [tilespmem:s17+$0xFFFFFF40]  }
0x4f7: {  	v48 =	vld [tilespmem:s0+$0xFFFFFF40]  }
0x4f8: {  	v49 =	vld [tilespmem:s0+$0xFFFFFF50]  }
0x4f9: {  	v50 =	vld [tilespmem:s0+$0xFFFFFF60]  }
0x4fa: {  	v51 =	vld [tilespmem:s0+$0xFFFFFF70]  }
0x4fb: {  	v52 =	vld [tilespmem:s0+$0xFFFFFF80]  }
0x4fc: {  	v61 =	vld [tilespmem:s0+$0xFFFFFF90]  }
0x4fd: {  	v62 =	vld [tilespmem:s0+$0xFFFFFFA0];
	v1 =	vshrl.u32 v0, $0xE  }
0x4fe: {  	v63 =	vld [tilespmem:s0+$0xFFFFFFB0];
	v24 =	vshrl.u32 v13, $0xE  }
0x4ff: {  	v56 =	vld [tilespmem:s0+$0x40];
	v25 =	vshrl.u32 v14, $0xE  }
0x500: {  	v58 =	vld [tilespmem:s0+$0x60];
	v26 =	vshrl.u32 v15, $0xE  }
0x501: {  	v27 =	vshrl.u32 v16, $0xE;
	v31 =	vshrl.u32 v19, $0xE;
	v59 =	vand.u32 $0x3FFF, v19;
	v19 =	vld [tilespmem:s0+$0x90]  }
0x502: {  	v29 =	vshrl.u32 v17, $0xE;
	v1 =	vld.idx.msk [tilespmem:v1+s9+$0x0], $0xffff  }
0x503: {  	v30 =	vshrl.u32 v18, $0xE;
	v24 =	vld.idx.msk [tilespmem:v24+s9+$0x0], $0xffff  }
0x504: {  	v25 =	vld.idx.msk [tilespmem:v25+s9+$0x0], $0xffff  }
0x505: {  	v32 =	vshrl.u32 v20, $0xE;
	v26 =	vld.idx.msk [tilespmem:v26+s9+$0x0], $0xffff  }
0x506: {  	v33 =	vshrl.u32 v28, $0xE;
	v27 =	vld.idx.msk [tilespmem:v27+s9+$0x0], $0xffff  }
0x507: {  	v34 =	vshrl.u32 v21, $0xE;
	v29 =	vld.idx.msk [tilespmem:v29+s9+$0x0], $0xffff  }
0x508: {  	v35 =	vshrl.u32 v22, $0xE;
	v30 =	vld.idx.msk [tilespmem:v30+s9+$0x0], $0xffff  }
0x509: {  	v36 =	vshrl.u32 v23, $0xE;
	v31 =	vld.idx.msk [tilespmem:v31+s9+$0x0], $0xffff  }
0x50a: {  	v37 =	vshrl.u32 v11, $0xE;
	v32 =	vld.idx.msk [tilespmem:v32+s9+$0x0], $0xffff  }
0x50b: {  	v38 =	vshrl.u32 v10, $0xE;
	v33 =	vld.idx.msk [tilespmem:v33+s9+$0x0], $0xffff  }
0x50c: {  	v39 =	vshrl.u32 v9, $0xE;
	v34 =	vld.idx.msk [tilespmem:v34+s9+$0x0], $0xffff  }
0x50d: {  	v40 =	vshrl.u32 v8, $0xE;
	v35 =	vld.idx.msk [tilespmem:v35+s9+$0x0], $0xffff  }
0x50e: {  	v41 =	vshrl.u32 v7, $0xE;
	v36 =	vld.idx.msk [tilespmem:v36+s9+$0x0], $0xffff  }
0x50f: {  	v42 =	vshrl.u32 v6, $0xE;
	v37 =	vld.idx.msk [tilespmem:v37+s9+$0x0], $0xffff  }
0x510: {  	v43 =	vshrl.u32 v5, $0xE;
	v38 =	vld.idx.msk [tilespmem:v38+s9+$0x0], $0xffff  }
0x511: {  	v44 =	vshrl.u32 v4, $0xE;
	v39 =	vld.idx.msk [tilespmem:v39+s9+$0x0], $0xffff  }
0x512: {  	v45 =	vshrl.u32 v3, $0xE;
	v40 =	vld.idx.msk [tilespmem:v40+s9+$0x0], $0xffff  }
0x513: {  	v41 =	vld.idx.msk [tilespmem:v41+s9+$0x0], $0xffff  }
0x514: {  	v42 =	vld.idx.msk [tilespmem:v42+s9+$0x0], $0xffff  }
0x515: {  	v0 =	vand.u32 $0x3FFF, v0;
	v43 =	vld.idx.msk [tilespmem:v43+s9+$0x0], $0xffff  }
0x516: {  	v60 =	vshrl.u32 v12, $0xE;
	v44 =	vld.idx.msk [tilespmem:v44+s9+$0x0], $0xffff  }
0x517: {  	v45 =	vld.idx.msk [tilespmem:v45+s9+$0x0], $0xffff;
	v1 =	vmax.f32 v1, $0.0e+00  }
0x518: {  	v1 =	vmul.f32 v1, v2;
	v2 =	vld [tilespmem:s17+$0xA0]  }
0x519: {  	v54 =	vmax.f32 v25, $0.0e+00;
	v25 =	vld [tilespmem:s0+$0x10]  }
0x51a: {  	v28 =	vand.u32 $0x3FFF, v28;
	[tilespmem:v0+s10+$0x0] =	vst.idx.add.f32.msk $0xffff, v1  }
0x51b: {  	v0 =	vld.idx.msk [tilespmem:v60+s9+$0x0], $0xffff  }
0x51c: {  	v33 =	vmax.f32 v33, $0.0e+00;
	v57 =	vmax.f32 v27, $0.0e+00;
	v27 =	vld [tilespmem:s0+$0x70]  }
0x51d: {  	v33 =	vmul.f32 v33, v48;
	v1 =	vld [tilespmem:s17+$0xB0];
	v46 =	vshrl.u32 v2, $0xE  }
0x51e: {  	v12 =	vand.u32 $0x3FFF, v12;
	v48 =	vld [tilespmem:s0+$0x80]  }
0x51f: {  	[tilespmem:v28+s10+$0x0] =	vst.idx.add.f32.msk $0xffff, v33  }
0x520: {  	v28 =	vld [tilespmem:s0+$0xA0];
	v0 =	vmax.f32 v0, $0.0e+00  }
0x521: {  	v0 =	vmul.f32 v0, v49;
	v49 =	vld [tilespmem:s0+$0xFFFFFFC0]  }
0x522: {  	v47 =	vshrl.u32 v1, $0xE;
	v46 =	vld.idx.msk [tilespmem:v46+s9+$0x0], $0xffff  }
0x523: {  	v13 =	vand.u32 $0x3FFF, v13;
	[tilespmem:v12+s10+$0x0] =	vst.idx.add.f32.msk $0xffff, v0  }
0x524: {  	v24 =	vmax.f32 v24, $0.0e+00;
	v12 =	vld [tilespmem:s0+$0xFFFFFFD0]  }
0x525: {  	v0 =	vmul.f32 v24, v50;
	v24 =	vld [tilespmem:s0+$0xFFFFFFE0]  }
0x526: {  	v14 =	vand.u32 $0x3FFF, v14;
	v50 =	vld [tilespmem:s0+$0xFFFFFFF0]  }
0x527: {  	v47 =	vld.idx.msk [tilespmem:v47+s9+$0x0], $0xffff  }
0x528: {  	[tilespmem:v13+s10+$0x0] =	vst.idx.add.f32.msk $0xffff, v0  }
0x529: {  	v15 =	vand.u32 $0x3FFF, v15;
	v13 =	vld [tilespmem:s0+$0x0];
	v0 =	vmul.f32 v54, v51  }
0x52a: {  	v51 =	vld [tilespmem:s0+$0x20]  }
0x52b: {  	v20 =	vand.u32 $0x3FFF, v20;
	v55 =	vmax.f32 v26, $0.0e+00;
	[tilespmem:v14+s10+$0x0] =	vst.idx.add.f32.msk $0xffff, v0  }
0x52c: {  	v16 =	vand.u32 $0x3FFF, v16;
	v17 =	vand.u32 $0x3FFF, v17;
	v14 =	vld [tilespmem:s0+$0x30];
	v0 =	vmul.f32 v55, v52  }
0x52d: {  	v18 =	vand.u32 $0x3FFF, v18;
	v23 =	vand.u32 $0x3FFF, v23;
	v32 =	vmax.f32 v32, $0.0e+00;
	v52 =	vld [tilespmem:s0+$0x50]  }
0x52e: {  	v12 =	vmul.f32 v32, v12;
	[tilespmem:v15+s10+$0x0] =	vst.idx.add.f32.msk $0xffff, v0;
	v0 =	vmul.f32 v57, v61;
	v61 =	vmax.f32 v30, $0.0e+00  }
0x52f: {  	v11 =	vand.u32 $0x3FFF, v11;
	v60 =	vmax.f32 v29, $0.0e+00;
	v29 =	vmul.f32 v61, v63;
	v63 =	vld [tilespmem:s0+$0xB0]  }
0x530: {  	v36 =	vmax.f32 v36, $0.0e+00;
	v37 =	vmax.f32 v37, $0.0e+00;
	v33 =	vmax.f32 v34, $0.0e+00;
	[tilespmem:v20+s10+$0x0] =	vst.idx.add.f32.msk $0xffff, v12  }
0x531: {  	v34 =	vmax.f32 v35, $0.0e+00;
	v35 =	vand.u32 $0x3FFF, v10;
	v10 =	vmul.f32 v36, v13;
	[tilespmem:v16+s10+$0x0] =	vst.idx.add.f32.msk $0xffff, v0  }
0x532: {  	v22 =	vand.u32 $0x3FFF, v22;
	v12 =	vmul.f32 v37, v25;
	[tilespmem:v18+s10+$0x0] =	vst.idx.add.f32.msk $0xffff, v29  }
0x533: {  	v7 =	vand.u32 $0x3FFF, v7;
	v16 =	vmul.f32 v60, v62;
	v62 =	vmax.f32 v31, $0.0e+00;
	[tilespmem:v23+s10+$0x0] =	vst.idx.add.f32.msk $0xffff, v10  }
0x534: {  	v21 =	vand.u32 $0x3FFF, v21;
	v30 =	vmul.f32 v62, v49;
	[tilespmem:v11+s10+$0x0] =	vst.idx.add.f32.msk $0xffff, v12  }
0x535: {  	v54 =	vmax.f32 v41, $0.0e+00;
	v18 =	vmul.f32 v34, v50;
	[tilespmem:v17+s10+$0x0] =	vst.idx.add.f32.msk $0xffff, v16  }
0x536: {  	v9 =	vand.u32 $0x3FFF, v9;
	v8 =	vand.u32 $0x3FFF, v8;
	v11 =	vmul.f32 v54, v52;
	[tilespmem:v59+s10+$0x0] =	vst.idx.add.f32.msk $0xffff, v30  }
0x537: {  	v6 =	vand.u32 $0x3FFF, v6;
	v49 =	vmax.f32 v38, $0.0e+00;
	v17 =	vmul.f32 v33, v24;
	[tilespmem:v22+s10+$0x0] =	vst.idx.add.f32.msk $0xffff, v18  }
0x538: {  	v5 =	vand.u32 $0x3FFF, v5;
	v50 =	vmax.f32 v39, $0.0e+00;
	v13 =	vmul.f32 v49, v51;
	[tilespmem:v7+s10+$0x0] =	vst.idx.add.f32.msk $0xffff, v11  }
0x539: {  	v3 =	vand.u32 $0x3FFF, v3;
	v51 =	vmax.f32 v40, $0.0e+00;
	v14 =	vmul.f32 v50, v14;
	[tilespmem:v21+s10+$0x0] =	vst.idx.add.f32.msk $0xffff, v17  }
0x53a: {  	v1 =	vand.u32 $0x3FFF, v1;
	v10 =	vmul.f32 v51, v56;
	v56 =	vmax.f32 v42, $0.0e+00;
	[tilespmem:v35+s10+$0x0] =	vst.idx.add.f32.msk $0xffff, v13  }
0x53b: {  	v55 =	vand.u32 $0x3FFF, v4;
	v57 =	vmax.f32 v43, $0.0e+00;
	[tilespmem:v9+s10+$0x0] =	vst.idx.add.f32.msk $0xffff, v14;
	v4 =	vmul.f32 v56, v58  }
0x53c: {  	v59 =	vmax.f32 v45, $0.0e+00;
	v9 =	vmul.f32 v57, v27;
	[tilespmem:v8+s10+$0x0] =	vst.idx.add.f32.msk $0xffff, v10  }
0x53d: {  	v2 =	vand.u32 $0x3FFF, v2;
	v62 =	vmax.f32 v47, $0.0e+00;
	v61 =	vmul.f32 v59, v19;
	[tilespmem:v6+s10+$0x0] =	vst.idx.add.f32.msk $0xffff, v4  }
0x53e: {  	v58 =	vmax.f32 v44, $0.0e+00;
	v63 =	vmul.f32 v62, v63;
	[tilespmem:v5+s10+$0x0] =	vst.idx.add.f32.msk $0xffff, v9  }
0x53f: {  	v60 =	vmax.f32 v46, $0.0e+00;
	v8 =	vmul.f32 v58, v48;
	[tilespmem:v3+s10+$0x0] =	vst.idx.add.f32.msk $0xffff, v61  }
0x540: {  	v4 =	vmul.f32 v60, v28;
	[tilespmem:v1+s10+$0x0] =	vst.idx.add.f32.msk $0xffff, v63  }
0x541: {  	[tilespmem:v55+s10+$0x0] =	vst.idx.add.f32.msk $0xffff, v8  }
0x542: {  	s13 =	simm.s32 $0x0;
	s14 =	simm.s32 $0x8720;
	[tilespmem:v2+s10+$0x0] =	vst.idx.add.f32.msk $0xffff, v4  }
.LBB2_32:
0x543: {  	v0 =	vld [tilespmem:s14+$0xC0];
	s13 =	sadd.s32 $0x19, s13  }
0x544: {  	v1 =	vld [tilespmem:s14+$0xFFFFFF50];
	p2 =	slt.u32 s13, $0xE1  }
0x545: {  	v2 =	vld [tilespmem:s14+$0xFFFFFF60]  }
0x546: {  	v3 =	vld [tilespmem:s14+$0xFFFFFF70]  }
0x547: {  	v4 =	vld [tilespmem:s14+$0xFFFFFF80]  }
0x548: {  	v5 =	vld [tilespmem:s14+$0xFFFFFF90];
	v6 =	vshrl.u32 v0, $0xE  }
0x549: {  	v20 =	vshrl.u32 v1, $0xE;
	v1 =	vand.u32 $0x3FFF, v1;
	v7 =	vld [tilespmem:s14+$0xFFFFFFA0]  }
0x54a: {  	v21 =	vshrl.u32 v2, $0xE;
	v2 =	vand.u32 $0x3FFF, v2;
	v8 =	vld [tilespmem:s14+$0xFFFFFFB0]  }
0x54b: {  	v22 =	vshrl.u32 v3, $0xE;
	v3 =	vand.u32 $0x3FFF, v3;
	v9 =	vld [tilespmem:s14+$0xFFFFFFC0]  }
0x54c: {  	v23 =	vshrl.u32 v4, $0xE;
	v4 =	vand.u32 $0x3FFF, v4;
	v10 =	vld [tilespmem:s14+$0xFFFFFFD0]  }
0x54d: {  	v25 =	vshrl.u32 v5, $0xE;
	v5 =	vand.u32 $0x3FFF, v5;
	v11 =	vld.idx.msk [tilespmem:v6+s9+$0x0], $0xffff  }
0x54e: {  	s0 =	sadd.s32 $0x190, s0;
	v26 =	vshrl.u32 v7, $0xE;
	v6 =	vand.u32 $0x3FFF, v7;
	v12 =	vld [tilespmem:s14+$0xFFFFFFE0]  }
0x54f: {  	v27 =	vshrl.u32 v8, $0xE;
	v7 =	vand.u32 $0x3FFF, v8;
	v13 =	vld [tilespmem:s0+$0xC0]  }
0x550: {  	v28 =	vshrl.u32 v9, $0xE;
	v8 =	vand.u32 $0x3FFF, v9;
	v14 =	vld [tilespmem:s14+$0xFFFFFFF0]  }
0x551: {  	v0 =	vand.u32 $0x3FFF, v0;
	v29 =	vshrl.u32 v10, $0xE;
	v9 =	vand.u32 $0x3FFF, v10;
	v15 =	vld [tilespmem:s14+$0x0]  }
0x552: {  	v16 =	vld [tilespmem:s14+$0x10]  }
0x553: {  	v11 =	vmax.f32 v11, $0.0e+00;
	v30 =	vshrl.u32 v12, $0xE;
	v10 =	vand.u32 $0x3FFF, v12;
	v17 =	vld [tilespmem:s14+$0x20]  }
0x554: {  	v18 =	vld [tilespmem:s14+$0x30];
	v13 =	vmul.f32 v11, v13  }
0x555: {  	v31 =	vshrl.u32 v14, $0xE;
	v11 =	vand.u32 $0x3FFF, v14;
	v19 =	vld [tilespmem:s14+$0x40]  }
0x556: {  	v32 =	vshrl.u32 v15, $0xE;
	v12 =	vand.u32 $0x3FFF, v15;
	[tilespmem:v0+s10+$0x0] =	vst.idx.add.f32.msk $0xffff, v13  }
0x557: {  	v0 =	vshrl.u32 v16, $0xE;
	v13 =	vand.u32 $0x3FFF, v16;
	v24 =	vld [tilespmem:s14+$0x50]  }
0x558: {  	v33 =	vshrl.u32 v17, $0xE;
	v14 =	vand.u32 $0x3FFF, v17;
	v34 =	vld [tilespmem:s14+$0x60]  }
0x559: {  	v35 =	vshrl.u32 v18, $0xE;
	v15 =	vand.u32 $0x3FFF, v18;
	v36 =	vld [tilespmem:s14+$0x70]  }
0x55a: {  	v37 =	vshrl.u32 v19, $0xE;
	v16 =	vand.u32 $0x3FFF, v19;
	v38 =	vld [tilespmem:s14+$0x80]  }
0x55b: {  	v39 =	vld [tilespmem:s14+$0x90]  }
0x55c: {  	v40 =	vshrl.u32 v24, $0xE;
	v17 =	vand.u32 $0x3FFF, v24;
	v24 =	vld [tilespmem:s14+$0xA0]  }
0x55d: {  	v41 =	vshrl.u32 v34, $0xE;
	v18 =	vand.u32 $0x3FFF, v34;
	v34 =	vld [tilespmem:s14+$0xB0]  }
0x55e: {  	v42 =	vld [tilespmem:s14+$0xFFFFFF40];
	v43 =	vshrl.u32 v36, $0xE;
	v19 =	vand.u32 $0x3FFF, v36  }
0x55f: {  	v36 =	vld.idx.msk [tilespmem:v20+s9+$0x0], $0xffff;
	v44 =	vshrl.u32 v38, $0xE;
	v20 =	vand.u32 $0x3FFF, v38  }
0x560: {  	v38 =	vld.idx.msk [tilespmem:v21+s9+$0x0], $0xffff;
	v45 =	vshrl.u32 v39, $0xE;
	v21 =	vand.u32 $0x3FFF, v39  }
0x561: {  	v39 =	vld.idx.msk [tilespmem:v22+s9+$0x0], $0xffff;
	v46 =	vshrl.u32 v24, $0xE;
	v22 =	vand.u32 $0x3FFF, v24  }
0x562: {  	v47 =	vld.idx.msk [tilespmem:v23+s9+$0x0], $0xffff;
	v48 =	vshrl.u32 v34, $0xE;
	v23 =	vand.u32 $0x3FFF, v34  }
0x563: {  	v34 =	vshrl.u32 v42, $0xE;
	v24 =	vand.u32 $0x3FFF, v42;
	v25 =	vld.idx.msk [tilespmem:v25+s9+$0x0], $0xffff  }
0x564: {  	v26 =	vld.idx.msk [tilespmem:v26+s9+$0x0], $0xffff  }
0x565: {  	v36 =	vmax.f32 v36, $0.0e+00;
	v27 =	vld.idx.msk [tilespmem:v27+s9+$0x0], $0xffff  }
0x566: {  	v38 =	vmax.f32 v38, $0.0e+00;
	v28 =	vld.idx.msk [tilespmem:v28+s9+$0x0], $0xffff  }
0x567: {  	v39 =	vmax.f32 v39, $0.0e+00;
	v29 =	vld.idx.msk [tilespmem:v29+s9+$0x0], $0xffff  }
0x568: {  	v42 =	vmax.f32 v47, $0.0e+00;
	v34 =	vld.idx.msk [tilespmem:v34+s9+$0x0], $0xffff  }
0x569: {  	v25 =	vmax.f32 v25, $0.0e+00;
	v30 =	vld.idx.msk [tilespmem:v30+s9+$0x0], $0xffff  }
0x56a: {  	v26 =	vmax.f32 v26, $0.0e+00;
	v31 =	vld.idx.msk [tilespmem:v31+s9+$0x0], $0xffff  }
0x56b: {  	v27 =	vmax.f32 v27, $0.0e+00;
	v32 =	vld.idx.msk [tilespmem:v32+s9+$0x0], $0xffff  }
0x56c: {  	v28 =	vmax.f32 v28, $0.0e+00;
	v0 =	vld.idx.msk [tilespmem:v0+s9+$0x0], $0xffff  }
0x56d: {  	v29 =	vmax.f32 v29, $0.0e+00;
	v33 =	vld.idx.msk [tilespmem:v33+s9+$0x0], $0xffff  }
0x56e: {  	v34 =	vmax.f32 v34, $0.0e+00;
	v35 =	vld.idx.msk [tilespmem:v35+s9+$0x0], $0xffff  }
0x56f: {  	v30 =	vmax.f32 v30, $0.0e+00;
	v37 =	vld.idx.msk [tilespmem:v37+s9+$0x0], $0xffff  }
0x570: {  	v31 =	vmax.f32 v31, $0.0e+00;
	v40 =	vld.idx.msk [tilespmem:v40+s9+$0x0], $0xffff  }
0x571: {  	v32 =	vmax.f32 v32, $0.0e+00;
	v41 =	vld.idx.msk [tilespmem:v41+s9+$0x0], $0xffff  }
0x572: {  	v0 =	vmax.f32 v0, $0.0e+00;
	v43 =	vld.idx.msk [tilespmem:v43+s9+$0x0], $0xffff  }
0x573: {  	v33 =	vmax.f32 v33, $0.0e+00;
	v44 =	vld.idx.msk [tilespmem:v44+s9+$0x0], $0xffff  }
0x574: {  	v35 =	vmax.f32 v35, $0.0e+00;
	v45 =	vld.idx.msk [tilespmem:v45+s9+$0x0], $0xffff  }
0x575: {  	v37 =	vmax.f32 v37, $0.0e+00;
	v46 =	vld.idx.msk [tilespmem:v46+s9+$0x0], $0xffff  }
0x576: {  	v40 =	vmax.f32 v40, $0.0e+00;
	v47 =	vld.idx.msk [tilespmem:v48+s9+$0x0], $0xffff  }
0x577: {  	v41 =	vmax.f32 v41, $0.0e+00;
	v48 =	vld [tilespmem:s0+$0xFFFFFF40]  }
0x578: {  	v43 =	vmax.f32 v43, $0.0e+00;
	v49 =	vld [tilespmem:s0+$0xFFFFFF50]  }
0x579: {  	v44 =	vmax.f32 v44, $0.0e+00;
	v50 =	vld [tilespmem:s0+$0xFFFFFF60]  }
0x57a: {  	v45 =	vmax.f32 v45, $0.0e+00;
	v51 =	vld [tilespmem:s0+$0xFFFFFF70]  }
0x57b: {  	v46 =	vmax.f32 v46, $0.0e+00;
	v52 =	vld [tilespmem:s0+$0xFFFFFF80]  }
0x57c: {  	v47 =	vmax.f32 v47, $0.0e+00;
	v34 =	vmul.f32 v34, v48;
	v48 =	vld [tilespmem:s0+$0xFFFFFF90]  }
0x57d: {  	v36 =	vmul.f32 v36, v49;
	v49 =	vld [tilespmem:s0+$0xFFFFFFA0]  }
0x57e: {  	v38 =	vmul.f32 v38, v50;
	v50 =	vld [tilespmem:s0+$0xFFFFFFB0]  }
0x57f: {  	v39 =	vmul.f32 v39, v51;
	v51 =	vld [tilespmem:s0+$0xFFFFFFC0]  }
0x580: {  	v42 =	vmul.f32 v42, v52;
	v52 =	vld [tilespmem:s0+$0xFFFFFFD0]  }
0x581: {  	v25 =	vmul.f32 v25, v48;
	v48 =	vld [tilespmem:s0+$0xFFFFFFE0]  }
0x582: {  	v26 =	vmul.f32 v26, v49;
	v49 =	vld [tilespmem:s0+$0xFFFFFFF0]  }
0x583: {  	v27 =	vmul.f32 v27, v50;
	v50 =	vld [tilespmem:s0+$0x0]  }
0x584: {  	v28 =	vmul.f32 v28, v51;
	v51 =	vld [tilespmem:s0+$0x10]  }
0x585: {  	v29 =	vmul.f32 v29, v52;
	v52 =	vld [tilespmem:s0+$0x20]  }
0x586: {  	v30 =	vmul.f32 v30, v48;
	v48 =	vld [tilespmem:s0+$0x30]  }
0x587: {  	v31 =	vmul.f32 v31, v49;
	v49 =	vld [tilespmem:s0+$0x40]  }
0x588: {  	v32 =	vmul.f32 v32, v50;
	v50 =	vld [tilespmem:s0+$0x50]  }
0x589: {  	v0 =	vmul.f32 v0, v51;
	v51 =	vld [tilespmem:s0+$0x60]  }
0x58a: {  	v33 =	vmul.f32 v33, v52;
	v52 =	vld [tilespmem:s0+$0x70]  }
0x58b: {  	v35 =	vmul.f32 v35, v48;
	v48 =	vld [tilespmem:s0+$0x80]  }
0x58c: {  	v37 =	vmul.f32 v37, v49;
	v49 =	vld [tilespmem:s0+$0x90]  }
0x58d: {  	v40 =	vmul.f32 v40, v50;
	v50 =	vld [tilespmem:s0+$0xA0]  }
0x58e: {  	v41 =	vmul.f32 v41, v51;
	v51 =	vld [tilespmem:s0+$0xB0]  }
0x58f: {  	[tilespmem:v24+s10+$0x0] =	vst.idx.add.f32.msk $0xffff, v34;
	v24 =	vmul.f32 v43, v52  }
0x590: {  	[tilespmem:v1+s10+$0x0] =	vst.idx.add.f32.msk $0xffff, v36;
	v1 =	vmul.f32 v44, v48  }
0x591: {  	[tilespmem:v2+s10+$0x0] =	vst.idx.add.f32.msk $0xffff, v38;
	v2 =	vmul.f32 v45, v49  }
0x592: {  	[tilespmem:v3+s10+$0x0] =	vst.idx.add.f32.msk $0xffff, v39;
	v3 =	vmul.f32 v46, v50  }
0x593: {  	[tilespmem:v4+s10+$0x0] =	vst.idx.add.f32.msk $0xffff, v42;
	v4 =	vmul.f32 v47, v51  }
0x594: {  	[tilespmem:v5+s10+$0x0] =	vst.idx.add.f32.msk $0xffff, v25  }
0x595: {  	[tilespmem:v6+s10+$0x0] =	vst.idx.add.f32.msk $0xffff, v26  }
0x596: {  	[tilespmem:v7+s10+$0x0] =	vst.idx.add.f32.msk $0xffff, v27  }
0x597: {  	[tilespmem:v8+s10+$0x0] =	vst.idx.add.f32.msk $0xffff, v28  }
0x598: {  	[tilespmem:v9+s10+$0x0] =	vst.idx.add.f32.msk $0xffff, v29  }
0x599: {  	[tilespmem:v10+s10+$0x0] =	vst.idx.add.f32.msk $0xffff, v30  }
0x59a: {  	[tilespmem:v11+s10+$0x0] =	vst.idx.add.f32.msk $0xffff, v31  }
0x59b: {  	[tilespmem:v12+s10+$0x0] =	vst.idx.add.f32.msk $0xffff, v32  }
0x59c: {  	[tilespmem:v13+s10+$0x0] =	vst.idx.add.f32.msk $0xffff, v0  }
0x59d: {  	[tilespmem:v14+s10+$0x0] =	vst.idx.add.f32.msk $0xffff, v33  }
0x59e: {  	[tilespmem:v15+s10+$0x0] =	vst.idx.add.f32.msk $0xffff, v35  }
0x59f: {  	[tilespmem:v16+s10+$0x0] =	vst.idx.add.f32.msk $0xffff, v37  }
0x5a0: {  	[tilespmem:v17+s10+$0x0] =	vst.idx.add.f32.msk $0xffff, v40  }
0x5a1: {  	[tilespmem:v18+s10+$0x0] =	vst.idx.add.f32.msk $0xffff, v41  }
.Ltmp20:
0x5a2: {  	[tilespmem:v19+s10+$0x0] =	vst.idx.add.f32.msk $0xffff, v24;
	(pc) =	sbr.rel @p2 .LBB2_32-.Ltmp20, $4  }
0x5a3: {  	[tilespmem:v20+s10+$0x0] =	vst.idx.add.f32.msk $0xffff, v1  }
0x5a4: {  	[tilespmem:v21+s10+$0x0] =	vst.idx.add.f32.msk $0xffff, v2  }
0x5a5: {  	[tilespmem:v22+s10+$0x0] =	vst.idx.add.f32.msk $0xffff, v3  }
0x5a6: {  	s14 =	sadd.s32 $0x190, s14;
	[tilespmem:v23+s10+$0x0] =	vst.idx.add.f32.msk $0xffff, v4  }
0x5a7: {  	s11 =	sadd.s32 $0x1, s11  }
0x5a8: {  	p2 =	sne.s32 s11, $0xA  }
.Ltmp21:
0x5a9: {  	_ = 	snop;
	(pc) =	sbr.rel @p2 .LBB2_29-.Ltmp21, $1  }
0x5aa: {  	_ =	sdelay $0x3  }
0x5ab: {  	[spmem:s18] =	stream.linear.scatter [tilespmem:s10], [sflag:$0x5], $0x2710, $0x38;
	[tilespmem:$0x1ED20] =	vst v63  }
0x5ac: {  	_ =	swait.ge [sflag:s22], $0x2710  }
0x5ad: {  	[sflag:s22] =	ssyncset.done $0x0  }
0x5ae: {  	[sflag:s22] =	ssyncadd.s32 $0xFFFFD8F0  }
0x5af: {  	s0 =	simm.s32 $0xFAF0;
	[bflag:$0x0] =	sbarrier.arrive $0xFFFF  }
0x5b0: {  	[tilespmem:s0], [sflag:$0x5] =	stream.linear.gather [spmem:s21], $0x2710, $0x38;
	[tilespmem:$0x1ED20] =	vst v63  }
0x5b1: {  	_ =	swait.ge [sflag:s22], $0x2710  }
0x5b2: {  	[sflag:s22] =	ssyncset.done $0x0  }
0x5b3: {  	s0 =	simm.s32 $0x2730;
	[sflag:s22] =	ssyncadd.s32 $0xFFFFD8F0  }
0x5b4: {  	s11 =	simm.s32 $0xFB10;
	v0 =	vld [tilespmem:s0+$0x20]  }
0x5b5: {  	v3 =	vld [tilespmem:s11+$0x20]  }
0x5b6: {  	v1 =	vld [tilespmem:s11+$0xFFFFFFE0]  }
0x5b7: {  	v7 =	vld [tilespmem:s0+$0xFFFFFFF0]  }
0x5b8: {  	v8 =	vld [tilespmem:s11+$0xFFFFFFF0]  }
0x5b9: {  	v2 =	vld [tilespmem:s0+$0x0]  }
0x5ba: {  	v4 =	vld [tilespmem:s11+$0x0]  }
0x5bb: {  	v5 =	vld [tilespmem:s11+$0x10];
	v0 =	vadd.f32 v3, v0  }
0x5bc: {  	v3 =	vld [tilespmem:s0+$0x10]  }
0x5bd: {  	s13 =	simm.s32 $0x0;
	s14 =	simm.s32 $0x2780;
	v6 =	vld [tilespmem:s0+$0xFFFFFFE0];
	v7 =	vadd.f32 v8, v7;
	[tilespmem:s0+$0x20] =	vst v0  }
.LBB2_35:
0x5be: {  	v0 =	vld [tilespmem:s14+$0x20];
	s11 =	sadd.s32 $0x50, s11  }
0x5bf: {  	s13 =	sadd.s32 $0x5, s13;
	v8 =	vld [tilespmem:s11+$0x20];
	[tilespmem:s0+$0xFFFFFFF0] =	vst v7;
	v2 =	vadd.f32 v4, v2  }
0x5c0: {  	p2 =	slt.u32 s13, $0x26C;
	v7 =	vld [tilespmem:s11+$0xFFFFFFE0]  }
0x5c1: {  	v9 =	vld [tilespmem:s14+$0xFFFFFFF0];
	[tilespmem:s0+$0x0] =	vst v2;
	v3 =	vadd.f32 v5, v3  }
0x5c2: {  	v10 =	vld [tilespmem:s11+$0xFFFFFFF0];
	v5 =	vadd.f32 v1, v6  }
.Ltmp22:
0x5c3: {  	v2 =	vld [tilespmem:s14+$0x0];
	[tilespmem:s0+$0x10] =	vst v3;
	(pc) =	sbr.rel @p2 .LBB2_35-.Ltmp22, $4  }
0x5c4: {  	v4 =	vld [tilespmem:s11+$0x0];
	v0 =	vadd.f32 v8, v0;
	[tilespmem:s0+$0xFFFFFFE0] =	vst v5;
	s0 =	smov.u32 s14  }
0x5c5: {  	v3 =	vld [tilespmem:s14+$0x10];
	v1 =	vmov v7  }
0x5c6: {  	v5 =	vld [tilespmem:s11+$0x10];
	[tilespmem:s14+$0x20] =	vst v0  }
0x5c7: {  	s14 =	sadd.s32 $0x50, s14;
	v6 =	vld [tilespmem:s0+$0xFFFFFFE0];
	v7 =	vadd.f32 v10, v9  }
0x5c8: {  	_ =	sdelay $0x1  }
0x5c9: {  	v0 =	vadd.f32 v4, v2  }
0x5ca: {  	[tilespmem:s0+$0xFFFFFFF0] =	vst v7;
	v62 =	vadd.f32 v5, v3  }
0x5cb: {  	[tilespmem:s0+$0x0] =	vst v0;
	v63 =	vadd.f32 v1, v6  }
0x5cc: {  	[tilespmem:s0+$0x10] =	vst v62  }
0x5cd: {  	[tilespmem:s0+$0xFFFFFFE0] =	vst v63  }
0x5ce: {  	s0 =	simm.s32 $0x20;
	[bflag:$0x0] =	sbarrier.arrive $0xFFFF  }
0x5cf: {  	[tilespmem:s0+$0xFFFFFFE0] =	vst v53  }
0x5d0: {  	[tilespmem:s0+$0x20] =	vst v53  }
0x5d1: {  	[tilespmem:s0+$0x10] =	vst v53  }
0x5d2: {  	s11 =	simm.s32 $0x0;
	[tilespmem:s0+$0x0] =	vst v53  }
.LBB2_37:
0x5d3: {  	s11 =	sadd.s32 $0x5, s11  }
0x5d4: {  	[tilespmem:s0+$0xFFFFFFF0] =	vst v53;
	s0 =	sadd.s32 $0x50, s0;
	p2 =	slt.u32 s11, $0x26C  }
.Ltmp23:
0x5d5: {  	[tilespmem:s0+$0xFFFFFFE0] =	vst v53;
	(pc) =	sbr.rel @p2 .LBB2_37-.Ltmp23, $4  }
0x5d6: {  	_ = 	snop  }
0x5d7: {  	[tilespmem:s0+$0x20] =	vst v53  }
0x5d8: {  	[tilespmem:s0+$0x10] =	vst v53  }
0x5d9: {  	[tilespmem:s0+$0x0] =	vst v53  }
0x5da: {  	[tilespmem:s0+$0xFFFFFFF0] =	vst v53;
	s11 =	simm.s32 $0x0;
	s14 =	simm.s32 $0x7530  }
0x5db: {  	[tilespmem:s14], [sflag:$0x1] =	stream.linear.gather [hbm4b:s24+s11], $0xFA0, $0x38;
	[tilespmem:$0x1ED20] =	vst v63  }
0x5dc: {  	s6 =	simm.s32 $0x9470;
	s17 =	rddreg [dreg:$0x1e]  }
0x5dd: {  	[tilespmem:s6], [sflag:$0x1] =	stream.linear.gather [hbm4b:s17+s11], $0xFA0, $0x38;
	[tilespmem:$0x1ED20] =	vst v63  }
.LBB2_39:
0x5de: {  	s0 =	sshll.u32 s11, $0x1  }
0x5df: {  	s0 =	sadd.s32 s28, s0  }
0x5e0: {  	s0 =	smul.u32 $0xFA0, s0;
	_ =	sdelay $0x1  }
0x5e1: {  	s13 =	sshrl.u32 s0, $0x3  }
0x5e2: {  	s13 =	sadd.s32 $0x1F4, s13  }
0x5e3: {  	s14 =	sadd.s32 s8, s13  }
0x5e4: {  	[tilespmem:s25], [sflag:$0x2] =	stream.linear.gather [hbm4b:s14+s7], $0xFA0, $0x38;
	[tilespmem:$0x1ED20] =	vst v63  }
0x5e5: {  	s13 =	sadd.s32 s2, s13  }
0x5e6: {  	[tilespmem:s19], [sflag:$0x2] =	stream.linear.gather [hbm4b:s13+s7], $0xFA0, $0x38;
	[tilespmem:$0x1ED20] =	vst v63  }
0x5e7: {  	_ =	swait.ge [sflag:s20], $0xFA0  }
0x5e8: {  	[sflag:s20] =	ssyncset.done $0x0  }
0x5e9: {  	[sflag:s20] =	ssyncadd.s32 $0xFFFFF060  }
0x5ea: {  	_ =	swait.ge [sflag:s20], $0xFA0  }
0x5eb: {  	[sflag:s20] =	ssyncset.done $0x0  }
0x5ec: {  	s17 =	simm.s32 $0x75F0;
	[sflag:s20] =	ssyncadd.s32 $0xFFFFF060  }
0x5ed: {  	v0 =	vld [tilespmem:s17+$0xC0]  }
0x5ee: {  	v4 =	vld [tilespmem:s17+$0xFFFFFF50]  }
0x5ef: {  	v5 =	vld [tilespmem:s17+$0xFFFFFF60]  }
0x5f0: {  	v6 =	vld [tilespmem:s17+$0xFFFFFF70]  }
0x5f1: {  	v7 =	vld [tilespmem:s17+$0xFFFFFF80]  }
0x5f2: {  	v8 =	vld [tilespmem:s17+$0xFFFFFF90]  }
0x5f3: {  	v9 =	vld [tilespmem:s17+$0xFFFFFFA0]  }
0x5f4: {  	v10 =	vld [tilespmem:s17+$0xFFFFFFB0]  }
0x5f5: {  	v11 =	vld [tilespmem:s17+$0xFFFFFFC0]  }
0x5f6: {  	s14 =	simm.s32 $0x9530;
	v12 =	vld [tilespmem:s17+$0xFFFFFFD0]  }
0x5f7: {  	v2 =	vld [tilespmem:s14+$0xC0]  }
0x5f8: {  	v13 =	vld [tilespmem:s17+$0xFFFFFFE0]  }
0x5f9: {  	v14 =	vld [tilespmem:s17+$0xFFFFFFF0]  }
0x5fa: {  	v15 =	vld [tilespmem:s17+$0x0]  }
0x5fb: {  	v16 =	vld [tilespmem:s17+$0x10]  }
0x5fc: {  	v17 =	vld [tilespmem:s17+$0x20]  }
0x5fd: {  	v18 =	vld [tilespmem:s17+$0x30]  }
0x5fe: {  	v19 =	vld [tilespmem:s17+$0x50]  }
0x5ff: {  	v20 =	vld [tilespmem:s17+$0x60]  }
0x600: {  	v21 =	vld [tilespmem:s17+$0x70]  }
0x601: {  	v23 =	vld [tilespmem:s17+$0x80]  }
0x602: {  	v3 =	vld [tilespmem:s17+$0x90]  }
0x603: {  	v28 =	vld [tilespmem:s17+$0xFFFFFF40]  }
0x604: {  	v48 =	vld [tilespmem:s14+$0xFFFFFF40]  }
0x605: {  	v49 =	vld [tilespmem:s14+$0xFFFFFF50]  }
0x606: {  	v50 =	vld [tilespmem:s14+$0xFFFFFF60]  }
0x607: {  	v51 =	vld [tilespmem:s14+$0xFFFFFF70]  }
0x608: {  	v52 =	vld [tilespmem:s14+$0xFFFFFF80];
	v1 =	vshrl.u32 v0, $0xE  }
0x609: {  	v60 =	vld [tilespmem:s14+$0xFFFFFF90];
	v22 =	vshrl.u32 v4, $0xE  }
0x60a: {  	v56 =	vld [tilespmem:s14+$0x50];
	v24 =	vshrl.u32 v5, $0xE  }
0x60b: {  	v57 =	vld [tilespmem:s14+$0x60];
	v25 =	vshrl.u32 v6, $0xE  }
0x60c: {  	v59 =	vld [tilespmem:s14+$0x70];
	v26 =	vshrl.u32 v7, $0xE  }
0x60d: {  	v27 =	vshrl.u32 v8, $0xE;
	v1 =	vld.idx.msk [tilespmem:v1+s10+$0x0], $0xffff  }
0x60e: {  	v29 =	vshrl.u32 v9, $0xE;
	v22 =	vld.idx.msk [tilespmem:v22+s10+$0x0], $0xffff  }
0x60f: {  	v30 =	vshrl.u32 v10, $0xE;
	v24 =	vld.idx.msk [tilespmem:v24+s10+$0x0], $0xffff  }
0x610: {  	v31 =	vshrl.u32 v11, $0xE;
	v25 =	vld.idx.msk [tilespmem:v25+s10+$0x0], $0xffff  }
0x611: {  	v32 =	vshrl.u32 v12, $0xE;
	v26 =	vld.idx.msk [tilespmem:v26+s10+$0x0], $0xffff  }
0x612: {  	v33 =	vshrl.u32 v28, $0xE;
	v27 =	vld.idx.msk [tilespmem:v27+s10+$0x0], $0xffff  }
0x613: {  	v34 =	vshrl.u32 v13, $0xE;
	v29 =	vld.idx.msk [tilespmem:v29+s10+$0x0], $0xffff  }
0x614: {  	v35 =	vshrl.u32 v14, $0xE;
	v30 =	vld.idx.msk [tilespmem:v30+s10+$0x0], $0xffff  }
0x615: {  	v36 =	vshrl.u32 v15, $0xE;
	v31 =	vld.idx.msk [tilespmem:v31+s10+$0x0], $0xffff  }
0x616: {  	v37 =	vshrl.u32 v16, $0xE;
	v32 =	vld.idx.msk [tilespmem:v32+s10+$0x0], $0xffff  }
0x617: {  	v38 =	vshrl.u32 v17, $0xE;
	v33 =	vld.idx.msk [tilespmem:v33+s10+$0x0], $0xffff  }
0x618: {  	v39 =	vshrl.u32 v18, $0xE;
	v34 =	vld.idx.msk [tilespmem:v34+s10+$0x0], $0xffff  }
0x619: {  	v41 =	vshrl.u32 v19, $0xE;
	v35 =	vld.idx.msk [tilespmem:v35+s10+$0x0], $0xffff  }
0x61a: {  	v42 =	vshrl.u32 v20, $0xE;
	v36 =	vld.idx.msk [tilespmem:v36+s10+$0x0], $0xffff  }
0x61b: {  	v43 =	vshrl.u32 v21, $0xE;
	v37 =	vld.idx.msk [tilespmem:v37+s10+$0x0], $0xffff  }
0x61c: {  	v44 =	vshrl.u32 v23, $0xE;
	v38 =	vld.idx.msk [tilespmem:v38+s10+$0x0], $0xffff  }
0x61d: {  	v45 =	vshrl.u32 v3, $0xE;
	v39 =	vld.idx.msk [tilespmem:v39+s10+$0x0], $0xffff  }
0x61e: {  	v41 =	vld.idx.msk [tilespmem:v41+s10+$0x0], $0xffff  }
0x61f: {  	v42 =	vld.idx.msk [tilespmem:v42+s10+$0x0], $0xffff  }
0x620: {  	v43 =	vld.idx.msk [tilespmem:v43+s10+$0x0], $0xffff  }
0x621: {  	v44 =	vld.idx.msk [tilespmem:v44+s10+$0x0], $0xffff  }
0x622: {  	v45 =	vld.idx.msk [tilespmem:v45+s10+$0x0], $0xffff  }
0x623: {  	v1 =	vmul.f32 v1, v2;
	v2 =	vld [tilespmem:s17+$0xA0]  }
0x624: {  	v22 =	vmul.f32 v22, v49;
	v49 =	vld [tilespmem:s14+$0xFFFFFFC0]  }
0x625: {  	v61 =	vmul.f32 v24, v50;
	v24 =	vld [tilespmem:s14+$0xFFFFFFE0]  }
0x626: {  	v50 =	vld [tilespmem:s14+$0xFFFFFFF0]  }
0x627: {  	v0 =	vand.u32 $0x3FFF, v0;
	v62 =	vmul.f32 v25, v51;
	v25 =	vld [tilespmem:s14+$0x10]  }
0x628: {  	v51 =	vld [tilespmem:s14+$0x20]  }
0x629: {  	v63 =	vmul.f32 v26, v52;
	v26 =	vld [tilespmem:s14+$0x40]  }
0x62a: {  	v28 =	vand.u32 $0x3FFF, v28;
	v33 =	vmul.f32 v33, v48;
	v48 =	vld [tilespmem:s14+$0x80]  }
0x62b: {  	v58 =	vmul.f32 v27, v60;
	v60 =	vand.u32 $0x3FFF, v11;
	v11 =	vld [tilespmem:s14+$0x90]  }
0x62c: {  	[tilespmem:v0+s7+$0x0] =	vst.idx.add.f32.msk $0xffff, v1  }
0x62d: {  	v4 =	vand.u32 $0x3FFF, v4;
	v0 =	vld [tilespmem:s17+$0x40]  }
0x62e: {  	v1 =	vld [tilespmem:s17+$0xB0]  }
0x62f: {  	v5 =	vand.u32 $0x3FFF, v5;
	[tilespmem:v28+s7+$0x0] =	vst.idx.add.f32.msk $0xffff, v33  }
0x630: {  	v28 =	vld [tilespmem:s14+$0xFFFFFFA0]  }
0x631: {  	v6 =	vand.u32 $0x3FFF, v6;
	v33 =	vld [tilespmem:s14+$0xFFFFFFB0]  }
0x632: {  	[tilespmem:v4+s7+$0x0] =	vst.idx.add.f32.msk $0xffff, v22  }
0x633: {  	v7 =	vand.u32 $0x3FFF, v7;
	v4 =	vld [tilespmem:s14+$0xFFFFFFD0]  }
0x634: {  	v8 =	vand.u32 $0x3FFF, v8;
	[tilespmem:v5+s7+$0x0] =	vst.idx.add.f32.msk $0xffff, v61  }
0x635: {  	v5 =	vld [tilespmem:s14+$0x0]  }
0x636: {  	[tilespmem:v6+s7+$0x0] =	vst.idx.add.f32.msk $0xffff, v62  }
0x637: {  	v6 =	vld [tilespmem:s14+$0x30]  }
0x638: {  	v9 =	vand.u32 $0x3FFF, v9;
	[tilespmem:v7+s7+$0x0] =	vst.idx.add.f32.msk $0xffff, v63  }
0x639: {  	v10 =	vand.u32 $0x3FFF, v10;
	[tilespmem:v8+s7+$0x0] =	vst.idx.add.f32.msk $0xffff, v58  }
0x63a: {  	v12 =	vand.u32 $0x3FFF, v12;
	v63 =	vld [tilespmem:s14+$0xB0];
	v31 =	vmul.f32 v31, v49  }
0x63b: {  	v13 =	vand.u32 $0x3FFF, v13;
	v61 =	vmul.f32 v29, v28;
	v28 =	vld [tilespmem:s14+$0xA0]  }
0x63c: {  	v14 =	vand.u32 $0x3FFF, v14;
	v62 =	vmul.f32 v30, v33;
	[tilespmem:v60+s7+$0x0] =	vst.idx.add.f32.msk $0xffff, v31  }
0x63d: {  	v22 =	vand.u32 $0x3FFF, v15;
	v4 =	vmul.f32 v32, v4;
	[tilespmem:v9+s7+$0x0] =	vst.idx.add.f32.msk $0xffff, v61  }
0x63e: {  	v55 =	vand.u32 $0x3FFF, v23;
	v32 =	vmul.f32 v34, v24;
	[tilespmem:v10+s7+$0x0] =	vst.idx.add.f32.msk $0xffff, v62  }
0x63f: {  	v46 =	vshrl.u32 v2, $0xE;
	v34 =	vmul.f32 v35, v50;
	[tilespmem:v12+s7+$0x0] =	vst.idx.add.f32.msk $0xffff, v4  }
0x640: {  	v49 =	vmul.f32 v38, v51;
	v51 =	vand.u32 $0x3FFF, v21;
	v5 =	vmul.f32 v36, v5;
	[tilespmem:v13+s7+$0x0] =	vst.idx.add.f32.msk $0xffff, v32  }
0x641: {  	v3 =	vand.u32 $0x3FFF, v3;
	v60 =	vmul.f32 v44, v48;
	[tilespmem:v14+s7+$0x0] =	vst.idx.add.f32.msk $0xffff, v34  }
0x642: {  	v40 =	vshrl.u32 v0, $0xE;
	[tilespmem:v22+s7+$0x0] =	vst.idx.add.f32.msk $0xffff, v5  }
0x643: {  	v59 =	vmul.f32 v43, v59;
	v47 =	vshrl.u32 v1, $0xE;
	[tilespmem:v55+s7+$0x0] =	vst.idx.add.f32.msk $0xffff, v60  }
0x644: {  	v29 =	vand.u32 $0x3FFF, v16;
	v61 =	vmul.f32 v45, v11;
	v46 =	vld.idx.msk [tilespmem:v46+s10+$0x0], $0xffff  }
0x645: {  	v33 =	vand.u32 $0x3FFF, v17;
	[tilespmem:v51+s7+$0x0] =	vst.idx.add.f32.msk $0xffff, v59  }
0x646: {  	v35 =	vand.u32 $0x3FFF, v18;
	[tilespmem:v3+s7+$0x0] =	vst.idx.add.f32.msk $0xffff, v61  }
0x647: {  	v36 =	vmul.f32 v37, v25;
	v37 =	vand.u32 $0x3FFF, v19;
	v40 =	vld.idx.msk [tilespmem:v40+s10+$0x0], $0xffff  }
0x648: {  	v50 =	vand.u32 $0x3FFF, v20;
	v47 =	vld.idx.msk [tilespmem:v47+s10+$0x0], $0xffff  }
0x649: {  	v58 =	vand.u32 $0x3FFF, v2;
	v6 =	vmul.f32 v39, v6;
	[tilespmem:v29+s7+$0x0] =	vst.idx.add.f32.msk $0xffff, v36  }
0x64a: {  	v56 =	vmul.f32 v41, v56;
	v0 =	vand.u32 $0x3FFF, v0;
	[tilespmem:v33+s7+$0x0] =	vst.idx.add.f32.msk $0xffff, v49  }
0x64b: {  	v57 =	vmul.f32 v42, v57;
	v1 =	vand.u32 $0x3FFF, v1;
	[tilespmem:v35+s7+$0x0] =	vst.idx.add.f32.msk $0xffff, v6  }
0x64c: {  	[tilespmem:v37+s7+$0x0] =	vst.idx.add.f32.msk $0xffff, v56;
	v62 =	vmul.f32 v46, v28  }
0x64d: {  	[tilespmem:v50+s7+$0x0] =	vst.idx.add.f32.msk $0xffff, v57;
	v54 =	vmul.f32 v40, v26  }
0x64e: {  	v63 =	vmul.f32 v47, v63;
	[tilespmem:v58+s7+$0x0] =	vst.idx.add.f32.msk $0xffff, v62  }
0x64f: {  	[tilespmem:v0+s7+$0x0] =	vst.idx.add.f32.msk $0xffff, v54  }
0x650: {  	s13 =	simm.s32 $0x0;
	s17 =	simm.s32 $0x7780;
	[tilespmem:v1+s7+$0x0] =	vst.idx.add.f32.msk $0xffff, v63  }
.LBB2_40:
0x651: {  	v0 =	vld [tilespmem:s17+$0xC0];
	s13 =	sadd.s32 $0x19, s13  }
0x652: {  	v1 =	vld [tilespmem:s17+$0xFFFFFF50];
	p2 =	slt.u32 s13, $0xE1  }
0x653: {  	v2 =	vld [tilespmem:s17+$0xFFFFFF60]  }
0x654: {  	v3 =	vld [tilespmem:s17+$0xFFFFFF70]  }
0x655: {  	v4 =	vld [tilespmem:s17+$0xFFFFFF80]  }
0x656: {  	v5 =	vld [tilespmem:s17+$0xFFFFFF90];
	v6 =	vshrl.u32 v0, $0xE  }
0x657: {  	v20 =	vshrl.u32 v1, $0xE;
	v1 =	vand.u32 $0x3FFF, v1;
	v7 =	vld [tilespmem:s17+$0xFFFFFFA0]  }
0x658: {  	v21 =	vshrl.u32 v2, $0xE;
	v2 =	vand.u32 $0x3FFF, v2;
	v8 =	vld [tilespmem:s17+$0xFFFFFFB0]  }
0x659: {  	v22 =	vshrl.u32 v3, $0xE;
	v3 =	vand.u32 $0x3FFF, v3;
	v9 =	vld [tilespmem:s17+$0xFFFFFFC0]  }
0x65a: {  	v23 =	vshrl.u32 v4, $0xE;
	v4 =	vand.u32 $0x3FFF, v4;
	v10 =	vld [tilespmem:s17+$0xFFFFFFD0]  }
0x65b: {  	s14 =	sadd.s32 $0x190, s14;
	v24 =	vshrl.u32 v5, $0xE;
	v5 =	vand.u32 $0x3FFF, v5;
	v11 =	vld.idx.msk [tilespmem:v6+s10+$0x0], $0xffff  }
0x65c: {  	v25 =	vshrl.u32 v7, $0xE;
	v6 =	vand.u32 $0x3FFF, v7;
	v12 =	vld [tilespmem:s14+$0xC0]  }
0x65d: {  	v26 =	vshrl.u32 v8, $0xE;
	v7 =	vand.u32 $0x3FFF, v8;
	v13 =	vld [tilespmem:s17+$0xFFFFFFE0]  }
0x65e: {  	v0 =	vand.u32 $0x3FFF, v0;
	v27 =	vshrl.u32 v9, $0xE;
	v8 =	vand.u32 $0x3FFF, v9;
	v14 =	vld [tilespmem:s17+$0xFFFFFFF0]  }
0x65f: {  	v28 =	vshrl.u32 v10, $0xE;
	v9 =	vand.u32 $0x3FFF, v10;
	v15 =	vld [tilespmem:s17+$0x0]  }
0x660: {  	v16 =	vld [tilespmem:s17+$0x10]  }
0x661: {  	v17 =	vld [tilespmem:s17+$0x20];
	v12 =	vmul.f32 v11, v12  }
0x662: {  	v29 =	vshrl.u32 v13, $0xE;
	v10 =	vand.u32 $0x3FFF, v13;
	v18 =	vld [tilespmem:s17+$0x30]  }
0x663: {  	v30 =	vshrl.u32 v14, $0xE;
	v11 =	vand.u32 $0x3FFF, v14;
	[tilespmem:v0+s7+$0x0] =	vst.idx.add.f32.msk $0xffff, v12  }
0x664: {  	v0 =	vshrl.u32 v15, $0xE;
	v12 =	vand.u32 $0x3FFF, v15;
	v19 =	vld [tilespmem:s17+$0x40]  }
0x665: {  	v31 =	vshrl.u32 v16, $0xE;
	v13 =	vand.u32 $0x3FFF, v16;
	v32 =	vld [tilespmem:s17+$0x50]  }
0x666: {  	v33 =	vshrl.u32 v17, $0xE;
	v14 =	vand.u32 $0x3FFF, v17;
	v34 =	vld [tilespmem:s17+$0x60]  }
0x667: {  	v35 =	vshrl.u32 v18, $0xE;
	v15 =	vand.u32 $0x3FFF, v18;
	v36 =	vld [tilespmem:s17+$0x70]  }
0x668: {  	v37 =	vld [tilespmem:s17+$0x80]  }
0x669: {  	v38 =	vshrl.u32 v19, $0xE;
	v16 =	vand.u32 $0x3FFF, v19;
	v39 =	vld [tilespmem:s17+$0x90]  }
0x66a: {  	v40 =	vshrl.u32 v32, $0xE;
	v17 =	vand.u32 $0x3FFF, v32;
	v32 =	vld [tilespmem:s17+$0xA0]  }
0x66b: {  	v41 =	vshrl.u32 v34, $0xE;
	v18 =	vand.u32 $0x3FFF, v34;
	v34 =	vld [tilespmem:s17+$0xB0]  }
0x66c: {  	v42 =	vld [tilespmem:s17+$0xFFFFFF40];
	v43 =	vshrl.u32 v36, $0xE;
	v19 =	vand.u32 $0x3FFF, v36  }
0x66d: {  	v36 =	vld.idx.msk [tilespmem:v20+s10+$0x0], $0xffff;
	v44 =	vshrl.u32 v37, $0xE;
	v20 =	vand.u32 $0x3FFF, v37  }
0x66e: {  	v37 =	vld.idx.msk [tilespmem:v21+s10+$0x0], $0xffff;
	v45 =	vshrl.u32 v39, $0xE;
	v21 =	vand.u32 $0x3FFF, v39  }
0x66f: {  	v39 =	vld.idx.msk [tilespmem:v22+s10+$0x0], $0xffff;
	v46 =	vshrl.u32 v32, $0xE;
	v22 =	vand.u32 $0x3FFF, v32  }
0x670: {  	v32 =	vld.idx.msk [tilespmem:v23+s10+$0x0], $0xffff;
	v47 =	vshrl.u32 v34, $0xE;
	v23 =	vand.u32 $0x3FFF, v34  }
0x671: {  	v34 =	vshrl.u32 v42, $0xE;
	v42 =	vand.u32 $0x3FFF, v42;
	v24 =	vld.idx.msk [tilespmem:v24+s10+$0x0], $0xffff  }
0x672: {  	v25 =	vld.idx.msk [tilespmem:v25+s10+$0x0], $0xffff  }
0x673: {  	v26 =	vld.idx.msk [tilespmem:v26+s10+$0x0], $0xffff  }
0x674: {  	v27 =	vld.idx.msk [tilespmem:v27+s10+$0x0], $0xffff  }
0x675: {  	v28 =	vld.idx.msk [tilespmem:v28+s10+$0x0], $0xffff  }
0x676: {  	v34 =	vld.idx.msk [tilespmem:v34+s10+$0x0], $0xffff  }
0x677: {  	v29 =	vld.idx.msk [tilespmem:v29+s10+$0x0], $0xffff  }
0x678: {  	v30 =	vld.idx.msk [tilespmem:v30+s10+$0x0], $0xffff  }
0x679: {  	v0 =	vld.idx.msk [tilespmem:v0+s10+$0x0], $0xffff  }
0x67a: {  	v31 =	vld.idx.msk [tilespmem:v31+s10+$0x0], $0xffff  }
0x67b: {  	v33 =	vld.idx.msk [tilespmem:v33+s10+$0x0], $0xffff  }
0x67c: {  	v35 =	vld.idx.msk [tilespmem:v35+s10+$0x0], $0xffff  }
0x67d: {  	v38 =	vld.idx.msk [tilespmem:v38+s10+$0x0], $0xffff  }
0x67e: {  	v40 =	vld.idx.msk [tilespmem:v40+s10+$0x0], $0xffff  }
0x67f: {  	v41 =	vld.idx.msk [tilespmem:v41+s10+$0x0], $0xffff  }
0x680: {  	v43 =	vld.idx.msk [tilespmem:v43+s10+$0x0], $0xffff  }
0x681: {  	v44 =	vld.idx.msk [tilespmem:v44+s10+$0x0], $0xffff  }
0x682: {  	v45 =	vld.idx.msk [tilespmem:v45+s10+$0x0], $0xffff  }
0x683: {  	v46 =	vld.idx.msk [tilespmem:v46+s10+$0x0], $0xffff  }
0x684: {  	v47 =	vld.idx.msk [tilespmem:v47+s10+$0x0], $0xffff  }
0x685: {  	v48 =	vld [tilespmem:s14+$0xFFFFFF40]  }
0x686: {  	v49 =	vld [tilespmem:s14+$0xFFFFFF50]  }
0x687: {  	v50 =	vld [tilespmem:s14+$0xFFFFFF60]  }
0x688: {  	v51 =	vld [tilespmem:s14+$0xFFFFFF70]  }
0x689: {  	v52 =	vld [tilespmem:s14+$0xFFFFFF80]  }
0x68a: {  	v34 =	vmul.f32 v34, v48;
	v48 =	vld [tilespmem:s14+$0xFFFFFF90]  }
0x68b: {  	v36 =	vmul.f32 v36, v49;
	v49 =	vld [tilespmem:s14+$0xFFFFFFA0]  }
0x68c: {  	v37 =	vmul.f32 v37, v50;
	v50 =	vld [tilespmem:s14+$0xFFFFFFB0]  }
0x68d: {  	v39 =	vmul.f32 v39, v51;
	v51 =	vld [tilespmem:s14+$0xFFFFFFC0]  }
0x68e: {  	v32 =	vmul.f32 v32, v52;
	v52 =	vld [tilespmem:s14+$0xFFFFFFD0]  }
0x68f: {  	v24 =	vmul.f32 v24, v48;
	v48 =	vld [tilespmem:s14+$0xFFFFFFE0]  }
0x690: {  	v25 =	vmul.f32 v25, v49;
	v49 =	vld [tilespmem:s14+$0xFFFFFFF0]  }
0x691: {  	v26 =	vmul.f32 v26, v50;
	v50 =	vld [tilespmem:s14+$0x0]  }
0x692: {  	v27 =	vmul.f32 v27, v51;
	v51 =	vld [tilespmem:s14+$0x10]  }
0x693: {  	v28 =	vmul.f32 v28, v52;
	v52 =	vld [tilespmem:s14+$0x20]  }
0x694: {  	v29 =	vmul.f32 v29, v48;
	v48 =	vld [tilespmem:s14+$0x30]  }
0x695: {  	v30 =	vmul.f32 v30, v49;
	v49 =	vld [tilespmem:s14+$0x40]  }
0x696: {  	v0 =	vmul.f32 v0, v50;
	v50 =	vld [tilespmem:s14+$0x50]  }
0x697: {  	v31 =	vmul.f32 v31, v51;
	v51 =	vld [tilespmem:s14+$0x60]  }
0x698: {  	v33 =	vmul.f32 v33, v52;
	v52 =	vld [tilespmem:s14+$0x70]  }
0x699: {  	v35 =	vmul.f32 v35, v48;
	v48 =	vld [tilespmem:s14+$0x80]  }
0x69a: {  	v38 =	vmul.f32 v38, v49;
	v49 =	vld [tilespmem:s14+$0x90]  }
0x69b: {  	v40 =	vmul.f32 v40, v50;
	v50 =	vld [tilespmem:s14+$0xA0]  }
0x69c: {  	v41 =	vmul.f32 v41, v51;
	v51 =	vld [tilespmem:s14+$0xB0]  }
0x69d: {  	[tilespmem:v42+s7+$0x0] =	vst.idx.add.f32.msk $0xffff, v34;
	v34 =	vmul.f32 v43, v52  }
0x69e: {  	[tilespmem:v1+s7+$0x0] =	vst.idx.add.f32.msk $0xffff, v36;
	v1 =	vmul.f32 v44, v48  }
0x69f: {  	[tilespmem:v2+s7+$0x0] =	vst.idx.add.f32.msk $0xffff, v37;
	v2 =	vmul.f32 v45, v49  }
0x6a0: {  	[tilespmem:v3+s7+$0x0] =	vst.idx.add.f32.msk $0xffff, v39;
	v3 =	vmul.f32 v46, v50  }
0x6a1: {  	[tilespmem:v4+s7+$0x0] =	vst.idx.add.f32.msk $0xffff, v32;
	v4 =	vmul.f32 v47, v51  }
0x6a2: {  	[tilespmem:v5+s7+$0x0] =	vst.idx.add.f32.msk $0xffff, v24  }
0x6a3: {  	[tilespmem:v6+s7+$0x0] =	vst.idx.add.f32.msk $0xffff, v25  }
0x6a4: {  	[tilespmem:v7+s7+$0x0] =	vst.idx.add.f32.msk $0xffff, v26  }
0x6a5: {  	[tilespmem:v8+s7+$0x0] =	vst.idx.add.f32.msk $0xffff, v27  }
0x6a6: {  	[tilespmem:v9+s7+$0x0] =	vst.idx.add.f32.msk $0xffff, v28  }
0x6a7: {  	[tilespmem:v10+s7+$0x0] =	vst.idx.add.f32.msk $0xffff, v29  }
0x6a8: {  	[tilespmem:v11+s7+$0x0] =	vst.idx.add.f32.msk $0xffff, v30  }
0x6a9: {  	[tilespmem:v12+s7+$0x0] =	vst.idx.add.f32.msk $0xffff, v0  }
0x6aa: {  	[tilespmem:v13+s7+$0x0] =	vst.idx.add.f32.msk $0xffff, v31  }
0x6ab: {  	[tilespmem:v14+s7+$0x0] =	vst.idx.add.f32.msk $0xffff, v33  }
0x6ac: {  	[tilespmem:v15+s7+$0x0] =	vst.idx.add.f32.msk $0xffff, v35  }
0x6ad: {  	[tilespmem:v16+s7+$0x0] =	vst.idx.add.f32.msk $0xffff, v38  }
0x6ae: {  	[tilespmem:v17+s7+$0x0] =	vst.idx.add.f32.msk $0xffff, v40  }
0x6af: {  	[tilespmem:v18+s7+$0x0] =	vst.idx.add.f32.msk $0xffff, v41  }
.Ltmp24:
0x6b0: {  	[tilespmem:v19+s7+$0x0] =	vst.idx.add.f32.msk $0xffff, v34;
	(pc) =	sbr.rel @p2 .LBB2_40-.Ltmp24, $4  }
0x6b1: {  	[tilespmem:v20+s7+$0x0] =	vst.idx.add.f32.msk $0xffff, v1  }
0x6b2: {  	[tilespmem:v21+s7+$0x0] =	vst.idx.add.f32.msk $0xffff, v2  }
0x6b3: {  	[tilespmem:v22+s7+$0x0] =	vst.idx.add.f32.msk $0xffff, v3  }
0x6b4: {  	s17 =	sadd.s32 $0x190, s17;
	[tilespmem:v23+s7+$0x0] =	vst.idx.add.f32.msk $0xffff, v4  }
0x6b5: {  	p2 =	seq.s32 s11, $0x9  }
0x6b6: {  	s0 =	sshrl.u32 @!p2 s0, $0x3  }
0x6b7: {  	s0 =	sadd.s32 @!p2 $0x3E8, s0  }
0x6b8: {  	s14 =	simm.s32 @!p2 $0x0;
	s17 =	simm.s32 @!p2 $0x7530;
	s13 =	sadd.s32 @!p2 s8, s0  }
0x6b9: {  	[tilespmem:s17], [sflag:$0x1] =	stream.linear.gather @!p2 [hbm4b:s13+s14], $0xFA0, $0x38;
	[tilespmem:$0x1ED20] =	vst v63  }
0x6ba: {  	s0 =	sadd.s32 @!p2 s2, s0;
	s13 =	simm.s32 @!p2 $0x9470  }
0x6bb: {  	[tilespmem:s13], [sflag:$0x1] =	stream.linear.gather @!p2 [hbm4b:s0+s14], $0xFA0, $0x38;
	[tilespmem:$0x1ED20] =	vst v63  }
0x6bc: {  	_ =	swait.ge [sflag:s16], $0xFA0  }
0x6bd: {  	[sflag:s16] =	ssyncset.done $0x0  }
0x6be: {  	[sflag:s16] =	ssyncadd.s32 $0xFFFFF060  }
0x6bf: {  	_ =	swait.ge [sflag:s16], $0xFA0  }
0x6c0: {  	[sflag:s16] =	ssyncset.done $0x0  }
0x6c1: {  	s17 =	simm.s32 $0x8590;
	[sflag:s16] =	ssyncadd.s32 $0xFFFFF060  }
0x6c2: {  	v0 =	vld [tilespmem:s17+$0xC0]  }
0x6c3: {  	v4 =	vld [tilespmem:s17+$0xFFFFFF50]  }
0x6c4: {  	v5 =	vld [tilespmem:s17+$0xFFFFFF60]  }
0x6c5: {  	v6 =	vld [tilespmem:s17+$0xFFFFFF70]  }
0x6c6: {  	v7 =	vld [tilespmem:s17+$0xFFFFFF80]  }
0x6c7: {  	v8 =	vld [tilespmem:s17+$0xFFFFFF90]  }
0x6c8: {  	v9 =	vld [tilespmem:s17+$0xFFFFFFA0]  }
0x6c9: {  	v10 =	vld [tilespmem:s17+$0xFFFFFFB0]  }
0x6ca: {  	v11 =	vld [tilespmem:s17+$0xFFFFFFC0]  }
0x6cb: {  	s0 =	simm.s32 $0xA4D0;
	v12 =	vld [tilespmem:s17+$0xFFFFFFD0]  }
0x6cc: {  	v2 =	vld [tilespmem:s0+$0xC0]  }
0x6cd: {  	v13 =	vld [tilespmem:s17+$0xFFFFFFE0]  }
0x6ce: {  	v14 =	vld [tilespmem:s17+$0xFFFFFFF0]  }
0x6cf: {  	v15 =	vld [tilespmem:s17+$0x0]  }
0x6d0: {  	v16 =	vld [tilespmem:s17+$0x10]  }
0x6d1: {  	v17 =	vld [tilespmem:s17+$0x20]  }
0x6d2: {  	v18 =	vld [tilespmem:s17+$0x30]  }
0x6d3: {  	v19 =	vld [tilespmem:s17+$0x50]  }
0x6d4: {  	v20 =	vld [tilespmem:s17+$0x60]  }
0x6d5: {  	v21 =	vld [tilespmem:s17+$0x70]  }
0x6d6: {  	v23 =	vld [tilespmem:s17+$0x80]  }
0x6d7: {  	v3 =	vld [tilespmem:s17+$0x90]  }
0x6d8: {  	v28 =	vld [tilespmem:s17+$0xFFFFFF40]  }
0x6d9: {  	v48 =	vld [tilespmem:s0+$0xFFFFFF40]  }
0x6da: {  	v49 =	vld [tilespmem:s0+$0xFFFFFF50]  }
0x6db: {  	v50 =	vld [tilespmem:s0+$0xFFFFFF60]  }
0x6dc: {  	v51 =	vld [tilespmem:s0+$0xFFFFFF70]  }
0x6dd: {  	v52 =	vld [tilespmem:s0+$0xFFFFFF80];
	v1 =	vshrl.u32 v0, $0xE  }
0x6de: {  	v60 =	vld [tilespmem:s0+$0xFFFFFF90];
	v22 =	vshrl.u32 v4, $0xE  }
0x6df: {  	v56 =	vld [tilespmem:s0+$0x50];
	v24 =	vshrl.u32 v5, $0xE  }
0x6e0: {  	v57 =	vld [tilespmem:s0+$0x60];
	v25 =	vshrl.u32 v6, $0xE  }
0x6e1: {  	v59 =	vld [tilespmem:s0+$0x70];
	v26 =	vshrl.u32 v7, $0xE  }
0x6e2: {  	v27 =	vshrl.u32 v8, $0xE;
	v1 =	vld.idx.msk [tilespmem:v1+s10+$0x0], $0xffff  }
0x6e3: {  	v29 =	vshrl.u32 v9, $0xE;
	v22 =	vld.idx.msk [tilespmem:v22+s10+$0x0], $0xffff  }
0x6e4: {  	v30 =	vshrl.u32 v10, $0xE;
	v24 =	vld.idx.msk [tilespmem:v24+s10+$0x0], $0xffff  }
0x6e5: {  	v31 =	vshrl.u32 v11, $0xE;
	v25 =	vld.idx.msk [tilespmem:v25+s10+$0x0], $0xffff  }
0x6e6: {  	v32 =	vshrl.u32 v12, $0xE;
	v26 =	vld.idx.msk [tilespmem:v26+s10+$0x0], $0xffff  }
0x6e7: {  	v33 =	vshrl.u32 v28, $0xE;
	v27 =	vld.idx.msk [tilespmem:v27+s10+$0x0], $0xffff  }
0x6e8: {  	v34 =	vshrl.u32 v13, $0xE;
	v29 =	vld.idx.msk [tilespmem:v29+s10+$0x0], $0xffff  }
0x6e9: {  	v35 =	vshrl.u32 v14, $0xE;
	v30 =	vld.idx.msk [tilespmem:v30+s10+$0x0], $0xffff  }
0x6ea: {  	v36 =	vshrl.u32 v15, $0xE;
	v31 =	vld.idx.msk [tilespmem:v31+s10+$0x0], $0xffff  }
0x6eb: {  	v37 =	vshrl.u32 v16, $0xE;
	v32 =	vld.idx.msk [tilespmem:v32+s10+$0x0], $0xffff  }
0x6ec: {  	v38 =	vshrl.u32 v17, $0xE;
	v33 =	vld.idx.msk [tilespmem:v33+s10+$0x0], $0xffff  }
0x6ed: {  	v39 =	vshrl.u32 v18, $0xE;
	v34 =	vld.idx.msk [tilespmem:v34+s10+$0x0], $0xffff  }
0x6ee: {  	v41 =	vshrl.u32 v19, $0xE;
	v35 =	vld.idx.msk [tilespmem:v35+s10+$0x0], $0xffff  }
0x6ef: {  	v42 =	vshrl.u32 v20, $0xE;
	v36 =	vld.idx.msk [tilespmem:v36+s10+$0x0], $0xffff  }
0x6f0: {  	v43 =	vshrl.u32 v21, $0xE;
	v37 =	vld.idx.msk [tilespmem:v37+s10+$0x0], $0xffff  }
0x6f1: {  	v44 =	vshrl.u32 v23, $0xE;
	v38 =	vld.idx.msk [tilespmem:v38+s10+$0x0], $0xffff  }
0x6f2: {  	v45 =	vshrl.u32 v3, $0xE;
	v39 =	vld.idx.msk [tilespmem:v39+s10+$0x0], $0xffff  }
0x6f3: {  	v41 =	vld.idx.msk [tilespmem:v41+s10+$0x0], $0xffff  }
0x6f4: {  	v42 =	vld.idx.msk [tilespmem:v42+s10+$0x0], $0xffff  }
0x6f5: {  	v43 =	vld.idx.msk [tilespmem:v43+s10+$0x0], $0xffff  }
0x6f6: {  	v44 =	vld.idx.msk [tilespmem:v44+s10+$0x0], $0xffff  }
0x6f7: {  	v45 =	vld.idx.msk [tilespmem:v45+s10+$0x0], $0xffff  }
0x6f8: {  	v1 =	vmul.f32 v1, v2;
	v2 =	vld [tilespmem:s17+$0xA0]  }
0x6f9: {  	v22 =	vmul.f32 v22, v49;
	v49 =	vld [tilespmem:s0+$0xFFFFFFC0]  }
0x6fa: {  	v61 =	vmul.f32 v24, v50;
	v24 =	vld [tilespmem:s0+$0xFFFFFFE0]  }
0x6fb: {  	v50 =	vld [tilespmem:s0+$0xFFFFFFF0]  }
0x6fc: {  	v0 =	vand.u32 $0x3FFF, v0;
	v62 =	vmul.f32 v25, v51;
	v25 =	vld [tilespmem:s0+$0x10]  }
0x6fd: {  	v51 =	vld [tilespmem:s0+$0x20]  }
0x6fe: {  	v63 =	vmul.f32 v26, v52;
	v26 =	vld [tilespmem:s0+$0x40]  }
0x6ff: {  	v28 =	vand.u32 $0x3FFF, v28;
	v33 =	vmul.f32 v33, v48;
	v48 =	vld [tilespmem:s0+$0x80]  }
0x700: {  	v58 =	vmul.f32 v27, v60;
	v60 =	vand.u32 $0x3FFF, v11;
	v11 =	vld [tilespmem:s0+$0x90]  }
0x701: {  	[tilespmem:v0+s7+$0x0] =	vst.idx.add.f32.msk $0xffff, v1  }
0x702: {  	v4 =	vand.u32 $0x3FFF, v4;
	v0 =	vld [tilespmem:s17+$0x40]  }
0x703: {  	v1 =	vld [tilespmem:s17+$0xB0]  }
0x704: {  	v5 =	vand.u32 $0x3FFF, v5;
	[tilespmem:v28+s7+$0x0] =	vst.idx.add.f32.msk $0xffff, v33  }
0x705: {  	v28 =	vld [tilespmem:s0+$0xFFFFFFA0]  }
0x706: {  	v6 =	vand.u32 $0x3FFF, v6;
	v33 =	vld [tilespmem:s0+$0xFFFFFFB0]  }
0x707: {  	[tilespmem:v4+s7+$0x0] =	vst.idx.add.f32.msk $0xffff, v22  }
0x708: {  	v7 =	vand.u32 $0x3FFF, v7;
	v4 =	vld [tilespmem:s0+$0xFFFFFFD0]  }
0x709: {  	v8 =	vand.u32 $0x3FFF, v8;
	[tilespmem:v5+s7+$0x0] =	vst.idx.add.f32.msk $0xffff, v61  }
0x70a: {  	v5 =	vld [tilespmem:s0+$0x0]  }
0x70b: {  	[tilespmem:v6+s7+$0x0] =	vst.idx.add.f32.msk $0xffff, v62  }
0x70c: {  	v6 =	vld [tilespmem:s0+$0x30]  }
0x70d: {  	v9 =	vand.u32 $0x3FFF, v9;
	[tilespmem:v7+s7+$0x0] =	vst.idx.add.f32.msk $0xffff, v63  }
0x70e: {  	v10 =	vand.u32 $0x3FFF, v10;
	[tilespmem:v8+s7+$0x0] =	vst.idx.add.f32.msk $0xffff, v58  }
0x70f: {  	v12 =	vand.u32 $0x3FFF, v12;
	v63 =	vld [tilespmem:s0+$0xB0];
	v31 =	vmul.f32 v31, v49  }
0x710: {  	v13 =	vand.u32 $0x3FFF, v13;
	v61 =	vmul.f32 v29, v28;
	v28 =	vld [tilespmem:s0+$0xA0]  }
0x711: {  	v14 =	vand.u32 $0x3FFF, v14;
	v62 =	vmul.f32 v30, v33;
	[tilespmem:v60+s7+$0x0] =	vst.idx.add.f32.msk $0xffff, v31  }
0x712: {  	v22 =	vand.u32 $0x3FFF, v15;
	v4 =	vmul.f32 v32, v4;
	[tilespmem:v9+s7+$0x0] =	vst.idx.add.f32.msk $0xffff, v61  }
0x713: {  	v55 =	vand.u32 $0x3FFF, v23;
	v32 =	vmul.f32 v34, v24;
	[tilespmem:v10+s7+$0x0] =	vst.idx.add.f32.msk $0xffff, v62  }
0x714: {  	v46 =	vshrl.u32 v2, $0xE;
	v34 =	vmul.f32 v35, v50;
	[tilespmem:v12+s7+$0x0] =	vst.idx.add.f32.msk $0xffff, v4  }
0x715: {  	v49 =	vmul.f32 v38, v51;
	v51 =	vand.u32 $0x3FFF, v21;
	v5 =	vmul.f32 v36, v5;
	[tilespmem:v13+s7+$0x0] =	vst.idx.add.f32.msk $0xffff, v32  }
0x716: {  	v3 =	vand.u32 $0x3FFF, v3;
	v60 =	vmul.f32 v44, v48;
	[tilespmem:v14+s7+$0x0] =	vst.idx.add.f32.msk $0xffff, v34  }
0x717: {  	v40 =	vshrl.u32 v0, $0xE;
	[tilespmem:v22+s7+$0x0] =	vst.idx.add.f32.msk $0xffff, v5  }
0x718: {  	v59 =	vmul.f32 v43, v59;
	v47 =	vshrl.u32 v1, $0xE;
	[tilespmem:v55+s7+$0x0] =	vst.idx.add.f32.msk $0xffff, v60  }
0x719: {  	v29 =	vand.u32 $0x3FFF, v16;
	v61 =	vmul.f32 v45, v11;
	v46 =	vld.idx.msk [tilespmem:v46+s10+$0x0], $0xffff  }
0x71a: {  	v33 =	vand.u32 $0x3FFF, v17;
	[tilespmem:v51+s7+$0x0] =	vst.idx.add.f32.msk $0xffff, v59  }
0x71b: {  	v35 =	vand.u32 $0x3FFF, v18;
	[tilespmem:v3+s7+$0x0] =	vst.idx.add.f32.msk $0xffff, v61  }
0x71c: {  	v36 =	vmul.f32 v37, v25;
	v37 =	vand.u32 $0x3FFF, v19;
	v40 =	vld.idx.msk [tilespmem:v40+s10+$0x0], $0xffff  }
0x71d: {  	v50 =	vand.u32 $0x3FFF, v20;
	v47 =	vld.idx.msk [tilespmem:v47+s10+$0x0], $0xffff  }
0x71e: {  	v58 =	vand.u32 $0x3FFF, v2;
	v6 =	vmul.f32 v39, v6;
	[tilespmem:v29+s7+$0x0] =	vst.idx.add.f32.msk $0xffff, v36  }
0x71f: {  	v56 =	vmul.f32 v41, v56;
	v0 =	vand.u32 $0x3FFF, v0;
	[tilespmem:v33+s7+$0x0] =	vst.idx.add.f32.msk $0xffff, v49  }
0x720: {  	v57 =	vmul.f32 v42, v57;
	v1 =	vand.u32 $0x3FFF, v1;
	[tilespmem:v35+s7+$0x0] =	vst.idx.add.f32.msk $0xffff, v6  }
0x721: {  	[tilespmem:v37+s7+$0x0] =	vst.idx.add.f32.msk $0xffff, v56;
	v62 =	vmul.f32 v46, v28  }
0x722: {  	[tilespmem:v50+s7+$0x0] =	vst.idx.add.f32.msk $0xffff, v57;
	v54 =	vmul.f32 v40, v26  }
0x723: {  	v63 =	vmul.f32 v47, v63;
	[tilespmem:v58+s7+$0x0] =	vst.idx.add.f32.msk $0xffff, v62  }
0x724: {  	[tilespmem:v0+s7+$0x0] =	vst.idx.add.f32.msk $0xffff, v54  }
0x725: {  	s13 =	simm.s32 $0x0;
	s14 =	simm.s32 $0x8720;
	[tilespmem:v1+s7+$0x0] =	vst.idx.add.f32.msk $0xffff, v63  }
.LBB2_42:
0x726: {  	v0 =	vld [tilespmem:s14+$0xC0];
	s13 =	sadd.s32 $0x19, s13  }
0x727: {  	v1 =	vld [tilespmem:s14+$0xFFFFFF50];
	p2 =	slt.u32 s13, $0xE1  }
0x728: {  	v2 =	vld [tilespmem:s14+$0xFFFFFF60]  }
0x729: {  	v3 =	vld [tilespmem:s14+$0xFFFFFF70]  }
0x72a: {  	v4 =	vld [tilespmem:s14+$0xFFFFFF80]  }
0x72b: {  	v5 =	vld [tilespmem:s14+$0xFFFFFF90];
	v6 =	vshrl.u32 v0, $0xE  }
0x72c: {  	v20 =	vshrl.u32 v1, $0xE;
	v1 =	vand.u32 $0x3FFF, v1;
	v7 =	vld [tilespmem:s14+$0xFFFFFFA0]  }
0x72d: {  	v21 =	vshrl.u32 v2, $0xE;
	v2 =	vand.u32 $0x3FFF, v2;
	v8 =	vld [tilespmem:s14+$0xFFFFFFB0]  }
0x72e: {  	v22 =	vshrl.u32 v3, $0xE;
	v3 =	vand.u32 $0x3FFF, v3;
	v9 =	vld [tilespmem:s14+$0xFFFFFFC0]  }
0x72f: {  	v23 =	vshrl.u32 v4, $0xE;
	v4 =	vand.u32 $0x3FFF, v4;
	v10 =	vld [tilespmem:s14+$0xFFFFFFD0]  }
0x730: {  	s0 =	sadd.s32 $0x190, s0;
	v24 =	vshrl.u32 v5, $0xE;
	v5 =	vand.u32 $0x3FFF, v5;
	v11 =	vld.idx.msk [tilespmem:v6+s10+$0x0], $0xffff  }
0x731: {  	v25 =	vshrl.u32 v7, $0xE;
	v6 =	vand.u32 $0x3FFF, v7;
	v12 =	vld [tilespmem:s0+$0xC0]  }
0x732: {  	v26 =	vshrl.u32 v8, $0xE;
	v7 =	vand.u32 $0x3FFF, v8;
	v13 =	vld [tilespmem:s14+$0xFFFFFFE0]  }
0x733: {  	v0 =	vand.u32 $0x3FFF, v0;
	v27 =	vshrl.u32 v9, $0xE;
	v8 =	vand.u32 $0x3FFF, v9;
	v14 =	vld [tilespmem:s14+$0xFFFFFFF0]  }
0x734: {  	v28 =	vshrl.u32 v10, $0xE;
	v9 =	vand.u32 $0x3FFF, v10;
	v15 =	vld [tilespmem:s14+$0x0]  }
0x735: {  	v16 =	vld [tilespmem:s14+$0x10]  }
0x736: {  	v17 =	vld [tilespmem:s14+$0x20];
	v12 =	vmul.f32 v11, v12  }
0x737: {  	v29 =	vshrl.u32 v13, $0xE;
	v10 =	vand.u32 $0x3FFF, v13;
	v18 =	vld [tilespmem:s14+$0x30]  }
0x738: {  	v30 =	vshrl.u32 v14, $0xE;
	v11 =	vand.u32 $0x3FFF, v14;
	[tilespmem:v0+s7+$0x0] =	vst.idx.add.f32.msk $0xffff, v12  }
0x739: {  	v0 =	vshrl.u32 v15, $0xE;
	v12 =	vand.u32 $0x3FFF, v15;
	v19 =	vld [tilespmem:s14+$0x40]  }
0x73a: {  	v31 =	vshrl.u32 v16, $0xE;
	v13 =	vand.u32 $0x3FFF, v16;
	v32 =	vld [tilespmem:s14+$0x50]  }
0x73b: {  	v33 =	vshrl.u32 v17, $0xE;
	v14 =	vand.u32 $0x3FFF, v17;
	v34 =	vld [tilespmem:s14+$0x60]  }
0x73c: {  	v35 =	vshrl.u32 v18, $0xE;
	v15 =	vand.u32 $0x3FFF, v18;
	v36 =	vld [tilespmem:s14+$0x70]  }
0x73d: {  	v37 =	vld [tilespmem:s14+$0x80]  }
0x73e: {  	v38 =	vshrl.u32 v19, $0xE;
	v16 =	vand.u32 $0x3FFF, v19;
	v39 =	vld [tilespmem:s14+$0x90]  }
0x73f: {  	v40 =	vshrl.u32 v32, $0xE;
	v17 =	vand.u32 $0x3FFF, v32;
	v32 =	vld [tilespmem:s14+$0xA0]  }
0x740: {  	v41 =	vshrl.u32 v34, $0xE;
	v18 =	vand.u32 $0x3FFF, v34;
	v34 =	vld [tilespmem:s14+$0xB0]  }
0x741: {  	v42 =	vld [tilespmem:s14+$0xFFFFFF40];
	v43 =	vshrl.u32 v36, $0xE;
	v19 =	vand.u32 $0x3FFF, v36  }
0x742: {  	v36 =	vld.idx.msk [tilespmem:v20+s10+$0x0], $0xffff;
	v44 =	vshrl.u32 v37, $0xE;
	v20 =	vand.u32 $0x3FFF, v37  }
0x743: {  	v37 =	vld.idx.msk [tilespmem:v21+s10+$0x0], $0xffff;
	v45 =	vshrl.u32 v39, $0xE;
	v21 =	vand.u32 $0x3FFF, v39  }
0x744: {  	v39 =	vld.idx.msk [tilespmem:v22+s10+$0x0], $0xffff;
	v46 =	vshrl.u32 v32, $0xE;
	v22 =	vand.u32 $0x3FFF, v32  }
0x745: {  	v32 =	vld.idx.msk [tilespmem:v23+s10+$0x0], $0xffff;
	v47 =	vshrl.u32 v34, $0xE;
	v23 =	vand.u32 $0x3FFF, v34  }
0x746: {  	v34 =	vshrl.u32 v42, $0xE;
	v42 =	vand.u32 $0x3FFF, v42;
	v24 =	vld.idx.msk [tilespmem:v24+s10+$0x0], $0xffff  }
0x747: {  	v25 =	vld.idx.msk [tilespmem:v25+s10+$0x0], $0xffff  }
0x748: {  	v26 =	vld.idx.msk [tilespmem:v26+s10+$0x0], $0xffff  }
0x749: {  	v27 =	vld.idx.msk [tilespmem:v27+s10+$0x0], $0xffff  }
0x74a: {  	v28 =	vld.idx.msk [tilespmem:v28+s10+$0x0], $0xffff  }
0x74b: {  	v34 =	vld.idx.msk [tilespmem:v34+s10+$0x0], $0xffff  }
0x74c: {  	v29 =	vld.idx.msk [tilespmem:v29+s10+$0x0], $0xffff  }
0x74d: {  	v30 =	vld.idx.msk [tilespmem:v30+s10+$0x0], $0xffff  }
0x74e: {  	v0 =	vld.idx.msk [tilespmem:v0+s10+$0x0], $0xffff  }
0x74f: {  	v31 =	vld.idx.msk [tilespmem:v31+s10+$0x0], $0xffff  }
0x750: {  	v33 =	vld.idx.msk [tilespmem:v33+s10+$0x0], $0xffff  }
0x751: {  	v35 =	vld.idx.msk [tilespmem:v35+s10+$0x0], $0xffff  }
0x752: {  	v38 =	vld.idx.msk [tilespmem:v38+s10+$0x0], $0xffff  }
0x753: {  	v40 =	vld.idx.msk [tilespmem:v40+s10+$0x0], $0xffff  }
0x754: {  	v41 =	vld.idx.msk [tilespmem:v41+s10+$0x0], $0xffff  }
0x755: {  	v43 =	vld.idx.msk [tilespmem:v43+s10+$0x0], $0xffff  }
0x756: {  	v44 =	vld.idx.msk [tilespmem:v44+s10+$0x0], $0xffff  }
0x757: {  	v45 =	vld.idx.msk [tilespmem:v45+s10+$0x0], $0xffff  }
0x758: {  	v46 =	vld.idx.msk [tilespmem:v46+s10+$0x0], $0xffff  }
0x759: {  	v47 =	vld.idx.msk [tilespmem:v47+s10+$0x0], $0xffff  }
0x75a: {  	v48 =	vld [tilespmem:s0+$0xFFFFFF40]  }
0x75b: {  	v49 =	vld [tilespmem:s0+$0xFFFFFF50]  }
0x75c: {  	v50 =	vld [tilespmem:s0+$0xFFFFFF60]  }
0x75d: {  	v51 =	vld [tilespmem:s0+$0xFFFFFF70]  }
0x75e: {  	v52 =	vld [tilespmem:s0+$0xFFFFFF80]  }
0x75f: {  	v34 =	vmul.f32 v34, v48;
	v48 =	vld [tilespmem:s0+$0xFFFFFF90]  }
0x760: {  	v36 =	vmul.f32 v36, v49;
	v49 =	vld [tilespmem:s0+$0xFFFFFFA0]  }
0x761: {  	v37 =	vmul.f32 v37, v50;
	v50 =	vld [tilespmem:s0+$0xFFFFFFB0]  }
0x762: {  	v39 =	vmul.f32 v39, v51;
	v51 =	vld [tilespmem:s0+$0xFFFFFFC0]  }
0x763: {  	v32 =	vmul.f32 v32, v52;
	v52 =	vld [tilespmem:s0+$0xFFFFFFD0]  }
0x764: {  	v24 =	vmul.f32 v24, v48;
	v48 =	vld [tilespmem:s0+$0xFFFFFFE0]  }
0x765: {  	v25 =	vmul.f32 v25, v49;
	v49 =	vld [tilespmem:s0+$0xFFFFFFF0]  }
0x766: {  	v26 =	vmul.f32 v26, v50;
	v50 =	vld [tilespmem:s0+$0x0]  }
0x767: {  	v27 =	vmul.f32 v27, v51;
	v51 =	vld [tilespmem:s0+$0x10]  }
0x768: {  	v28 =	vmul.f32 v28, v52;
	v52 =	vld [tilespmem:s0+$0x20]  }
0x769: {  	v29 =	vmul.f32 v29, v48;
	v48 =	vld [tilespmem:s0+$0x30]  }
0x76a: {  	v30 =	vmul.f32 v30, v49;
	v49 =	vld [tilespmem:s0+$0x40]  }
0x76b: {  	v0 =	vmul.f32 v0, v50;
	v50 =	vld [tilespmem:s0+$0x50]  }
0x76c: {  	v31 =	vmul.f32 v31, v51;
	v51 =	vld [tilespmem:s0+$0x60]  }
0x76d: {  	v33 =	vmul.f32 v33, v52;
	v52 =	vld [tilespmem:s0+$0x70]  }
0x76e: {  	v35 =	vmul.f32 v35, v48;
	v48 =	vld [tilespmem:s0+$0x80]  }
0x76f: {  	v38 =	vmul.f32 v38, v49;
	v49 =	vld [tilespmem:s0+$0x90]  }
0x770: {  	v40 =	vmul.f32 v40, v50;
	v50 =	vld [tilespmem:s0+$0xA0]  }
0x771: {  	v41 =	vmul.f32 v41, v51;
	v51 =	vld [tilespmem:s0+$0xB0]  }
0x772: {  	[tilespmem:v42+s7+$0x0] =	vst.idx.add.f32.msk $0xffff, v34;
	v34 =	vmul.f32 v43, v52  }
0x773: {  	[tilespmem:v1+s7+$0x0] =	vst.idx.add.f32.msk $0xffff, v36;
	v1 =	vmul.f32 v44, v48  }
0x774: {  	[tilespmem:v2+s7+$0x0] =	vst.idx.add.f32.msk $0xffff, v37;
	v2 =	vmul.f32 v45, v49  }
0x775: {  	[tilespmem:v3+s7+$0x0] =	vst.idx.add.f32.msk $0xffff, v39;
	v3 =	vmul.f32 v46, v50  }
0x776: {  	[tilespmem:v4+s7+$0x0] =	vst.idx.add.f32.msk $0xffff, v32;
	v4 =	vmul.f32 v47, v51  }
0x777: {  	[tilespmem:v5+s7+$0x0] =	vst.idx.add.f32.msk $0xffff, v24  }
0x778: {  	[tilespmem:v6+s7+$0x0] =	vst.idx.add.f32.msk $0xffff, v25  }
0x779: {  	[tilespmem:v7+s7+$0x0] =	vst.idx.add.f32.msk $0xffff, v26  }
0x77a: {  	[tilespmem:v8+s7+$0x0] =	vst.idx.add.f32.msk $0xffff, v27  }
0x77b: {  	[tilespmem:v9+s7+$0x0] =	vst.idx.add.f32.msk $0xffff, v28  }
0x77c: {  	[tilespmem:v10+s7+$0x0] =	vst.idx.add.f32.msk $0xffff, v29  }
0x77d: {  	[tilespmem:v11+s7+$0x0] =	vst.idx.add.f32.msk $0xffff, v30  }
0x77e: {  	[tilespmem:v12+s7+$0x0] =	vst.idx.add.f32.msk $0xffff, v0  }
0x77f: {  	[tilespmem:v13+s7+$0x0] =	vst.idx.add.f32.msk $0xffff, v31  }
0x780: {  	[tilespmem:v14+s7+$0x0] =	vst.idx.add.f32.msk $0xffff, v33  }
0x781: {  	[tilespmem:v15+s7+$0x0] =	vst.idx.add.f32.msk $0xffff, v35  }
0x782: {  	[tilespmem:v16+s7+$0x0] =	vst.idx.add.f32.msk $0xffff, v38  }
0x783: {  	[tilespmem:v17+s7+$0x0] =	vst.idx.add.f32.msk $0xffff, v40  }
0x784: {  	[tilespmem:v18+s7+$0x0] =	vst.idx.add.f32.msk $0xffff, v41  }
.Ltmp25:
0x785: {  	[tilespmem:v19+s7+$0x0] =	vst.idx.add.f32.msk $0xffff, v34;
	(pc) =	sbr.rel @p2 .LBB2_42-.Ltmp25, $4  }
0x786: {  	[tilespmem:v20+s7+$0x0] =	vst.idx.add.f32.msk $0xffff, v1  }
0x787: {  	[tilespmem:v21+s7+$0x0] =	vst.idx.add.f32.msk $0xffff, v2  }
0x788: {  	[tilespmem:v22+s7+$0x0] =	vst.idx.add.f32.msk $0xffff, v3  }
0x789: {  	s14 =	sadd.s32 $0x190, s14;
	[tilespmem:v23+s7+$0x0] =	vst.idx.add.f32.msk $0xffff, v4  }
0x78a: {  	s11 =	sadd.s32 $0x1, s11  }
0x78b: {  	p2 =	sne.s32 s11, $0xA  }
.Ltmp26:
0x78c: {  	_ = 	snop;
	(pc) =	sbr.rel @p2 .LBB2_39-.Ltmp26, $1  }
0x78d: {  	_ =	sdelay $0x3  }
0x78e: {  	[spmem:s18] =	stream.linear.scatter [tilespmem:s7], [sflag:$0x5], $0x2710, $0x38;
	[tilespmem:$0x1ED20] =	vst v63  }
0x78f: {  	_ =	swait.ge [sflag:s22], $0x2710  }
0x790: {  	[sflag:s22] =	ssyncset.done $0x0  }
0x791: {  	[sflag:s22] =	ssyncadd.s32 $0xFFFFD8F0  }
0x792: {  	s0 =	simm.s32 $0xFAF0;
	[bflag:$0x0] =	sbarrier.arrive $0xFFFF  }
0x793: {  	[tilespmem:s0], [sflag:$0x5] =	stream.linear.gather [spmem:s21], $0x2710, $0x38;
	[tilespmem:$0x1ED20] =	vst v63  }
0x794: {  	_ =	swait.ge [sflag:s22], $0x2710  }
0x795: {  	[sflag:s22] =	ssyncset.done $0x0  }
0x796: {  	s0 =	simm.s32 $0x20;
	[sflag:s22] =	ssyncadd.s32 $0xFFFFD8F0  }
0x797: {  	s11 =	simm.s32 $0xFB10;
	v0 =	vld [tilespmem:s0+$0x20]  }
0x798: {  	v3 =	vld [tilespmem:s11+$0x20]  }
0x799: {  	v1 =	vld [tilespmem:s11+$0xFFFFFFE0]  }
0x79a: {  	v7 =	vld [tilespmem:s0+$0xFFFFFFF0]  }
0x79b: {  	v8 =	vld [tilespmem:s11+$0xFFFFFFF0]  }
0x79c: {  	v2 =	vld [tilespmem:s0+$0x0]  }
0x79d: {  	v4 =	vld [tilespmem:s11+$0x0]  }
0x79e: {  	v5 =	vld [tilespmem:s11+$0x10];
	v0 =	vadd.f32 v3, v0  }
0x79f: {  	v3 =	vld [tilespmem:s0+$0x10]  }
0x7a0: {  	s13 =	simm.s32 $0x0;
	s14 =	simm.s32 $0x70;
	v6 =	vld [tilespmem:s0+$0xFFFFFFE0];
	v7 =	vadd.f32 v8, v7;
	[tilespmem:s0+$0x20] =	vst v0  }
.LBB2_45:
0x7a1: {  	v0 =	vld [tilespmem:s14+$0x20];
	s11 =	sadd.s32 $0x50, s11  }
0x7a2: {  	s13 =	sadd.s32 $0x5, s13;
	v8 =	vld [tilespmem:s11+$0x20];
	[tilespmem:s0+$0xFFFFFFF0] =	vst v7;
	v2 =	vadd.f32 v4, v2  }
0x7a3: {  	p2 =	slt.u32 s13, $0x26C;
	v7 =	vld [tilespmem:s11+$0xFFFFFFE0]  }
0x7a4: {  	v9 =	vld [tilespmem:s14+$0xFFFFFFF0];
	[tilespmem:s0+$0x0] =	vst v2;
	v3 =	vadd.f32 v5, v3  }
0x7a5: {  	v10 =	vld [tilespmem:s11+$0xFFFFFFF0];
	v5 =	vadd.f32 v1, v6  }
.Ltmp27:
0x7a6: {  	v2 =	vld [tilespmem:s14+$0x0];
	[tilespmem:s0+$0x10] =	vst v3;
	(pc) =	sbr.rel @p2 .LBB2_45-.Ltmp27, $4  }
0x7a7: {  	v4 =	vld [tilespmem:s11+$0x0];
	v0 =	vadd.f32 v8, v0;
	[tilespmem:s0+$0xFFFFFFE0] =	vst v5;
	s0 =	smov.u32 s14  }
0x7a8: {  	v3 =	vld [tilespmem:s14+$0x10];
	v1 =	vmov v7  }
0x7a9: {  	v5 =	vld [tilespmem:s11+$0x10];
	[tilespmem:s14+$0x20] =	vst v0  }
0x7aa: {  	s14 =	sadd.s32 $0x50, s14;
	v6 =	vld [tilespmem:s0+$0xFFFFFFE0];
	v7 =	vadd.f32 v10, v9  }
0x7ab: {  	_ =	sdelay $0x1  }
0x7ac: {  	v0 =	vadd.f32 v4, v2  }
0x7ad: {  	[tilespmem:s0+$0xFFFFFFF0] =	vst v7;
	v2 =	vadd.f32 v5, v3  }
0x7ae: {  	[tilespmem:s0+$0x0] =	vst v0;
	v0 =	vadd.f32 v1, v6  }
0x7af: {  	[tilespmem:s0+$0x10] =	vst v2  }
0x7b0: {  	[tilespmem:s0+$0xFFFFFFE0] =	vst v0  }
0x7b1: {  	s11 =	simm.s32 $0x20;
	[bflag:$0x0] =	sbarrier.arrive $0xFFFF  }
0x7b2: {  	v0 =	vld [tilespmem:s11+$0xFFFFFFE0]  }
0x7b3: {  	v3 =	vld [tilespmem:s11+$0x10]  }
0x7b4: {  	v2 =	vld [tilespmem:s11+$0x20]  }
0x7b5: {  	v4 =	vld [tilespmem:s11+$0x0]  }
0x7b6: {  	v5 =	vld [tilespmem:s11+$0xFFFFFFF0]  }
0x7b7: {  	s0 =	simm.s32 $0x70;
	v0 =	vmax.f32 v0, $0.0e+00  }
0x7b8: {  	v1 =	vld [tilespmem:s0+$0xFFFFFFE0];
	v6 =	vmax.f32 v3, $0.0e+00;
	[tilespmem:s11+$0xFFFFFFE0] =	vst v0  }
0x7b9: {  	v3 =	vld [tilespmem:s0+$0x10];
	v0 =	vmax.f32 v2, $0.0e+00;
	[tilespmem:s11+$0x10] =	vst v6  }
0x7ba: {  	v2 =	vld [tilespmem:s0+$0x20];
	[tilespmem:s11+$0x20] =	vst v0;
	v0 =	vmax.f32 v4, $0.0e+00  }
0x7bb: {  	s13 =	simm.s32 $0x5;
	v5 =	vmax.f32 v5, $0.0e+00;
	v4 =	vld [tilespmem:s0+$0x0];
	[tilespmem:s11+$0x0] =	vst v0  }
.LBB2_47:
0x7bc: {  	s13 =	sadd.s32 $0x5, s13  }
0x7bd: {  	v0 =	vld [tilespmem:s0+$0xFFFFFFF0];
	[tilespmem:s11+$0xFFFFFFF0] =	vst v5;
	s11 =	smov.u32 s0;
	p2 =	slt.u32 s13, $0x26C  }
.Ltmp28:
0x7be: {  	s0 =	sadd.s32 $0x50, s0;
	v5 =	vmax.f32 v1, $0.0e+00;
	(pc) =	sbr.rel @p2 .LBB2_47-.Ltmp28, $4  }
0x7bf: {  	v1 =	vld [tilespmem:s0+$0xFFFFFFE0];
	[tilespmem:s11+$0xFFFFFFE0] =	vst v5;
	v5 =	vmax.f32 v2, $0.0e+00  }
0x7c0: {  	v2 =	vld [tilespmem:s0+$0x20];
	v6 =	vmax.f32 v3, $0.0e+00;
	[tilespmem:s11+$0x20] =	vst v5  }
0x7c1: {  	v3 =	vld [tilespmem:s0+$0x10];
	v7 =	vmax.f32 v4, $0.0e+00;
	[tilespmem:s11+$0x10] =	vst v6  }
0x7c2: {  	v4 =	vld [tilespmem:s0+$0x0];
	v5 =	vmax.f32 v0, $0.0e+00;
	[tilespmem:s11+$0x0] =	vst v7  }
0x7c3: {  	v0 =	vld [tilespmem:s0+$0xFFFFFFF0]  }
0x7c4: {  	[tilespmem:s11+$0xFFFFFFF0] =	vst v5;
	v1 =	vmax.f32 v1, $0.0e+00  }
.Ltmp29:
0x7c5: {  	[tilespmem:s0+$0xFFFFFFE0] =	vst v1;
	v61 =	vmax.f32 v2, $0.0e+00;
	(pc) =	sbr.rel .LBB2_49-.Ltmp29, $4  }
0x7c6: {  	v62 =	vmax.f32 v3, $0.0e+00;
	[tilespmem:s0+$0x20] =	vst v61  }
0x7c7: {  	v63 =	vmax.f32 v4, $0.0e+00;
	[tilespmem:s0+$0x10] =	vst v62  }
0x7c8: {  	v0 =	vmax.f32 v0, $0.0e+00;
	[tilespmem:s0+$0x0] =	vst v63  }
0x7c9: {  	[tilespmem:s0+$0xFFFFFFF0] =	vst v0  }
.LBB2_52:
0x7ca: {  	_ =	sfence.sel $0x180000  }
0x7cb: {  	[bflag:$0x0] =	sbarrier.arrive $0xFFFF  }
0x7cc: {  	_ =	strace $0x90000047  }
0x7cd: {  	s0 =	stileid.u32;
	[bflag:$0x2] =	sbarrier.arrive $0xFFFF  }
0x7ce: {  	p0 =	sne.s32 s0, $0x0;
	s0 =	rddreg [dreg:$0x7]  }
0x7cf: {  	s0 =	sadd.s32 @!p0 $0x100000, s0  }
0x7d0: {  	[sflag:s0] =	ssyncadd.tile.s32 @!p0 $0x1;
	_ =	shalt  }
.Lfunc_end2:
_tile_overlayer_lowered:
.L_overlay_start_2:
0x7d1: {  	(tag) =	ssettag $0x2  }
0x7d2: {  	s0 =	rddreg [dreg:$0x0];
	s2 =	stileid.u32  }
0x7d3: {  	s1 =	rddreg [dreg:$0x1];
	p0 =	sne.s32 s2, $0x0  }
0x7d4: {  	s3 =	rddreg [dreg:$0x2];
	[bflag:$0x3] =	sbarrier.arrive $0xFFFF;
	s2 =	simm.s32 @!p0 $0x1C04  }
0x7d5: {  	[timem:s3], [sflag:s2] =	dma.local @!p0 [hbm:s0], s1  }
0x7d6: {  	s0 =	simm.s32 @!p0 $0x4  }
0x7d7: {  	_ =	swait.ge @!p0 [sflag:s0], s1  }
0x7d8: {  	s1 =	ssub.s32 @!p0 $0x0, s1;
	[sflag:s0] =	ssyncset.done @!p0 $0x0  }
0x7d9: {  	[sflag:s0] =	ssyncadd.s32 @!p0 s1  }
0x7da: {  	[bflag:$0x3] =	sbarrier.arrive $0xFFFF  }
0x7db: {  	_ =	shalt  }

</sc_bundles>
